<compile_context>
chip_gen: v7x
topology: tpu7x:2x2x1
jax: 0.10.2.dev20260603
libtpu: 0.0.44.dev20260713+nightly
codegen_flags: <defaults>
</compile_context>

<pallas_src>
import functools

import jax
import jax.numpy as jnp
from jax import lax
from jax.experimental import pallas as pl
from jax.experimental.pallas import tpu as pltpu
from jax.experimental.pallas import tpu_sc as plsc

TM_G = 256
TM_R = 1024
CH = 16
CHD = 32


def _silu(a):
    return a * jax.nn.sigmoid(a)


def _router_body(x_ref, wg_ref, e1_ref, e2_ref, w1_ref, w2_ref):
    xb = x_ref[...]
    wg = wg_ref[...]
    tm = xb.shape[0]
    ne = wg.shape[1]
    logits = lax.dot_general(xb, wg, (((1,), (0,)), ((), ())),
                             preferred_element_type=jnp.float32)
    m = jnp.max(logits, axis=-1, keepdims=True)
    ex = jnp.exp(logits - m)
    probs = ex / jnp.sum(ex, axis=-1, keepdims=True)
    ei = lax.broadcasted_iota(jnp.int32, (tm, ne), 1)
    m1 = jnp.max(probs, axis=-1, keepdims=True)
    i1 = jnp.min(jnp.where(probs == m1, ei, ne), axis=-1, keepdims=True)
    probs2 = jnp.where(ei == i1, -1.0, probs)
    m2 = jnp.max(probs2, axis=-1, keepdims=True)
    i2 = jnp.min(jnp.where(probs2 == m2, ei, ne), axis=-1, keepdims=True)
    denom = m1 + m2
    e1_ref[...] = i1.astype(jnp.float32)
    e2_ref[...] = i2.astype(jnp.float32)
    w1_ref[...] = m1 / denom
    w2_ref[...] = m2 / denom


def _run_router(xf, wg):
    t, d = xf.shape
    ne = wg.shape[1]
    nj = t // TM_R
    outs = pl.pallas_call(
        _router_body,
        grid=(nj,),
        in_specs=[
            pl.BlockSpec((TM_R, d), lambda j: (j, 0)),
            pl.BlockSpec((d, ne), lambda j: (0, 0)),
        ],
        out_specs=[
            pl.BlockSpec((TM_R, 1), lambda j: (j, 0)),
            pl.BlockSpec((TM_R, 1), lambda j: (j, 0)),
            pl.BlockSpec((TM_R, 1), lambda j: (j, 0)),
            pl.BlockSpec((TM_R, 1), lambda j: (j, 0)),
        ],
        out_shape=[jax.ShapeDtypeStruct((t, 1), jnp.float32)] * 4,
        compiler_params=pltpu.CompilerParams(
            dimension_semantics=("parallel",),
        ),
    )(xf, wg)
    return outs


def _meta_body(e1_ref, e2_ref, p_ref, tm_ref, *, ne, nt, tmg):
    f = jnp.concatenate([e1_ref[...], e2_ref[...]], axis=0)
    r = f.shape[0]
    ri = lax.broadcasted_iota(jnp.int32, (r, r), 0)
    ci = lax.broadcasted_iota(jnp.int32, (r, r), 1)
    u = (ri <= ci).astype(jnp.bfloat16)
    ls = (ci < ri).astype(jnp.bfloat16)
    ti = lax.broadcasted_iota(jnp.int32, (1, nt), 1) * tmg

    p_acc = jnp.zeros((r, r), jnp.float32)
    tmap = jnp.zeros((1, nt), jnp.int32)
    po = jnp.zeros((1, 1), jnp.float32)
    for e in range(ne):
        a = (f == float(e)).astype(jnp.float32)
        prefix = lax.dot_general(a.astype(jnp.bfloat16), u,
                                 (((1,), (0,)), ((), ())),
                                 preferred_element_type=jnp.float32)
        rowtot = prefix[:, r - 1:r]
        ro = lax.dot_general(ls, rowtot.astype(jnp.bfloat16),
                             (((1,), (0,)), ((), ())),
                             preferred_element_type=jnp.float32)
        cnt = ro[r - 1:r, 0:1] + rowtot[r - 1:r, 0:1]
        pci = (cnt.astype(jnp.int32) + (tmg - 1)) // tmg * tmg
        p_acc = p_acc + a * (prefix - a + ro + po)
        ends = po.astype(jnp.int32) + pci
        tmap = tmap + (ti >= ends).astype(jnp.int32)
        po = po + pci.astype(jnp.float32)
    p_ref[...] = p_acc.astype(jnp.int32)
    tm_ref[...] = jnp.minimum(tmap, ne - 1)


def _run_meta(e1m, e2m, ne, nt):
    r = e1m.shape[0] * 2
    body = functools.partial(_meta_body, ne=ne, nt=nt, tmg=TM_G)
    p, tmap = pl.pallas_call(
        body,
        out_shape=[
            jax.ShapeDtypeStruct((r, r), jnp.int32),
            jax.ShapeDtypeStruct((1, nt), jnp.int32),
        ],
    )(e1m, e2m)
    return p, tmap


def _run_dispatch(xf, p_t, g):
    t, d = xf.shape
    tok_per_w = t // 32
    n_ch = tok_per_w // CHD
    mesh = plsc.VectorSubcoreMesh(core_axis_name="c", subcore_axis_name="s")

    @functools.partial(
        pl.kernel,
        out_type=jax.ShapeDtypeStruct((g, d), jnp.float32),
        mesh=mesh,
        scratch_types=[
            pltpu.VMEM((2, tok_per_w), jnp.int32),
            pltpu.VMEM((CHD, d), jnp.float32),
            pltpu.VMEM((CHD, d), jnp.float32),
            pltpu.VMEM((CHD,), jnp.int32),
            pltpu.VMEM((CHD,), jnp.int32),
            pltpu.SemaphoreType.DMA,
            pltpu.SemaphoreType.DMA,
            pltpu.SemaphoreType.DMA,
            pltpu.SemaphoreType.DMA,
        ],
    )
    def disp(xf_hbm, pt_hbm, xs_hbm, pbuf, xb0, xb1, i0buf, i1buf,
             ls0, ls1, ss0, ss1):
        wid = lax.axis_index("s") * 2 + lax.axis_index("c")
        base_t = wid * tok_per_w
        pltpu.sync_copy(pt_hbm.at[wid], pbuf)
        xbufs = (xb0, xb1)
        lsems = (ls0, ls1)
        loads = {0: pltpu.async_copy(xf_hbm.at[pl.ds(base_t, CHD)],
                                     xbufs[0], lsems[0])}
        scats = {}
        for c in range(n_ch):
            nb = c & 1
            if c >= 1:
                scats[c - 1][0].wait()
                scats[c - 1][1].wait()
            if c + 1 < n_ch:
                loads[c + 1] = pltpu.async_copy(
                    xf_hbm.at[pl.ds(base_t + (c + 1) * CHD, CHD)],
                    xbufs[1 - nb], lsems[1 - nb])
            loads[c].wait()
            for j in range(CHD // 16):
                i0buf[pl.ds(j * 16, 16)] = pbuf[0, pl.ds(c * CHD + j * 16, 16)]
                i1buf[pl.ds(j * 16, 16)] = pbuf[1, pl.ds(c * CHD + j * 16, 16)]
            scats[c] = (
                pltpu.async_copy(xbufs[nb], xs_hbm.at[i0buf], ss0),
                pltpu.async_copy(xbufs[nb], xs_hbm.at[i1buf], ss1),
            )
        scats[n_ch - 1][0].wait()
        scats[n_ch - 1][1].wait()

    return disp(xf, p_t)


def _gmm_body(tm_ref, xs_ref, w1_ref, w2_ref, w3_ref, ys_ref, *, h_chunk,
              n_hc):
    xbf = xs_ref[...].astype(jnp.bfloat16)
    w1 = w1_ref[0]
    w2 = w2_ref[0]
    w3 = w3_ref[0]
    eo = jnp.zeros_like(ys_ref)
    for hc in range(n_hc):
        sl = slice(hc * h_chunk, (hc + 1) * h_chunk)
        a = lax.dot_general(xbf, w1[:, sl], (((1,), (0,)), ((), ())),
                            preferred_element_type=jnp.float32)
        gate = lax.dot_general(xbf, w3[:, sl], (((1,), (0,)), ((), ())),
                               preferred_element_type=jnp.float32)
        hv = (_silu(a) * gate).astype(jnp.bfloat16)
        eo = eo + lax.dot_general(hv, w2[sl, :], (((1,), (0,)), ((), ())),
                                  preferred_element_type=jnp.float32)
    ys_ref[...] = eo


def _run_gmm(tmap, xs, w1b, w2b, w3b, nt):
    g, d = xs.shape
    h = w1b.shape[2]
    n_hc = max(1, h // 1024)
    h_chunk = h // n_hc
    body = functools.partial(_gmm_body, h_chunk=h_chunk, n_hc=n_hc)
    ys = pl.pallas_call(
        body,
        grid_spec=pltpu.PrefetchScalarGridSpec(
            num_scalar_prefetch=1,
            grid=(nt,),
            in_specs=[
                pl.BlockSpec((TM_G, d), lambda j, tmr: (j, 0)),
                pl.BlockSpec((1, d, h), lambda j, tmr: (0, 0, 0)),
                pl.BlockSpec((1, h, d), lambda j, tmr: (0, 0, 0)),
                pl.BlockSpec((1, d, h), lambda j, tmr: (0, 0, 0)),
            ],
            out_specs=pl.BlockSpec((TM_G, d), lambda j, tmr: (j, 0)),
        ),
        out_shape=jax.ShapeDtypeStruct((g, d), jnp.float32),
        compiler_params=pltpu.CompilerParams(
            dimension_semantics=("arbitrary",),
        ),
    )(tmap, xs, w1b, w2b, w3b)
    return ys


def _run_gatherback(ys, p_t, t, d):
    tok_per_w = t // 32
    n_ch = tok_per_w // CH
    mesh = plsc.VectorSubcoreMesh(core_axis_name="c", subcore_axis_name="s")

    @functools.partial(
        pl.kernel,
        out_type=[jax.ShapeDtypeStruct((t, d), jnp.float32)] * 2,
        mesh=mesh,
        scratch_types=[
            pltpu.VMEM((2, tok_per_w), jnp.int32),
            pltpu.VMEM((CH, d), jnp.float32),
            pltpu.VMEM((CH, d), jnp.float32),
            pltpu.VMEM((CH, d), jnp.float32),
            pltpu.VMEM((CH, d), jnp.float32),
            pltpu.SemaphoreType.DMA,
            pltpu.SemaphoreType.DMA,
            pltpu.SemaphoreType.DMA,
            pltpu.SemaphoreType.DMA,
        ],
    )
    def gath(ys_hbm, pt_hbm, y0_hbm, y1_hbm, pbuf, b0a, b0b, b1a, b1b,
             s0a, s0b, s1a, s1b):
        wid = lax.axis_index("s") * 2 + lax.axis_index("c")
        base_t = wid * tok_per_w
        pltpu.sync_copy(pt_hbm.at[wid], pbuf)
        bufs0 = (b0a, b0b)
        bufs1 = (b1a, b1b)
        sems0 = (s0a, s0b)
        sems1 = (s1a, s1b)

        def issue(c):
            nb = c & 1
            idx0 = pbuf[0, pl.ds(c * CH, CH)]
            idx1 = pbuf[1, pl.ds(c * CH, CH)]
            return (pltpu.async_copy(ys_hbm.at[idx0], bufs0[nb], sems0[nb]),
                    pltpu.async_copy(ys_hbm.at[idx1], bufs1[nb], sems1[nb]))

        gets = {0: issue(0)}
        for c in range(n_ch):
            nb = c & 1
            if c + 1 < n_ch:
                gets[c + 1] = issue(c + 1)
            gets[c][0].wait()
            gets[c][1].wait()
            pltpu.sync_copy(bufs0[nb], y0_hbm.at[pl.ds(base_t + c * CH, CH)])
            pltpu.sync_copy(bufs1[nb], y1_hbm.at[pl.ds(base_t + c * CH, CH)])

    return gath(ys, p_t)


def _combine_body(y0_ref, y1_ref, w1_ref, w2_ref, out_ref):
    out_ref[...] = w1_ref[...] * y0_ref[...] + w2_ref[...] * y1_ref[...]


def _run_combine(y0, y1, w1n, w2n):
    t, d = y0.shape
    nj = t // TM_R
    out = pl.pallas_call(
        _combine_body,
        grid=(nj,),
        in_specs=[
            pl.BlockSpec((TM_R, d), lambda j: (j, 0)),
            pl.BlockSpec((TM_R, d), lambda j: (j, 0)),
            pl.BlockSpec((TM_R, 1), lambda j: (j, 0)),
            pl.BlockSpec((TM_R, 1), lambda j: (j, 0)),
        ],
        out_specs=pl.BlockSpec((TM_R, d), lambda j: (j, 0)),
        out_shape=jax.ShapeDtypeStruct((t, d), jnp.float32),
        compiler_params=pltpu.CompilerParams(
            dimension_semantics=("parallel",),
        ),
    )(y0, y1, w1n, w2n)
    return out


def kernel(x, Wg, W1, W2, W3):
    b, s, d = x.shape
    ne, _, h = W1.shape
    t = b * s
    xf = x.reshape(t, d)
    w1b = W1.astype(jnp.bfloat16)
    w2b = W2.astype(jnp.bfloat16)
    w3b = W3.astype(jnp.bfloat16)

    nt = 2 * t // TM_G + ne
    g = nt * TM_G

    e1, e2, w1n, w2n = _run_router(xf, Wg)
    e1m = e1.reshape(t // 128, 128)
    e2m = e2.reshape(t // 128, 128)
    p, tmap = _run_meta(e1m, e2m, ne, nt)
    p_t = p.reshape(2, 32, t // 32).transpose(1, 0, 2)
    xs = _run_dispatch(xf, p_t, g)
    ys = _run_gmm(tmap.reshape(nt) * 0, xs, w1b, w2b, w3b, nt)
    y0, y1 = _run_gatherback(ys, p_t, t, d)
    out = _run_combine(y0, y1, w1n, w2n)
    return out.reshape(b, s, d)

# --- scband reference (transcript-rebuilt; emitter-appended) ---
"""Pipeline reference for scband-mixture-of-experts-47278999994874 (READ-ONLY COPY).

The authoritative reference and input builder live on the scoring server;
editing this copy changes nothing except your own understanding.
"""

import jax, jax.numpy as jnp
import numpy as np

B, S, D = 4, 2048, 1024
E, TOP_K = 8, 2
H = D * 3

def setup_inputs(seed: int = 0) -> dict:
    key = jax.random.key(seed)
    ks = jax.random.split(key, 5)
    x = jax.random.normal(ks[0], (B, S, D), dtype=jnp.float32)
    Wg = jax.random.normal(ks[1], (D, E), dtype=jnp.float32) * (1.0 / np.sqrt(D))
    W1 = jax.random.normal(ks[2], (E, D, H), dtype=jnp.float32) * (1.0 / np.sqrt(D))
    W2 = jax.random.normal(ks[3], (E, H, D), dtype=jnp.float32) * (1.0 / np.sqrt(H))
    W3 = jax.random.normal(ks[4], (E, D, H), dtype=jnp.float32) * (1.0 / np.sqrt(D))
    return {"x": x, "Wg": Wg, "W1": W1, "W2": W2, "W3": W3}

def reference(x, Wg, W1, W2, W3):
    b, s, d = x.shape
    xf = x.reshape(-1, d)
    T = xf.shape[0]
    logits = xf @ Wg                              # [T, E]
    probs = jax.nn.softmax(logits, axis=-1)
    weights, indices = jax.lax.top_k(probs, TOP_K)  # [T, top_k]
    weights = weights / jnp.sum(weights, axis=-1, keepdims=True)
    # scatter normalized top-k weights into a dense [T, E] combine matrix
    wf = jnp.zeros((T, E), dtype=xf.dtype).at[jnp.arange(T)[:, None], indices].set(weights)
    out = jnp.zeros_like(xf)
    for e in range(E):
        h = jax.nn.silu(xf @ W1[e]) * (xf @ W3[e])  # [T, H]
        eo = h @ W2[e]                               # [T, D]
        out = out + wf[:, e:e + 1] * eo
    return out.reshape(b, s, d)

if __name__ == "__main__":
    import jax
    _d = setup_inputs()
    print(jax.jit(kernel)(*tuple(_d.values())))

</pallas_src>

<mosaic_0001>
#map = affine_map<(d0, d1) -> (0, 0)>
#map1 = affine_map<(d0, d1) -> (0, 0, 0)>
module attributes {stable_mosaic.version = 14 : i64} {
  func.func @disp(%arg0: i32, %arg1: i32, %arg2: memref<8192x1024xf32, #tpu.memory_space<hbm>>, %arg3: memref<32x2x256xi32, #tpu.memory_space<hbm>>, %arg4: memref<18432x1024xf32, #tpu.memory_space<hbm>>, %arg5: memref<2x256xi32, #tpu.memory_space<vmem>>, %arg6: memref<32x1024xf32, #tpu.memory_space<vmem>>, %arg7: memref<32x1024xf32, #tpu.memory_space<vmem>>, %arg8: memref<32xi32, #tpu.memory_space<vmem>>, %arg9: memref<32xi32, #tpu.memory_space<vmem>>, %arg10: memref<!tpu.dma_semaphore, #tpu.memory_space<semaphore_mem>>, %arg11: memref<!tpu.dma_semaphore, #tpu.memory_space<semaphore_mem>>, %arg12: memref<!tpu.dma_semaphore, #tpu.memory_space<semaphore_mem>>, %arg13: memref<!tpu.dma_semaphore, #tpu.memory_space<semaphore_mem>>) attributes {dimension_semantics = [#tpu.dimension_semantics<core_parallel>, #tpu.dimension_semantics<subcore_parallel>], iteration_bounds = array<i64: 2, 16>, scalar_prefetch = 0 : i64, scratch_operands = 9 : i64, tpu.core_type = #tpu.core_type<sc_vector_subcore>, window_params = [{transform_indices = #map}, {transform_indices = #map1}, {transform_indices = #map}]} {
    %mul3A = arith.constant 2 : i32
    %mul3A_0 = arith.muli %arg1, %mul3A : i32
    %add3A = arith.addi %mul3A_0, %arg0 : i32
    %mul3A_1 = arith.constant 256 : i32
    %mul3A_2 = arith.muli %add3A, %mul3A_1 : i32
    "tpu.region"() ({
      %run_scoped3A = tpu.sem_alloc : memref<!tpu.dma_semaphore, #tpu.memory_space<semaphore_mem>>
      %dma_start3A_461 = arith.constant 0 : i32
      %dma_start3A_462 = arith.constant 0 : i32
      %dma_start3A_463 = tpu.memref_slice %arg3[%add3A, %dma_start3A_461, %dma_start3A_462] : memref<32x2x256xi32, #tpu.memory_space<hbm>> -> memref<1x2x256xi32, #tpu.memory_space<hbm>>
      %dma_start3A_464 = tpu.memref_squeeze %dma_start3A_463 : memref<1x2x256xi32, #tpu.memory_space<hbm>> -> memref<2x256xi32, #tpu.memory_space<hbm>>
      %dma_start3A_465 = arith.constant 0 : i32
      %dma_start3A_466 = arith.constant 0 : i32
      %dma_start3A_467 = tpu.memref_slice %arg3[%add3A, %dma_start3A_465, %dma_start3A_466] : memref<32x2x256xi32, #tpu.memory_space<hbm>> -> memref<1x2x256xi32, #tpu.memory_space<hbm>>
      %dma_start3A_468 = tpu.memref_squeeze %dma_start3A_467 : memref<1x2x256xi32, #tpu.memory_space<hbm>> -> memref<2x256xi32, #tpu.memory_space<hbm>>
      tpu.enqueue_dma source(%dma_start3A_468 : memref<2x256xi32, #tpu.memory_space<hbm>>) target(%arg5 : memref<2x256xi32, #tpu.memory_space<vmem>>) target_semaphore(%run_scoped3A : memref<!tpu.dma_semaphore, #tpu.memory_space<semaphore_mem>>)
      %dma_wait3A_469 = arith.constant 0 : i32
      %dma_wait3A_470 = arith.constant 0 : i32
      %dma_wait3A_471 = tpu.memref_slice %arg3[%add3A, %dma_wait3A_469, %dma_wait3A_470] : memref<32x2x256xi32, #tpu.memory_space<hbm>> -> memref<1x2x256xi32, #tpu.memory_space<hbm>>
      %dma_wait3A_472 = tpu.memref_squeeze %dma_wait3A_471 : memref<1x2x256xi32, #tpu.memory_space<hbm>> -> memref<2x256xi32, #tpu.memory_space<hbm>>
      %dma_wait3A_473 = arith.constant 0 : i32
      %dma_wait3A_474 = arith.constant 0 : i32
      %dma_wait3A_475 = tpu.memref_slice %arg3[%add3A, %dma_wait3A_473, %dma_wait3A_474] : memref<32x2x256xi32, #tpu.memory_space<hbm>> -> memref<1x2x256xi32, #tpu.memory_space<hbm>>
      %dma_wait3A_476 = tpu.memref_squeeze %dma_wait3A_475 : memref<1x2x256xi32, #tpu.memory_space<hbm>> -> memref<2x256xi32, #tpu.memory_space<hbm>>
      tpu.wait_dma2 semaphore(%run_scoped3A : memref<!tpu.dma_semaphore, #tpu.memory_space<semaphore_mem>>) src(%dma_wait3A_476 : memref<2x256xi32, #tpu.memory_space<hbm>>) dst(%arg5 : memref<2x256xi32, #tpu.memory_space<vmem>>)
      tpu.yield
    }) : () -> ()
    %dma_start3A = arith.constant 0 : i32
    %dma_start3A_3 = tpu.memref_slice %arg2[%mul3A_2, %dma_start3A] : memref<8192x1024xf32, #tpu.memory_space<hbm>> -> memref<32x1024xf32, #tpu.memory_space<hbm>>
    %dma_start3A_4 = arith.constant 0 : i32
    %dma_start3A_5 = tpu.memref_slice %arg2[%mul3A_2, %dma_start3A_4] : memref<8192x1024xf32, #tpu.memory_space<hbm>> -> memref<32x1024xf32, #tpu.memory_space<hbm>>
    tpu.enqueue_dma source(%dma_start3A_5 : memref<32x1024xf32, #tpu.memory_space<hbm>>) target(%arg6 : memref<32x1024xf32, #tpu.memory_space<vmem>>) target_semaphore(%arg10 : memref<!tpu.dma_semaphore, #tpu.memory_space<semaphore_mem>>)
    %add3A_6 = arith.constant 32 : i32
    %add3A_7 = arith.addi %mul3A_2, %add3A_6 : i32
    %dma_start3A_8 = arith.constant 0 : i32
    %dma_start3A_9 = tpu.memref_slice %arg2[%add3A_7, %dma_start3A_8] : memref<8192x1024xf32, #tpu.memory_space<hbm>> -> memref<32x1024xf32, #tpu.memory_space<hbm>>
    %dma_start3A_10 = arith.constant 0 : i32
    %dma_start3A_11 = tpu.memref_slice %arg2[%add3A_7, %dma_start3A_10] : memref<8192x1024xf32, #tpu.memory_space<hbm>> -> memref<32x1024xf32, #tpu.memory_space<hbm>>
    tpu.enqueue_dma source(%dma_start3A_11 : memref<32x1024xf32, #tpu.memory_space<hbm>>) target(%arg7 : memref<32x1024xf32, #tpu.memory_space<vmem>>) target_semaphore(%arg11 : memref<!tpu.dma_semaphore, #tpu.memory_space<semaphore_mem>>)
    %dma_wait3A = arith.constant 0 : i32
    %dma_wait3A_12 = tpu.memref_slice %arg2[%mul3A_2, %dma_wait3A] : memref<8192x1024xf32, #tpu.memory_space<hbm>> -> memref<32x1024xf32, #tpu.memory_space<hbm>>
    %dma_wait3A_13 = arith.constant 0 : i32
    %dma_wait3A_14 = tpu.memref_slice %arg2[%mul3A_2, %dma_wait3A_13] : memref<8192x1024xf32, #tpu.memory_space<hbm>> -> memref<32x1024xf32, #tpu.memory_space<hbm>>
    tpu.wait_dma2 semaphore(%arg10 : memref<!tpu.dma_semaphore, #tpu.memory_space<semaphore_mem>>) src(%dma_wait3A_14 : memref<32x1024xf32, #tpu.memory_space<hbm>>) dst(%arg6 : memref<32x1024xf32, #tpu.memory_space<vmem>>)
    %get3A = arith.constant 0 : i32
    %get3A_15 = arith.index_cast %get3A : i32 to index
    %get3A_16 = arith.constant 0 : index
    %get3A_17 = tpu.vector_load %arg5[%get3A_15, %get3A_16] {strides = array<i32>} : memref<2x256xi32, #tpu.memory_space<vmem>>, vector<1x16xi32>,
    %get3A_18 = vector.shape_cast %get3A_17 : vector<1x16xi32> to vector<16xi32>
    %swap3A = arith.constant 0 : index
    %swap3A_19 = tpu.vector_load %arg8[%swap3A] {strides = array<i32>} : memref<32xi32, #tpu.memory_space<vmem>>, vector<16xi32>,
    %swap3A_20 = vector.shape_cast %swap3A_19 : vector<16xi32> to vector<16xi32>
    %swap3A_21 = vector.shape_cast %get3A_18 : vector<16xi32> to vector<16xi32>
    tpu.vector_store %arg8[%swap3A], %swap3A_21 {strides = array<i32>} : memref<32xi32, #tpu.memory_space<vmem>>, vector<16xi32>,
    %get3A_22 = arith.constant 1 : i32
    %get3A_23 = arith.index_cast %get3A_22 : i32 to index
    %get3A_24 = arith.constant 0 : index
    %get3A_25 = tpu.vector_load %arg5[%get3A_23, %get3A_24] {strides = array<i32>} : memref<2x256xi32, #tpu.memory_space<vmem>>, vector<1x16xi32>,
    %get3A_26 = vector.shape_cast %get3A_25 : vector<1x16xi32> to vector<16xi32>
    %swap3A_27 = arith.constant 0 : index
    %swap3A_28 = tpu.vector_load %arg9[%swap3A_27] {strides = array<i32>} : memref<32xi32, #tpu.memory_space<vmem>>, vector<16xi32>,
    %swap3A_29 = vector.shape_cast %swap3A_28 : vector<16xi32> to vector<16xi32>
    %swap3A_30 = vector.shape_cast %get3A_26 : vector<16xi32> to vector<16xi32>
    tpu.vector_store %arg9[%swap3A_27], %swap3A_30 {strides = array<i32>} : memref<32xi32, #tpu.memory_space<vmem>>, vector<16xi32>,
    %get3A_31 = arith.constant 0 : i32
    %get3A_32 = arith.index_cast %get3A_31 : i32 to index
    %get3A_33 = arith.constant 16 : index
    %get3A_34 = tpu.vector_load %arg5[%get3A_32, %get3A_33] {strides = array<i32>} : memref<2x256xi32, #tpu.memory_space<vmem>>, vector<1x16xi32>,
    %get3A_35 = vector.shape_cast %get3A_34 : vector<1x16xi32> to vector<16xi32>
    %swap3A_36 = arith.constant 16 : index
    %swap3A_37 = tpu.vector_load %arg8[%swap3A_36] {strides = array<i32>} : memref<32xi32, #tpu.memory_space<vmem>>, vector<16xi32>,
    %swap3A_38 = vector.shape_cast %swap3A_37 : vector<16xi32> to vector<16xi32>
    %swap3A_39 = vector.shape_cast %get3A_35 : vector<16xi32> to vector<16xi32>
    tpu.vector_store %arg8[%swap3A_36], %swap3A_39 {strides = array<i32>} : memref<32xi32, #tpu.memory_space<vmem>>, vector<16xi32>,
    %get3A_40 = arith.constant 1 : i32
    %get3A_41 = arith.index_cast %get3A_40 : i32 to index
    %get3A_42 = arith.constant 16 : index
    %get3A_43 = tpu.vector_load %arg5[%get3A_41, %get3A_42] {strides = array<i32>} : memref<2x256xi32, #tpu.memory_space<vmem>>, vector<1x16xi32>,
    %get3A_44 = vector.shape_cast %get3A_43 : vector<1x16xi32> to vector<16xi32>
    %swap3A_45 = arith.constant 16 : index
    %swap3A_46 = tpu.vector_load %arg9[%swap3A_45] {strides = array<i32>} : memref<32xi32, #tpu.memory_space<vmem>>, vector<16xi32>,
    %swap3A_47 = vector.shape_cast %swap3A_46 : vector<16xi32> to vector<16xi32>
    %swap3A_48 = vector.shape_cast %get3A_44 : vector<16xi32> to vector<16xi32>
    tpu.vector_store %arg9[%swap3A_45], %swap3A_48 {strides = array<i32>} : memref<32xi32, #tpu.memory_space<vmem>>, vector<16xi32>,
    %dma_start3A_49 = arith.constant 0 : i32
    %dma_start3A_50 = arith.constant 0 : i32
    %dma_start3A_51 = tpu.memref_slice %arg4[%dma_start3A_49, %dma_start3A_50] : memref<18432x1024xf32, #tpu.memory_space<hbm>> -> memref<18432x1024xf32, #tpu.memory_space<hbm>>
    tpu.enqueue_indirect_dma source(%arg6 : memref<32x1024xf32, #tpu.memory_space<vmem>>) target(%dma_start3A_51 : memref<18432x1024xf32, #tpu.memory_space<hbm>>) offsets(%arg8 : memref<32xi32, #tpu.memory_space<vmem>>) semaphore(%arg12 : memref<!tpu.dma_semaphore, #tpu.memory_space<semaphore_mem>>)
    %dma_start3A_52 = arith.constant 0 : i32
    %dma_start3A_53 = arith.constant 0 : i32
    %dma_start3A_54 = tpu.memref_slice %arg4[%dma_start3A_52, %dma_start3A_53] : memref<18432x1024xf32, #tpu.memory_space<hbm>> -> memref<18432x1024xf32, #tpu.memory_space<hbm>>
    tpu.enqueue_indirect_dma source(%arg6 : memref<32x1024xf32, #tpu.memory_space<vmem>>) target(%dma_start3A_54 : memref<18432x1024xf32, #tpu.memory_space<hbm>>) offsets(%arg9 : memref<32xi32, #tpu.memory_space<vmem>>) semaphore(%arg13 : memref<!tpu.dma_semaphore, #tpu.memory_space<semaphore_mem>>)
    %dma_wait3A_55 = arith.constant 0 : i32
    %dma_wait3A_56 = arith.constant 0 : i32
    %dma_wait3A_57 = tpu.memref_slice %arg4[%dma_wait3A_55, %dma_wait3A_56] : memref<18432x1024xf32, #tpu.memory_space<hbm>> -> memref<18432x1024xf32, #tpu.memory_space<hbm>>
    tpu.wait_indirect_dma semaphore(%arg12 : memref<!tpu.dma_semaphore, #tpu.memory_space<semaphore_mem>>) src(%arg6 : memref<32x1024xf32, #tpu.memory_space<vmem>>) dst(%dma_wait3A_57 : memref<18432x1024xf32, #tpu.memory_space<hbm>>)
    %dma_wait3A_58 = arith.constant 0 : i32
    %dma_wait3A_59 = arith.constant 0 : i32
    %dma_wait3A_60 = tpu.memref_slice %arg4[%dma_wait3A_58, %dma_wait3A_59] : memref<18432x1024xf32, #tpu.memory_space<hbm>> -> memref<18432x1024xf32, #tpu.memory_space<hbm>>
    tpu.wait_indirect_dma semaphore(%arg13 : memref<!tpu.dma_semaphore, #tpu.memory_space<semaphore_mem>>) src(%arg6 : memref<32x1024xf32, #tpu.memory_space<vmem>>) dst(%dma_wait3A_60 : memref<18432x1024xf32, #tpu.memory_space<hbm>>)
    %add3A_61 = arith.constant 64 : i32
    %add3A_62 = arith.addi %mul3A_2, %add3A_61 : i32
    %dma_start3A_63 = arith.constant 0 : i32
    %dma_start3A_64 = tpu.memref_slice %arg2[%add3A_62, %dma_start3A_63] : memref<8192x1024xf32, #tpu.memory_space<hbm>> -> memref<32x1024xf32, #tpu.memory_space<hbm>>
    %dma_start3A_65 = arith.constant 0 : i32
    %dma_start3A_66 = tpu.memref_slice %arg2[%add3A_62, %dma_start3A_65] : memref<8192x1024xf32, #tpu.memory_space<hbm>> -> memref<32x1024xf32, #tpu.memory_space<hbm>>
    tpu.enqueue_dma source(%dma_start3A_66 : memref<32x1024xf32, #tpu.memory_space<hbm>>) target(%arg6 : memref<32x1024xf32, #tpu.memory_space<vmem>>) target_semaphore(%arg10 : memref<!tpu.dma_semaphore, #tpu.memory_space<semaphore_mem>>)
    %dma_wait3A_67 = arith.constant 0 : i32
    %dma_wait3A_68 = tpu.memref_slice %arg2[%add3A_7, %dma_wait3A_67] : memref<8192x1024xf32, #tpu.memory_space<hbm>> -> memref<32x1024xf32, #tpu.memory_space<hbm>>
    %dma_wait3A_69 = arith.constant 0 : i32
    %dma_wait3A_70 = tpu.memref_slice %arg2[%add3A_7, %dma_wait3A_69] : memref<8192x1024xf32, #tpu.memory_space<hbm>> -> memref<32x1024xf32, #tpu.memory_space<hbm>>
    tpu.wait_dma2 semaphore(%arg11 : memref<!tpu.dma_semaphore, #tpu.memory_space<semaphore_mem>>) src(%dma_wait3A_70 : memref<32x1024xf32, #tpu.memory_space<hbm>>) dst(%arg7 : memref<32x1024xf32, #tpu.memory_space<vmem>>)
    %get3A_71 = arith.constant 0 : i32
    %get3A_72 = arith.index_cast %get3A_71 : i32 to index
    %get3A_73 = arith.constant 32 : index
    %get3A_74 = tpu.vector_load %arg5[%get3A_72, %get3A_73] {strides = array<i32>} : memref<2x256xi32, #tpu.memory_space<vmem>>, vector<1x16xi32>,
    %get3A_75 = vector.shape_cast %get3A_74 : vector<1x16xi32> to vector<16xi32>
    %swap3A_76 = arith.constant 0 : index
    %swap3A_77 = tpu.vector_load %arg8[%swap3A_76] {strides = array<i32>} : memref<32xi32, #tpu.memory_space<vmem>>, vector<16xi32>,
    %swap3A_78 = vector.shape_cast %swap3A_77 : vector<16xi32> to vector<16xi32>
    %swap3A_79 = vector.shape_cast %get3A_75 : vector<16xi32> to vector<16xi32>
    tpu.vector_store %arg8[%swap3A_76], %swap3A_79 {strides = array<i32>} : memref<32xi32, #tpu.memory_space<vmem>>, vector<16xi32>,
    %get3A_80 = arith.constant 1 : i32
    %get3A_81 = arith.index_cast %get3A_80 : i32 to index
    %get3A_82 = arith.constant 32 : index
    %get3A_83 = tpu.vector_load %arg5[%get3A_81, %get3A_82] {strides = array<i32>} : memref<2x256xi32, #tpu.memory_space<vmem>>, vector<1x16xi32>,
    %get3A_84 = vector.shape_cast %get3A_83 : vector<1x16xi32> to vector<16xi32>
    %swap3A_85 = arith.constant 0 : index
    %swap3A_86 = tpu.vector_load %arg9[%swap3A_85] {strides = array<i32>} : memref<32xi32, #tpu.memory_space<vmem>>, vector<16xi32>,
    %swap3A_87 = vector.shape_cast %swap3A_86 : vector<16xi32> to vector<16xi32>
    %swap3A_88 = vector.shape_cast %get3A_84 : vector<16xi32> to vector<16xi32>
    tpu.vector_store %arg9[%swap3A_85], %swap3A_88 {strides = array<i32>} : memref<32xi32, #tpu.memory_space<vmem>>, vector<16xi32>,
    %get3A_89 = arith.constant 0 : i32
    %get3A_90 = arith.index_cast %get3A_89 : i32 to index
    %get3A_91 = arith.constant 48 : index
    %get3A_92 = tpu.vector_load %arg5[%get3A_90, %get3A_91] {strides = array<i32>} : memref<2x256xi32, #tpu.memory_space<vmem>>, vector<1x16xi32>,
    %get3A_93 = vector.shape_cast %get3A_92 : vector<1x16xi32> to vector<16xi32>
    %swap3A_94 = arith.constant 16 : index
    %swap3A_95 = tpu.vector_load %arg8[%swap3A_94] {strides = array<i32>} : memref<32xi32, #tpu.memory_space<vmem>>, vector<16xi32>,
    %swap3A_96 = vector.shape_cast %swap3A_95 : vector<16xi32> to vector<16xi32>
    %swap3A_97 = vector.shape_cast %get3A_93 : vector<16xi32> to vector<16xi32>
    tpu.vector_store %arg8[%swap3A_94], %swap3A_97 {strides = array<i32>} : memref<32xi32, #tpu.memory_space<vmem>>, vector<16xi32>,
    %get3A_98 = arith.constant 1 : i32
    %get3A_99 = arith.index_cast %get3A_98 : i32 to index
    %get3A_100 = arith.constant 48 : index
    %get3A_101 = tpu.vector_load %arg5[%get3A_99, %get3A_100] {strides = array<i32>} : memref<2x256xi32, #tpu.memory_space<vmem>>, vector<1x16xi32>,
    %get3A_102 = vector.shape_cast %get3A_101 : vector<1x16xi32> to vector<16xi32>
    %swap3A_103 = arith.constant 16 : index
    %swap3A_104 = tpu.vector_load %arg9[%swap3A_103] {strides = array<i32>} : memref<32xi32, #tpu.memory_space<vmem>>, vector<16xi32>,
    %swap3A_105 = vector.shape_cast %swap3A_104 : vector<16xi32> to vector<16xi32>
    %swap3A_106 = vector.shape_cast %get3A_102 : vector<16xi32> to vector<16xi32>
    tpu.vector_store %arg9[%swap3A_103], %swap3A_106 {strides = array<i32>} : memref<32xi32, #tpu.memory_space<vmem>>, vector<16xi32>,
    %dma_start3A_107 = arith.constant 0 : i32
    %dma_start3A_108 = arith.constant 0 : i32
    %dma_start3A_109 = tpu.memref_slice %arg4[%dma_start3A_107, %dma_start3A_108] : memref<18432x1024xf32, #tpu.memory_space<hbm>> -> memref<18432x1024xf32, #tpu.memory_space<hbm>>
    tpu.enqueue_indirect_dma source(%arg7 : memref<32x1024xf32, #tpu.memory_space<vmem>>) target(%dma_start3A_109 : memref<18432x1024xf32, #tpu.memory_space<hbm>>) offsets(%arg8 : memref<32xi32, #tpu.memory_space<vmem>>) semaphore(%arg12 : memref<!tpu.dma_semaphore, #tpu.memory_space<semaphore_mem>>)
    %dma_start3A_110 = arith.constant 0 : i32
    %dma_start3A_111 = arith.constant 0 : i32
    %dma_start3A_112 = tpu.memref_slice %arg4[%dma_start3A_110, %dma_start3A_111] : memref<18432x1024xf32, #tpu.memory_space<hbm>> -> memref<18432x1024xf32, #tpu.memory_space<hbm>>
    tpu.enqueue_indirect_dma source(%arg7 : memref<32x1024xf32, #tpu.memory_space<vmem>>) target(%dma_start3A_112 : memref<18432x1024xf32, #tpu.memory_space<hbm>>) offsets(%arg9 : memref<32xi32, #tpu.memory_space<vmem>>) semaphore(%arg13 : memref<!tpu.dma_semaphore, #tpu.memory_space<semaphore_mem>>)
    %dma_wait3A_113 = arith.constant 0 : i32
    %dma_wait3A_114 = arith.constant 0 : i32
    %dma_wait3A_115 = tpu.memref_slice %arg4[%dma_wait3A_113, %dma_wait3A_114] : memref<18432x1024xf32, #tpu.memory_space<hbm>> -> memref<18432x1024xf32, #tpu.memory_space<hbm>>
    tpu.wait_indirect_dma semaphore(%arg12 : memref<!tpu.dma_semaphore, #tpu.memory_space<semaphore_mem>>) src(%arg7 : memref<32x1024xf32, #tpu.memory_space<vmem>>) dst(%dma_wait3A_115 : memref<18432x1024xf32, #tpu.memory_space<hbm>>)
    %dma_wait3A_116 = arith.constant 0 : i32
    %dma_wait3A_117 = arith.constant 0 : i32
    %dma_wait3A_118 = tpu.memref_slice %arg4[%dma_wait3A_116, %dma_wait3A_117] : memref<18432x1024xf32, #tpu.memory_space<hbm>> -> memref<18432x1024xf32, #tpu.memory_space<hbm>>
    tpu.wait_indirect_dma semaphore(%arg13 : memref<!tpu.dma_semaphore, #tpu.memory_space<semaphore_mem>>) src(%arg7 : memref<32x1024xf32, #tpu.memory_space<vmem>>) dst(%dma_wait3A_118 : memref<18432x1024xf32, #tpu.memory_space<hbm>>)
    %add3A_119 = arith.constant 96 : i32
    %add3A_120 = arith.addi %mul3A_2, %add3A_119 : i32
    %dma_start3A_121 = arith.constant 0 : i32
    %dma_start3A_122 = tpu.memref_slice %arg2[%add3A_120, %dma_start3A_121] : memref<8192x1024xf32, #tpu.memory_space<hbm>> -> memref<32x1024xf32, #tpu.memory_space<hbm>>
    %dma_start3A_123 = arith.constant 0 : i32
    %dma_start3A_124 = tpu.memref_slice %arg2[%add3A_120, %dma_start3A_123] : memref<8192x1024xf32, #tpu.memory_space<hbm>> -> memref<32x1024xf32, #tpu.memory_space<hbm>>
    tpu.enqueue_dma source(%dma_start3A_124 : memref<32x1024xf32, #tpu.memory_space<hbm>>) target(%arg7 : memref<32x1024xf32, #tpu.memory_space<vmem>>) target_semaphore(%arg11 : memref<!tpu.dma_semaphore, #tpu.memory_space<semaphore_mem>>)
    %dma_wait3A_125 = arith.constant 0 : i32
    %dma_wait3A_126 = tpu.memref_slice %arg2[%add3A_62, %dma_wait3A_125] : memref<8192x1024xf32, #tpu.memory_space<hbm>> -> memref<32x1024xf32, #tpu.memory_space<hbm>>
    %dma_wait3A_127 = arith.constant 0 : i32
    %dma_wait3A_128 = tpu.memref_slice %arg2[%add3A_62, %dma_wait3A_127] : memref<8192x1024xf32, #tpu.memory_space<hbm>> -> memref<32x1024xf32, #tpu.memory_space<hbm>>
    tpu.wait_dma2 semaphore(%arg10 : memref<!tpu.dma_semaphore, #tpu.memory_space<semaphore_mem>>) src(%dma_wait3A_128 : memref<32x1024xf32, #tpu.memory_space<hbm>>) dst(%arg6 : memref<32x1024xf32, #tpu.memory_space<vmem>>)
    %get3A_129 = arith.constant 0 : i32
    %get3A_130 = arith.index_cast %get3A_129 : i32 to index
    %get3A_131 = arith.constant 64 : index
    %get3A_132 = tpu.vector_load %arg5[%get3A_130, %get3A_131] {strides = array<i32>} : memref<2x256xi32, #tpu.memory_space<vmem>>, vector<1x16xi32>,
    %get3A_133 = vector.shape_cast %get3A_132 : vector<1x16xi32> to vector<16xi32>
    %swap3A_134 = arith.constant 0 : index
    %swap3A_135 = tpu.vector_load %arg8[%swap3A_134] {strides = array<i32>} : memref<32xi32, #tpu.memory_space<vmem>>, vector<16xi32>,
    %swap3A_136 = vector.shape_cast %swap3A_135 : vector<16xi32> to vector<16xi32>
    %swap3A_137 = vector.shape_cast %get3A_133 : vector<16xi32> to vector<16xi32>
    tpu.vector_store %arg8[%swap3A_134], %swap3A_137 {strides = array<i32>} : memref<32xi32, #tpu.memory_space<vmem>>, vector<16xi32>,
    %get3A_138 = arith.constant 1 : i32
    %get3A_139 = arith.index_cast %get3A_138 : i32 to index
    %get3A_140 = arith.constant 64 : index
    %get3A_141 = tpu.vector_load %arg5[%get3A_139, %get3A_140] {strides = array<i32>} : memref<2x256xi32, #tpu.memory_space<vmem>>, vector<1x16xi32>,
    %get3A_142 = vector.shape_cast %get3A_141 : vector<1x16xi32> to vector<16xi32>
    %swap3A_143 = arith.constant 0 : index
    %swap3A_144 = tpu.vector_load %arg9[%swap3A_143] {strides = array<i32>} : memref<32xi32, #tpu.memory_space<vmem>>, vector<16xi32>,
    %swap3A_145 = vector.shape_cast %swap3A_144 : vector<16xi32> to vector<16xi32>
    %swap3A_146 = vector.shape_cast %get3A_142 : vector<16xi32> to vector<16xi32>
    tpu.vector_store %arg9[%swap3A_143], %swap3A_146 {strides = array<i32>} : memref<32xi32, #tpu.memory_space<vmem>>, vector<16xi32>,
    %get3A_147 = arith.constant 0 : i32
    %get3A_148 = arith.index_cast %get3A_147 : i32 to index
    %get3A_149 = arith.constant 80 : index
    %get3A_150 = tpu.vector_load %arg5[%get3A_148, %get3A_149] {strides = array<i32>} : memref<2x256xi32, #tpu.memory_space<vmem>>, vector<1x16xi32>,
    %get3A_151 = vector.shape_cast %get3A_150 : vector<1x16xi32> to vector<16xi32>
    %swap3A_152 = arith.constant 16 : index
    %swap3A_153 = tpu.vector_load %arg8[%swap3A_152] {strides = array<i32>} : memref<32xi32, #tpu.memory_space<vmem>>, vector<16xi32>,
    %swap3A_154 = vector.shape_cast %swap3A_153 : vector<16xi32> to vector<16xi32>
    %swap3A_155 = vector.shape_cast %get3A_151 : vector<16xi32> to vector<16xi32>
    tpu.vector_store %arg8[%swap3A_152], %swap3A_155 {strides = array<i32>} : memref<32xi32, #tpu.memory_space<vmem>>, vector<16xi32>,
    %get3A_156 = arith.constant 1 : i32
    %get3A_157 = arith.index_cast %get3A_156 : i32 to index
    %get3A_158 = arith.constant 80 : index
    %get3A_159 = tpu.vector_load %arg5[%get3A_157, %get3A_158] {strides = array<i32>} : memref<2x256xi32, #tpu.memory_space<vmem>>, vector<1x16xi32>,
    %get3A_160 = vector.shape_cast %get3A_159 : vector<1x16xi32> to vector<16xi32>
    %swap3A_161 = arith.constant 16 : index
    %swap3A_162 = tpu.vector_load %arg9[%swap3A_161] {strides = array<i32>} : memref<32xi32, #tpu.memory_space<vmem>>, vector<16xi32>,
    %swap3A_163 = vector.shape_cast %swap3A_162 : vector<16xi32> to vector<16xi32>
    %swap3A_164 = vector.shape_cast %get3A_160 : vector<16xi32> to vector<16xi32>
    tpu.vector_store %arg9[%swap3A_161], %swap3A_164 {strides = array<i32>} : memref<32xi32, #tpu.memory_space<vmem>>, vector<16xi32>,
    %dma_start3A_165 = arith.constant 0 : i32
    %dma_start3A_166 = arith.constant 0 : i32
    %dma_start3A_167 = tpu.memref_slice %arg4[%dma_start3A_165, %dma_start3A_166] : memref<18432x1024xf32, #tpu.memory_space<hbm>> -> memref<18432x1024xf32, #tpu.memory_space<hbm>>
    tpu.enqueue_indirect_dma source(%arg6 : memref<32x1024xf32, #tpu.memory_space<vmem>>) target(%dma_start3A_167 : memref<18432x1024xf32, #tpu.memory_space<hbm>>) offsets(%arg8 : memref<32xi32, #tpu.memory_space<vmem>>) semaphore(%arg12 : memref<!tpu.dma_semaphore, #tpu.memory_space<semaphore_mem>>)
    %dma_start3A_168 = arith.constant 0 : i32
    %dma_start3A_169 = arith.constant 0 : i32
    %dma_start3A_170 = tpu.memref_slice %arg4[%dma_start3A_168, %dma_start3A_169] : memref<18432x1024xf32, #tpu.memory_space<hbm>> -> memref<18432x1024xf32, #tpu.memory_space<hbm>>
    tpu.enqueue_indirect_dma source(%arg6 : memref<32x1024xf32, #tpu.memory_space<vmem>>) target(%dma_start3A_170 : memref<18432x1024xf32, #tpu.memory_space<hbm>>) offsets(%arg9 : memref<32xi32, #tpu.memory_space<vmem>>) semaphore(%arg13 : memref<!tpu.dma_semaphore, #tpu.memory_space<semaphore_mem>>)
    %dma_wait3A_171 = arith.constant 0 : i32
    %dma_wait3A_172 = arith.constant 0 : i32
    %dma_wait3A_173 = tpu.memref_slice %arg4[%dma_wait3A_171, %dma_wait3A_172] : memref<18432x1024xf32, #tpu.memory_space<hbm>> -> memref<18432x1024xf32, #tpu.memory_space<hbm>>
    tpu.wait_indirect_dma semaphore(%arg12 : memref<!tpu.dma_semaphore, #tpu.memory_space<semaphore_mem>>) src(%arg6 : memref<32x1024xf32, #tpu.memory_space<vmem>>) dst(%dma_wait3A_173 : memref<18432x1024xf32, #tpu.memory_space<hbm>>)
    %dma_wait3A_174 = arith.constant 0 : i32
    %dma_wait3A_175 = arith.constant 0 : i32
    %dma_wait3A_176 = tpu.memref_slice %arg4[%dma_wait3A_174, %dma_wait3A_175] : memref<18432x1024xf32, #tpu.memory_space<hbm>> -> memref<18432x1024xf32, #tpu.memory_space<hbm>>
    tpu.wait_indirect_dma semaphore(%arg13 : memref<!tpu.dma_semaphore, #tpu.memory_space<semaphore_mem>>) src(%arg6 : memref<32x1024xf32, #tpu.memory_space<vmem>>) dst(%dma_wait3A_176 : memref<18432x1024xf32, #tpu.memory_space<hbm>>)
    %add3A_177 = arith.constant 128 : i32
    %add3A_178 = arith.addi %mul3A_2, %add3A_177 : i32
    %dma_start3A_179 = arith.constant 0 : i32
    %dma_start3A_180 = tpu.memref_slice %arg2[%add3A_178, %dma_start3A_179] : memref<8192x1024xf32, #tpu.memory_space<hbm>> -> memref<32x1024xf32, #tpu.memory_space<hbm>>
    %dma_start3A_181 = arith.constant 0 : i32
    %dma_start3A_182 = tpu.memref_slice %arg2[%add3A_178, %dma_start3A_181] : memref<8192x1024xf32, #tpu.memory_space<hbm>> -> memref<32x1024xf32, #tpu.memory_space<hbm>>
    tpu.enqueue_dma source(%dma_start3A_182 : memref<32x1024xf32, #tpu.memory_space<hbm>>) target(%arg6 : memref<32x1024xf32, #tpu.memory_space<vmem>>) target_semaphore(%arg10 : memref<!tpu.dma_semaphore, #tpu.memory_space<semaphore_mem>>)
    %dma_wait3A_183 = arith.constant 0 : i32
    %dma_wait3A_184 = tpu.memref_slice %arg2[%add3A_120, %dma_wait3A_183] : memref<8192x1024xf32, #tpu.memory_space<hbm>> -> memref<32x1024xf32, #tpu.memory_space<hbm>>
    %dma_wait3A_185 = arith.constant 0 : i32
    %dma_wait3A_186 = tpu.memref_slice %arg2[%add3A_120, %dma_wait3A_185] : memref<8192x1024xf32, #tpu.memory_space<hbm>> -> memref<32x1024xf32, #tpu.memory_space<hbm>>
    tpu.wait_dma2 semaphore(%arg11 : memref<!tpu.dma_semaphore, #tpu.memory_space<semaphore_mem>>) src(%dma_wait3A_186 : memref<32x1024xf32, #tpu.memory_space<hbm>>) dst(%arg7 : memref<32x1024xf32, #tpu.memory_space<vmem>>)
    %get3A_187 = arith.constant 0 : i32
    %get3A_188 = arith.index_cast %get3A_187 : i32 to index
    %get3A_189 = arith.constant 96 : index
    %get3A_190 = tpu.vector_load %arg5[%get3A_188, %get3A_189] {strides = array<i32>} : memref<2x256xi32, #tpu.memory_space<vmem>>, vector<1x16xi32>,
    %get3A_191 = vector.shape_cast %get3A_190 : vector<1x16xi32> to vector<16xi32>
    %swap3A_192 = arith.constant 0 : index
    %swap3A_193 = tpu.vector_load %arg8[%swap3A_192] {strides = array<i32>} : memref<32xi32, #tpu.memory_space<vmem>>, vector<16xi32>,
    %swap3A_194 = vector.shape_cast %swap3A_193 : vector<16xi32> to vector<16xi32>
    %swap3A_195 = vector.shape_cast %get3A_191 : vector<16xi32> to vector<16xi32>
    tpu.vector_store %arg8[%swap3A_192], %swap3A_195 {strides = array<i32>} : memref<32xi32, #tpu.memory_space<vmem>>, vector<16xi32>,
    %get3A_196 = arith.constant 1 : i32
    %get3A_197 = arith.index_cast %get3A_196 : i32 to index
    %get3A_198 = arith.constant 96 : index
    %get3A_199 = tpu.vector_load %arg5[%get3A_197, %get3A_198] {strides = array<i32>} : memref<2x256xi32, #tpu.memory_space<vmem>>, vector<1x16xi32>,
    %get3A_200 = vector.shape_cast %get3A_199 : vector<1x16xi32> to vector<16xi32>
    %swap3A_201 = arith.constant 0 : index
    %swap3A_202 = tpu.vector_load %arg9[%swap3A_201] {strides = array<i32>} : memref<32xi32, #tpu.memory_space<vmem>>, vector<16xi32>,
    %swap3A_203 = vector.shape_cast %swap3A_202 : vector<16xi32> to vector<16xi32>
    %swap3A_204 = vector.shape_cast %get3A_200 : vector<16xi32> to vector<16xi32>
    tpu.vector_store %arg9[%swap3A_201], %swap3A_204 {strides = array<i32>} : memref<32xi32, #tpu.memory_space<vmem>>, vector<16xi32>,
    %get3A_205 = arith.constant 0 : i32
    %get3A_206 = arith.index_cast %get3A_205 : i32 to index
    %get3A_207 = arith.constant 112 : index
    %get3A_208 = tpu.vector_load %arg5[%get3A_206, %get3A_207] {strides = array<i32>} : memref<2x256xi32, #tpu.memory_space<vmem>>, vector<1x16xi32>,
    %get3A_209 = vector.shape_cast %get3A_208 : vector<1x16xi32> to vector<16xi32>
    %swap3A_210 = arith.constant 16 : index
    %swap3A_211 = tpu.vector_load %arg8[%swap3A_210] {strides = array<i32>} : memref<32xi32, #tpu.memory_space<vmem>>, vector<16xi32>,
    %swap3A_212 = vector.shape_cast %swap3A_211 : vector<16xi32> to vector<16xi32>
    %swap3A_213 = vector.shape_cast %get3A_209 : vector<16xi32> to vector<16xi32>
    tpu.vector_store %arg8[%swap3A_210], %swap3A_213 {strides = array<i32>} : memref<32xi32, #tpu.memory_space<vmem>>, vector<16xi32>,
    %get3A_214 = arith.constant 1 : i32
    %get3A_215 = arith.index_cast %get3A_214 : i32 to index
    %get3A_216 = arith.constant 112 : index
    %get3A_217 = tpu.vector_load %arg5[%get3A_215, %get3A_216] {strides = array<i32>} : memref<2x256xi32, #tpu.memory_space<vmem>>, vector<1x16xi32>,
    %get3A_218 = vector.shape_cast %get3A_217 : vector<1x16xi32> to vector<16xi32>
    %swap3A_219 = arith.constant 16 : index
    %swap3A_220 = tpu.vector_load %arg9[%swap3A_219] {strides = array<i32>} : memref<32xi32, #tpu.memory_space<vmem>>, vector<16xi32>,
    %swap3A_221 = vector.shape_cast %swap3A_220 : vector<16xi32> to vector<16xi32>
    %swap3A_222 = vector.shape_cast %get3A_218 : vector<16xi32> to vector<16xi32>
    tpu.vector_store %arg9[%swap3A_219], %swap3A_222 {strides = array<i32>} : memref<32xi32, #tpu.memory_space<vmem>>, vector<16xi32>,
    %dma_start3A_223 = arith.constant 0 : i32
    %dma_start3A_224 = arith.constant 0 : i32
    %dma_start3A_225 = tpu.memref_slice %arg4[%dma_start3A_223, %dma_start3A_224] : memref<18432x1024xf32, #tpu.memory_space<hbm>> -> memref<18432x1024xf32, #tpu.memory_space<hbm>>
    tpu.enqueue_indirect_dma source(%arg7 : memref<32x1024xf32, #tpu.memory_space<vmem>>) target(%dma_start3A_225 : memref<18432x1024xf32, #tpu.memory_space<hbm>>) offsets(%arg8 : memref<32xi32, #tpu.memory_space<vmem>>) semaphore(%arg12 : memref<!tpu.dma_semaphore, #tpu.memory_space<semaphore_mem>>)
    %dma_start3A_226 = arith.constant 0 : i32
    %dma_start3A_227 = arith.constant 0 : i32
    %dma_start3A_228 = tpu.memref_slice %arg4[%dma_start3A_226, %dma_start3A_227] : memref<18432x1024xf32, #tpu.memory_space<hbm>> -> memref<18432x1024xf32, #tpu.memory_space<hbm>>
    tpu.enqueue_indirect_dma source(%arg7 : memref<32x1024xf32, #tpu.memory_space<vmem>>) target(%dma_start3A_228 : memref<18432x1024xf32, #tpu.memory_space<hbm>>) offsets(%arg9 : memref<32xi32, #tpu.memory_space<vmem>>) semaphore(%arg13 : memref<!tpu.dma_semaphore, #tpu.memory_space<semaphore_mem>>)
    %dma_wait3A_229 = arith.constant 0 : i32
    %dma_wait3A_230 = arith.constant 0 : i32
    %dma_wait3A_231 = tpu.memref_slice %arg4[%dma_wait3A_229, %dma_wait3A_230] : memref<18432x1024xf32, #tpu.memory_space<hbm>> -> memref<18432x1024xf32, #tpu.memory_space<hbm>>
    tpu.wait_indirect_dma semaphore(%arg12 : memref<!tpu.dma_semaphore, #tpu.memory_space<semaphore_mem>>) src(%arg7 : memref<32x1024xf32, #tpu.memory_space<vmem>>) dst(%dma_wait3A_231 : memref<18432x1024xf32, #tpu.memory_space<hbm>>)
    %dma_wait3A_232 = arith.constant 0 : i32
    %dma_wait3A_233 = arith.constant 0 : i32
    %dma_wait3A_234 = tpu.memref_slice %arg4[%dma_wait3A_232, %dma_wait3A_233] : memref<18432x1024xf32, #tpu.memory_space<hbm>> -> memref<18432x1024xf32, #tpu.memory_space<hbm>>
    tpu.wait_indirect_dma semaphore(%arg13 : memref<!tpu.dma_semaphore, #tpu.memory_space<semaphore_mem>>) src(%arg7 : memref<32x1024xf32, #tpu.memory_space<vmem>>) dst(%dma_wait3A_234 : memref<18432x1024xf32, #tpu.memory_space<hbm>>)
    %add3A_235 = arith.constant 160 : i32
    %add3A_236 = arith.addi %mul3A_2, %add3A_235 : i32
    %dma_start3A_237 = arith.constant 0 : i32
    %dma_start3A_238 = tpu.memref_slice %arg2[%add3A_236, %dma_start3A_237] : memref<8192x1024xf32, #tpu.memory_space<hbm>> -> memref<32x1024xf32, #tpu.memory_space<hbm>>
    %dma_start3A_239 = arith.constant 0 : i32
    %dma_start3A_240 = tpu.memref_slice %arg2[%add3A_236, %dma_start3A_239] : memref<8192x1024xf32, #tpu.memory_space<hbm>> -> memref<32x1024xf32, #tpu.memory_space<hbm>>
    tpu.enqueue_dma source(%dma_start3A_240 : memref<32x1024xf32, #tpu.memory_space<hbm>>) target(%arg7 : memref<32x1024xf32, #tpu.memory_space<vmem>>) target_semaphore(%arg11 : memref<!tpu.dma_semaphore, #tpu.memory_space<semaphore_mem>>)
    %dma_wait3A_241 = arith.constant 0 : i32
    %dma_wait3A_242 = tpu.memref_slice %arg2[%add3A_178, %dma_wait3A_241] : memref<8192x1024xf32, #tpu.memory_space<hbm>> -> memref<32x1024xf32, #tpu.memory_space<hbm>>
    %dma_wait3A_243 = arith.constant 0 : i32
    %dma_wait3A_244 = tpu.memref_slice %arg2[%add3A_178, %dma_wait3A_243] : memref<8192x1024xf32, #tpu.memory_space<hbm>> -> memref<32x1024xf32, #tpu.memory_space<hbm>>
    tpu.wait_dma2 semaphore(%arg10 : memref<!tpu.dma_semaphore, #tpu.memory_space<semaphore_mem>>) src(%dma_wait3A_244 : memref<32x1024xf32, #tpu.memory_space<hbm>>) dst(%arg6 : memref<32x1024xf32, #tpu.memory_space<vmem>>)
    %get3A_245 = arith.constant 0 : i32
    %get3A_246 = arith.index_cast %get3A_245 : i32 to index
    %get3A_247 = arith.constant 128 : index
    %get3A_248 = tpu.vector_load %arg5[%get3A_246, %get3A_247] {strides = array<i32>} : memref<2x256xi32, #tpu.memory_space<vmem>>, vector<1x16xi32>,
    %get3A_249 = vector.shape_cast %get3A_248 : vector<1x16xi32> to vector<16xi32>
    %swap3A_250 = arith.constant 0 : index
    %swap3A_251 = tpu.vector_load %arg8[%swap3A_250] {strides = array<i32>} : memref<32xi32, #tpu.memory_space<vmem>>, vector<16xi32>,
    %swap3A_252 = vector.shape_cast %swap3A_251 : vector<16xi32> to vector<16xi32>
    %swap3A_253 = vector.shape_cast %get3A_249 : vector<16xi32> to vector<16xi32>
    tpu.vector_store %arg8[%swap3A_250], %swap3A_253 {strides = array<i32>} : memref<32xi32, #tpu.memory_space<vmem>>, vector<16xi32>,
    %get3A_254 = arith.constant 1 : i32
    %get3A_255 = arith.index_cast %get3A_254 : i32 to index
    %get3A_256 = arith.constant 128 : index
    %get3A_257 = tpu.vector_load %arg5[%get3A_255, %get3A_256] {strides = array<i32>} : memref<2x256xi32, #tpu.memory_space<vmem>>, vector<1x16xi32>,
    %get3A_258 = vector.shape_cast %get3A_257 : vector<1x16xi32> to vector<16xi32>
    %swap3A_259 = arith.constant 0 : index
    %swap3A_260 = tpu.vector_load %arg9[%swap3A_259] {strides = array<i32>} : memref<32xi32, #tpu.memory_space<vmem>>, vector<16xi32>,
    %swap3A_261 = vector.shape_cast %swap3A_260 : vector<16xi32> to vector<16xi32>
    %swap3A_262 = vector.shape_cast %get3A_258 : vector<16xi32> to vector<16xi32>
    tpu.vector_store %arg9[%swap3A_259], %swap3A_262 {strides = array<i32>} : memref<32xi32, #tpu.memory_space<vmem>>, vector<16xi32>,
    %get3A_263 = arith.constant 0 : i32
    %get3A_264 = arith.index_cast %get3A_263 : i32 to index
    %get3A_265 = arith.constant 144 : index
    %get3A_266 = tpu.vector_load %arg5[%get3A_264, %get3A_265] {strides = array<i32>} : memref<2x256xi32, #tpu.memory_space<vmem>>, vector<1x16xi32>,
    %get3A_267 = vector.shape_cast %get3A_266 : vector<1x16xi32> to vector<16xi32>
    %swap3A_268 = arith.constant 16 : index
    %swap3A_269 = tpu.vector_load %arg8[%swap3A_268] {strides = array<i32>} : memref<32xi32, #tpu.memory_space<vmem>>, vector<16xi32>,
    %swap3A_270 = vector.shape_cast %swap3A_269 : vector<16xi32> to vector<16xi32>
    %swap3A_271 = vector.shape_cast %get3A_267 : vector<16xi32> to vector<16xi32>
    tpu.vector_store %arg8[%swap3A_268], %swap3A_271 {strides = array<i32>} : memref<32xi32, #tpu.memory_space<vmem>>, vector<16xi32>,
    %get3A_272 = arith.constant 1 : i32
    %get3A_273 = arith.index_cast %get3A_272 : i32 to index
    %get3A_274 = arith.constant 144 : index
    %get3A_275 = tpu.vector_load %arg5[%get3A_273, %get3A_274] {strides = array<i32>} : memref<2x256xi32, #tpu.memory_space<vmem>>, vector<1x16xi32>,
    %get3A_276 = vector.shape_cast %get3A_275 : vector<1x16xi32> to vector<16xi32>
    %swap3A_277 = arith.constant 16 : index
    %swap3A_278 = tpu.vector_load %arg9[%swap3A_277] {strides = array<i32>} : memref<32xi32, #tpu.memory_space<vmem>>, vector<16xi32>,
    %swap3A_279 = vector.shape_cast %swap3A_278 : vector<16xi32> to vector<16xi32>
    %swap3A_280 = vector.shape_cast %get3A_276 : vector<16xi32> to vector<16xi32>
    tpu.vector_store %arg9[%swap3A_277], %swap3A_280 {strides = array<i32>} : memref<32xi32, #tpu.memory_space<vmem>>, vector<16xi32>,
    %dma_start3A_281 = arith.constant 0 : i32
    %dma_start3A_282 = arith.constant 0 : i32
    %dma_start3A_283 = tpu.memref_slice %arg4[%dma_start3A_281, %dma_start3A_282] : memref<18432x1024xf32, #tpu.memory_space<hbm>> -> memref<18432x1024xf32, #tpu.memory_space<hbm>>
    tpu.enqueue_indirect_dma source(%arg6 : memref<32x1024xf32, #tpu.memory_space<vmem>>) target(%dma_start3A_283 : memref<18432x1024xf32, #tpu.memory_space<hbm>>) offsets(%arg8 : memref<32xi32, #tpu.memory_space<vmem>>) semaphore(%arg12 : memref<!tpu.dma_semaphore, #tpu.memory_space<semaphore_mem>>)
    %dma_start3A_284 = arith.constant 0 : i32
    %dma_start3A_285 = arith.constant 0 : i32
    %dma_start3A_286 = tpu.memref_slice %arg4[%dma_start3A_284, %dma_start3A_285] : memref<18432x1024xf32, #tpu.memory_space<hbm>> -> memref<18432x1024xf32, #tpu.memory_space<hbm>>
    tpu.enqueue_indirect_dma source(%arg6 : memref<32x1024xf32, #tpu.memory_space<vmem>>) target(%dma_start3A_286 : memref<18432x1024xf32, #tpu.memory_space<hbm>>) offsets(%arg9 : memref<32xi32, #tpu.memory_space<vmem>>) semaphore(%arg13 : memref<!tpu.dma_semaphore, #tpu.memory_space<semaphore_mem>>)
    %dma_wait3A_287 = arith.constant 0 : i32
    %dma_wait3A_288 = arith.constant 0 : i32
    %dma_wait3A_289 = tpu.memref_slice %arg4[%dma_wait3A_287, %dma_wait3A_288] : memref<18432x1024xf32, #tpu.memory_space<hbm>> -> memref<18432x1024xf32, #tpu.memory_space<hbm>>
    tpu.wait_indirect_dma semaphore(%arg12 : memref<!tpu.dma_semaphore, #tpu.memory_space<semaphore_mem>>) src(%arg6 : memref<32x1024xf32, #tpu.memory_space<vmem>>) dst(%dma_wait3A_289 : memref<18432x1024xf32, #tpu.memory_space<hbm>>)
    %dma_wait3A_290 = arith.constant 0 : i32
    %dma_wait3A_291 = arith.constant 0 : i32
    %dma_wait3A_292 = tpu.memref_slice %arg4[%dma_wait3A_290, %dma_wait3A_291] : memref<18432x1024xf32, #tpu.memory_space<hbm>> -> memref<18432x1024xf32, #tpu.memory_space<hbm>>
    tpu.wait_indirect_dma semaphore(%arg13 : memref<!tpu.dma_semaphore, #tpu.memory_space<semaphore_mem>>) src(%arg6 : memref<32x1024xf32, #tpu.memory_space<vmem>>) dst(%dma_wait3A_292 : memref<18432x1024xf32, #tpu.memory_space<hbm>>)
    %add3A_293 = arith.constant 192 : i32
    %add3A_294 = arith.addi %mul3A_2, %add3A_293 : i32
    %dma_start3A_295 = arith.constant 0 : i32
    %dma_start3A_296 = tpu.memref_slice %arg2[%add3A_294, %dma_start3A_295] : memref<8192x1024xf32, #tpu.memory_space<hbm>> -> memref<32x1024xf32, #tpu.memory_space<hbm>>
    %dma_start3A_297 = arith.constant 0 : i32
    %dma_start3A_298 = tpu.memref_slice %arg2[%add3A_294, %dma_start3A_297] : memref<8192x1024xf32, #tpu.memory_space<hbm>> -> memref<32x1024xf32, #tpu.memory_space<hbm>>
    tpu.enqueue_dma source(%dma_start3A_298 : memref<32x1024xf32, #tpu.memory_space<hbm>>) target(%arg6 : memref<32x1024xf32, #tpu.memory_space<vmem>>) target_semaphore(%arg10 : memref<!tpu.dma_semaphore, #tpu.memory_space<semaphore_mem>>)
    %dma_wait3A_299 = arith.constant 0 : i32
    %dma_wait3A_300 = tpu.memref_slice %arg2[%add3A_236, %dma_wait3A_299] : memref<8192x1024xf32, #tpu.memory_space<hbm>> -> memref<32x1024xf32, #tpu.memory_space<hbm>>
    %dma_wait3A_301 = arith.constant 0 : i32
    %dma_wait3A_302 = tpu.memref_slice %arg2[%add3A_236, %dma_wait3A_301] : memref<8192x1024xf32, #tpu.memory_space<hbm>> -> memref<32x1024xf32, #tpu.memory_space<hbm>>
    tpu.wait_dma2 semaphore(%arg11 : memref<!tpu.dma_semaphore, #tpu.memory_space<semaphore_mem>>) src(%dma_wait3A_302 : memref<32x1024xf32, #tpu.memory_space<hbm>>) dst(%arg7 : memref<32x1024xf32, #tpu.memory_space<vmem>>)
    %get3A_303 = arith.constant 0 : i32
    %get3A_304 = arith.index_cast %get3A_303 : i32 to index
    %get3A_305 = arith.constant 160 : index
    %get3A_306 = tpu.vector_load %arg5[%get3A_304, %get3A_305] {strides = array<i32>} : memref<2x256xi32, #tpu.memory_space<vmem>>, vector<1x16xi32>,
    %get3A_307 = vector.shape_cast %get3A_306 : vector<1x16xi32> to vector<16xi32>
    %swap3A_308 = arith.constant 0 : index
    %swap3A_309 = tpu.vector_load %arg8[%swap3A_308] {strides = array<i32>} : memref<32xi32, #tpu.memory_space<vmem>>, vector<16xi32>,
    %swap3A_310 = vector.shape_cast %swap3A_309 : vector<16xi32> to vector<16xi32>
    %swap3A_311 = vector.shape_cast %get3A_307 : vector<16xi32> to vector<16xi32>
    tpu.vector_store %arg8[%swap3A_308], %swap3A_311 {strides = array<i32>} : memref<32xi32, #tpu.memory_space<vmem>>, vector<16xi32>,
    %get3A_312 = arith.constant 1 : i32
    %get3A_313 = arith.index_cast %get3A_312 : i32 to index
    %get3A_314 = arith.constant 160 : index
    %get3A_315 = tpu.vector_load %arg5[%get3A_313, %get3A_314] {strides = array<i32>} : memref<2x256xi32, #tpu.memory_space<vmem>>, vector<1x16xi32>,
    %get3A_316 = vector.shape_cast %get3A_315 : vector<1x16xi32> to vector<16xi32>
    %swap3A_317 = arith.constant 0 : index
    %swap3A_318 = tpu.vector_load %arg9[%swap3A_317] {strides = array<i32>} : memref<32xi32, #tpu.memory_space<vmem>>, vector<16xi32>,
    %swap3A_319 = vector.shape_cast %swap3A_318 : vector<16xi32> to vector<16xi32>
    %swap3A_320 = vector.shape_cast %get3A_316 : vector<16xi32> to vector<16xi32>
    tpu.vector_store %arg9[%swap3A_317], %swap3A_320 {strides = array<i32>} : memref<32xi32, #tpu.memory_space<vmem>>, vector<16xi32>,
    %get3A_321 = arith.constant 0 : i32
    %get3A_322 = arith.index_cast %get3A_321 : i32 to index
    %get3A_323 = arith.constant 176 : index
    %get3A_324 = tpu.vector_load %arg5[%get3A_322, %get3A_323] {strides = array<i32>} : memref<2x256xi32, #tpu.memory_space<vmem>>, vector<1x16xi32>,
    %get3A_325 = vector.shape_cast %get3A_324 : vector<1x16xi32> to vector<16xi32>
    %swap3A_326 = arith.constant 16 : index
    %swap3A_327 = tpu.vector_load %arg8[%swap3A_326] {strides = array<i32>} : memref<32xi32, #tpu.memory_space<vmem>>, vector<16xi32>,
    %swap3A_328 = vector.shape_cast %swap3A_327 : vector<16xi32> to vector<16xi32>
    %swap3A_329 = vector.shape_cast %get3A_325 : vector<16xi32> to vector<16xi32>
    tpu.vector_store %arg8[%swap3A_326], %swap3A_329 {strides = array<i32>} : memref<32xi32, #tpu.memory_space<vmem>>, vector<16xi32>,
    %get3A_330 = arith.constant 1 : i32
    %get3A_331 = arith.index_cast %get3A_330 : i32 to index
    %get3A_332 = arith.constant 176 : index
    %get3A_333 = tpu.vector_load %arg5[%get3A_331, %get3A_332] {strides = array<i32>} : memref<2x256xi32, #tpu.memory_space<vmem>>, vector<1x16xi32>,
    %get3A_334 = vector.shape_cast %get3A_333 : vector<1x16xi32> to vector<16xi32>
    %swap3A_335 = arith.constant 16 : index
    %swap3A_336 = tpu.vector_load %arg9[%swap3A_335] {strides = array<i32>} : memref<32xi32, #tpu.memory_space<vmem>>, vector<16xi32>,
    %swap3A_337 = vector.shape_cast %swap3A_336 : vector<16xi32> to vector<16xi32>
    %swap3A_338 = vector.shape_cast %get3A_334 : vector<16xi32> to vector<16xi32>
    tpu.vector_store %arg9[%swap3A_335], %swap3A_338 {strides = array<i32>} : memref<32xi32, #tpu.memory_space<vmem>>, vector<16xi32>,
    %dma_start3A_339 = arith.constant 0 : i32
    %dma_start3A_340 = arith.constant 0 : i32
    %dma_start3A_341 = tpu.memref_slice %arg4[%dma_start3A_339, %dma_start3A_340] : memref<18432x1024xf32, #tpu.memory_space<hbm>> -> memref<18432x1024xf32, #tpu.memory_space<hbm>>
    tpu.enqueue_indirect_dma source(%arg7 : memref<32x1024xf32, #tpu.memory_space<vmem>>) target(%dma_start3A_341 : memref<18432x1024xf32, #tpu.memory_space<hbm>>) offsets(%arg8 : memref<32xi32, #tpu.memory_space<vmem>>) semaphore(%arg12 : memref<!tpu.dma_semaphore, #tpu.memory_space<semaphore_mem>>)
    %dma_start3A_342 = arith.constant 0 : i32
    %dma_start3A_343 = arith.constant 0 : i32
    %dma_start3A_344 = tpu.memref_slice %arg4[%dma_start3A_342, %dma_start3A_343] : memref<18432x1024xf32, #tpu.memory_space<hbm>> -> memref<18432x1024xf32, #tpu.memory_space<hbm>>
    tpu.enqueue_indirect_dma source(%arg7 : memref<32x1024xf32, #tpu.memory_space<vmem>>) target(%dma_start3A_344 : memref<18432x1024xf32, #tpu.memory_space<hbm>>) offsets(%arg9 : memref<32xi32, #tpu.memory_space<vmem>>) semaphore(%arg13 : memref<!tpu.dma_semaphore, #tpu.memory_space<semaphore_mem>>)
    %dma_wait3A_345 = arith.constant 0 : i32
    %dma_wait3A_346 = arith.constant 0 : i32
    %dma_wait3A_347 = tpu.memref_slice %arg4[%dma_wait3A_345, %dma_wait3A_346] : memref<18432x1024xf32, #tpu.memory_space<hbm>> -> memref<18432x1024xf32, #tpu.memory_space<hbm>>
    tpu.wait_indirect_dma semaphore(%arg12 : memref<!tpu.dma_semaphore, #tpu.memory_space<semaphore_mem>>) src(%arg7 : memref<32x1024xf32, #tpu.memory_space<vmem>>) dst(%dma_wait3A_347 : memref<18432x1024xf32, #tpu.memory_space<hbm>>)
    %dma_wait3A_348 = arith.constant 0 : i32
    %dma_wait3A_349 = arith.constant 0 : i32
    %dma_wait3A_350 = tpu.memref_slice %arg4[%dma_wait3A_348, %dma_wait3A_349] : memref<18432x1024xf32, #tpu.memory_space<hbm>> -> memref<18432x1024xf32, #tpu.memory_space<hbm>>
    tpu.wait_indirect_dma semaphore(%arg13 : memref<!tpu.dma_semaphore, #tpu.memory_space<semaphore_mem>>) src(%arg7 : memref<32x1024xf32, #tpu.memory_space<vmem>>) dst(%dma_wait3A_350 : memref<18432x1024xf32, #tpu.memory_space<hbm>>)
    %add3A_351 = arith.constant 224 : i32
    %add3A_352 = arith.addi %mul3A_2, %add3A_351 : i32
    %dma_start3A_353 = arith.constant 0 : i32
    %dma_start3A_354 = tpu.memref_slice %arg2[%add3A_352, %dma_start3A_353] : memref<8192x1024xf32, #tpu.memory_space<hbm>> -> memref<32x1024xf32, #tpu.memory_space<hbm>>
    %dma_start3A_355 = arith.constant 0 : i32
    %dma_start3A_356 = tpu.memref_slice %arg2[%add3A_352, %dma_start3A_355] : memref<8192x1024xf32, #tpu.memory_space<hbm>> -> memref<32x1024xf32, #tpu.memory_space<hbm>>
    tpu.enqueue_dma source(%dma_start3A_356 : memref<32x1024xf32, #tpu.memory_space<hbm>>) target(%arg7 : memref<32x1024xf32, #tpu.memory_space<vmem>>) target_semaphore(%arg11 : memref<!tpu.dma_semaphore, #tpu.memory_space<semaphore_mem>>)
    %dma_wait3A_357 = arith.constant 0 : i32
    %dma_wait3A_358 = tpu.memref_slice %arg2[%add3A_294, %dma_wait3A_357] : memref<8192x1024xf32, #tpu.memory_space<hbm>> -> memref<32x1024xf32, #tpu.memory_space<hbm>>
    %dma_wait3A_359 = arith.constant 0 : i32
    %dma_wait3A_360 = tpu.memref_slice %arg2[%add3A_294, %dma_wait3A_359] : memref<8192x1024xf32, #tpu.memory_space<hbm>> -> memref<32x1024xf32, #tpu.memory_space<hbm>>
    tpu.wait_dma2 semaphore(%arg10 : memref<!tpu.dma_semaphore, #tpu.memory_space<semaphore_mem>>) src(%dma_wait3A_360 : memref<32x1024xf32, #tpu.memory_space<hbm>>) dst(%arg6 : memref<32x1024xf32, #tpu.memory_space<vmem>>)
    %get3A_361 = arith.constant 0 : i32
    %get3A_362 = arith.index_cast %get3A_361 : i32 to index
    %get3A_363 = arith.constant 192 : index
    %get3A_364 = tpu.vector_load %arg5[%get3A_362, %get3A_363] {strides = array<i32>} : memref<2x256xi32, #tpu.memory_space<vmem>>, vector<1x16xi32>,
    %get3A_365 = vector.shape_cast %get3A_364 : vector<1x16xi32> to vector<16xi32>
    %swap3A_366 = arith.constant 0 : index
    %swap3A_367 = tpu.vector_load %arg8[%swap3A_366] {strides = array<i32>} : memref<32xi32, #tpu.memory_space<vmem>>, vector<16xi32>,
    %swap3A_368 = vector.shape_cast %swap3A_367 : vector<16xi32> to vector<16xi32>
    %swap3A_369 = vector.shape_cast %get3A_365 : vector<16xi32> to vector<16xi32>
    tpu.vector_store %arg8[%swap3A_366], %swap3A_369 {strides = array<i32>} : memref<32xi32, #tpu.memory_space<vmem>>, vector<16xi32>,
    %get3A_370 = arith.constant 1 : i32
    %get3A_371 = arith.index_cast %get3A_370 : i32 to index
    %get3A_372 = arith.constant 192 : index
    %get3A_373 = tpu.vector_load %arg5[%get3A_371, %get3A_372] {strides = array<i32>} : memref<2x256xi32, #tpu.memory_space<vmem>>, vector<1x16xi32>,
    %get3A_374 = vector.shape_cast %get3A_373 : vector<1x16xi32> to vector<16xi32>
    %swap3A_375 = arith.constant 0 : index
    %swap3A_376 = tpu.vector_load %arg9[%swap3A_375] {strides = array<i32>} : memref<32xi32, #tpu.memory_space<vmem>>, vector<16xi32>,
    %swap3A_377 = vector.shape_cast %swap3A_376 : vector<16xi32> to vector<16xi32>
    %swap3A_378 = vector.shape_cast %get3A_374 : vector<16xi32> to vector<16xi32>
    tpu.vector_store %arg9[%swap3A_375], %swap3A_378 {strides = array<i32>} : memref<32xi32, #tpu.memory_space<vmem>>, vector<16xi32>,
    %get3A_379 = arith.constant 0 : i32
    %get3A_380 = arith.index_cast %get3A_379 : i32 to index
    %get3A_381 = arith.constant 208 : index
    %get3A_382 = tpu.vector_load %arg5[%get3A_380, %get3A_381] {strides = array<i32>} : memref<2x256xi32, #tpu.memory_space<vmem>>, vector<1x16xi32>,
    %get3A_383 = vector.shape_cast %get3A_382 : vector<1x16xi32> to vector<16xi32>
    %swap3A_384 = arith.constant 16 : index
    %swap3A_385 = tpu.vector_load %arg8[%swap3A_384] {strides = array<i32>} : memref<32xi32, #tpu.memory_space<vmem>>, vector<16xi32>,
    %swap3A_386 = vector.shape_cast %swap3A_385 : vector<16xi32> to vector<16xi32>
    %swap3A_387 = vector.shape_cast %get3A_383 : vector<16xi32> to vector<16xi32>
    tpu.vector_store %arg8[%swap3A_384], %swap3A_387 {strides = array<i32>} : memref<32xi32, #tpu.memory_space<vmem>>, vector<16xi32>,
    %get3A_388 = arith.constant 1 : i32
    %get3A_389 = arith.index_cast %get3A_388 : i32 to index
    %get3A_390 = arith.constant 208 : index
    %get3A_391 = tpu.vector_load %arg5[%get3A_389, %get3A_390] {strides = array<i32>} : memref<2x256xi32, #tpu.memory_space<vmem>>, vector<1x16xi32>,
    %get3A_392 = vector.shape_cast %get3A_391 : vector<1x16xi32> to vector<16xi32>
    %swap3A_393 = arith.constant 16 : index
    %swap3A_394 = tpu.vector_load %arg9[%swap3A_393] {strides = array<i32>} : memref<32xi32, #tpu.memory_space<vmem>>, vector<16xi32>,
    %swap3A_395 = vector.shape_cast %swap3A_394 : vector<16xi32> to vector<16xi32>
    %swap3A_396 = vector.shape_cast %get3A_392 : vector<16xi32> to vector<16xi32>
    tpu.vector_store %arg9[%swap3A_393], %swap3A_396 {strides = array<i32>} : memref<32xi32, #tpu.memory_space<vmem>>, vector<16xi32>,
    %dma_start3A_397 = arith.constant 0 : i32
    %dma_start3A_398 = arith.constant 0 : i32
    %dma_start3A_399 = tpu.memref_slice %arg4[%dma_start3A_397, %dma_start3A_398] : memref<18432x1024xf32, #tpu.memory_space<hbm>> -> memref<18432x1024xf32, #tpu.memory_space<hbm>>
    tpu.enqueue_indirect_dma source(%arg6 : memref<32x1024xf32, #tpu.memory_space<vmem>>) target(%dma_start3A_399 : memref<18432x1024xf32, #tpu.memory_space<hbm>>) offsets(%arg8 : memref<32xi32, #tpu.memory_space<vmem>>) semaphore(%arg12 : memref<!tpu.dma_semaphore, #tpu.memory_space<semaphore_mem>>)
    %dma_start3A_400 = arith.constant 0 : i32
    %dma_start3A_401 = arith.constant 0 : i32
    %dma_start3A_402 = tpu.memref_slice %arg4[%dma_start3A_400, %dma_start3A_401] : memref<18432x1024xf32, #tpu.memory_space<hbm>> -> memref<18432x1024xf32, #tpu.memory_space<hbm>>
    tpu.enqueue_indirect_dma source(%arg6 : memref<32x1024xf32, #tpu.memory_space<vmem>>) target(%dma_start3A_402 : memref<18432x1024xf32, #tpu.memory_space<hbm>>) offsets(%arg9 : memref<32xi32, #tpu.memory_space<vmem>>) semaphore(%arg13 : memref<!tpu.dma_semaphore, #tpu.memory_space<semaphore_mem>>)
    %dma_wait3A_403 = arith.constant 0 : i32
    %dma_wait3A_404 = arith.constant 0 : i32
    %dma_wait3A_405 = tpu.memref_slice %arg4[%dma_wait3A_403, %dma_wait3A_404] : memref<18432x1024xf32, #tpu.memory_space<hbm>> -> memref<18432x1024xf32, #tpu.memory_space<hbm>>
    tpu.wait_indirect_dma semaphore(%arg12 : memref<!tpu.dma_semaphore, #tpu.memory_space<semaphore_mem>>) src(%arg6 : memref<32x1024xf32, #tpu.memory_space<vmem>>) dst(%dma_wait3A_405 : memref<18432x1024xf32, #tpu.memory_space<hbm>>)
    %dma_wait3A_406 = arith.constant 0 : i32
    %dma_wait3A_407 = arith.constant 0 : i32
    %dma_wait3A_408 = tpu.memref_slice %arg4[%dma_wait3A_406, %dma_wait3A_407] : memref<18432x1024xf32, #tpu.memory_space<hbm>> -> memref<18432x1024xf32, #tpu.memory_space<hbm>>
    tpu.wait_indirect_dma semaphore(%arg13 : memref<!tpu.dma_semaphore, #tpu.memory_space<semaphore_mem>>) src(%arg6 : memref<32x1024xf32, #tpu.memory_space<vmem>>) dst(%dma_wait3A_408 : memref<18432x1024xf32, #tpu.memory_space<hbm>>)
    %dma_wait3A_409 = arith.constant 0 : i32
    %dma_wait3A_410 = tpu.memref_slice %arg2[%add3A_352, %dma_wait3A_409] : memref<8192x1024xf32, #tpu.memory_space<hbm>> -> memref<32x1024xf32, #tpu.memory_space<hbm>>
    %dma_wait3A_411 = arith.constant 0 : i32
    %dma_wait3A_412 = tpu.memref_slice %arg2[%add3A_352, %dma_wait3A_411] : memref<8192x1024xf32, #tpu.memory_space<hbm>> -> memref<32x1024xf32, #tpu.memory_space<hbm>>
    tpu.wait_dma2 semaphore(%arg11 : memref<!tpu.dma_semaphore, #tpu.memory_space<semaphore_mem>>) src(%dma_wait3A_412 : memref<32x1024xf32, #tpu.memory_space<hbm>>) dst(%arg7 : memref<32x1024xf32, #tpu.memory_space<vmem>>)
    %get3A_413 = arith.constant 0 : i32
    %get3A_414 = arith.index_cast %get3A_413 : i32 to index
    %get3A_415 = arith.constant 224 : index
    %get3A_416 = tpu.vector_load %arg5[%get3A_414, %get3A_415] {strides = array<i32>} : memref<2x256xi32, #tpu.memory_space<vmem>>, vector<1x16xi32>,
    %get3A_417 = vector.shape_cast %get3A_416 : vector<1x16xi32> to vector<16xi32>
    %swap3A_418 = arith.constant 0 : index
    %swap3A_419 = tpu.vector_load %arg8[%swap3A_418] {strides = array<i32>} : memref<32xi32, #tpu.memory_space<vmem>>, vector<16xi32>,
    %swap3A_420 = vector.shape_cast %swap3A_419 : vector<16xi32> to vector<16xi32>
    %swap3A_421 = vector.shape_cast %get3A_417 : vector<16xi32> to vector<16xi32>
    tpu.vector_store %arg8[%swap3A_418], %swap3A_421 {strides = array<i32>} : memref<32xi32, #tpu.memory_space<vmem>>, vector<16xi32>,
    %get3A_422 = arith.constant 1 : i32
    %get3A_423 = arith.index_cast %get3A_422 : i32 to index
    %get3A_424 = arith.constant 224 : index
    %get3A_425 = tpu.vector_load %arg5[%get3A_423, %get3A_424] {strides = array<i32>} : memref<2x256xi32, #tpu.memory_space<vmem>>, vector<1x16xi32>,
    %get3A_426 = vector.shape_cast %get3A_425 : vector<1x16xi32> to vector<16xi32>
    %swap3A_427 = arith.constant 0 : index
    %swap3A_428 = tpu.vector_load %arg9[%swap3A_427] {strides = array<i32>} : memref<32xi32, #tpu.memory_space<vmem>>, vector<16xi32>,
    %swap3A_429 = vector.shape_cast %swap3A_428 : vector<16xi32> to vector<16xi32>
    %swap3A_430 = vector.shape_cast %get3A_426 : vector<16xi32> to vector<16xi32>
    tpu.vector_store %arg9[%swap3A_427], %swap3A_430 {strides = array<i32>} : memref<32xi32, #tpu.memory_space<vmem>>, vector<16xi32>,
    %get3A_431 = arith.constant 0 : i32
    %get3A_432 = arith.index_cast %get3A_431 : i32 to index
    %get3A_433 = arith.constant 240 : index
    %get3A_434 = tpu.vector_load %arg5[%get3A_432, %get3A_433] {strides = array<i32>} : memref<2x256xi32, #tpu.memory_space<vmem>>, vector<1x16xi32>,
    %get3A_435 = vector.shape_cast %get3A_434 : vector<1x16xi32> to vector<16xi32>
    %swap3A_436 = arith.constant 16 : index
    %swap3A_437 = tpu.vector_load %arg8[%swap3A_436] {strides = array<i32>} : memref<32xi32, #tpu.memory_space<vmem>>, vector<16xi32>,
    %swap3A_438 = vector.shape_cast %swap3A_437 : vector<16xi32> to vector<16xi32>
    %swap3A_439 = vector.shape_cast %get3A_435 : vector<16xi32> to vector<16xi32>
    tpu.vector_store %arg8[%swap3A_436], %swap3A_439 {strides = array<i32>} : memref<32xi32, #tpu.memory_space<vmem>>, vector<16xi32>,
    %get3A_440 = arith.constant 1 : i32
    %get3A_441 = arith.index_cast %get3A_440 : i32 to index
    %get3A_442 = arith.constant 240 : index
    %get3A_443 = tpu.vector_load %arg5[%get3A_441, %get3A_442] {strides = array<i32>} : memref<2x256xi32, #tpu.memory_space<vmem>>, vector<1x16xi32>,
    %get3A_444 = vector.shape_cast %get3A_443 : vector<1x16xi32> to vector<16xi32>
    %swap3A_445 = arith.constant 16 : index
    %swap3A_446 = tpu.vector_load %arg9[%swap3A_445] {strides = array<i32>} : memref<32xi32, #tpu.memory_space<vmem>>, vector<16xi32>,
    %swap3A_447 = vector.shape_cast %swap3A_446 : vector<16xi32> to vector<16xi32>
    %swap3A_448 = vector.shape_cast %get3A_444 : vector<16xi32> to vector<16xi32>
    tpu.vector_store %arg9[%swap3A_445], %swap3A_448 {strides = array<i32>} : memref<32xi32, #tpu.memory_space<vmem>>, vector<16xi32>,
    %dma_start3A_449 = arith.constant 0 : i32
    %dma_start3A_450 = arith.constant 0 : i32
    %dma_start3A_451 = tpu.memref_slice %arg4[%dma_start3A_449, %dma_start3A_450] : memref<18432x1024xf32, #tpu.memory_space<hbm>> -> memref<18432x1024xf32, #tpu.memory_space<hbm>>
    tpu.enqueue_indirect_dma source(%arg7 : memref<32x1024xf32, #tpu.memory_space<vmem>>) target(%dma_start3A_451 : memref<18432x1024xf32, #tpu.memory_space<hbm>>) offsets(%arg8 : memref<32xi32, #tpu.memory_space<vmem>>) semaphore(%arg12 : memref<!tpu.dma_semaphore, #tpu.memory_space<semaphore_mem>>)
    %dma_start3A_452 = arith.constant 0 : i32
    %dma_start3A_453 = arith.constant 0 : i32
    %dma_start3A_454 = tpu.memref_slice %arg4[%dma_start3A_452, %dma_start3A_453] : memref<18432x1024xf32, #tpu.memory_space<hbm>> -> memref<18432x1024xf32, #tpu.memory_space<hbm>>
    tpu.enqueue_indirect_dma source(%arg7 : memref<32x1024xf32, #tpu.memory_space<vmem>>) target(%dma_start3A_454 : memref<18432x1024xf32, #tpu.memory_space<hbm>>) offsets(%arg9 : memref<32xi32, #tpu.memory_space<vmem>>) semaphore(%arg13 : memref<!tpu.dma_semaphore, #tpu.memory_space<semaphore_mem>>)
    %dma_wait3A_455 = arith.constant 0 : i32
    %dma_wait3A_456 = arith.constant 0 : i32
    %dma_wait3A_457 = tpu.memref_slice %arg4[%dma_wait3A_455, %dma_wait3A_456] : memref<18432x1024xf32, #tpu.memory_space<hbm>> -> memref<18432x1024xf32, #tpu.memory_space<hbm>>
    tpu.wait_indirect_dma semaphore(%arg12 : memref<!tpu.dma_semaphore, #tpu.memory_space<semaphore_mem>>) src(%arg7 : memref<32x1024xf32, #tpu.memory_space<vmem>>) dst(%dma_wait3A_457 : memref<18432x1024xf32, #tpu.memory_space<hbm>>)
    %dma_wait3A_458 = arith.constant 0 : i32
    %dma_wait3A_459 = arith.constant 0 : i32
    %dma_wait3A_460 = tpu.memref_slice %arg4[%dma_wait3A_458, %dma_wait3A_459] : memref<18432x1024xf32, #tpu.memory_space<hbm>> -> memref<18432x1024xf32, #tpu.memory_space<hbm>>
    tpu.wait_indirect_dma semaphore(%arg13 : memref<!tpu.dma_semaphore, #tpu.memory_space<semaphore_mem>>) src(%arg7 : memref<32x1024xf32, #tpu.memory_space<vmem>>) dst(%dma_wait3A_460 : memref<18432x1024xf32, #tpu.memory_space<hbm>>)
    return
  }
}

#map = affine_map<(d0, d1) -> (0, 0)>
#map1 = affine_map<(d0, d1) -> (0, 0, 0)>
module attributes {stable_mosaic.version = 14 : i64} {
  func.func @gath(%arg0: i32, %arg1: i32, %arg2: memref<18432x1024xf32, #tpu.memory_space<hbm>>, %arg3: memref<32x2x256xi32, #tpu.memory_space<hbm>>, %arg4: memref<8192x1024xf32, #tpu.memory_space<hbm>>, %arg5: memref<8192x1024xf32, #tpu.memory_space<hbm>>, %arg6: memref<2x256xi32, #tpu.memory_space<vmem>>, %arg7: memref<16x1024xf32, #tpu.memory_space<vmem>>, %arg8: memref<16x1024xf32, #tpu.memory_space<vmem>>, %arg9: memref<16x1024xf32, #tpu.memory_space<vmem>>, %arg10: memref<16x1024xf32, #tpu.memory_space<vmem>>, %arg11: memref<!tpu.dma_semaphore, #tpu.memory_space<semaphore_mem>>, %arg12: memref<!tpu.dma_semaphore, #tpu.memory_space<semaphore_mem>>, %arg13: memref<!tpu.dma_semaphore, #tpu.memory_space<semaphore_mem>>, %arg14: memref<!tpu.dma_semaphore, #tpu.memory_space<semaphore_mem>>) attributes {dimension_semantics = [#tpu.dimension_semantics<core_parallel>, #tpu.dimension_semantics<subcore_parallel>], iteration_bounds = array<i64: 2, 16>, scalar_prefetch = 0 : i64, scratch_operands = 9 : i64, tpu.core_type = #tpu.core_type<sc_vector_subcore>, window_params = [{transform_indices = #map}, {transform_indices = #map1}, {transform_indices = #map}, {transform_indices = #map}]} {
    %mul3A = arith.constant 2 : i32
    %mul3A_0 = arith.muli %arg1, %mul3A : i32
    %add3A = arith.addi %mul3A_0, %arg0 : i32
    %mul3A_1 = arith.constant 256 : i32
    %mul3A_2 = arith.muli %add3A, %mul3A_1 : i32
    "tpu.region"() ({
      %run_scoped3A = tpu.sem_alloc : memref<!tpu.dma_semaphore, #tpu.memory_space<semaphore_mem>>
      %dma_start3A_416 = arith.constant 0 : i32
      %dma_start3A_417 = arith.constant 0 : i32
      %dma_start3A_418 = tpu.memref_slice %arg3[%add3A, %dma_start3A_416, %dma_start3A_417] : memref<32x2x256xi32, #tpu.memory_space<hbm>> -> memref<1x2x256xi32, #tpu.memory_space<hbm>>
      %dma_start3A_419 = tpu.memref_squeeze %dma_start3A_418 : memref<1x2x256xi32, #tpu.memory_space<hbm>> -> memref<2x256xi32, #tpu.memory_space<hbm>>
      %dma_start3A_420 = arith.constant 0 : i32
      %dma_start3A_421 = arith.constant 0 : i32
      %dma_start3A_422 = tpu.memref_slice %arg3[%add3A, %dma_start3A_420, %dma_start3A_421] : memref<32x2x256xi32, #tpu.memory_space<hbm>> -> memref<1x2x256xi32, #tpu.memory_space<hbm>>
      %dma_start3A_423 = tpu.memref_squeeze %dma_start3A_422 : memref<1x2x256xi32, #tpu.memory_space<hbm>> -> memref<2x256xi32, #tpu.memory_space<hbm>>
      tpu.enqueue_dma source(%dma_start3A_423 : memref<2x256xi32, #tpu.memory_space<hbm>>) target(%arg6 : memref<2x256xi32, #tpu.memory_space<vmem>>) target_semaphore(%run_scoped3A : memref<!tpu.dma_semaphore, #tpu.memory_space<semaphore_mem>>)
      %dma_wait3A_424 = arith.constant 0 : i32
      %dma_wait3A_425 = arith.constant 0 : i32
      %dma_wait3A_426 = tpu.memref_slice %arg3[%add3A, %dma_wait3A_424, %dma_wait3A_425] : memref<32x2x256xi32, #tpu.memory_space<hbm>> -> memref<1x2x256xi32, #tpu.memory_space<hbm>>
      %dma_wait3A_427 = tpu.memref_squeeze %dma_wait3A_426 : memref<1x2x256xi32, #tpu.memory_space<hbm>> -> memref<2x256xi32, #tpu.memory_space<hbm>>
      %dma_wait3A_428 = arith.constant 0 : i32
      %dma_wait3A_429 = arith.constant 0 : i32
      %dma_wait3A_430 = tpu.memref_slice %arg3[%add3A, %dma_wait3A_428, %dma_wait3A_429] : memref<32x2x256xi32, #tpu.memory_space<hbm>> -> memref<1x2x256xi32, #tpu.memory_space<hbm>>
      %dma_wait3A_431 = tpu.memref_squeeze %dma_wait3A_430 : memref<1x2x256xi32, #tpu.memory_space<hbm>> -> memref<2x256xi32, #tpu.memory_space<hbm>>
      tpu.wait_dma2 semaphore(%run_scoped3A : memref<!tpu.dma_semaphore, #tpu.memory_space<semaphore_mem>>) src(%dma_wait3A_431 : memref<2x256xi32, #tpu.memory_space<hbm>>) dst(%arg6 : memref<2x256xi32, #tpu.memory_space<vmem>>)
      tpu.yield
    }) : () -> ()
    %get3A = arith.constant 0 : i32
    %get3A_3 = arith.index_cast %get3A : i32 to index
    %get3A_4 = arith.constant 0 : index
    %get3A_5 = tpu.vector_load %arg6[%get3A_3, %get3A_4] {strides = array<i32>} : memref<2x256xi32, #tpu.memory_space<vmem>>, vector<1x16xi32>,
    %get3A_6 = vector.shape_cast %get3A_5 : vector<1x16xi32> to vector<16xi32>
    %get3A_7 = arith.constant 1 : i32
    %get3A_8 = arith.index_cast %get3A_7 : i32 to index
    %get3A_9 = arith.constant 0 : index
    %get3A_10 = tpu.vector_load %arg6[%get3A_8, %get3A_9] {strides = array<i32>} : memref<2x256xi32, #tpu.memory_space<vmem>>, vector<1x16xi32>,
    %get3A_11 = vector.shape_cast %get3A_10 : vector<1x16xi32> to vector<16xi32>
    %dma_start3A = arith.constant 0 : i32
    %dma_start3A_12 = arith.constant 0 : i32
    %dma_start3A_13 = tpu.memref_slice %arg2[%dma_start3A, %dma_start3A_12] : memref<18432x1024xf32, #tpu.memory_space<hbm>> -> memref<18432x1024xf32, #tpu.memory_space<hbm>>
    tpu.enqueue_indirect_dma source(%dma_start3A_13 : memref<18432x1024xf32, #tpu.memory_space<hbm>>) target(%arg7 : memref<16x1024xf32, #tpu.memory_space<vmem>>) offsets(%get3A_6 : vector<16xi32>) semaphore(%arg11 : memref<!tpu.dma_semaphore, #tpu.memory_space<semaphore_mem>>)
    %dma_start3A_14 = arith.constant 0 : i32
    %dma_start3A_15 = arith.constant 0 : i32
    %dma_start3A_16 = tpu.memref_slice %arg2[%dma_start3A_14, %dma_start3A_15] : memref<18432x1024xf32, #tpu.memory_space<hbm>> -> memref<18432x1024xf32, #tpu.memory_space<hbm>>
    tpu.enqueue_indirect_dma source(%dma_start3A_16 : memref<18432x1024xf32, #tpu.memory_space<hbm>>) target(%arg9 : memref<16x1024xf32, #tpu.memory_space<vmem>>) offsets(%get3A_11 : vector<16xi32>) semaphore(%arg13 : memref<!tpu.dma_semaphore, #tpu.memory_space<semaphore_mem>>)
    %get3A_17 = arith.constant 0 : i32
    %get3A_18 = arith.index_cast %get3A_17 : i32 to index
    %get3A_19 = arith.constant 16 : index
    %get3A_20 = tpu.vector_load %arg6[%get3A_18, %get3A_19] {strides = array<i32>} : memref<2x256xi32, #tpu.memory_space<vmem>>, vector<1x16xi32>,
    %get3A_21 = vector.shape_cast %get3A_20 : vector<1x16xi32> to vector<16xi32>
    %get3A_22 = arith.constant 1 : i32
    %get3A_23 = arith.index_cast %get3A_22 : i32 to index
    %get3A_24 = arith.constant 16 : index
    %get3A_25 = tpu.vector_load %arg6[%get3A_23, %get3A_24] {strides = array<i32>} : memref<2x256xi32, #tpu.memory_space<vmem>>, vector<1x16xi32>,
    %get3A_26 = vector.shape_cast %get3A_25 : vector<1x16xi32> to vector<16xi32>
    %dma_start3A_27 = arith.constant 0 : i32
    %dma_start3A_28 = arith.constant 0 : i32
    %dma_start3A_29 = tpu.memref_slice %arg2[%dma_start3A_27, %dma_start3A_28] : memref<18432x1024xf32, #tpu.memory_space<hbm>> -> memref<18432x1024xf32, #tpu.memory_space<hbm>>
    tpu.enqueue_indirect_dma source(%dma_start3A_29 : memref<18432x1024xf32, #tpu.memory_space<hbm>>) target(%arg8 : memref<16x1024xf32, #tpu.memory_space<vmem>>) offsets(%get3A_21 : vector<16xi32>) semaphore(%arg12 : memref<!tpu.dma_semaphore, #tpu.memory_space<semaphore_mem>>)
    %dma_start3A_30 = arith.constant 0 : i32
    %dma_start3A_31 = arith.constant 0 : i32
    %dma_start3A_32 = tpu.memref_slice %arg2[%dma_start3A_30, %dma_start3A_31] : memref<18432x1024xf32, #tpu.memory_space<hbm>> -> memref<18432x1024xf32, #tpu.memory_space<hbm>>
    tpu.enqueue_indirect_dma source(%dma_start3A_32 : memref<18432x1024xf32, #tpu.memory_space<hbm>>) target(%arg10 : memref<16x1024xf32, #tpu.memory_space<vmem>>) offsets(%get3A_26 : vector<16xi32>) semaphore(%arg14 : memref<!tpu.dma_semaphore, #tpu.memory_space<semaphore_mem>>)
    %dma_wait3A = arith.constant 0 : i32
    %dma_wait3A_33 = arith.constant 0 : i32
    %dma_wait3A_34 = tpu.memref_slice %arg2[%dma_wait3A, %dma_wait3A_33] : memref<18432x1024xf32, #tpu.memory_space<hbm>> -> memref<18432x1024xf32, #tpu.memory_space<hbm>>
    tpu.wait_indirect_dma semaphore(%arg11 : memref<!tpu.dma_semaphore, #tpu.memory_space<semaphore_mem>>) src(%dma_wait3A_34 : memref<18432x1024xf32, #tpu.memory_space<hbm>>) dst(%arg7 : memref<16x1024xf32, #tpu.memory_space<vmem>>)
    %dma_wait3A_35 = arith.constant 0 : i32
    %dma_wait3A_36 = arith.constant 0 : i32
    %dma_wait3A_37 = tpu.memref_slice %arg2[%dma_wait3A_35, %dma_wait3A_36] : memref<18432x1024xf32, #tpu.memory_space<hbm>> -> memref<18432x1024xf32, #tpu.memory_space<hbm>>
    tpu.wait_indirect_dma semaphore(%arg13 : memref<!tpu.dma_semaphore, #tpu.memory_space<semaphore_mem>>) src(%dma_wait3A_37 : memref<18432x1024xf32, #tpu.memory_space<hbm>>) dst(%arg9 : memref<16x1024xf32, #tpu.memory_space<vmem>>)
    %add3A_38 = arith.constant 0 : i32
    %add3A_39 = arith.addi %mul3A_2, %add3A_38 : i32
    "tpu.region"() ({
      %run_scoped3A = tpu.sem_alloc : memref<!tpu.dma_semaphore, #tpu.memory_space<semaphore_mem>>
      %dma_start3A_416 = arith.constant 0 : i32
      %dma_start3A_417 = tpu.memref_slice %arg4[%add3A_39, %dma_start3A_416] : memref<8192x1024xf32, #tpu.memory_space<hbm>> -> memref<16x1024xf32, #tpu.memory_space<hbm>>
      %dma_start3A_418 = arith.constant 0 : i32
      %dma_start3A_419 = tpu.memref_slice %arg4[%add3A_39, %dma_start3A_418] : memref<8192x1024xf32, #tpu.memory_space<hbm>> -> memref<16x1024xf32, #tpu.memory_space<hbm>>
      tpu.enqueue_dma source(%arg7 : memref<16x1024xf32, #tpu.memory_space<vmem>>) target(%dma_start3A_419 : memref<16x1024xf32, #tpu.memory_space<hbm>>) target_semaphore(%run_scoped3A : memref<!tpu.dma_semaphore, #tpu.memory_space<semaphore_mem>>)
      %dma_wait3A_420 = arith.constant 0 : i32
      %dma_wait3A_421 = tpu.memref_slice %arg4[%add3A_39, %dma_wait3A_420] : memref<8192x1024xf32, #tpu.memory_space<hbm>> -> memref<16x1024xf32, #tpu.memory_space<hbm>>
      %dma_wait3A_422 = arith.constant 0 : i32
      %dma_wait3A_423 = tpu.memref_slice %arg4[%add3A_39, %dma_wait3A_422] : memref<8192x1024xf32, #tpu.memory_space<hbm>> -> memref<16x1024xf32, #tpu.memory_space<hbm>>
      tpu.wait_dma2 semaphore(%run_scoped3A : memref<!tpu.dma_semaphore, #tpu.memory_space<semaphore_mem>>) src(%arg7 : memref<16x1024xf32, #tpu.memory_space<vmem>>) dst(%dma_wait3A_423 : memref<16x1024xf32, #tpu.memory_space<hbm>>)
      tpu.yield
    }) : () -> ()
    %add3A_40 = arith.constant 0 : i32
    %add3A_41 = arith.addi %mul3A_2, %add3A_40 : i32
    "tpu.region"() ({
      %run_scoped3A = tpu.sem_alloc : memref<!tpu.dma_semaphore, #tpu.memory_space<semaphore_mem>>
      %dma_start3A_416 = arith.constant 0 : i32
      %dma_start3A_417 = tpu.memref_slice %arg5[%add3A_41, %dma_start3A_416] : memref<8192x1024xf32, #tpu.memory_space<hbm>> -> memref<16x1024xf32, #tpu.memory_space<hbm>>
      %dma_start3A_418 = arith.constant 0 : i32
      %dma_start3A_419 = tpu.memref_slice %arg5[%add3A_41, %dma_start3A_418] : memref<8192x1024xf32, #tpu.memory_space<hbm>> -> memref<16x1024xf32, #tpu.memory_space<hbm>>
      tpu.enqueue_dma source(%arg9 : memref<16x1024xf32, #tpu.memory_space<vmem>>) target(%dma_start3A_419 : memref<16x1024xf32, #tpu.memory_space<hbm>>) target_semaphore(%run_scoped3A : memref<!tpu.dma_semaphore, #tpu.memory_space<semaphore_mem>>)
      %dma_wait3A_420 = arith.constant 0 : i32
      %dma_wait3A_421 = tpu.memref_slice %arg5[%add3A_41, %dma_wait3A_420] : memref<8192x1024xf32, #tpu.memory_space<hbm>> -> memref<16x1024xf32, #tpu.memory_space<hbm>>
      %dma_wait3A_422 = arith.constant 0 : i32
      %dma_wait3A_423 = tpu.memref_slice %arg5[%add3A_41, %dma_wait3A_422] : memref<8192x1024xf32, #tpu.memory_space<hbm>> -> memref<16x1024xf32, #tpu.memory_space<hbm>>
      tpu.wait_dma2 semaphore(%run_scoped3A : memref<!tpu.dma_semaphore, #tpu.memory_space<semaphore_mem>>) src(%arg9 : memref<16x1024xf32, #tpu.memory_space<vmem>>) dst(%dma_wait3A_423 : memref<16x1024xf32, #tpu.memory_space<hbm>>)
      tpu.yield
    }) : () -> ()
    %get3A_42 = arith.constant 0 : i32
    %get3A_43 = arith.index_cast %get3A_42 : i32 to index
    %get3A_44 = arith.constant 32 : index
    %get3A_45 = tpu.vector_load %arg6[%get3A_43, %get3A_44] {strides = array<i32>} : memref<2x256xi32, #tpu.memory_space<vmem>>, vector<1x16xi32>,
    %get3A_46 = vector.shape_cast %get3A_45 : vector<1x16xi32> to vector<16xi32>
    %get3A_47 = arith.constant 1 : i32
    %get3A_48 = arith.index_cast %get3A_47 : i32 to index
    %get3A_49 = arith.constant 32 : index
    %get3A_50 = tpu.vector_load %arg6[%get3A_48, %get3A_49] {strides = array<i32>} : memref<2x256xi32, #tpu.memory_space<vmem>>, vector<1x16xi32>,
    %get3A_51 = vector.shape_cast %get3A_50 : vector<1x16xi32> to vector<16xi32>
    %dma_start3A_52 = arith.constant 0 : i32
    %dma_start3A_53 = arith.constant 0 : i32
    %dma_start3A_54 = tpu.memref_slice %arg2[%dma_start3A_52, %dma_start3A_53] : memref<18432x1024xf32, #tpu.memory_space<hbm>> -> memref<18432x1024xf32, #tpu.memory_space<hbm>>
    tpu.enqueue_indirect_dma source(%dma_start3A_54 : memref<18432x1024xf32, #tpu.memory_space<hbm>>) target(%arg7 : memref<16x1024xf32, #tpu.memory_space<vmem>>) offsets(%get3A_46 : vector<16xi32>) semaphore(%arg11 : memref<!tpu.dma_semaphore, #tpu.memory_space<semaphore_mem>>)
    %dma_start3A_55 = arith.constant 0 : i32
    %dma_start3A_56 = arith.constant 0 : i32
    %dma_start3A_57 = tpu.memref_slice %arg2[%dma_start3A_55, %dma_start3A_56] : memref<18432x1024xf32, #tpu.memory_space<hbm>> -> memref<18432x1024xf32, #tpu.memory_space<hbm>>
    tpu.enqueue_indirect_dma source(%dma_start3A_57 : memref<18432x1024xf32, #tpu.memory_space<hbm>>) target(%arg9 : memref<16x1024xf32, #tpu.memory_space<vmem>>) offsets(%get3A_51 : vector<16xi32>) semaphore(%arg13 : memref<!tpu.dma_semaphore, #tpu.memory_space<semaphore_mem>>)
    %dma_wait3A_58 = arith.constant 0 : i32
    %dma_wait3A_59 = arith.constant 0 : i32
    %dma_wait3A_60 = tpu.memref_slice %arg2[%dma_wait3A_58, %dma_wait3A_59] : memref<18432x1024xf32, #tpu.memory_space<hbm>> -> memref<18432x1024xf32, #tpu.memory_space<hbm>>
    tpu.wait_indirect_dma semaphore(%arg12 : memref<!tpu.dma_semaphore, #tpu.memory_space<semaphore_mem>>) src(%dma_wait3A_60 : memref<18432x1024xf32, #tpu.memory_space<hbm>>) dst(%arg8 : memref<16x1024xf32, #tpu.memory_space<vmem>>)
    %dma_wait3A_61 = arith.constant 0 : i32
    %dma_wait3A_62 = arith.constant 0 : i32
    %dma_wait3A_63 = tpu.memref_slice %arg2[%dma_wait3A_61, %dma_wait3A_62] : memref<18432x1024xf32, #tpu.memory_space<hbm>> -> memref<18432x1024xf32, #tpu.memory_space<hbm>>
    tpu.wait_indirect_dma semaphore(%arg14 : memref<!tpu.dma_semaphore, #tpu.memory_space<semaphore_mem>>) src(%dma_wait3A_63 : memref<18432x1024xf32, #tpu.memory_space<hbm>>) dst(%arg10 : memref<16x1024xf32, #tpu.memory_space<vmem>>)
    %add3A_64 = arith.constant 16 : i32
    %add3A_65 = arith.addi %mul3A_2, %add3A_64 : i32
    "tpu.region"() ({
      %run_scoped3A = tpu.sem_alloc : memref<!tpu.dma_semaphore, #tpu.memory_space<semaphore_mem>>
      %dma_start3A_416 = arith.constant 0 : i32
      %dma_start3A_417 = tpu.memref_slice %arg4[%add3A_65, %dma_start3A_416] : memref<8192x1024xf32, #tpu.memory_space<hbm>> -> memref<16x1024xf32, #tpu.memory_space<hbm>>
      %dma_start3A_418 = arith.constant 0 : i32
      %dma_start3A_419 = tpu.memref_slice %arg4[%add3A_65, %dma_start3A_418] : memref<8192x1024xf32, #tpu.memory_space<hbm>> -> memref<16x1024xf32, #tpu.memory_space<hbm>>
      tpu.enqueue_dma source(%arg8 : memref<16x1024xf32, #tpu.memory_space<vmem>>) target(%dma_start3A_419 : memref<16x1024xf32, #tpu.memory_space<hbm>>) target_semaphore(%run_scoped3A : memref<!tpu.dma_semaphore, #tpu.memory_space<semaphore_mem>>)
      %dma_wait3A_420 = arith.constant 0 : i32
      %dma_wait3A_421 = tpu.memref_slice %arg4[%add3A_65, %dma_wait3A_420] : memref<8192x1024xf32, #tpu.memory_space<hbm>> -> memref<16x1024xf32, #tpu.memory_space<hbm>>
      %dma_wait3A_422 = arith.constant 0 : i32
      %dma_wait3A_423 = tpu.memref_slice %arg4[%add3A_65, %dma_wait3A_422] : memref<8192x1024xf32, #tpu.memory_space<hbm>> -> memref<16x1024xf32, #tpu.memory_space<hbm>>
      tpu.wait_dma2 semaphore(%run_scoped3A : memref<!tpu.dma_semaphore, #tpu.memory_space<semaphore_mem>>) src(%arg8 : memref<16x1024xf32, #tpu.memory_space<vmem>>) dst(%dma_wait3A_423 : memref<16x1024xf32, #tpu.memory_space<hbm>>)
      tpu.yield
    }) : () -> ()
    %add3A_66 = arith.constant 16 : i32
    %add3A_67 = arith.addi %mul3A_2, %add3A_66 : i32
    "tpu.region"() ({
      %run_scoped3A = tpu.sem_alloc : memref<!tpu.dma_semaphore, #tpu.memory_space<semaphore_mem>>
      %dma_start3A_416 = arith.constant 0 : i32
      %dma_start3A_417 = tpu.memref_slice %arg5[%add3A_67, %dma_start3A_416] : memref<8192x1024xf32, #tpu.memory_space<hbm>> -> memref<16x1024xf32, #tpu.memory_space<hbm>>
      %dma_start3A_418 = arith.constant 0 : i32
      %dma_start3A_419 = tpu.memref_slice %arg5[%add3A_67, %dma_start3A_418] : memref<8192x1024xf32, #tpu.memory_space<hbm>> -> memref<16x1024xf32, #tpu.memory_space<hbm>>
      tpu.enqueue_dma source(%arg10 : memref<16x1024xf32, #tpu.memory_space<vmem>>) target(%dma_start3A_419 : memref<16x1024xf32, #tpu.memory_space<hbm>>) target_semaphore(%run_scoped3A : memref<!tpu.dma_semaphore, #tpu.memory_space<semaphore_mem>>)
      %dma_wait3A_420 = arith.constant 0 : i32
      %dma_wait3A_421 = tpu.memref_slice %arg5[%add3A_67, %dma_wait3A_420] : memref<8192x1024xf32, #tpu.memory_space<hbm>> -> memref<16x1024xf32, #tpu.memory_space<hbm>>
      %dma_wait3A_422 = arith.constant 0 : i32
      %dma_wait3A_423 = tpu.memref_slice %arg5[%add3A_67, %dma_wait3A_422] : memref<8192x1024xf32, #tpu.memory_space<hbm>> -> memref<16x1024xf32, #tpu.memory_space<hbm>>
      tpu.wait_dma2 semaphore(%run_scoped3A : memref<!tpu.dma_semaphore, #tpu.memory_space<semaphore_mem>>) src(%arg10 : memref<16x1024xf32, #tpu.memory_space<vmem>>) dst(%dma_wait3A_423 : memref<16x1024xf32, #tpu.memory_space<hbm>>)
      tpu.yield
    }) : () -> ()
    %get3A_68 = arith.constant 0 : i32
    %get3A_69 = arith.index_cast %get3A_68 : i32 to index
    %get3A_70 = arith.constant 48 : index
    %get3A_71 = tpu.vector_load %arg6[%get3A_69, %get3A_70] {strides = array<i32>} : memref<2x256xi32, #tpu.memory_space<vmem>>, vector<1x16xi32>,
    %get3A_72 = vector.shape_cast %get3A_71 : vector<1x16xi32> to vector<16xi32>
    %get3A_73 = arith.constant 1 : i32
    %get3A_74 = arith.index_cast %get3A_73 : i32 to index
    %get3A_75 = arith.constant 48 : index
    %get3A_76 = tpu.vector_load %arg6[%get3A_74, %get3A_75] {strides = array<i32>} : memref<2x256xi32, #tpu.memory_space<vmem>>, vector<1x16xi32>,
    %get3A_77 = vector.shape_cast %get3A_76 : vector<1x16xi32> to vector<16xi32>
    %dma_start3A_78 = arith.constant 0 : i32
    %dma_start3A_79 = arith.constant 0 : i32
    %dma_start3A_80 = tpu.memref_slice %arg2[%dma_start3A_78, %dma_start3A_79] : memref<18432x1024xf32, #tpu.memory_space<hbm>> -> memref<18432x1024xf32, #tpu.memory_space<hbm>>
    tpu.enqueue_indirect_dma source(%dma_start3A_80 : memref<18432x1024xf32, #tpu.memory_space<hbm>>) target(%arg8 : memref<16x1024xf32, #tpu.memory_space<vmem>>) offsets(%get3A_72 : vector<16xi32>) semaphore(%arg12 : memref<!tpu.dma_semaphore, #tpu.memory_space<semaphore_mem>>)
    %dma_start3A_81 = arith.constant 0 : i32
    %dma_start3A_82 = arith.constant 0 : i32
    %dma_start3A_83 = tpu.memref_slice %arg2[%dma_start3A_81, %dma_start3A_82] : memref<18432x1024xf32, #tpu.memory_space<hbm>> -> memref<18432x1024xf32, #tpu.memory_space<hbm>>
    tpu.enqueue_indirect_dma source(%dma_start3A_83 : memref<18432x1024xf32, #tpu.memory_space<hbm>>) target(%arg10 : memref<16x1024xf32, #tpu.memory_space<vmem>>) offsets(%get3A_77 : vector<16xi32>) semaphore(%arg14 : memref<!tpu.dma_semaphore, #tpu.memory_space<semaphore_mem>>)
    %dma_wait3A_84 = arith.constant 0 : i32
    %dma_wait3A_85 = arith.constant 0 : i32
    %dma_wait3A_86 = tpu.memref_slice %arg2[%dma_wait3A_84, %dma_wait3A_85] : memref<18432x1024xf32, #tpu.memory_space<hbm>> -> memref<18432x1024xf32, #tpu.memory_space<hbm>>
    tpu.wait_indirect_dma semaphore(%arg11 : memref<!tpu.dma_semaphore, #tpu.memory_space<semaphore_mem>>) src(%dma_wait3A_86 : memref<18432x1024xf32, #tpu.memory_space<hbm>>) dst(%arg7 : memref<16x1024xf32, #tpu.memory_space<vmem>>)
    %dma_wait3A_87 = arith.constant 0 : i32
    %dma_wait3A_88 = arith.constant 0 : i32
    %dma_wait3A_89 = tpu.memref_slice %arg2[%dma_wait3A_87, %dma_wait3A_88] : memref<18432x1024xf32, #tpu.memory_space<hbm>> -> memref<18432x1024xf32, #tpu.memory_space<hbm>>
    tpu.wait_indirect_dma semaphore(%arg13 : memref<!tpu.dma_semaphore, #tpu.memory_space<semaphore_mem>>) src(%dma_wait3A_89 : memref<18432x1024xf32, #tpu.memory_space<hbm>>) dst(%arg9 : memref<16x1024xf32, #tpu.memory_space<vmem>>)
    %add3A_90 = arith.constant 32 : i32
    %add3A_91 = arith.addi %mul3A_2, %add3A_90 : i32
    "tpu.region"() ({
      %run_scoped3A = tpu.sem_alloc : memref<!tpu.dma_semaphore, #tpu.memory_space<semaphore_mem>>
      %dma_start3A_416 = arith.constant 0 : i32
      %dma_start3A_417 = tpu.memref_slice %arg4[%add3A_91, %dma_start3A_416] : memref<8192x1024xf32, #tpu.memory_space<hbm>> -> memref<16x1024xf32, #tpu.memory_space<hbm>>
      %dma_start3A_418 = arith.constant 0 : i32
      %dma_start3A_419 = tpu.memref_slice %arg4[%add3A_91, %dma_start3A_418] : memref<8192x1024xf32, #tpu.memory_space<hbm>> -> memref<16x1024xf32, #tpu.memory_space<hbm>>
      tpu.enqueue_dma source(%arg7 : memref<16x1024xf32, #tpu.memory_space<vmem>>) target(%dma_start3A_419 : memref<16x1024xf32, #tpu.memory_space<hbm>>) target_semaphore(%run_scoped3A : memref<!tpu.dma_semaphore, #tpu.memory_space<semaphore_mem>>)
      %dma_wait3A_420 = arith.constant 0 : i32
      %dma_wait3A_421 = tpu.memref_slice %arg4[%add3A_91, %dma_wait3A_420] : memref<8192x1024xf32, #tpu.memory_space<hbm>> -> memref<16x1024xf32, #tpu.memory_space<hbm>>
      %dma_wait3A_422 = arith.constant 0 : i32
      %dma_wait3A_423 = tpu.memref_slice %arg4[%add3A_91, %dma_wait3A_422] : memref<8192x1024xf32, #tpu.memory_space<hbm>> -> memref<16x1024xf32, #tpu.memory_space<hbm>>
      tpu.wait_dma2 semaphore(%run_scoped3A : memref<!tpu.dma_semaphore, #tpu.memory_space<semaphore_mem>>) src(%arg7 : memref<16x1024xf32, #tpu.memory_space<vmem>>) dst(%dma_wait3A_423 : memref<16x1024xf32, #tpu.memory_space<hbm>>)
      tpu.yield
    }) : () -> ()
    %add3A_92 = arith.constant 32 : i32
    %add3A_93 = arith.addi %mul3A_2, %add3A_92 : i32
    "tpu.region"() ({
      %run_scoped3A = tpu.sem_alloc : memref<!tpu.dma_semaphore, #tpu.memory_space<semaphore_mem>>
      %dma_start3A_416 = arith.constant 0 : i32
      %dma_start3A_417 = tpu.memref_slice %arg5[%add3A_93, %dma_start3A_416] : memref<8192x1024xf32, #tpu.memory_space<hbm>> -> memref<16x1024xf32, #tpu.memory_space<hbm>>
      %dma_start3A_418 = arith.constant 0 : i32
      %dma_start3A_419 = tpu.memref_slice %arg5[%add3A_93, %dma_start3A_418] : memref<8192x1024xf32, #tpu.memory_space<hbm>> -> memref<16x1024xf32, #tpu.memory_space<hbm>>
      tpu.enqueue_dma source(%arg9 : memref<16x1024xf32, #tpu.memory_space<vmem>>) target(%dma_start3A_419 : memref<16x1024xf32, #tpu.memory_space<hbm>>) target_semaphore(%run_scoped3A : memref<!tpu.dma_semaphore, #tpu.memory_space<semaphore_mem>>)
      %dma_wait3A_420 = arith.constant 0 : i32
      %dma_wait3A_421 = tpu.memref_slice %arg5[%add3A_93, %dma_wait3A_420] : memref<8192x1024xf32, #tpu.memory_space<hbm>> -> memref<16x1024xf32, #tpu.memory_space<hbm>>
      %dma_wait3A_422 = arith.constant 0 : i32
      %dma_wait3A_423 = tpu.memref_slice %arg5[%add3A_93, %dma_wait3A_422] : memref<8192x1024xf32, #tpu.memory_space<hbm>> -> memref<16x1024xf32, #tpu.memory_space<hbm>>
      tpu.wait_dma2 semaphore(%run_scoped3A : memref<!tpu.dma_semaphore, #tpu.memory_space<semaphore_mem>>) src(%arg9 : memref<16x1024xf32, #tpu.memory_space<vmem>>) dst(%dma_wait3A_423 : memref<16x1024xf32, #tpu.memory_space<hbm>>)
      tpu.yield
    }) : () -> ()
    %get3A_94 = arith.constant 0 : i32
    %get3A_95 = arith.index_cast %get3A_94 : i32 to index
    %get3A_96 = arith.constant 64 : index
    %get3A_97 = tpu.vector_load %arg6[%get3A_95, %get3A_96] {strides = array<i32>} : memref<2x256xi32, #tpu.memory_space<vmem>>, vector<1x16xi32>,
    %get3A_98 = vector.shape_cast %get3A_97 : vector<1x16xi32> to vector<16xi32>
    %get3A_99 = arith.constant 1 : i32
    %get3A_100 = arith.index_cast %get3A_99 : i32 to index
    %get3A_101 = arith.constant 64 : index
    %get3A_102 = tpu.vector_load %arg6[%get3A_100, %get3A_101] {strides = array<i32>} : memref<2x256xi32, #tpu.memory_space<vmem>>, vector<1x16xi32>,
    %get3A_103 = vector.shape_cast %get3A_102 : vector<1x16xi32> to vector<16xi32>
    %dma_start3A_104 = arith.constant 0 : i32
    %dma_start3A_105 = arith.constant 0 : i32
    %dma_start3A_106 = tpu.memref_slice %arg2[%dma_start3A_104, %dma_start3A_105] : memref<18432x1024xf32, #tpu.memory_space<hbm>> -> memref<18432x1024xf32, #tpu.memory_space<hbm>>
    tpu.enqueue_indirect_dma source(%dma_start3A_106 : memref<18432x1024xf32, #tpu.memory_space<hbm>>) target(%arg7 : memref<16x1024xf32, #tpu.memory_space<vmem>>) offsets(%get3A_98 : vector<16xi32>) semaphore(%arg11 : memref<!tpu.dma_semaphore, #tpu.memory_space<semaphore_mem>>)
    %dma_start3A_107 = arith.constant 0 : i32
    %dma_start3A_108 = arith.constant 0 : i32
    %dma_start3A_109 = tpu.memref_slice %arg2[%dma_start3A_107, %dma_start3A_108] : memref<18432x1024xf32, #tpu.memory_space<hbm>> -> memref<18432x1024xf32, #tpu.memory_space<hbm>>
    tpu.enqueue_indirect_dma source(%dma_start3A_109 : memref<18432x1024xf32, #tpu.memory_space<hbm>>) target(%arg9 : memref<16x1024xf32, #tpu.memory_space<vmem>>) offsets(%get3A_103 : vector<16xi32>) semaphore(%arg13 : memref<!tpu.dma_semaphore, #tpu.memory_space<semaphore_mem>>)
    %dma_wait3A_110 = arith.constant 0 : i32
    %dma_wait3A_111 = arith.constant 0 : i32
    %dma_wait3A_112 = tpu.memref_slice %arg2[%dma_wait3A_110, %dma_wait3A_111] : memref<18432x1024xf32, #tpu.memory_space<hbm>> -> memref<18432x1024xf32, #tpu.memory_space<hbm>>
    tpu.wait_indirect_dma semaphore(%arg12 : memref<!tpu.dma_semaphore, #tpu.memory_space<semaphore_mem>>) src(%dma_wait3A_112 : memref<18432x1024xf32, #tpu.memory_space<hbm>>) dst(%arg8 : memref<16x1024xf32, #tpu.memory_space<vmem>>)
    %dma_wait3A_113 = arith.constant 0 : i32
    %dma_wait3A_114 = arith.constant 0 : i32
    %dma_wait3A_115 = tpu.memref_slice %arg2[%dma_wait3A_113, %dma_wait3A_114] : memref<18432x1024xf32, #tpu.memory_space<hbm>> -> memref<18432x1024xf32, #tpu.memory_space<hbm>>
    tpu.wait_indirect_dma semaphore(%arg14 : memref<!tpu.dma_semaphore, #tpu.memory_space<semaphore_mem>>) src(%dma_wait3A_115 : memref<18432x1024xf32, #tpu.memory_space<hbm>>) dst(%arg10 : memref<16x1024xf32, #tpu.memory_space<vmem>>)
    %add3A_116 = arith.constant 48 : i32
    %add3A_117 = arith.addi %mul3A_2, %add3A_116 : i32
    "tpu.region"() ({
      %run_scoped3A = tpu.sem_alloc : memref<!tpu.dma_semaphore, #tpu.memory_space<semaphore_mem>>
      %dma_start3A_416 = arith.constant 0 : i32
      %dma_start3A_417 = tpu.memref_slice %arg4[%add3A_117, %dma_start3A_416] : memref<8192x1024xf32, #tpu.memory_space<hbm>> -> memref<16x1024xf32, #tpu.memory_space<hbm>>
      %dma_start3A_418 = arith.constant 0 : i32
      %dma_start3A_419 = tpu.memref_slice %arg4[%add3A_117, %dma_start3A_418] : memref<8192x1024xf32, #tpu.memory_space<hbm>> -> memref<16x1024xf32, #tpu.memory_space<hbm>>
      tpu.enqueue_dma source(%arg8 : memref<16x1024xf32, #tpu.memory_space<vmem>>) target(%dma_start3A_419 : memref<16x1024xf32, #tpu.memory_space<hbm>>) target_semaphore(%run_scoped3A : memref<!tpu.dma_semaphore, #tpu.memory_space<semaphore_mem>>)
      %dma_wait3A_420 = arith.constant 0 : i32
      %dma_wait3A_421 = tpu.memref_slice %arg4[%add3A_117, %dma_wait3A_420] : memref<8192x1024xf32, #tpu.memory_space<hbm>> -> memref<16x1024xf32, #tpu.memory_space<hbm>>
      %dma_wait3A_422 = arith.constant 0 : i32
      %dma_wait3A_423 = tpu.memref_slice %arg4[%add3A_117, %dma_wait3A_422] : memref<8192x1024xf32, #tpu.memory_space<hbm>> -> memref<16x1024xf32, #tpu.memory_space<hbm>>
      tpu.wait_dma2 semaphore(%run_scoped3A : memref<!tpu.dma_semaphore, #tpu.memory_space<semaphore_mem>>) src(%arg8 : memref<16x1024xf32, #tpu.memory_space<vmem>>) dst(%dma_wait3A_423 : memref<16x1024xf32, #tpu.memory_space<hbm>>)
      tpu.yield
    }) : () -> ()
    %add3A_118 = arith.constant 48 : i32
    %add3A_119 = arith.addi %mul3A_2, %add3A_118 : i32
    "tpu.region"() ({
      %run_scoped3A = tpu.sem_alloc : memref<!tpu.dma_semaphore, #tpu.memory_space<semaphore_mem>>
      %dma_start3A_416 = arith.constant 0 : i32
      %dma_start3A_417 = tpu.memref_slice %arg5[%add3A_119, %dma_start3A_416] : memref<8192x1024xf32, #tpu.memory_space<hbm>> -> memref<16x1024xf32, #tpu.memory_space<hbm>>
      %dma_start3A_418 = arith.constant 0 : i32
      %dma_start3A_419 = tpu.memref_slice %arg5[%add3A_119, %dma_start3A_418] : memref<8192x1024xf32, #tpu.memory_space<hbm>> -> memref<16x1024xf32, #tpu.memory_space<hbm>>
      tpu.enqueue_dma source(%arg10 : memref<16x1024xf32, #tpu.memory_space<vmem>>) target(%dma_start3A_419 : memref<16x1024xf32, #tpu.memory_space<hbm>>) target_semaphore(%run_scoped3A : memref<!tpu.dma_semaphore, #tpu.memory_space<semaphore_mem>>)
      %dma_wait3A_420 = arith.constant 0 : i32
      %dma_wait3A_421 = tpu.memref_slice %arg5[%add3A_119, %dma_wait3A_420] : memref<8192x1024xf32, #tpu.memory_space<hbm>> -> memref<16x1024xf32, #tpu.memory_space<hbm>>
      %dma_wait3A_422 = arith.constant 0 : i32
      %dma_wait3A_423 = tpu.memref_slice %arg5[%add3A_119, %dma_wait3A_422] : memref<8192x1024xf32, #tpu.memory_space<hbm>> -> memref<16x1024xf32, #tpu.memory_space<hbm>>
      tpu.wait_dma2 semaphore(%run_scoped3A : memref<!tpu.dma_semaphore, #tpu.memory_space<semaphore_mem>>) src(%arg10 : memref<16x1024xf32, #tpu.memory_space<vmem>>) dst(%dma_wait3A_423 : memref<16x1024xf32, #tpu.memory_space<hbm>>)
      tpu.yield
    }) : () -> ()
    %get3A_120 = arith.constant 0 : i32
    %get3A_121 = arith.index_cast %get3A_120 : i32 to index
    %get3A_122 = arith.constant 80 : index
    %get3A_123 = tpu.vector_load %arg6[%get3A_121, %get3A_122] {strides = array<i32>} : memref<2x256xi32, #tpu.memory_space<vmem>>, vector<1x16xi32>,
    %get3A_124 = vector.shape_cast %get3A_123 : vector<1x16xi32> to vector<16xi32>
    %get3A_125 = arith.constant 1 : i32
    %get3A_126 = arith.index_cast %get3A_125 : i32 to index
    %get3A_127 = arith.constant 80 : index
    %get3A_128 = tpu.vector_load %arg6[%get3A_126, %get3A_127] {strides = array<i32>} : memref<2x256xi32, #tpu.memory_space<vmem>>, vector<1x16xi32>,
    %get3A_129 = vector.shape_cast %get3A_128 : vector<1x16xi32> to vector<16xi32>
    %dma_start3A_130 = arith.constant 0 : i32
    %dma_start3A_131 = arith.constant 0 : i32
    %dma_start3A_132 = tpu.memref_slice %arg2[%dma_start3A_130, %dma_start3A_131] : memref<18432x1024xf32, #tpu.memory_space<hbm>> -> memref<18432x1024xf32, #tpu.memory_space<hbm>>
    tpu.enqueue_indirect_dma source(%dma_start3A_132 : memref<18432x1024xf32, #tpu.memory_space<hbm>>) target(%arg8 : memref<16x1024xf32, #tpu.memory_space<vmem>>) offsets(%get3A_124 : vector<16xi32>) semaphore(%arg12 : memref<!tpu.dma_semaphore, #tpu.memory_space<semaphore_mem>>)
    %dma_start3A_133 = arith.constant 0 : i32
    %dma_start3A_134 = arith.constant 0 : i32
    %dma_start3A_135 = tpu.memref_slice %arg2[%dma_start3A_133, %dma_start3A_134] : memref<18432x1024xf32, #tpu.memory_space<hbm>> -> memref<18432x1024xf32, #tpu.memory_space<hbm>>
    tpu.enqueue_indirect_dma source(%dma_start3A_135 : memref<18432x1024xf32, #tpu.memory_space<hbm>>) target(%arg10 : memref<16x1024xf32, #tpu.memory_space<vmem>>) offsets(%get3A_129 : vector<16xi32>) semaphore(%arg14 : memref<!tpu.dma_semaphore, #tpu.memory_space<semaphore_mem>>)
    %dma_wait3A_136 = arith.constant 0 : i32
    %dma_wait3A_137 = arith.constant 0 : i32
    %dma_wait3A_138 = tpu.memref_slice %arg2[%dma_wait3A_136, %dma_wait3A_137] : memref<18432x1024xf32, #tpu.memory_space<hbm>> -> memref<18432x1024xf32, #tpu.memory_space<hbm>>
    tpu.wait_indirect_dma semaphore(%arg11 : memref<!tpu.dma_semaphore, #tpu.memory_space<semaphore_mem>>) src(%dma_wait3A_138 : memref<18432x1024xf32, #tpu.memory_space<hbm>>) dst(%arg7 : memref<16x1024xf32, #tpu.memory_space<vmem>>)
    %dma_wait3A_139 = arith.constant 0 : i32
    %dma_wait3A_140 = arith.constant 0 : i32
    %dma_wait3A_141 = tpu.memref_slice %arg2[%dma_wait3A_139, %dma_wait3A_140] : memref<18432x1024xf32, #tpu.memory_space<hbm>> -> memref<18432x1024xf32, #tpu.memory_space<hbm>>
    tpu.wait_indirect_dma semaphore(%arg13 : memref<!tpu.dma_semaphore, #tpu.memory_space<semaphore_mem>>) src(%dma_wait3A_141 : memref<18432x1024xf32, #tpu.memory_space<hbm>>) dst(%arg9 : memref<16x1024xf32, #tpu.memory_space<vmem>>)
    %add3A_142 = arith.constant 64 : i32
    %add3A_143 = arith.addi %mul3A_2, %add3A_142 : i32
    "tpu.region"() ({
      %run_scoped3A = tpu.sem_alloc : memref<!tpu.dma_semaphore, #tpu.memory_space<semaphore_mem>>
      %dma_start3A_416 = arith.constant 0 : i32
      %dma_start3A_417 = tpu.memref_slice %arg4[%add3A_143, %dma_start3A_416] : memref<8192x1024xf32, #tpu.memory_space<hbm>> -> memref<16x1024xf32, #tpu.memory_space<hbm>>
      %dma_start3A_418 = arith.constant 0 : i32
      %dma_start3A_419 = tpu.memref_slice %arg4[%add3A_143, %dma_start3A_418] : memref<8192x1024xf32, #tpu.memory_space<hbm>> -> memref<16x1024xf32, #tpu.memory_space<hbm>>
      tpu.enqueue_dma source(%arg7 : memref<16x1024xf32, #tpu.memory_space<vmem>>) target(%dma_start3A_419 : memref<16x1024xf32, #tpu.memory_space<hbm>>) target_semaphore(%run_scoped3A : memref<!tpu.dma_semaphore, #tpu.memory_space<semaphore_mem>>)
      %dma_wait3A_420 = arith.constant 0 : i32
      %dma_wait3A_421 = tpu.memref_slice %arg4[%add3A_143, %dma_wait3A_420] : memref<8192x1024xf32, #tpu.memory_space<hbm>> -> memref<16x1024xf32, #tpu.memory_space<hbm>>
      %dma_wait3A_422 = arith.constant 0 : i32
      %dma_wait3A_423 = tpu.memref_slice %arg4[%add3A_143, %dma_wait3A_422] : memref<8192x1024xf32, #tpu.memory_space<hbm>> -> memref<16x1024xf32, #tpu.memory_space<hbm>>
      tpu.wait_dma2 semaphore(%run_scoped3A : memref<!tpu.dma_semaphore, #tpu.memory_space<semaphore_mem>>) src(%arg7 : memref<16x1024xf32, #tpu.memory_space<vmem>>) dst(%dma_wait3A_423 : memref<16x1024xf32, #tpu.memory_space<hbm>>)
      tpu.yield
    }) : () -> ()
    %add3A_144 = arith.constant 64 : i32
    %add3A_145 = arith.addi %mul3A_2, %add3A_144 : i32
    "tpu.region"() ({
      %run_scoped3A = tpu.sem_alloc : memref<!tpu.dma_semaphore, #tpu.memory_space<semaphore_mem>>
      %dma_start3A_416 = arith.constant 0 : i32
      %dma_start3A_417 = tpu.memref_slice %arg5[%add3A_145, %dma_start3A_416] : memref<8192x1024xf32, #tpu.memory_space<hbm>> -> memref<16x1024xf32, #tpu.memory_space<hbm>>
      %dma_start3A_418 = arith.constant 0 : i32
      %dma_start3A_419 = tpu.memref_slice %arg5[%add3A_145, %dma_start3A_418] : memref<8192x1024xf32, #tpu.memory_space<hbm>> -> memref<16x1024xf32, #tpu.memory_space<hbm>>
      tpu.enqueue_dma source(%arg9 : memref<16x1024xf32, #tpu.memory_space<vmem>>) target(%dma_start3A_419 : memref<16x1024xf32, #tpu.memory_space<hbm>>) target_semaphore(%run_scoped3A : memref<!tpu.dma_semaphore, #tpu.memory_space<semaphore_mem>>)
      %dma_wait3A_420 = arith.constant 0 : i32
      %dma_wait3A_421 = tpu.memref_slice %arg5[%add3A_145, %dma_wait3A_420] : memref<8192x1024xf32, #tpu.memory_space<hbm>> -> memref<16x1024xf32, #tpu.memory_space<hbm>>
      %dma_wait3A_422 = arith.constant 0 : i32
      %dma_wait3A_423 = tpu.memref_slice %arg5[%add3A_145, %dma_wait3A_422] : memref<8192x1024xf32, #tpu.memory_space<hbm>> -> memref<16x1024xf32, #tpu.memory_space<hbm>>
      tpu.wait_dma2 semaphore(%run_scoped3A : memref<!tpu.dma_semaphore, #tpu.memory_space<semaphore_mem>>) src(%arg9 : memref<16x1024xf32, #tpu.memory_space<vmem>>) dst(%dma_wait3A_423 : memref<16x1024xf32, #tpu.memory_space<hbm>>)
      tpu.yield
    }) : () -> ()
    %get3A_146 = arith.constant 0 : i32
    %get3A_147 = arith.index_cast %get3A_146 : i32 to index
    %get3A_148 = arith.constant 96 : index
    %get3A_149 = tpu.vector_load %arg6[%get3A_147, %get3A_148] {strides = array<i32>} : memref<2x256xi32, #tpu.memory_space<vmem>>, vector<1x16xi32>,
    %get3A_150 = vector.shape_cast %get3A_149 : vector<1x16xi32> to vector<16xi32>
    %get3A_151 = arith.constant 1 : i32
    %get3A_152 = arith.index_cast %get3A_151 : i32 to index
    %get3A_153 = arith.constant 96 : index
    %get3A_154 = tpu.vector_load %arg6[%get3A_152, %get3A_153] {strides = array<i32>} : memref<2x256xi32, #tpu.memory_space<vmem>>, vector<1x16xi32>,
    %get3A_155 = vector.shape_cast %get3A_154 : vector<1x16xi32> to vector<16xi32>
    %dma_start3A_156 = arith.constant 0 : i32
    %dma_start3A_157 = arith.constant 0 : i32
    %dma_start3A_158 = tpu.memref_slice %arg2[%dma_start3A_156, %dma_start3A_157] : memref<18432x1024xf32, #tpu.memory_space<hbm>> -> memref<18432x1024xf32, #tpu.memory_space<hbm>>
    tpu.enqueue_indirect_dma source(%dma_start3A_158 : memref<18432x1024xf32, #tpu.memory_space<hbm>>) target(%arg7 : memref<16x1024xf32, #tpu.memory_space<vmem>>) offsets(%get3A_150 : vector<16xi32>) semaphore(%arg11 : memref<!tpu.dma_semaphore, #tpu.memory_space<semaphore_mem>>)
    %dma_start3A_159 = arith.constant 0 : i32
    %dma_start3A_160 = arith.constant 0 : i32
    %dma_start3A_161 = tpu.memref_slice %arg2[%dma_start3A_159, %dma_start3A_160] : memref<18432x1024xf32, #tpu.memory_space<hbm>> -> memref<18432x1024xf32, #tpu.memory_space<hbm>>
    tpu.enqueue_indirect_dma source(%dma_start3A_161 : memref<18432x1024xf32, #tpu.memory_space<hbm>>) target(%arg9 : memref<16x1024xf32, #tpu.memory_space<vmem>>) offsets(%get3A_155 : vector<16xi32>) semaphore(%arg13 : memref<!tpu.dma_semaphore, #tpu.memory_space<semaphore_mem>>)
    %dma_wait3A_162 = arith.constant 0 : i32
    %dma_wait3A_163 = arith.constant 0 : i32
    %dma_wait3A_164 = tpu.memref_slice %arg2[%dma_wait3A_162, %dma_wait3A_163] : memref<18432x1024xf32, #tpu.memory_space<hbm>> -> memref<18432x1024xf32, #tpu.memory_space<hbm>>
    tpu.wait_indirect_dma semaphore(%arg12 : memref<!tpu.dma_semaphore, #tpu.memory_space<semaphore_mem>>) src(%dma_wait3A_164 : memref<18432x1024xf32, #tpu.memory_space<hbm>>) dst(%arg8 : memref<16x1024xf32, #tpu.memory_space<vmem>>)
    %dma_wait3A_165 = arith.constant 0 : i32
    %dma_wait3A_166 = arith.constant 0 : i32
    %dma_wait3A_167 = tpu.memref_slice %arg2[%dma_wait3A_165, %dma_wait3A_166] : memref<18432x1024xf32, #tpu.memory_space<hbm>> -> memref<18432x1024xf32, #tpu.memory_space<hbm>>
    tpu.wait_indirect_dma semaphore(%arg14 : memref<!tpu.dma_semaphore, #tpu.memory_space<semaphore_mem>>) src(%dma_wait3A_167 : memref<18432x1024xf32, #tpu.memory_space<hbm>>) dst(%arg10 : memref<16x1024xf32, #tpu.memory_space<vmem>>)
    %add3A_168 = arith.constant 80 : i32
    %add3A_169 = arith.addi %mul3A_2, %add3A_168 : i32
    "tpu.region"() ({
      %run_scoped3A = tpu.sem_alloc : memref<!tpu.dma_semaphore, #tpu.memory_space<semaphore_mem>>
      %dma_start3A_416 = arith.constant 0 : i32
      %dma_start3A_417 = tpu.memref_slice %arg4[%add3A_169, %dma_start3A_416] : memref<8192x1024xf32, #tpu.memory_space<hbm>> -> memref<16x1024xf32, #tpu.memory_space<hbm>>
      %dma_start3A_418 = arith.constant 0 : i32
      %dma_start3A_419 = tpu.memref_slice %arg4[%add3A_169, %dma_start3A_418] : memref<8192x1024xf32, #tpu.memory_space<hbm>> -> memref<16x1024xf32, #tpu.memory_space<hbm>>
      tpu.enqueue_dma source(%arg8 : memref<16x1024xf32, #tpu.memory_space<vmem>>) target(%dma_start3A_419 : memref<16x1024xf32, #tpu.memory_space<hbm>>) target_semaphore(%run_scoped3A : memref<!tpu.dma_semaphore, #tpu.memory_space<semaphore_mem>>)
      %dma_wait3A_420 = arith.constant 0 : i32
      %dma_wait3A_421 = tpu.memref_slice %arg4[%add3A_169, %dma_wait3A_420] : memref<8192x1024xf32, #tpu.memory_space<hbm>> -> memref<16x1024xf32, #tpu.memory_space<hbm>>
      %dma_wait3A_422 = arith.constant 0 : i32
      %dma_wait3A_423 = tpu.memref_slice %arg4[%add3A_169, %dma_wait3A_422] : memref<8192x1024xf32, #tpu.memory_space<hbm>> -> memref<16x1024xf32, #tpu.memory_space<hbm>>
      tpu.wait_dma2 semaphore(%run_scoped3A : memref<!tpu.dma_semaphore, #tpu.memory_space<semaphore_mem>>) src(%arg8 : memref<16x1024xf32, #tpu.memory_space<vmem>>) dst(%dma_wait3A_423 : memref<16x1024xf32, #tpu.memory_space<hbm>>)
      tpu.yield
    }) : () -> ()
    %add3A_170 = arith.constant 80 : i32
    %add3A_171 = arith.addi %mul3A_2, %add3A_170 : i32
    "tpu.region"() ({
      %run_scoped3A = tpu.sem_alloc : memref<!tpu.dma_semaphore, #tpu.memory_space<semaphore_mem>>
      %dma_start3A_416 = arith.constant 0 : i32
      %dma_start3A_417 = tpu.memref_slice %arg5[%add3A_171, %dma_start3A_416] : memref<8192x1024xf32, #tpu.memory_space<hbm>> -> memref<16x1024xf32, #tpu.memory_space<hbm>>
      %dma_start3A_418 = arith.constant 0 : i32
      %dma_start3A_419 = tpu.memref_slice %arg5[%add3A_171, %dma_start3A_418] : memref<8192x1024xf32, #tpu.memory_space<hbm>> -> memref<16x1024xf32, #tpu.memory_space<hbm>>
      tpu.enqueue_dma source(%arg10 : memref<16x1024xf32, #tpu.memory_space<vmem>>) target(%dma_start3A_419 : memref<16x1024xf32, #tpu.memory_space<hbm>>) target_semaphore(%run_scoped3A : memref<!tpu.dma_semaphore, #tpu.memory_space<semaphore_mem>>)
      %dma_wait3A_420 = arith.constant 0 : i32
      %dma_wait3A_421 = tpu.memref_slice %arg5[%add3A_171, %dma_wait3A_420] : memref<8192x1024xf32, #tpu.memory_space<hbm>> -> memref<16x1024xf32, #tpu.memory_space<hbm>>
      %dma_wait3A_422 = arith.constant 0 : i32
      %dma_wait3A_423 = tpu.memref_slice %arg5[%add3A_171, %dma_wait3A_422] : memref<8192x1024xf32, #tpu.memory_space<hbm>> -> memref<16x1024xf32, #tpu.memory_space<hbm>>
      tpu.wait_dma2 semaphore(%run_scoped3A : memref<!tpu.dma_semaphore, #tpu.memory_space<semaphore_mem>>) src(%arg10 : memref<16x1024xf32, #tpu.memory_space<vmem>>) dst(%dma_wait3A_423 : memref<16x1024xf32, #tpu.memory_space<hbm>>)
      tpu.yield
    }) : () -> ()
    %get3A_172 = arith.constant 0 : i32
    %get3A_173 = arith.index_cast %get3A_172 : i32 to index
    %get3A_174 = arith.constant 112 : index
    %get3A_175 = tpu.vector_load %arg6[%get3A_173, %get3A_174] {strides = array<i32>} : memref<2x256xi32, #tpu.memory_space<vmem>>, vector<1x16xi32>,
    %get3A_176 = vector.shape_cast %get3A_175 : vector<1x16xi32> to vector<16xi32>
    %get3A_177 = arith.constant 1 : i32
    %get3A_178 = arith.index_cast %get3A_177 : i32 to index
    %get3A_179 = arith.constant 112 : index
    %get3A_180 = tpu.vector_load %arg6[%get3A_178, %get3A_179] {strides = array<i32>} : memref<2x256xi32, #tpu.memory_space<vmem>>, vector<1x16xi32>,
    %get3A_181 = vector.shape_cast %get3A_180 : vector<1x16xi32> to vector<16xi32>
    %dma_start3A_182 = arith.constant 0 : i32
    %dma_start3A_183 = arith.constant 0 : i32
    %dma_start3A_184 = tpu.memref_slice %arg2[%dma_start3A_182, %dma_start3A_183] : memref<18432x1024xf32, #tpu.memory_space<hbm>> -> memref<18432x1024xf32, #tpu.memory_space<hbm>>
    tpu.enqueue_indirect_dma source(%dma_start3A_184 : memref<18432x1024xf32, #tpu.memory_space<hbm>>) target(%arg8 : memref<16x1024xf32, #tpu.memory_space<vmem>>) offsets(%get3A_176 : vector<16xi32>) semaphore(%arg12 : memref<!tpu.dma_semaphore, #tpu.memory_space<semaphore_mem>>)
    %dma_start3A_185 = arith.constant 0 : i32
    %dma_start3A_186 = arith.constant 0 : i32
    %dma_start3A_187 = tpu.memref_slice %arg2[%dma_start3A_185, %dma_start3A_186] : memref<18432x1024xf32, #tpu.memory_space<hbm>> -> memref<18432x1024xf32, #tpu.memory_space<hbm>>
    tpu.enqueue_indirect_dma source(%dma_start3A_187 : memref<18432x1024xf32, #tpu.memory_space<hbm>>) target(%arg10 : memref<16x1024xf32, #tpu.memory_space<vmem>>) offsets(%get3A_181 : vector<16xi32>) semaphore(%arg14 : memref<!tpu.dma_semaphore, #tpu.memory_space<semaphore_mem>>)
    %dma_wait3A_188 = arith.constant 0 : i32
    %dma_wait3A_189 = arith.constant 0 : i32
    %dma_wait3A_190 = tpu.memref_slice %arg2[%dma_wait3A_188, %dma_wait3A_189] : memref<18432x1024xf32, #tpu.memory_space<hbm>> -> memref<18432x1024xf32, #tpu.memory_space<hbm>>
    tpu.wait_indirect_dma semaphore(%arg11 : memref<!tpu.dma_semaphore, #tpu.memory_space<semaphore_mem>>) src(%dma_wait3A_190 : memref<18432x1024xf32, #tpu.memory_space<hbm>>) dst(%arg7 : memref<16x1024xf32, #tpu.memory_space<vmem>>)
    %dma_wait3A_191 = arith.constant 0 : i32
    %dma_wait3A_192 = arith.constant 0 : i32
    %dma_wait3A_193 = tpu.memref_slice %arg2[%dma_wait3A_191, %dma_wait3A_192] : memref<18432x1024xf32, #tpu.memory_space<hbm>> -> memref<18432x1024xf32, #tpu.memory_space<hbm>>
    tpu.wait_indirect_dma semaphore(%arg13 : memref<!tpu.dma_semaphore, #tpu.memory_space<semaphore_mem>>) src(%dma_wait3A_193 : memref<18432x1024xf32, #tpu.memory_space<hbm>>) dst(%arg9 : memref<16x1024xf32, #tpu.memory_space<vmem>>)
    %add3A_194 = arith.constant 96 : i32
    %add3A_195 = arith.addi %mul3A_2, %add3A_194 : i32
    "tpu.region"() ({
      %run_scoped3A = tpu.sem_alloc : memref<!tpu.dma_semaphore, #tpu.memory_space<semaphore_mem>>
      %dma_start3A_416 = arith.constant 0 : i32
      %dma_start3A_417 = tpu.memref_slice %arg4[%add3A_195, %dma_start3A_416] : memref<8192x1024xf32, #tpu.memory_space<hbm>> -> memref<16x1024xf32, #tpu.memory_space<hbm>>
      %dma_start3A_418 = arith.constant 0 : i32
      %dma_start3A_419 = tpu.memref_slice %arg4[%add3A_195, %dma_start3A_418] : memref<8192x1024xf32, #tpu.memory_space<hbm>> -> memref<16x1024xf32, #tpu.memory_space<hbm>>
      tpu.enqueue_dma source(%arg7 : memref<16x1024xf32, #tpu.memory_space<vmem>>) target(%dma_start3A_419 : memref<16x1024xf32, #tpu.memory_space<hbm>>) target_semaphore(%run_scoped3A : memref<!tpu.dma_semaphore, #tpu.memory_space<semaphore_mem>>)
      %dma_wait3A_420 = arith.constant 0 : i32
      %dma_wait3A_421 = tpu.memref_slice %arg4[%add3A_195, %dma_wait3A_420] : memref<8192x1024xf32, #tpu.memory_space<hbm>> -> memref<16x1024xf32, #tpu.memory_space<hbm>>
      %dma_wait3A_422 = arith.constant 0 : i32
      %dma_wait3A_423 = tpu.memref_slice %arg4[%add3A_195, %dma_wait3A_422] : memref<8192x1024xf32, #tpu.memory_space<hbm>> -> memref<16x1024xf32, #tpu.memory_space<hbm>>
      tpu.wait_dma2 semaphore(%run_scoped3A : memref<!tpu.dma_semaphore, #tpu.memory_space<semaphore_mem>>) src(%arg7 : memref<16x1024xf32, #tpu.memory_space<vmem>>) dst(%dma_wait3A_423 : memref<16x1024xf32, #tpu.memory_space<hbm>>)
      tpu.yield
    }) : () -> ()
    %add3A_196 = arith.constant 96 : i32
    %add3A_197 = arith.addi %mul3A_2, %add3A_196 : i32
    "tpu.region"() ({
      %run_scoped3A = tpu.sem_alloc : memref<!tpu.dma_semaphore, #tpu.memory_space<semaphore_mem>>
      %dma_start3A_416 = arith.constant 0 : i32
      %dma_start3A_417 = tpu.memref_slice %arg5[%add3A_197, %dma_start3A_416] : memref<8192x1024xf32, #tpu.memory_space<hbm>> -> memref<16x1024xf32, #tpu.memory_space<hbm>>
      %dma_start3A_418 = arith.constant 0 : i32
      %dma_start3A_419 = tpu.memref_slice %arg5[%add3A_197, %dma_start3A_418] : memref<8192x1024xf32, #tpu.memory_space<hbm>> -> memref<16x1024xf32, #tpu.memory_space<hbm>>
      tpu.enqueue_dma source(%arg9 : memref<16x1024xf32, #tpu.memory_space<vmem>>) target(%dma_start3A_419 : memref<16x1024xf32, #tpu.memory_space<hbm>>) target_semaphore(%run_scoped3A : memref<!tpu.dma_semaphore, #tpu.memory_space<semaphore_mem>>)
      %dma_wait3A_420 = arith.constant 0 : i32
      %dma_wait3A_421 = tpu.memref_slice %arg5[%add3A_197, %dma_wait3A_420] : memref<8192x1024xf32, #tpu.memory_space<hbm>> -> memref<16x1024xf32, #tpu.memory_space<hbm>>
      %dma_wait3A_422 = arith.constant 0 : i32
      %dma_wait3A_423 = tpu.memref_slice %arg5[%add3A_197, %dma_wait3A_422] : memref<8192x1024xf32, #tpu.memory_space<hbm>> -> memref<16x1024xf32, #tpu.memory_space<hbm>>
      tpu.wait_dma2 semaphore(%run_scoped3A : memref<!tpu.dma_semaphore, #tpu.memory_space<semaphore_mem>>) src(%arg9 : memref<16x1024xf32, #tpu.memory_space<vmem>>) dst(%dma_wait3A_423 : memref<16x1024xf32, #tpu.memory_space<hbm>>)
      tpu.yield
    }) : () -> ()
    %get3A_198 = arith.constant 0 : i32
    %get3A_199 = arith.index_cast %get3A_198 : i32 to index
    %get3A_200 = arith.constant 128 : index
    %get3A_201 = tpu.vector_load %arg6[%get3A_199, %get3A_200] {strides = array<i32>} : memref<2x256xi32, #tpu.memory_space<vmem>>, vector<1x16xi32>,
    %get3A_202 = vector.shape_cast %get3A_201 : vector<1x16xi32> to vector<16xi32>
    %get3A_203 = arith.constant 1 : i32
    %get3A_204 = arith.index_cast %get3A_203 : i32 to index
    %get3A_205 = arith.constant 128 : index
    %get3A_206 = tpu.vector_load %arg6[%get3A_204, %get3A_205] {strides = array<i32>} : memref<2x256xi32, #tpu.memory_space<vmem>>, vector<1x16xi32>,
    %get3A_207 = vector.shape_cast %get3A_206 : vector<1x16xi32> to vector<16xi32>
    %dma_start3A_208 = arith.constant 0 : i32
    %dma_start3A_209 = arith.constant 0 : i32
    %dma_start3A_210 = tpu.memref_slice %arg2[%dma_start3A_208, %dma_start3A_209] : memref<18432x1024xf32, #tpu.memory_space<hbm>> -> memref<18432x1024xf32, #tpu.memory_space<hbm>>
    tpu.enqueue_indirect_dma source(%dma_start3A_210 : memref<18432x1024xf32, #tpu.memory_space<hbm>>) target(%arg7 : memref<16x1024xf32, #tpu.memory_space<vmem>>) offsets(%get3A_202 : vector<16xi32>) semaphore(%arg11 : memref<!tpu.dma_semaphore, #tpu.memory_space<semaphore_mem>>)
    %dma_start3A_211 = arith.constant 0 : i32
    %dma_start3A_212 = arith.constant 0 : i32
    %dma_start3A_213 = tpu.memref_slice %arg2[%dma_start3A_211, %dma_start3A_212] : memref<18432x1024xf32, #tpu.memory_space<hbm>> -> memref<18432x1024xf32, #tpu.memory_space<hbm>>
    tpu.enqueue_indirect_dma source(%dma_start3A_213 : memref<18432x1024xf32, #tpu.memory_space<hbm>>) target(%arg9 : memref<16x1024xf32, #tpu.memory_space<vmem>>) offsets(%get3A_207 : vector<16xi32>) semaphore(%arg13 : memref<!tpu.dma_semaphore, #tpu.memory_space<semaphore_mem>>)
    %dma_wait3A_214 = arith.constant 0 : i32
    %dma_wait3A_215 = arith.constant 0 : i32
    %dma_wait3A_216 = tpu.memref_slice %arg2[%dma_wait3A_214, %dma_wait3A_215] : memref<18432x1024xf32, #tpu.memory_space<hbm>> -> memref<18432x1024xf32, #tpu.memory_space<hbm>>
    tpu.wait_indirect_dma semaphore(%arg12 : memref<!tpu.dma_semaphore, #tpu.memory_space<semaphore_mem>>) src(%dma_wait3A_216 : memref<18432x1024xf32, #tpu.memory_space<hbm>>) dst(%arg8 : memref<16x1024xf32, #tpu.memory_space<vmem>>)
    %dma_wait3A_217 = arith.constant 0 : i32
    %dma_wait3A_218 = arith.constant 0 : i32
    %dma_wait3A_219 = tpu.memref_slice %arg2[%dma_wait3A_217, %dma_wait3A_218] : memref<18432x1024xf32, #tpu.memory_space<hbm>> -> memref<18432x1024xf32, #tpu.memory_space<hbm>>
    tpu.wait_indirect_dma semaphore(%arg14 : memref<!tpu.dma_semaphore, #tpu.memory_space<semaphore_mem>>) src(%dma_wait3A_219 : memref<18432x1024xf32, #tpu.memory_space<hbm>>) dst(%arg10 : memref<16x1024xf32, #tpu.memory_space<vmem>>)
    %add3A_220 = arith.constant 112 : i32
    %add3A_221 = arith.addi %mul3A_2, %add3A_220 : i32
    "tpu.region"() ({
      %run_scoped3A = tpu.sem_alloc : memref<!tpu.dma_semaphore, #tpu.memory_space<semaphore_mem>>
      %dma_start3A_416 = arith.constant 0 : i32
      %dma_start3A_417 = tpu.memref_slice %arg4[%add3A_221, %dma_start3A_416] : memref<8192x1024xf32, #tpu.memory_space<hbm>> -> memref<16x1024xf32, #tpu.memory_space<hbm>>
      %dma_start3A_418 = arith.constant 0 : i32
      %dma_start3A_419 = tpu.memref_slice %arg4[%add3A_221, %dma_start3A_418] : memref<8192x1024xf32, #tpu.memory_space<hbm>> -> memref<16x1024xf32, #tpu.memory_space<hbm>>
      tpu.enqueue_dma source(%arg8 : memref<16x1024xf32, #tpu.memory_space<vmem>>) target(%dma_start3A_419 : memref<16x1024xf32, #tpu.memory_space<hbm>>) target_semaphore(%run_scoped3A : memref<!tpu.dma_semaphore, #tpu.memory_space<semaphore_mem>>)
      %dma_wait3A_420 = arith.constant 0 : i32
      %dma_wait3A_421 = tpu.memref_slice %arg4[%add3A_221, %dma_wait3A_420] : memref<8192x1024xf32, #tpu.memory_space<hbm>> -> memref<16x1024xf32, #tpu.memory_space<hbm>>
      %dma_wait3A_422 = arith.constant 0 : i32
      %dma_wait3A_423 = tpu.memref_slice %arg4[%add3A_221, %dma_wait3A_422] : memref<8192x1024xf32, #tpu.memory_space<hbm>> -> memref<16x1024xf32, #tpu.memory_space<hbm>>
      tpu.wait_dma2 semaphore(%run_scoped3A : memref<!tpu.dma_semaphore, #tpu.memory_space<semaphore_mem>>) src(%arg8 : memref<16x1024xf32, #tpu.memory_space<vmem>>) dst(%dma_wait3A_423 : memref<16x1024xf32, #tpu.memory_space<hbm>>)
      tpu.yield
    }) : () -> ()
    %add3A_222 = arith.constant 112 : i32
    %add3A_223 = arith.addi %mul3A_2, %add3A_222 : i32
    "tpu.region"() ({
      %run_scoped3A = tpu.sem_alloc : memref<!tpu.dma_semaphore, #tpu.memory_space<semaphore_mem>>
      %dma_start3A_416 = arith.constant 0 : i32
      %dma_start3A_417 = tpu.memref_slice %arg5[%add3A_223, %dma_start3A_416] : memref<8192x1024xf32, #tpu.memory_space<hbm>> -> memref<16x1024xf32, #tpu.memory_space<hbm>>
      %dma_start3A_418 = arith.constant 0 : i32
      %dma_start3A_419 = tpu.memref_slice %arg5[%add3A_223, %dma_start3A_418] : memref<8192x1024xf32, #tpu.memory_space<hbm>> -> memref<16x1024xf32, #tpu.memory_space<hbm>>
      tpu.enqueue_dma source(%arg10 : memref<16x1024xf32, #tpu.memory_space<vmem>>) target(%dma_start3A_419 : memref<16x1024xf32, #tpu.memory_space<hbm>>) target_semaphore(%run_scoped3A : memref<!tpu.dma_semaphore, #tpu.memory_space<semaphore_mem>>)
      %dma_wait3A_420 = arith.constant 0 : i32
      %dma_wait3A_421 = tpu.memref_slice %arg5[%add3A_223, %dma_wait3A_420] : memref<8192x1024xf32, #tpu.memory_space<hbm>> -> memref<16x1024xf32, #tpu.memory_space<hbm>>
      %dma_wait3A_422 = arith.constant 0 : i32
      %dma_wait3A_423 = tpu.memref_slice %arg5[%add3A_223, %dma_wait3A_422] : memref<8192x1024xf32, #tpu.memory_space<hbm>> -> memref<16x1024xf32, #tpu.memory_space<hbm>>
      tpu.wait_dma2 semaphore(%run_scoped3A : memref<!tpu.dma_semaphore, #tpu.memory_space<semaphore_mem>>) src(%arg10 : memref<16x1024xf32, #tpu.memory_space<vmem>>) dst(%dma_wait3A_423 : memref<16x1024xf32, #tpu.memory_space<hbm>>)
      tpu.yield
    }) : () -> ()
    %get3A_224 = arith.constant 0 : i32
    %get3A_225 = arith.index_cast %get3A_224 : i32 to index
    %get3A_226 = arith.constant 144 : index
    %get3A_227 = tpu.vector_load %arg6[%get3A_225, %get3A_226] {strides = array<i32>} : memref<2x256xi32, #tpu.memory_space<vmem>>, vector<1x16xi32>,
    %get3A_228 = vector.shape_cast %get3A_227 : vector<1x16xi32> to vector<16xi32>
    %get3A_229 = arith.constant 1 : i32
    %get3A_230 = arith.index_cast %get3A_229 : i32 to index
    %get3A_231 = arith.constant 144 : index
    %get3A_232 = tpu.vector_load %arg6[%get3A_230, %get3A_231] {strides = array<i32>} : memref<2x256xi32, #tpu.memory_space<vmem>>, vector<1x16xi32>,
    %get3A_233 = vector.shape_cast %get3A_232 : vector<1x16xi32> to vector<16xi32>
    %dma_start3A_234 = arith.constant 0 : i32
    %dma_start3A_235 = arith.constant 0 : i32
    %dma_start3A_236 = tpu.memref_slice %arg2[%dma_start3A_234, %dma_start3A_235] : memref<18432x1024xf32, #tpu.memory_space<hbm>> -> memref<18432x1024xf32, #tpu.memory_space<hbm>>
    tpu.enqueue_indirect_dma source(%dma_start3A_236 : memref<18432x1024xf32, #tpu.memory_space<hbm>>) target(%arg8 : memref<16x1024xf32, #tpu.memory_space<vmem>>) offsets(%get3A_228 : vector<16xi32>) semaphore(%arg12 : memref<!tpu.dma_semaphore, #tpu.memory_space<semaphore_mem>>)
    %dma_start3A_237 = arith.constant 0 : i32
    %dma_start3A_238 = arith.constant 0 : i32
    %dma_start3A_239 = tpu.memref_slice %arg2[%dma_start3A_237, %dma_start3A_238] : memref<18432x1024xf32, #tpu.memory_space<hbm>> -> memref<18432x1024xf32, #tpu.memory_space<hbm>>
    tpu.enqueue_indirect_dma source(%dma_start3A_239 : memref<18432x1024xf32, #tpu.memory_space<hbm>>) target(%arg10 : memref<16x1024xf32, #tpu.memory_space<vmem>>) offsets(%get3A_233 : vector<16xi32>) semaphore(%arg14 : memref<!tpu.dma_semaphore, #tpu.memory_space<semaphore_mem>>)
    %dma_wait3A_240 = arith.constant 0 : i32
    %dma_wait3A_241 = arith.constant 0 : i32
    %dma_wait3A_242 = tpu.memref_slice %arg2[%dma_wait3A_240, %dma_wait3A_241] : memref<18432x1024xf32, #tpu.memory_space<hbm>> -> memref<18432x1024xf32, #tpu.memory_space<hbm>>
    tpu.wait_indirect_dma semaphore(%arg11 : memref<!tpu.dma_semaphore, #tpu.memory_space<semaphore_mem>>) src(%dma_wait3A_242 : memref<18432x1024xf32, #tpu.memory_space<hbm>>) dst(%arg7 : memref<16x1024xf32, #tpu.memory_space<vmem>>)
    %dma_wait3A_243 = arith.constant 0 : i32
    %dma_wait3A_244 = arith.constant 0 : i32
    %dma_wait3A_245 = tpu.memref_slice %arg2[%dma_wait3A_243, %dma_wait3A_244] : memref<18432x1024xf32, #tpu.memory_space<hbm>> -> memref<18432x1024xf32, #tpu.memory_space<hbm>>
    tpu.wait_indirect_dma semaphore(%arg13 : memref<!tpu.dma_semaphore, #tpu.memory_space<semaphore_mem>>) src(%dma_wait3A_245 : memref<18432x1024xf32, #tpu.memory_space<hbm>>) dst(%arg9 : memref<16x1024xf32, #tpu.memory_space<vmem>>)
    %add3A_246 = arith.constant 128 : i32
    %add3A_247 = arith.addi %mul3A_2, %add3A_246 : i32
    "tpu.region"() ({
      %run_scoped3A = tpu.sem_alloc : memref<!tpu.dma_semaphore, #tpu.memory_space<semaphore_mem>>
      %dma_start3A_416 = arith.constant 0 : i32
      %dma_start3A_417 = tpu.memref_slice %arg4[%add3A_247, %dma_start3A_416] : memref<8192x1024xf32, #tpu.memory_space<hbm>> -> memref<16x1024xf32, #tpu.memory_space<hbm>>
      %dma_start3A_418 = arith.constant 0 : i32
      %dma_start3A_419 = tpu.memref_slice %arg4[%add3A_247, %dma_start3A_418] : memref<8192x1024xf32, #tpu.memory_space<hbm>> -> memref<16x1024xf32, #tpu.memory_space<hbm>>
      tpu.enqueue_dma source(%arg7 : memref<16x1024xf32, #tpu.memory_space<vmem>>) target(%dma_start3A_419 : memref<16x1024xf32, #tpu.memory_space<hbm>>) target_semaphore(%run_scoped3A : memref<!tpu.dma_semaphore, #tpu.memory_space<semaphore_mem>>)
      %dma_wait3A_420 = arith.constant 0 : i32
      %dma_wait3A_421 = tpu.memref_slice %arg4[%add3A_247, %dma_wait3A_420] : memref<8192x1024xf32, #tpu.memory_space<hbm>> -> memref<16x1024xf32, #tpu.memory_space<hbm>>
      %dma_wait3A_422 = arith.constant 0 : i32
      %dma_wait3A_423 = tpu.memref_slice %arg4[%add3A_247, %dma_wait3A_422] : memref<8192x1024xf32, #tpu.memory_space<hbm>> -> memref<16x1024xf32, #tpu.memory_space<hbm>>
      tpu.wait_dma2 semaphore(%run_scoped3A : memref<!tpu.dma_semaphore, #tpu.memory_space<semaphore_mem>>) src(%arg7 : memref<16x1024xf32, #tpu.memory_space<vmem>>) dst(%dma_wait3A_423 : memref<16x1024xf32, #tpu.memory_space<hbm>>)
      tpu.yield
    }) : () -> ()
    %add3A_248 = arith.constant 128 : i32
    %add3A_249 = arith.addi %mul3A_2, %add3A_248 : i32
    "tpu.region"() ({
      %run_scoped3A = tpu.sem_alloc : memref<!tpu.dma_semaphore, #tpu.memory_space<semaphore_mem>>
      %dma_start3A_416 = arith.constant 0 : i32
      %dma_start3A_417 = tpu.memref_slice %arg5[%add3A_249, %dma_start3A_416] : memref<8192x1024xf32, #tpu.memory_space<hbm>> -> memref<16x1024xf32, #tpu.memory_space<hbm>>
      %dma_start3A_418 = arith.constant 0 : i32
      %dma_start3A_419 = tpu.memref_slice %arg5[%add3A_249, %dma_start3A_418] : memref<8192x1024xf32, #tpu.memory_space<hbm>> -> memref<16x1024xf32, #tpu.memory_space<hbm>>
      tpu.enqueue_dma source(%arg9 : memref<16x1024xf32, #tpu.memory_space<vmem>>) target(%dma_start3A_419 : memref<16x1024xf32, #tpu.memory_space<hbm>>) target_semaphore(%run_scoped3A : memref<!tpu.dma_semaphore, #tpu.memory_space<semaphore_mem>>)
      %dma_wait3A_420 = arith.constant 0 : i32
      %dma_wait3A_421 = tpu.memref_slice %arg5[%add3A_249, %dma_wait3A_420] : memref<8192x1024xf32, #tpu.memory_space<hbm>> -> memref<16x1024xf32, #tpu.memory_space<hbm>>
      %dma_wait3A_422 = arith.constant 0 : i32
      %dma_wait3A_423 = tpu.memref_slice %arg5[%add3A_249, %dma_wait3A_422] : memref<8192x1024xf32, #tpu.memory_space<hbm>> -> memref<16x1024xf32, #tpu.memory_space<hbm>>
      tpu.wait_dma2 semaphore(%run_scoped3A : memref<!tpu.dma_semaphore, #tpu.memory_space<semaphore_mem>>) src(%arg9 : memref<16x1024xf32, #tpu.memory_space<vmem>>) dst(%dma_wait3A_423 : memref<16x1024xf32, #tpu.memory_space<hbm>>)
      tpu.yield
    }) : () -> ()
    %get3A_250 = arith.constant 0 : i32
    %get3A_251 = arith.index_cast %get3A_250 : i32 to index
    %get3A_252 = arith.constant 160 : index
    %get3A_253 = tpu.vector_load %arg6[%get3A_251, %get3A_252] {strides = array<i32>} : memref<2x256xi32, #tpu.memory_space<vmem>>, vector<1x16xi32>,
    %get3A_254 = vector.shape_cast %get3A_253 : vector<1x16xi32> to vector<16xi32>
    %get3A_255 = arith.constant 1 : i32
    %get3A_256 = arith.index_cast %get3A_255 : i32 to index
    %get3A_257 = arith.constant 160 : index
    %get3A_258 = tpu.vector_load %arg6[%get3A_256, %get3A_257] {strides = array<i32>} : memref<2x256xi32, #tpu.memory_space<vmem>>, vector<1x16xi32>,
    %get3A_259 = vector.shape_cast %get3A_258 : vector<1x16xi32> to vector<16xi32>
    %dma_start3A_260 = arith.constant 0 : i32
    %dma_start3A_261 = arith.constant 0 : i32
    %dma_start3A_262 = tpu.memref_slice %arg2[%dma_start3A_260, %dma_start3A_261] : memref<18432x1024xf32, #tpu.memory_space<hbm>> -> memref<18432x1024xf32, #tpu.memory_space<hbm>>
    tpu.enqueue_indirect_dma source(%dma_start3A_262 : memref<18432x1024xf32, #tpu.memory_space<hbm>>) target(%arg7 : memref<16x1024xf32, #tpu.memory_space<vmem>>) offsets(%get3A_254 : vector<16xi32>) semaphore(%arg11 : memref<!tpu.dma_semaphore, #tpu.memory_space<semaphore_mem>>)
    %dma_start3A_263 = arith.constant 0 : i32
    %dma_start3A_264 = arith.constant 0 : i32
    %dma_start3A_265 = tpu.memref_slice %arg2[%dma_start3A_263, %dma_start3A_264] : memref<18432x1024xf32, #tpu.memory_space<hbm>> -> memref<18432x1024xf32, #tpu.memory_space<hbm>>
    tpu.enqueue_indirect_dma source(%dma_start3A_265 : memref<18432x1024xf32, #tpu.memory_space<hbm>>) target(%arg9 : memref<16x1024xf32, #tpu.memory_space<vmem>>) offsets(%get3A_259 : vector<16xi32>) semaphore(%arg13 : memref<!tpu.dma_semaphore, #tpu.memory_space<semaphore_mem>>)
    %dma_wait3A_266 = arith.constant 0 : i32
    %dma_wait3A_267 = arith.constant 0 : i32
    %dma_wait3A_268 = tpu.memref_slice %arg2[%dma_wait3A_266, %dma_wait3A_267] : memref<18432x1024xf32, #tpu.memory_space<hbm>> -> memref<18432x1024xf32, #tpu.memory_space<hbm>>
    tpu.wait_indirect_dma semaphore(%arg12 : memref<!tpu.dma_semaphore, #tpu.memory_space<semaphore_mem>>) src(%dma_wait3A_268 : memref<18432x1024xf32, #tpu.memory_space<hbm>>) dst(%arg8 : memref<16x1024xf32, #tpu.memory_space<vmem>>)
    %dma_wait3A_269 = arith.constant 0 : i32
    %dma_wait3A_270 = arith.constant 0 : i32
    %dma_wait3A_271 = tpu.memref_slice %arg2[%dma_wait3A_269, %dma_wait3A_270] : memref<18432x1024xf32, #tpu.memory_space<hbm>> -> memref<18432x1024xf32, #tpu.memory_space<hbm>>
    tpu.wait_indirect_dma semaphore(%arg14 : memref<!tpu.dma_semaphore, #tpu.memory_space<semaphore_mem>>) src(%dma_wait3A_271 : memref<18432x1024xf32, #tpu.memory_space<hbm>>) dst(%arg10 : memref<16x1024xf32, #tpu.memory_space<vmem>>)
    %add3A_272 = arith.constant 144 : i32
    %add3A_273 = arith.addi %mul3A_2, %add3A_272 : i32
    "tpu.region"() ({
      %run_scoped3A = tpu.sem_alloc : memref<!tpu.dma_semaphore, #tpu.memory_space<semaphore_mem>>
      %dma_start3A_416 = arith.constant 0 : i32
      %dma_start3A_417 = tpu.memref_slice %arg4[%add3A_273, %dma_start3A_416] : memref<8192x1024xf32, #tpu.memory_space<hbm>> -> memref<16x1024xf32, #tpu.memory_space<hbm>>
      %dma_start3A_418 = arith.constant 0 : i32
      %dma_start3A_419 = tpu.memref_slice %arg4[%add3A_273, %dma_start3A_418] : memref<8192x1024xf32, #tpu.memory_space<hbm>> -> memref<16x1024xf32, #tpu.memory_space<hbm>>
      tpu.enqueue_dma source(%arg8 : memref<16x1024xf32, #tpu.memory_space<vmem>>) target(%dma_start3A_419 : memref<16x1024xf32, #tpu.memory_space<hbm>>) target_semaphore(%run_scoped3A : memref<!tpu.dma_semaphore, #tpu.memory_space<semaphore_mem>>)
      %dma_wait3A_420 = arith.constant 0 : i32
      %dma_wait3A_421 = tpu.memref_slice %arg4[%add3A_273, %dma_wait3A_420] : memref<8192x1024xf32, #tpu.memory_space<hbm>> -> memref<16x1024xf32, #tpu.memory_space<hbm>>
      %dma_wait3A_422 = arith.constant 0 : i32
      %dma_wait3A_423 = tpu.memref_slice %arg4[%add3A_273, %dma_wait3A_422] : memref<8192x1024xf32, #tpu.memory_space<hbm>> -> memref<16x1024xf32, #tpu.memory_space<hbm>>
      tpu.wait_dma2 semaphore(%run_scoped3A : memref<!tpu.dma_semaphore, #tpu.memory_space<semaphore_mem>>) src(%arg8 : memref<16x1024xf32, #tpu.memory_space<vmem>>) dst(%dma_wait3A_423 : memref<16x1024xf32, #tpu.memory_space<hbm>>)
      tpu.yield
    }) : () -> ()
    %add3A_274 = arith.constant 144 : i32
    %add3A_275 = arith.addi %mul3A_2, %add3A_274 : i32
    "tpu.region"() ({
      %run_scoped3A = tpu.sem_alloc : memref<!tpu.dma_semaphore, #tpu.memory_space<semaphore_mem>>
      %dma_start3A_416 = arith.constant 0 : i32
      %dma_start3A_417 = tpu.memref_slice %arg5[%add3A_275, %dma_start3A_416] : memref<8192x1024xf32, #tpu.memory_space<hbm>> -> memref<16x1024xf32, #tpu.memory_space<hbm>>
      %dma_start3A_418 = arith.constant 0 : i32
      %dma_start3A_419 = tpu.memref_slice %arg5[%add3A_275, %dma_start3A_418] : memref<8192x1024xf32, #tpu.memory_space<hbm>> -> memref<16x1024xf32, #tpu.memory_space<hbm>>
      tpu.enqueue_dma source(%arg10 : memref<16x1024xf32, #tpu.memory_space<vmem>>) target(%dma_start3A_419 : memref<16x1024xf32, #tpu.memory_space<hbm>>) target_semaphore(%run_scoped3A : memref<!tpu.dma_semaphore, #tpu.memory_space<semaphore_mem>>)
      %dma_wait3A_420 = arith.constant 0 : i32
      %dma_wait3A_421 = tpu.memref_slice %arg5[%add3A_275, %dma_wait3A_420] : memref<8192x1024xf32, #tpu.memory_space<hbm>> -> memref<16x1024xf32, #tpu.memory_space<hbm>>
      %dma_wait3A_422 = arith.constant 0 : i32
      %dma_wait3A_423 = tpu.memref_slice %arg5[%add3A_275, %dma_wait3A_422] : memref<8192x1024xf32, #tpu.memory_space<hbm>> -> memref<16x1024xf32, #tpu.memory_space<hbm>>
      tpu.wait_dma2 semaphore(%run_scoped3A : memref<!tpu.dma_semaphore, #tpu.memory_space<semaphore_mem>>) src(%arg10 : memref<16x1024xf32, #tpu.memory_space<vmem>>) dst(%dma_wait3A_423 : memref<16x1024xf32, #tpu.memory_space<hbm>>)
      tpu.yield
    }) : () -> ()
    %get3A_276 = arith.constant 0 : i32
    %get3A_277 = arith.index_cast %get3A_276 : i32 to index
    %get3A_278 = arith.constant 176 : index
    %get3A_279 = tpu.vector_load %arg6[%get3A_277, %get3A_278] {strides = array<i32>} : memref<2x256xi32, #tpu.memory_space<vmem>>, vector<1x16xi32>,
    %get3A_280 = vector.shape_cast %get3A_279 : vector<1x16xi32> to vector<16xi32>
    %get3A_281 = arith.constant 1 : i32
    %get3A_282 = arith.index_cast %get3A_281 : i32 to index
    %get3A_283 = arith.constant 176 : index
    %get3A_284 = tpu.vector_load %arg6[%get3A_282, %get3A_283] {strides = array<i32>} : memref<2x256xi32, #tpu.memory_space<vmem>>, vector<1x16xi32>,
    %get3A_285 = vector.shape_cast %get3A_284 : vector<1x16xi32> to vector<16xi32>
    %dma_start3A_286 = arith.constant 0 : i32
    %dma_start3A_287 = arith.constant 0 : i32
    %dma_start3A_288 = tpu.memref_slice %arg2[%dma_start3A_286, %dma_start3A_287] : memref<18432x1024xf32, #tpu.memory_space<hbm>> -> memref<18432x1024xf32, #tpu.memory_space<hbm>>
    tpu.enqueue_indirect_dma source(%dma_start3A_288 : memref<18432x1024xf32, #tpu.memory_space<hbm>>) target(%arg8 : memref<16x1024xf32, #tpu.memory_space<vmem>>) offsets(%get3A_280 : vector<16xi32>) semaphore(%arg12 : memref<!tpu.dma_semaphore, #tpu.memory_space<semaphore_mem>>)
    %dma_start3A_289 = arith.constant 0 : i32
    %dma_start3A_290 = arith.constant 0 : i32
    %dma_start3A_291 = tpu.memref_slice %arg2[%dma_start3A_289, %dma_start3A_290] : memref<18432x1024xf32, #tpu.memory_space<hbm>> -> memref<18432x1024xf32, #tpu.memory_space<hbm>>
    tpu.enqueue_indirect_dma source(%dma_start3A_291 : memref<18432x1024xf32, #tpu.memory_space<hbm>>) target(%arg10 : memref<16x1024xf32, #tpu.memory_space<vmem>>) offsets(%get3A_285 : vector<16xi32>) semaphore(%arg14 : memref<!tpu.dma_semaphore, #tpu.memory_space<semaphore_mem>>)
    %dma_wait3A_292 = arith.constant 0 : i32
    %dma_wait3A_293 = arith.constant 0 : i32
    %dma_wait3A_294 = tpu.memref_slice %arg2[%dma_wait3A_292, %dma_wait3A_293] : memref<18432x1024xf32, #tpu.memory_space<hbm>> -> memref<18432x1024xf32, #tpu.memory_space<hbm>>
    tpu.wait_indirect_dma semaphore(%arg11 : memref<!tpu.dma_semaphore, #tpu.memory_space<semaphore_mem>>) src(%dma_wait3A_294 : memref<18432x1024xf32, #tpu.memory_space<hbm>>) dst(%arg7 : memref<16x1024xf32, #tpu.memory_space<vmem>>)
    %dma_wait3A_295 = arith.constant 0 : i32
    %dma_wait3A_296 = arith.constant 0 : i32
    %dma_wait3A_297 = tpu.memref_slice %arg2[%dma_wait3A_295, %dma_wait3A_296] : memref<18432x1024xf32, #tpu.memory_space<hbm>> -> memref<18432x1024xf32, #tpu.memory_space<hbm>>
    tpu.wait_indirect_dma semaphore(%arg13 : memref<!tpu.dma_semaphore, #tpu.memory_space<semaphore_mem>>) src(%dma_wait3A_297 : memref<18432x1024xf32, #tpu.memory_space<hbm>>) dst(%arg9 : memref<16x1024xf32, #tpu.memory_space<vmem>>)
    %add3A_298 = arith.constant 160 : i32
    %add3A_299 = arith.addi %mul3A_2, %add3A_298 : i32
    "tpu.region"() ({
      %run_scoped3A = tpu.sem_alloc : memref<!tpu.dma_semaphore, #tpu.memory_space<semaphore_mem>>
      %dma_start3A_416 = arith.constant 0 : i32
      %dma_start3A_417 = tpu.memref_slice %arg4[%add3A_299, %dma_start3A_416] : memref<8192x1024xf32, #tpu.memory_space<hbm>> -> memref<16x1024xf32, #tpu.memory_space<hbm>>
      %dma_start3A_418 = arith.constant 0 : i32
      %dma_start3A_419 = tpu.memref_slice %arg4[%add3A_299, %dma_start3A_418] : memref<8192x1024xf32, #tpu.memory_space<hbm>> -> memref<16x1024xf32, #tpu.memory_space<hbm>>
      tpu.enqueue_dma source(%arg7 : memref<16x1024xf32, #tpu.memory_space<vmem>>) target(%dma_start3A_419 : memref<16x1024xf32, #tpu.memory_space<hbm>>) target_semaphore(%run_scoped3A : memref<!tpu.dma_semaphore, #tpu.memory_space<semaphore_mem>>)
      %dma_wait3A_420 = arith.constant 0 : i32
      %dma_wait3A_421 = tpu.memref_slice %arg4[%add3A_299, %dma_wait3A_420] : memref<8192x1024xf32, #tpu.memory_space<hbm>> -> memref<16x1024xf32, #tpu.memory_space<hbm>>
      %dma_wait3A_422 = arith.constant 0 : i32
      %dma_wait3A_423 = tpu.memref_slice %arg4[%add3A_299, %dma_wait3A_422] : memref<8192x1024xf32, #tpu.memory_space<hbm>> -> memref<16x1024xf32, #tpu.memory_space<hbm>>
      tpu.wait_dma2 semaphore(%run_scoped3A : memref<!tpu.dma_semaphore, #tpu.memory_space<semaphore_mem>>) src(%arg7 : memref<16x1024xf32, #tpu.memory_space<vmem>>) dst(%dma_wait3A_423 : memref<16x1024xf32, #tpu.memory_space<hbm>>)
      tpu.yield
    }) : () -> ()
    %add3A_300 = arith.constant 160 : i32
    %add3A_301 = arith.addi %mul3A_2, %add3A_300 : i32
    "tpu.region"() ({
      %run_scoped3A = tpu.sem_alloc : memref<!tpu.dma_semaphore, #tpu.memory_space<semaphore_mem>>
      %dma_start3A_416 = arith.constant 0 : i32
      %dma_start3A_417 = tpu.memref_slice %arg5[%add3A_301, %dma_start3A_416] : memref<8192x1024xf32, #tpu.memory_space<hbm>> -> memref<16x1024xf32, #tpu.memory_space<hbm>>
      %dma_start3A_418 = arith.constant 0 : i32
      %dma_start3A_419 = tpu.memref_slice %arg5[%add3A_301, %dma_start3A_418] : memref<8192x1024xf32, #tpu.memory_space<hbm>> -> memref<16x1024xf32, #tpu.memory_space<hbm>>
      tpu.enqueue_dma source(%arg9 : memref<16x1024xf32, #tpu.memory_space<vmem>>) target(%dma_start3A_419 : memref<16x1024xf32, #tpu.memory_space<hbm>>) target_semaphore(%run_scoped3A : memref<!tpu.dma_semaphore, #tpu.memory_space<semaphore_mem>>)
      %dma_wait3A_420 = arith.constant 0 : i32
      %dma_wait3A_421 = tpu.memref_slice %arg5[%add3A_301, %dma_wait3A_420] : memref<8192x1024xf32, #tpu.memory_space<hbm>> -> memref<16x1024xf32, #tpu.memory_space<hbm>>
      %dma_wait3A_422 = arith.constant 0 : i32
      %dma_wait3A_423 = tpu.memref_slice %arg5[%add3A_301, %dma_wait3A_422] : memref<8192x1024xf32, #tpu.memory_space<hbm>> -> memref<16x1024xf32, #tpu.memory_space<hbm>>
      tpu.wait_dma2 semaphore(%run_scoped3A : memref<!tpu.dma_semaphore, #tpu.memory_space<semaphore_mem>>) src(%arg9 : memref<16x1024xf32, #tpu.memory_space<vmem>>) dst(%dma_wait3A_423 : memref<16x1024xf32, #tpu.memory_space<hbm>>)
      tpu.yield
    }) : () -> ()
    %get3A_302 = arith.constant 0 : i32
    %get3A_303 = arith.index_cast %get3A_302 : i32 to index
    %get3A_304 = arith.constant 192 : index
    %get3A_305 = tpu.vector_load %arg6[%get3A_303, %get3A_304] {strides = array<i32>} : memref<2x256xi32, #tpu.memory_space<vmem>>, vector<1x16xi32>,
    %get3A_306 = vector.shape_cast %get3A_305 : vector<1x16xi32> to vector<16xi32>
    %get3A_307 = arith.constant 1 : i32
    %get3A_308 = arith.index_cast %get3A_307 : i32 to index
    %get3A_309 = arith.constant 192 : index
    %get3A_310 = tpu.vector_load %arg6[%get3A_308, %get3A_309] {strides = array<i32>} : memref<2x256xi32, #tpu.memory_space<vmem>>, vector<1x16xi32>,
    %get3A_311 = vector.shape_cast %get3A_310 : vector<1x16xi32> to vector<16xi32>
    %dma_start3A_312 = arith.constant 0 : i32
    %dma_start3A_313 = arith.constant 0 : i32
    %dma_start3A_314 = tpu.memref_slice %arg2[%dma_start3A_312, %dma_start3A_313] : memref<18432x1024xf32, #tpu.memory_space<hbm>> -> memref<18432x1024xf32, #tpu.memory_space<hbm>>
    tpu.enqueue_indirect_dma source(%dma_start3A_314 : memref<18432x1024xf32, #tpu.memory_space<hbm>>) target(%arg7 : memref<16x1024xf32, #tpu.memory_space<vmem>>) offsets(%get3A_306 : vector<16xi32>) semaphore(%arg11 : memref<!tpu.dma_semaphore, #tpu.memory_space<semaphore_mem>>)
    %dma_start3A_315 = arith.constant 0 : i32
    %dma_start3A_316 = arith.constant 0 : i32
    %dma_start3A_317 = tpu.memref_slice %arg2[%dma_start3A_315, %dma_start3A_316] : memref<18432x1024xf32, #tpu.memory_space<hbm>> -> memref<18432x1024xf32, #tpu.memory_space<hbm>>
    tpu.enqueue_indirect_dma source(%dma_start3A_317 : memref<18432x1024xf32, #tpu.memory_space<hbm>>) target(%arg9 : memref<16x1024xf32, #tpu.memory_space<vmem>>) offsets(%get3A_311 : vector<16xi32>) semaphore(%arg13 : memref<!tpu.dma_semaphore, #tpu.memory_space<semaphore_mem>>)
    %dma_wait3A_318 = arith.constant 0 : i32
    %dma_wait3A_319 = arith.constant 0 : i32
    %dma_wait3A_320 = tpu.memref_slice %arg2[%dma_wait3A_318, %dma_wait3A_319] : memref<18432x1024xf32, #tpu.memory_space<hbm>> -> memref<18432x1024xf32, #tpu.memory_space<hbm>>
    tpu.wait_indirect_dma semaphore(%arg12 : memref<!tpu.dma_semaphore, #tpu.memory_space<semaphore_mem>>) src(%dma_wait3A_320 : memref<18432x1024xf32, #tpu.memory_space<hbm>>) dst(%arg8 : memref<16x1024xf32, #tpu.memory_space<vmem>>)
    %dma_wait3A_321 = arith.constant 0 : i32
    %dma_wait3A_322 = arith.constant 0 : i32
    %dma_wait3A_323 = tpu.memref_slice %arg2[%dma_wait3A_321, %dma_wait3A_322] : memref<18432x1024xf32, #tpu.memory_space<hbm>> -> memref<18432x1024xf32, #tpu.memory_space<hbm>>
    tpu.wait_indirect_dma semaphore(%arg14 : memref<!tpu.dma_semaphore, #tpu.memory_space<semaphore_mem>>) src(%dma_wait3A_323 : memref<18432x1024xf32, #tpu.memory_space<hbm>>) dst(%arg10 : memref<16x1024xf32, #tpu.memory_space<vmem>>)
    %add3A_324 = arith.constant 176 : i32
    %add3A_325 = arith.addi %mul3A_2, %add3A_324 : i32
    "tpu.region"() ({
      %run_scoped3A = tpu.sem_alloc : memref<!tpu.dma_semaphore, #tpu.memory_space<semaphore_mem>>
      %dma_start3A_416 = arith.constant 0 : i32
      %dma_start3A_417 = tpu.memref_slice %arg4[%add3A_325, %dma_start3A_416] : memref<8192x1024xf32, #tpu.memory_space<hbm>> -> memref<16x1024xf32, #tpu.memory_space<hbm>>
      %dma_start3A_418 = arith.constant 0 : i32
      %dma_start3A_419 = tpu.memref_slice %arg4[%add3A_325, %dma_start3A_418] : memref<8192x1024xf32, #tpu.memory_space<hbm>> -> memref<16x1024xf32, #tpu.memory_space<hbm>>
      tpu.enqueue_dma source(%arg8 : memref<16x1024xf32, #tpu.memory_space<vmem>>) target(%dma_start3A_419 : memref<16x1024xf32, #tpu.memory_space<hbm>>) target_semaphore(%run_scoped3A : memref<!tpu.dma_semaphore, #tpu.memory_space<semaphore_mem>>)
      %dma_wait3A_420 = arith.constant 0 : i32
      %dma_wait3A_421 = tpu.memref_slice %arg4[%add3A_325, %dma_wait3A_420] : memref<8192x1024xf32, #tpu.memory_space<hbm>> -> memref<16x1024xf32, #tpu.memory_space<hbm>>
      %dma_wait3A_422 = arith.constant 0 : i32
      %dma_wait3A_423 = tpu.memref_slice %arg4[%add3A_325, %dma_wait3A_422] : memref<8192x1024xf32, #tpu.memory_space<hbm>> -> memref<16x1024xf32, #tpu.memory_space<hbm>>
      tpu.wait_dma2 semaphore(%run_scoped3A : memref<!tpu.dma_semaphore, #tpu.memory_space<semaphore_mem>>) src(%arg8 : memref<16x1024xf32, #tpu.memory_space<vmem>>) dst(%dma_wait3A_423 : memref<16x1024xf32, #tpu.memory_space<hbm>>)
      tpu.yield
    }) : () -> ()
    %add3A_326 = arith.constant 176 : i32
    %add3A_327 = arith.addi %mul3A_2, %add3A_326 : i32
    "tpu.region"() ({
      %run_scoped3A = tpu.sem_alloc : memref<!tpu.dma_semaphore, #tpu.memory_space<semaphore_mem>>
      %dma_start3A_416 = arith.constant 0 : i32
      %dma_start3A_417 = tpu.memref_slice %arg5[%add3A_327, %dma_start3A_416] : memref<8192x1024xf32, #tpu.memory_space<hbm>> -> memref<16x1024xf32, #tpu.memory_space<hbm>>
      %dma_start3A_418 = arith.constant 0 : i32
      %dma_start3A_419 = tpu.memref_slice %arg5[%add3A_327, %dma_start3A_418] : memref<8192x1024xf32, #tpu.memory_space<hbm>> -> memref<16x1024xf32, #tpu.memory_space<hbm>>
      tpu.enqueue_dma source(%arg10 : memref<16x1024xf32, #tpu.memory_space<vmem>>) target(%dma_start3A_419 : memref<16x1024xf32, #tpu.memory_space<hbm>>) target_semaphore(%run_scoped3A : memref<!tpu.dma_semaphore, #tpu.memory_space<semaphore_mem>>)
      %dma_wait3A_420 = arith.constant 0 : i32
      %dma_wait3A_421 = tpu.memref_slice %arg5[%add3A_327, %dma_wait3A_420] : memref<8192x1024xf32, #tpu.memory_space<hbm>> -> memref<16x1024xf32, #tpu.memory_space<hbm>>
      %dma_wait3A_422 = arith.constant 0 : i32
      %dma_wait3A_423 = tpu.memref_slice %arg5[%add3A_327, %dma_wait3A_422] : memref<8192x1024xf32, #tpu.memory_space<hbm>> -> memref<16x1024xf32, #tpu.memory_space<hbm>>
      tpu.wait_dma2 semaphore(%run_scoped3A : memref<!tpu.dma_semaphore, #tpu.memory_space<semaphore_mem>>) src(%arg10 : memref<16x1024xf32, #tpu.memory_space<vmem>>) dst(%dma_wait3A_423 : memref<16x1024xf32, #tpu.memory_space<hbm>>)
      tpu.yield
    }) : () -> ()
    %get3A_328 = arith.constant 0 : i32
    %get3A_329 = arith.index_cast %get3A_328 : i32 to index
    %get3A_330 = arith.constant 208 : index
    %get3A_331 = tpu.vector_load %arg6[%get3A_329, %get3A_330] {strides = array<i32>} : memref<2x256xi32, #tpu.memory_space<vmem>>, vector<1x16xi32>,
    %get3A_332 = vector.shape_cast %get3A_331 : vector<1x16xi32> to vector<16xi32>
    %get3A_333 = arith.constant 1 : i32
    %get3A_334 = arith.index_cast %get3A_333 : i32 to index
    %get3A_335 = arith.constant 208 : index
    %get3A_336 = tpu.vector_load %arg6[%get3A_334, %get3A_335] {strides = array<i32>} : memref<2x256xi32, #tpu.memory_space<vmem>>, vector<1x16xi32>,
    %get3A_337 = vector.shape_cast %get3A_336 : vector<1x16xi32> to vector<16xi32>
    %dma_start3A_338 = arith.constant 0 : i32
    %dma_start3A_339 = arith.constant 0 : i32
    %dma_start3A_340 = tpu.memref_slice %arg2[%dma_start3A_338, %dma_start3A_339] : memref<18432x1024xf32, #tpu.memory_space<hbm>> -> memref<18432x1024xf32, #tpu.memory_space<hbm>>
    tpu.enqueue_indirect_dma source(%dma_start3A_340 : memref<18432x1024xf32, #tpu.memory_space<hbm>>) target(%arg8 : memref<16x1024xf32, #tpu.memory_space<vmem>>) offsets(%get3A_332 : vector<16xi32>) semaphore(%arg12 : memref<!tpu.dma_semaphore, #tpu.memory_space<semaphore_mem>>)
    %dma_start3A_341 = arith.constant 0 : i32
    %dma_start3A_342 = arith.constant 0 : i32
    %dma_start3A_343 = tpu.memref_slice %arg2[%dma_start3A_341, %dma_start3A_342] : memref<18432x1024xf32, #tpu.memory_space<hbm>> -> memref<18432x1024xf32, #tpu.memory_space<hbm>>
    tpu.enqueue_indirect_dma source(%dma_start3A_343 : memref<18432x1024xf32, #tpu.memory_space<hbm>>) target(%arg10 : memref<16x1024xf32, #tpu.memory_space<vmem>>) offsets(%get3A_337 : vector<16xi32>) semaphore(%arg14 : memref<!tpu.dma_semaphore, #tpu.memory_space<semaphore_mem>>)
    %dma_wait3A_344 = arith.constant 0 : i32
    %dma_wait3A_345 = arith.constant 0 : i32
    %dma_wait3A_346 = tpu.memref_slice %arg2[%dma_wait3A_344, %dma_wait3A_345] : memref<18432x1024xf32, #tpu.memory_space<hbm>> -> memref<18432x1024xf32, #tpu.memory_space<hbm>>
    tpu.wait_indirect_dma semaphore(%arg11 : memref<!tpu.dma_semaphore, #tpu.memory_space<semaphore_mem>>) src(%dma_wait3A_346 : memref<18432x1024xf32, #tpu.memory_space<hbm>>) dst(%arg7 : memref<16x1024xf32, #tpu.memory_space<vmem>>)
    %dma_wait3A_347 = arith.constant 0 : i32
    %dma_wait3A_348 = arith.constant 0 : i32
    %dma_wait3A_349 = tpu.memref_slice %arg2[%dma_wait3A_347, %dma_wait3A_348] : memref<18432x1024xf32, #tpu.memory_space<hbm>> -> memref<18432x1024xf32, #tpu.memory_space<hbm>>
    tpu.wait_indirect_dma semaphore(%arg13 : memref<!tpu.dma_semaphore, #tpu.memory_space<semaphore_mem>>) src(%dma_wait3A_349 : memref<18432x1024xf32, #tpu.memory_space<hbm>>) dst(%arg9 : memref<16x1024xf32, #tpu.memory_space<vmem>>)
    %add3A_350 = arith.constant 192 : i32
    %add3A_351 = arith.addi %mul3A_2, %add3A_350 : i32
    "tpu.region"() ({
      %run_scoped3A = tpu.sem_alloc : memref<!tpu.dma_semaphore, #tpu.memory_space<semaphore_mem>>
      %dma_start3A_416 = arith.constant 0 : i32
      %dma_start3A_417 = tpu.memref_slice %arg4[%add3A_351, %dma_start3A_416] : memref<8192x1024xf32, #tpu.memory_space<hbm>> -> memref<16x1024xf32, #tpu.memory_space<hbm>>
      %dma_start3A_418 = arith.constant 0 : i32
      %dma_start3A_419 = tpu.memref_slice %arg4[%add3A_351, %dma_start3A_418] : memref<8192x1024xf32, #tpu.memory_space<hbm>> -> memref<16x1024xf32, #tpu.memory_space<hbm>>
      tpu.enqueue_dma source(%arg7 : memref<16x1024xf32, #tpu.memory_space<vmem>>) target(%dma_start3A_419 : memref<16x1024xf32, #tpu.memory_space<hbm>>) target_semaphore(%run_scoped3A : memref<!tpu.dma_semaphore, #tpu.memory_space<semaphore_mem>>)
      %dma_wait3A_420 = arith.constant 0 : i32
      %dma_wait3A_421 = tpu.memref_slice %arg4[%add3A_351, %dma_wait3A_420] : memref<8192x1024xf32, #tpu.memory_space<hbm>> -> memref<16x1024xf32, #tpu.memory_space<hbm>>
      %dma_wait3A_422 = arith.constant 0 : i32
      %dma_wait3A_423 = tpu.memref_slice %arg4[%add3A_351, %dma_wait3A_422] : memref<8192x1024xf32, #tpu.memory_space<hbm>> -> memref<16x1024xf32, #tpu.memory_space<hbm>>
      tpu.wait_dma2 semaphore(%run_scoped3A : memref<!tpu.dma_semaphore, #tpu.memory_space<semaphore_mem>>) src(%arg7 : memref<16x1024xf32, #tpu.memory_space<vmem>>) dst(%dma_wait3A_423 : memref<16x1024xf32, #tpu.memory_space<hbm>>)
      tpu.yield
    }) : () -> ()
    %add3A_352 = arith.constant 192 : i32
    %add3A_353 = arith.addi %mul3A_2, %add3A_352 : i32
    "tpu.region"() ({
      %run_scoped3A = tpu.sem_alloc : memref<!tpu.dma_semaphore, #tpu.memory_space<semaphore_mem>>
      %dma_start3A_416 = arith.constant 0 : i32
      %dma_start3A_417 = tpu.memref_slice %arg5[%add3A_353, %dma_start3A_416] : memref<8192x1024xf32, #tpu.memory_space<hbm>> -> memref<16x1024xf32, #tpu.memory_space<hbm>>
      %dma_start3A_418 = arith.constant 0 : i32
      %dma_start3A_419 = tpu.memref_slice %arg5[%add3A_353, %dma_start3A_418] : memref<8192x1024xf32, #tpu.memory_space<hbm>> -> memref<16x1024xf32, #tpu.memory_space<hbm>>
      tpu.enqueue_dma source(%arg9 : memref<16x1024xf32, #tpu.memory_space<vmem>>) target(%dma_start3A_419 : memref<16x1024xf32, #tpu.memory_space<hbm>>) target_semaphore(%run_scoped3A : memref<!tpu.dma_semaphore, #tpu.memory_space<semaphore_mem>>)
      %dma_wait3A_420 = arith.constant 0 : i32
      %dma_wait3A_421 = tpu.memref_slice %arg5[%add3A_353, %dma_wait3A_420] : memref<8192x1024xf32, #tpu.memory_space<hbm>> -> memref<16x1024xf32, #tpu.memory_space<hbm>>
      %dma_wait3A_422 = arith.constant 0 : i32
      %dma_wait3A_423 = tpu.memref_slice %arg5[%add3A_353, %dma_wait3A_422] : memref<8192x1024xf32, #tpu.memory_space<hbm>> -> memref<16x1024xf32, #tpu.memory_space<hbm>>
      tpu.wait_dma2 semaphore(%run_scoped3A : memref<!tpu.dma_semaphore, #tpu.memory_space<semaphore_mem>>) src(%arg9 : memref<16x1024xf32, #tpu.memory_space<vmem>>) dst(%dma_wait3A_423 : memref<16x1024xf32, #tpu.memory_space<hbm>>)
      tpu.yield
    }) : () -> ()
    %get3A_354 = arith.constant 0 : i32
    %get3A_355 = arith.index_cast %get3A_354 : i32 to index
    %get3A_356 = arith.constant 224 : index
    %get3A_357 = tpu.vector_load %arg6[%get3A_355, %get3A_356] {strides = array<i32>} : memref<2x256xi32, #tpu.memory_space<vmem>>, vector<1x16xi32>,
    %get3A_358 = vector.shape_cast %get3A_357 : vector<1x16xi32> to vector<16xi32>
    %get3A_359 = arith.constant 1 : i32
    %get3A_360 = arith.index_cast %get3A_359 : i32 to index
    %get3A_361 = arith.constant 224 : index
    %get3A_362 = tpu.vector_load %arg6[%get3A_360, %get3A_361] {strides = array<i32>} : memref<2x256xi32, #tpu.memory_space<vmem>>, vector<1x16xi32>,
    %get3A_363 = vector.shape_cast %get3A_362 : vector<1x16xi32> to vector<16xi32>
    %dma_start3A_364 = arith.constant 0 : i32
    %dma_start3A_365 = arith.constant 0 : i32
    %dma_start3A_366 = tpu.memref_slice %arg2[%dma_start3A_364, %dma_start3A_365] : memref<18432x1024xf32, #tpu.memory_space<hbm>> -> memref<18432x1024xf32, #tpu.memory_space<hbm>>
    tpu.enqueue_indirect_dma source(%dma_start3A_366 : memref<18432x1024xf32, #tpu.memory_space<hbm>>) target(%arg7 : memref<16x1024xf32, #tpu.memory_space<vmem>>) offsets(%get3A_358 : vector<16xi32>) semaphore(%arg11 : memref<!tpu.dma_semaphore, #tpu.memory_space<semaphore_mem>>)
    %dma_start3A_367 = arith.constant 0 : i32
    %dma_start3A_368 = arith.constant 0 : i32
    %dma_start3A_369 = tpu.memref_slice %arg2[%dma_start3A_367, %dma_start3A_368] : memref<18432x1024xf32, #tpu.memory_space<hbm>> -> memref<18432x1024xf32, #tpu.memory_space<hbm>>
    tpu.enqueue_indirect_dma source(%dma_start3A_369 : memref<18432x1024xf32, #tpu.memory_space<hbm>>) target(%arg9 : memref<16x1024xf32, #tpu.memory_space<vmem>>) offsets(%get3A_363 : vector<16xi32>) semaphore(%arg13 : memref<!tpu.dma_semaphore, #tpu.memory_space<semaphore_mem>>)
    %dma_wait3A_370 = arith.constant 0 : i32
    %dma_wait3A_371 = arith.constant 0 : i32
    %dma_wait3A_372 = tpu.memref_slice %arg2[%dma_wait3A_370, %dma_wait3A_371] : memref<18432x1024xf32, #tpu.memory_space<hbm>> -> memref<18432x1024xf32, #tpu.memory_space<hbm>>
    tpu.wait_indirect_dma semaphore(%arg12 : memref<!tpu.dma_semaphore, #tpu.memory_space<semaphore_mem>>) src(%dma_wait3A_372 : memref<18432x1024xf32, #tpu.memory_space<hbm>>) dst(%arg8 : memref<16x1024xf32, #tpu.memory_space<vmem>>)
    %dma_wait3A_373 = arith.constant 0 : i32
    %dma_wait3A_374 = arith.constant 0 : i32
    %dma_wait3A_375 = tpu.memref_slice %arg2[%dma_wait3A_373, %dma_wait3A_374] : memref<18432x1024xf32, #tpu.memory_space<hbm>> -> memref<18432x1024xf32, #tpu.memory_space<hbm>>
    tpu.wait_indirect_dma semaphore(%arg14 : memref<!tpu.dma_semaphore, #tpu.memory_space<semaphore_mem>>) src(%dma_wait3A_375 : memref<18432x1024xf32, #tpu.memory_space<hbm>>) dst(%arg10 : memref<16x1024xf32, #tpu.memory_space<vmem>>)
    %add3A_376 = arith.constant 208 : i32
    %add3A_377 = arith.addi %mul3A_2, %add3A_376 : i32
    "tpu.region"() ({
      %run_scoped3A = tpu.sem_alloc : memref<!tpu.dma_semaphore, #tpu.memory_space<semaphore_mem>>
      %dma_start3A_416 = arith.constant 0 : i32
      %dma_start3A_417 = tpu.memref_slice %arg4[%add3A_377, %dma_start3A_416] : memref<8192x1024xf32, #tpu.memory_space<hbm>> -> memref<16x1024xf32, #tpu.memory_space<hbm>>
      %dma_start3A_418 = arith.constant 0 : i32
      %dma_start3A_419 = tpu.memref_slice %arg4[%add3A_377, %dma_start3A_418] : memref<8192x1024xf32, #tpu.memory_space<hbm>> -> memref<16x1024xf32, #tpu.memory_space<hbm>>
      tpu.enqueue_dma source(%arg8 : memref<16x1024xf32, #tpu.memory_space<vmem>>) target(%dma_start3A_419 : memref<16x1024xf32, #tpu.memory_space<hbm>>) target_semaphore(%run_scoped3A : memref<!tpu.dma_semaphore, #tpu.memory_space<semaphore_mem>>)
      %dma_wait3A_420 = arith.constant 0 : i32
      %dma_wait3A_421 = tpu.memref_slice %arg4[%add3A_377, %dma_wait3A_420] : memref<8192x1024xf32, #tpu.memory_space<hbm>> -> memref<16x1024xf32, #tpu.memory_space<hbm>>
      %dma_wait3A_422 = arith.constant 0 : i32
      %dma_wait3A_423 = tpu.memref_slice %arg4[%add3A_377, %dma_wait3A_422] : memref<8192x1024xf32, #tpu.memory_space<hbm>> -> memref<16x1024xf32, #tpu.memory_space<hbm>>
      tpu.wait_dma2 semaphore(%run_scoped3A : memref<!tpu.dma_semaphore, #tpu.memory_space<semaphore_mem>>) src(%arg8 : memref<16x1024xf32, #tpu.memory_space<vmem>>) dst(%dma_wait3A_423 : memref<16x1024xf32, #tpu.memory_space<hbm>>)
      tpu.yield
    }) : () -> ()
    %add3A_378 = arith.constant 208 : i32
    %add3A_379 = arith.addi %mul3A_2, %add3A_378 : i32
    "tpu.region"() ({
      %run_scoped3A = tpu.sem_alloc : memref<!tpu.dma_semaphore, #tpu.memory_space<semaphore_mem>>
      %dma_start3A_416 = arith.constant 0 : i32
      %dma_start3A_417 = tpu.memref_slice %arg5[%add3A_379, %dma_start3A_416] : memref<8192x1024xf32, #tpu.memory_space<hbm>> -> memref<16x1024xf32, #tpu.memory_space<hbm>>
      %dma_start3A_418 = arith.constant 0 : i32
      %dma_start3A_419 = tpu.memref_slice %arg5[%add3A_379, %dma_start3A_418] : memref<8192x1024xf32, #tpu.memory_space<hbm>> -> memref<16x1024xf32, #tpu.memory_space<hbm>>
      tpu.enqueue_dma source(%arg10 : memref<16x1024xf32, #tpu.memory_space<vmem>>) target(%dma_start3A_419 : memref<16x1024xf32, #tpu.memory_space<hbm>>) target_semaphore(%run_scoped3A : memref<!tpu.dma_semaphore, #tpu.memory_space<semaphore_mem>>)
      %dma_wait3A_420 = arith.constant 0 : i32
      %dma_wait3A_421 = tpu.memref_slice %arg5[%add3A_379, %dma_wait3A_420] : memref<8192x1024xf32, #tpu.memory_space<hbm>> -> memref<16x1024xf32, #tpu.memory_space<hbm>>
      %dma_wait3A_422 = arith.constant 0 : i32
      %dma_wait3A_423 = tpu.memref_slice %arg5[%add3A_379, %dma_wait3A_422] : memref<8192x1024xf32, #tpu.memory_space<hbm>> -> memref<16x1024xf32, #tpu.memory_space<hbm>>
      tpu.wait_dma2 semaphore(%run_scoped3A : memref<!tpu.dma_semaphore, #tpu.memory_space<semaphore_mem>>) src(%arg10 : memref<16x1024xf32, #tpu.memory_space<vmem>>) dst(%dma_wait3A_423 : memref<16x1024xf32, #tpu.memory_space<hbm>>)
      tpu.yield
    }) : () -> ()
    %get3A_380 = arith.constant 0 : i32
    %get3A_381 = arith.index_cast %get3A_380 : i32 to index
    %get3A_382 = arith.constant 240 : index
    %get3A_383 = tpu.vector_load %arg6[%get3A_381, %get3A_382] {strides = array<i32>} : memref<2x256xi32, #tpu.memory_space<vmem>>, vector<1x16xi32>,
    %get3A_384 = vector.shape_cast %get3A_383 : vector<1x16xi32> to vector<16xi32>
    %get3A_385 = arith.constant 1 : i32
    %get3A_386 = arith.index_cast %get3A_385 : i32 to index
    %get3A_387 = arith.constant 240 : index
    %get3A_388 = tpu.vector_load %arg6[%get3A_386, %get3A_387] {strides = array<i32>} : memref<2x256xi32, #tpu.memory_space<vmem>>, vector<1x16xi32>,
    %get3A_389 = vector.shape_cast %get3A_388 : vector<1x16xi32> to vector<16xi32>
    %dma_start3A_390 = arith.constant 0 : i32
    %dma_start3A_391 = arith.constant 0 : i32
    %dma_start3A_392 = tpu.memref_slice %arg2[%dma_start3A_390, %dma_start3A_391] : memref<18432x1024xf32, #tpu.memory_space<hbm>> -> memref<18432x1024xf32, #tpu.memory_space<hbm>>
    tpu.enqueue_indirect_dma source(%dma_start3A_392 : memref<18432x1024xf32, #tpu.memory_space<hbm>>) target(%arg8 : memref<16x1024xf32, #tpu.memory_space<vmem>>) offsets(%get3A_384 : vector<16xi32>) semaphore(%arg12 : memref<!tpu.dma_semaphore, #tpu.memory_space<semaphore_mem>>)
    %dma_start3A_393 = arith.constant 0 : i32
    %dma_start3A_394 = arith.constant 0 : i32
    %dma_start3A_395 = tpu.memref_slice %arg2[%dma_start3A_393, %dma_start3A_394] : memref<18432x1024xf32, #tpu.memory_space<hbm>> -> memref<18432x1024xf32, #tpu.memory_space<hbm>>
    tpu.enqueue_indirect_dma source(%dma_start3A_395 : memref<18432x1024xf32, #tpu.memory_space<hbm>>) target(%arg10 : memref<16x1024xf32, #tpu.memory_space<vmem>>) offsets(%get3A_389 : vector<16xi32>) semaphore(%arg14 : memref<!tpu.dma_semaphore, #tpu.memory_space<semaphore_mem>>)
    %dma_wait3A_396 = arith.constant 0 : i32
    %dma_wait3A_397 = arith.constant 0 : i32
    %dma_wait3A_398 = tpu.memref_slice %arg2[%dma_wait3A_396, %dma_wait3A_397] : memref<18432x1024xf32, #tpu.memory_space<hbm>> -> memref<18432x1024xf32, #tpu.memory_space<hbm>>
    tpu.wait_indirect_dma semaphore(%arg11 : memref<!tpu.dma_semaphore, #tpu.memory_space<semaphore_mem>>) src(%dma_wait3A_398 : memref<18432x1024xf32, #tpu.memory_space<hbm>>) dst(%arg7 : memref<16x1024xf32, #tpu.memory_space<vmem>>)
    %dma_wait3A_399 = arith.constant 0 : i32
    %dma_wait3A_400 = arith.constant 0 : i32
    %dma_wait3A_401 = tpu.memref_slice %arg2[%dma_wait3A_399, %dma_wait3A_400] : memref<18432x1024xf32, #tpu.memory_space<hbm>> -> memref<18432x1024xf32, #tpu.memory_space<hbm>>
    tpu.wait_indirect_dma semaphore(%arg13 : memref<!tpu.dma_semaphore, #tpu.memory_space<semaphore_mem>>) src(%dma_wait3A_401 : memref<18432x1024xf32, #tpu.memory_space<hbm>>) dst(%arg9 : memref<16x1024xf32, #tpu.memory_space<vmem>>)
    %add3A_402 = arith.constant 224 : i32
    %add3A_403 = arith.addi %mul3A_2, %add3A_402 : i32
    "tpu.region"() ({
      %run_scoped3A = tpu.sem_alloc : memref<!tpu.dma_semaphore, #tpu.memory_space<semaphore_mem>>
      %dma_start3A_416 = arith.constant 0 : i32
      %dma_start3A_417 = tpu.memref_slice %arg4[%add3A_403, %dma_start3A_416] : memref<8192x1024xf32, #tpu.memory_space<hbm>> -> memref<16x1024xf32, #tpu.memory_space<hbm>>
      %dma_start3A_418 = arith.constant 0 : i32
      %dma_start3A_419 = tpu.memref_slice %arg4[%add3A_403, %dma_start3A_418] : memref<8192x1024xf32, #tpu.memory_space<hbm>> -> memref<16x1024xf32, #tpu.memory_space<hbm>>
      tpu.enqueue_dma source(%arg7 : memref<16x1024xf32, #tpu.memory_space<vmem>>) target(%dma_start3A_419 : memref<16x1024xf32, #tpu.memory_space<hbm>>) target_semaphore(%run_scoped3A : memref<!tpu.dma_semaphore, #tpu.memory_space<semaphore_mem>>)
      %dma_wait3A_420 = arith.constant 0 : i32
      %dma_wait3A_421 = tpu.memref_slice %arg4[%add3A_403, %dma_wait3A_420] : memref<8192x1024xf32, #tpu.memory_space<hbm>> -> memref<16x1024xf32, #tpu.memory_space<hbm>>
      %dma_wait3A_422 = arith.constant 0 : i32
      %dma_wait3A_423 = tpu.memref_slice %arg4[%add3A_403, %dma_wait3A_422] : memref<8192x1024xf32, #tpu.memory_space<hbm>> -> memref<16x1024xf32, #tpu.memory_space<hbm>>
      tpu.wait_dma2 semaphore(%run_scoped3A : memref<!tpu.dma_semaphore, #tpu.memory_space<semaphore_mem>>) src(%arg7 : memref<16x1024xf32, #tpu.memory_space<vmem>>) dst(%dma_wait3A_423 : memref<16x1024xf32, #tpu.memory_space<hbm>>)
      tpu.yield
    }) : () -> ()
    %add3A_404 = arith.constant 224 : i32
    %add3A_405 = arith.addi %mul3A_2, %add3A_404 : i32
    "tpu.region"() ({
      %run_scoped3A = tpu.sem_alloc : memref<!tpu.dma_semaphore, #tpu.memory_space<semaphore_mem>>
      %dma_start3A_416 = arith.constant 0 : i32
      %dma_start3A_417 = tpu.memref_slice %arg5[%add3A_405, %dma_start3A_416] : memref<8192x1024xf32, #tpu.memory_space<hbm>> -> memref<16x1024xf32, #tpu.memory_space<hbm>>
      %dma_start3A_418 = arith.constant 0 : i32
      %dma_start3A_419 = tpu.memref_slice %arg5[%add3A_405, %dma_start3A_418] : memref<8192x1024xf32, #tpu.memory_space<hbm>> -> memref<16x1024xf32, #tpu.memory_space<hbm>>
      tpu.enqueue_dma source(%arg9 : memref<16x1024xf32, #tpu.memory_space<vmem>>) target(%dma_start3A_419 : memref<16x1024xf32, #tpu.memory_space<hbm>>) target_semaphore(%run_scoped3A : memref<!tpu.dma_semaphore, #tpu.memory_space<semaphore_mem>>)
      %dma_wait3A_420 = arith.constant 0 : i32
      %dma_wait3A_421 = tpu.memref_slice %arg5[%add3A_405, %dma_wait3A_420] : memref<8192x1024xf32, #tpu.memory_space<hbm>> -> memref<16x1024xf32, #tpu.memory_space<hbm>>
      %dma_wait3A_422 = arith.constant 0 : i32
      %dma_wait3A_423 = tpu.memref_slice %arg5[%add3A_405, %dma_wait3A_422] : memref<8192x1024xf32, #tpu.memory_space<hbm>> -> memref<16x1024xf32, #tpu.memory_space<hbm>>
      tpu.wait_dma2 semaphore(%run_scoped3A : memref<!tpu.dma_semaphore, #tpu.memory_space<semaphore_mem>>) src(%arg9 : memref<16x1024xf32, #tpu.memory_space<vmem>>) dst(%dma_wait3A_423 : memref<16x1024xf32, #tpu.memory_space<hbm>>)
      tpu.yield
    }) : () -> ()
    %dma_wait3A_406 = arith.constant 0 : i32
    %dma_wait3A_407 = arith.constant 0 : i32
    %dma_wait3A_408 = tpu.memref_slice %arg2[%dma_wait3A_406, %dma_wait3A_407] : memref<18432x1024xf32, #tpu.memory_space<hbm>> -> memref<18432x1024xf32, #tpu.memory_space<hbm>>
    tpu.wait_indirect_dma semaphore(%arg12 : memref<!tpu.dma_semaphore, #tpu.memory_space<semaphore_mem>>) src(%dma_wait3A_408 : memref<18432x1024xf32, #tpu.memory_space<hbm>>) dst(%arg8 : memref<16x1024xf32, #tpu.memory_space<vmem>>)
    %dma_wait3A_409 = arith.constant 0 : i32
    %dma_wait3A_410 = arith.constant 0 : i32
    %dma_wait3A_411 = tpu.memref_slice %arg2[%dma_wait3A_409, %dma_wait3A_410] : memref<18432x1024xf32, #tpu.memory_space<hbm>> -> memref<18432x1024xf32, #tpu.memory_space<hbm>>
    tpu.wait_indirect_dma semaphore(%arg14 : memref<!tpu.dma_semaphore, #tpu.memory_space<semaphore_mem>>) src(%dma_wait3A_411 : memref<18432x1024xf32, #tpu.memory_space<hbm>>) dst(%arg10 : memref<16x1024xf32, #tpu.memory_space<vmem>>)
    %add3A_412 = arith.constant 240 : i32
    %add3A_413 = arith.addi %mul3A_2, %add3A_412 : i32
    "tpu.region"() ({
      %run_scoped3A = tpu.sem_alloc : memref<!tpu.dma_semaphore, #tpu.memory_space<semaphore_mem>>
      %dma_start3A_416 = arith.constant 0 : i32
      %dma_start3A_417 = tpu.memref_slice %arg4[%add3A_413, %dma_start3A_416] : memref<8192x1024xf32, #tpu.memory_space<hbm>> -> memref<16x1024xf32, #tpu.memory_space<hbm>>
      %dma_start3A_418 = arith.constant 0 : i32
      %dma_start3A_419 = tpu.memref_slice %arg4[%add3A_413, %dma_start3A_418] : memref<8192x1024xf32, #tpu.memory_space<hbm>> -> memref<16x1024xf32, #tpu.memory_space<hbm>>
      tpu.enqueue_dma source(%arg8 : memref<16x1024xf32, #tpu.memory_space<vmem>>) target(%dma_start3A_419 : memref<16x1024xf32, #tpu.memory_space<hbm>>) target_semaphore(%run_scoped3A : memref<!tpu.dma_semaphore, #tpu.memory_space<semaphore_mem>>)
      %dma_wait3A_420 = arith.constant 0 : i32
      %dma_wait3A_421 = tpu.memref_slice %arg4[%add3A_413, %dma_wait3A_420] : memref<8192x1024xf32, #tpu.memory_space<hbm>> -> memref<16x1024xf32, #tpu.memory_space<hbm>>
      %dma_wait3A_422 = arith.constant 0 : i32
      %dma_wait3A_423 = tpu.memref_slice %arg4[%add3A_413, %dma_wait3A_422] : memref<8192x1024xf32, #tpu.memory_space<hbm>> -> memref<16x1024xf32, #tpu.memory_space<hbm>>
      tpu.wait_dma2 semaphore(%run_scoped3A : memref<!tpu.dma_semaphore, #tpu.memory_space<semaphore_mem>>) src(%arg8 : memref<16x1024xf32, #tpu.memory_space<vmem>>) dst(%dma_wait3A_423 : memref<16x1024xf32, #tpu.memory_space<hbm>>)
      tpu.yield
    }) : () -> ()
    %add3A_414 = arith.constant 240 : i32
    %add3A_415 = arith.addi %mul3A_2, %add3A_414 : i32
    "tpu.region"() ({
      %run_scoped3A = tpu.sem_alloc : memref<!tpu.dma_semaphore, #tpu.memory_space<semaphore_mem>>
      %dma_start3A_416 = arith.constant 0 : i32
      %dma_start3A_417 = tpu.memref_slice %arg5[%add3A_415, %dma_start3A_416] : memref<8192x1024xf32, #tpu.memory_space<hbm>> -> memref<16x1024xf32, #tpu.memory_space<hbm>>
      %dma_start3A_418 = arith.constant 0 : i32
      %dma_start3A_419 = tpu.memref_slice %arg5[%add3A_415, %dma_start3A_418] : memref<8192x1024xf32, #tpu.memory_space<hbm>> -> memref<16x1024xf32, #tpu.memory_space<hbm>>
      tpu.enqueue_dma source(%arg10 : memref<16x1024xf32, #tpu.memory_space<vmem>>) target(%dma_start3A_419 : memref<16x1024xf32, #tpu.memory_space<hbm>>) target_semaphore(%run_scoped3A : memref<!tpu.dma_semaphore, #tpu.memory_space<semaphore_mem>>)
      %dma_wait3A_420 = arith.constant 0 : i32
      %dma_wait3A_421 = tpu.memref_slice %arg5[%add3A_415, %dma_wait3A_420] : memref<8192x1024xf32, #tpu.memory_space<hbm>> -> memref<16x1024xf32, #tpu.memory_space<hbm>>
      %dma_wait3A_422 = arith.constant 0 : i32
      %dma_wait3A_423 = tpu.memref_slice %arg5[%add3A_415, %dma_wait3A_422] : memref<8192x1024xf32, #tpu.memory_space<hbm>> -> memref<16x1024xf32, #tpu.memory_space<hbm>>
      tpu.wait_dma2 semaphore(%run_scoped3A : memref<!tpu.dma_semaphore, #tpu.memory_space<semaphore_mem>>) src(%arg10 : memref<16x1024xf32, #tpu.memory_space<vmem>>) dst(%dma_wait3A_423 : memref<16x1024xf32, #tpu.memory_space<hbm>>)
      tpu.yield
    }) : () -> ()
    return
  }
}

module attributes {stable_mosaic.version = 14 : i64} {
  func.func @_router_body(%arg0: i32, %arg1: memref<1024x1024xf32, #tpu.memory_space<vmem>>, %arg2: memref<1024x8xf32, #tpu.memory_space<vmem>>, %arg3: memref<1024x1xf32, #tpu.memory_space<vmem>>, %arg4: memref<1024x1xf32, #tpu.memory_space<vmem>>, %arg5: memref<1024x1xf32, #tpu.memory_space<vmem>>, %arg6: memref<1024x1xf32, #tpu.memory_space<vmem>>) attributes {dimension_semantics = [#tpu.dimension_semantics<parallel>], iteration_bounds = array<i64: 8>, scalar_prefetch = 0 : i64, scratch_operands = 0 : i64, tpu.core_type = #tpu.core_type<tc>, window_params = [{transform_indices = @transform_0, window_bounds = array<i64: 1024, 1024>}, {pipeline_mode = #tpu.pipeline_mode<synchronous>, transform_indices = @transform_1, window_bounds = array<i64: 1024, 8>}, {transform_indices = @transform_2, window_bounds = array<i64: 1024, 1>}, {transform_indices = @transform_3, window_bounds = array<i64: 1024, 1>}, {transform_indices = @transform_4, window_bounds = array<i64: 1024, 1>}, {transform_indices = @transform_5, window_bounds = array<i64: 1024, 1>}]} {
    %get3A = arith.constant 0 : index
    %get3A_0 = arith.constant 0 : index
    %get3A_1 = vector.load %arg1[%get3A, %get3A_0] : memref<1024x1024xf32, #tpu.memory_space<vmem>>, vector<1024x1024xf32>
    %get3A_2 = arith.constant 0 : index
    %get3A_3 = arith.constant 0 : index
    %get3A_4 = vector.load %arg2[%get3A_2, %get3A_3] : memref<1024x8xf32, #tpu.memory_space<vmem>>, vector<1024x8xf32>
    %dot_general3A = arith.constant dense<0.000000e+00> : vector<1024x8xf32>
    %dot_general3A_5 = tpu.matmul %get3A_1, %get3A_4, %dot_general3A {dimension_numbers = #tpu.dot_dimension_numbers<[1], [0], [0], [1], [0, 0, 1, 1], [], []>, transpose_lhs_hint = false} : vector<1024x1024xf32>, vector<1024x8xf32>, vector<1024x8xf32> -> vector<1024x8xf32>
    %reduce_max3A = arith.constant dense<0xFF800000> : vector<1024xf32>
    %reduce_max3A_6 = vector.multi_reduction <maximumf>, %dot_general3A_5, %reduce_max3A [1] : vector<1024x8xf32> to vector<1024xf32>
    %broadcast_in_dim3A = vector.shape_cast %reduce_max3A_6 : vector<1024xf32> to vector<1024x1xf32>
    %sub3A = vector.broadcast %broadcast_in_dim3A : vector<1024x1xf32> to vector<1024x8xf32>
    %sub3A_7 = arith.subf %dot_general3A_5, %sub3A : vector<1024x8xf32>
    %exp3A = math.exp %sub3A_7 : vector<1024x8xf32>
    %reduce_sum3A = arith.constant dense<0.000000e+00> : vector<1024xf32>
    %reduce_sum3A_8 = vector.multi_reduction <add>, %exp3A, %reduce_sum3A [1] : vector<1024x8xf32> to vector<1024xf32>
    %broadcast_in_dim3A_9 = vector.shape_cast %reduce_sum3A_8 : vector<1024xf32> to vector<1024x1xf32>
    %div3A = vector.broadcast %broadcast_in_dim3A_9 : vector<1024x1xf32> to vector<1024x8xf32>
    %div3A_10 = arith.divf %exp3A, %div3A : vector<1024x8xf32>
    %iota3A = tpu.iota {dimensions = array<i32: 1>} : vector<1024x8xi32>
    %reduce_max3A_11 = arith.constant dense<0xFF800000> : vector<1024xf32>
    %reduce_max3A_12 = vector.multi_reduction <maximumf>, %div3A_10, %reduce_max3A_11 [1] : vector<1024x8xf32> to vector<1024xf32>
    %broadcast_in_dim3A_13 = vector.shape_cast %reduce_max3A_12 : vector<1024xf32> to vector<1024x1xf32>
    %eq3A = vector.broadcast %broadcast_in_dim3A_13 : vector<1024x1xf32> to vector<1024x8xf32>
    %eq3A_14 = arith.cmpf oeq, %div3A_10, %eq3A : vector<1024x8xf32>
    %jit3A = arith.constant 8 : i32
    %broadcast_in_dim3A_15 = vector.broadcast %jit3A : i32 to vector<1024x8xi32>
    %select_n3A = arith.select %eq3A_14, %iota3A, %broadcast_in_dim3A_15 : vector<1024x8xi1>, vector<1024x8xi32>
    %reduce_min3A = arith.constant dense<2147483647> : vector<1024xi32>
    %reduce_min3A_16 = vector.multi_reduction <minsi>, %select_n3A, %reduce_min3A [1] : vector<1024x8xi32> to vector<1024xi32>
    %broadcast_in_dim3A_17 = vector.shape_cast %reduce_min3A_16 : vector<1024xi32> to vector<1024x1xi32>
    %eq3A_18 = vector.broadcast %broadcast_in_dim3A_17 : vector<1024x1xi32> to vector<1024x8xi32>
    %eq3A_19 = arith.cmpi eq, %iota3A, %eq3A_18 : vector<1024x8xi32>
    %jit3A_20 = arith.constant -1.000000e+00 : f32
    %broadcast_in_dim3A_21 = vector.broadcast %jit3A_20 : f32 to vector<1024x8xf32>
    %select_n3A_22 = arith.select %eq3A_19, %broadcast_in_dim3A_21, %div3A_10 : vector<1024x8xi1>, vector<1024x8xf32>
    %reduce_max3A_23 = arith.constant dense<0xFF800000> : vector<1024xf32>
    %reduce_max3A_24 = vector.multi_reduction <maximumf>, %select_n3A_22, %reduce_max3A_23 [1] : vector<1024x8xf32> to vector<1024xf32>
    %broadcast_in_dim3A_25 = vector.shape_cast %reduce_max3A_24 : vector<1024xf32> to vector<1024x1xf32>
    %eq3A_26 = vector.broadcast %broadcast_in_dim3A_25 : vector<1024x1xf32> to vector<1024x8xf32>
    %eq3A_27 = arith.cmpf oeq, %select_n3A_22, %eq3A_26 : vector<1024x8xf32>
    %jit3A_28 = arith.constant 8 : i32
    %broadcast_in_dim3A_29 = vector.broadcast %jit3A_28 : i32 to vector<1024x8xi32>
    %select_n3A_30 = arith.select %eq3A_27, %iota3A, %broadcast_in_dim3A_29 : vector<1024x8xi1>, vector<1024x8xi32>
    %reduce_min3A_31 = arith.constant dense<2147483647> : vector<1024xi32>
    %reduce_min3A_32 = vector.multi_reduction <minsi>, %select_n3A_30, %reduce_min3A_31 [1] : vector<1024x8xi32> to vector<1024xi32>
    %broadcast_in_dim3A_33 = vector.shape_cast %reduce_min3A_32 : vector<1024xi32> to vector<1024x1xi32>
    %add3A = arith.addf %broadcast_in_dim3A_13, %broadcast_in_dim3A_25 : vector<1024x1xf32>
    %convert_element_type3A = arith.sitofp %broadcast_in_dim3A_17 : vector<1024x1xi32> to vector<1024x1xf32>
    %swap3A = arith.constant 0 : index
    %swap3A_34 = arith.constant 0 : index
    %swap3A_35 = vector.load %arg3[%swap3A, %swap3A_34] : memref<1024x1xf32, #tpu.memory_space<vmem>>, vector<1024x1xf32>
    tpu.vector_store %arg3[%swap3A, %swap3A_34], %convert_element_type3A {strides = array<i32>} : memref<1024x1xf32, #tpu.memory_space<vmem>>, vector<1024x1xf32>,
    %convert_element_type3A_36 = arith.sitofp %broadcast_in_dim3A_33 : vector<1024x1xi32> to vector<1024x1xf32>
    %swap3A_37 = arith.constant 0 : index
    %swap3A_38 = arith.constant 0 : index
    %swap3A_39 = vector.load %arg4[%swap3A_37, %swap3A_38] : memref<1024x1xf32, #tpu.memory_space<vmem>>, vector<1024x1xf32>
    tpu.vector_store %arg4[%swap3A_37, %swap3A_38], %convert_element_type3A_36 {strides = array<i32>} : memref<1024x1xf32, #tpu.memory_space<vmem>>, vector<1024x1xf32>,
    %div3A_40 = arith.divf %broadcast_in_dim3A_13, %add3A : vector<1024x1xf32>
    %swap3A_41 = arith.constant 0 : index
    %swap3A_42 = arith.constant 0 : index
    %swap3A_43 = vector.load %arg5[%swap3A_41, %swap3A_42] : memref<1024x1xf32, #tpu.memory_space<vmem>>, vector<1024x1xf32>
    tpu.vector_store %arg5[%swap3A_41, %swap3A_42], %div3A_40 {strides = array<i32>} : memref<1024x1xf32, #tpu.memory_space<vmem>>, vector<1024x1xf32>,
    %div3A_44 = arith.divf %broadcast_in_dim3A_25, %add3A : vector<1024x1xf32>
    %swap3A_45 = arith.constant 0 : index
    %swap3A_46 = arith.constant 0 : index
    %swap3A_47 = vector.load %arg6[%swap3A_45, %swap3A_46] : memref<1024x1xf32, #tpu.memory_space<vmem>>, vector<1024x1xf32>
    tpu.vector_store %arg6[%swap3A_45, %swap3A_46], %div3A_44 {strides = array<i32>} : memref<1024x1xf32, #tpu.memory_space<vmem>>, vector<1024x1xf32>,
    return
  }
  func.func @transform_0(%arg0: i32) -> (i32, i32) {
    %c0_i32 = arith.constant 0 : i32
    %c0_i32_0 = arith.constant 0 : i32
    return %arg0, %c0_i32 : i32, i32
  }
  func.func @transform_1(%arg0: i32) -> (i32, i32) {
    %c0_i32 = arith.constant 0 : i32
    %c0_i32_0 = arith.constant 0 : i32
    %c0_i32_1 = arith.constant 0 : i32
    return %c0_i32, %c0_i32_0 : i32, i32
  }
  func.func @transform_2(%arg0: i32) -> (i32, i32) {
    %c0_i32 = arith.constant 0 : i32
    %c0_i32_0 = arith.constant 0 : i32
    return %arg0, %c0_i32 : i32, i32
  }
  func.func @transform_3(%arg0: i32) -> (i32, i32) {
    %c0_i32 = arith.constant 0 : i32
    %c0_i32_0 = arith.constant 0 : i32
    return %arg0, %c0_i32 : i32, i32
  }
  func.func @transform_4(%arg0: i32) -> (i32, i32) {
    %c0_i32 = arith.constant 0 : i32
    %c0_i32_0 = arith.constant 0 : i32
    return %arg0, %c0_i32 : i32, i32
  }
  func.func @transform_5(%arg0: i32) -> (i32, i32) {
    %c0_i32 = arith.constant 0 : i32
    %c0_i32_0 = arith.constant 0 : i32
    return %arg0, %c0_i32 : i32, i32
  }
}

module attributes {stable_mosaic.version = 14 : i64} {
  func.func @_meta_body(%arg0: memref<64x128xf32, #tpu.memory_space<vmem>>, %arg1: memref<64x128xf32, #tpu.memory_space<vmem>>, %arg2: memref<128x128xi32, #tpu.memory_space<vmem>>, %arg3: memref<1x72xi32, #tpu.memory_space<vmem>>) attributes {dimension_semantics = [], scalar_prefetch = 0 : i64, scratch_operands = 0 : i64, tpu.core_type = #tpu.core_type<tc>} {
    %get3A = arith.constant 0 : index
    %get3A_0 = arith.constant 0 : index
    %get3A_1 = vector.load %arg0[%get3A, %get3A_0] : memref<64x128xf32, #tpu.memory_space<vmem>>, vector<64x128xf32>
    %get3A_2 = arith.constant 0 : index
    %get3A_3 = arith.constant 0 : index
    %get3A_4 = vector.load %arg1[%get3A_2, %get3A_3] : memref<64x128xf32, #tpu.memory_space<vmem>>, vector<64x128xf32>
    %concatenate3A = tpu.concatenate %get3A_1, %get3A_4 in 0 : vector<64x128xf32>, vector<64x128xf32> -> vector<128x128xf32>
    %iota3A = tpu.iota {dimensions = array<i32: 0>} : vector<128x128xi32>
    %iota3A_5 = tpu.iota {dimensions = array<i32: 1>} : vector<128x128xi32>
    %le3A = arith.cmpi sle, %iota3A, %iota3A_5 : vector<128x128xi32>
    %convert_element_type3A = arith.extui %le3A : vector<128x128xi1> to vector<128x128xi32>
    %convert_element_type3A_6 = arith.sitofp %convert_element_type3A : vector<128x128xi32> to vector<128x128xf32>
    %convert_element_type3A_7 = arith.truncf %convert_element_type3A_6 : vector<128x128xf32> to vector<128x128xbf16>
    %lt3A = arith.cmpi slt, %iota3A_5, %iota3A : vector<128x128xi32>
    %convert_element_type3A_8 = arith.extui %lt3A : vector<128x128xi1> to vector<128x128xi32>
    %convert_element_type3A_9 = arith.sitofp %convert_element_type3A_8 : vector<128x128xi32> to vector<128x128xf32>
    %convert_element_type3A_10 = arith.truncf %convert_element_type3A_9 : vector<128x128xf32> to vector<128x128xbf16>
    %iota3A_11 = tpu.iota {dimensions = array<i32: 1>} : vector<1x72xi32>
    %mul3A = arith.constant 256 : i32
    %mul3A_12 = vector.broadcast %mul3A : i32 to vector<1x72xi32>
    %mul3A_13 = arith.muli %iota3A_11, %mul3A_12 : vector<1x72xi32>
    %broadcast_in_dim3A = arith.constant 0.000000e+00 : f32
    %broadcast_in_dim3A_14 = vector.broadcast %broadcast_in_dim3A : f32 to vector<128x128xf32>
    %broadcast_in_dim3A_15 = arith.constant 0 : i32
    %broadcast_in_dim3A_16 = vector.broadcast %broadcast_in_dim3A_15 : i32 to vector<1x72xi32>
    %broadcast_in_dim3A_17 = arith.constant 0.000000e+00 : f32
    %broadcast_in_dim3A_18 = vector.broadcast %broadcast_in_dim3A_17 : f32 to vector<1x1xf32>
    %eq3A = arith.constant 0.000000e+00 : f32
    %eq3A_19 = vector.broadcast %eq3A : f32 to vector<128x128xf32>
    %eq3A_20 = arith.cmpf oeq, %concatenate3A, %eq3A_19 : vector<128x128xf32>
    %convert_element_type3A_21 = arith.extui %eq3A_20 : vector<128x128xi1> to vector<128x128xi32>
    %convert_element_type3A_22 = arith.sitofp %convert_element_type3A_21 : vector<128x128xi32> to vector<128x128xf32>
    %convert_element_type3A_23 = arith.truncf %convert_element_type3A_22 : vector<128x128xf32> to vector<128x128xbf16>
    %dot_general3A = arith.constant dense<0.000000e+00> : vector<128x128xf32>
    %dot_general3A_24 = tpu.matmul %convert_element_type3A_23, %convert_element_type3A_7, %dot_general3A {dimension_numbers = #tpu.dot_dimension_numbers<[1], [0], [0], [1], [0, 0, 1, 1], [], []>, transpose_lhs_hint = false} : vector<128x128xbf16>, vector<128x128xbf16>, vector<128x128xf32> -> vector<128x128xf32>
    %slice3A = vector.extract_strided_slice %dot_general3A_24 {offsets = [0, 127], sizes = [128, 1], strides = [1, 1]} : vector<128x128xf32> to vector<128x1xf32>
    %convert_element_type3A_25 = arith.truncf %slice3A : vector<128x1xf32> to vector<128x1xbf16>
    %dot_general3A_26 = arith.constant dense<0.000000e+00> : vector<128x1xf32>
    %dot_general3A_27 = tpu.matmul %convert_element_type3A_10, %convert_element_type3A_25, %dot_general3A_26 {dimension_numbers = #tpu.dot_dimension_numbers<[1], [0], [0], [1], [0, 0, 1, 1], [], []>, transpose_lhs_hint = false} : vector<128x128xbf16>, vector<128x1xbf16>, vector<128x1xf32> -> vector<128x1xf32>
    %slice3A_28 = vector.extract_strided_slice %dot_general3A_27 {offsets = [127, 0], sizes = [1, 1], strides = [1, 1]} : vector<128x1xf32> to vector<1x1xf32>
    %slice3A_29 = vector.extract_strided_slice %slice3A {offsets = [127, 0], sizes = [1, 1], strides = [1, 1]} : vector<128x1xf32> to vector<1x1xf32>
    %add3A = arith.addf %slice3A_28, %slice3A_29 : vector<1x1xf32>
    %convert_element_type3A_30 = arith.fptosi %add3A : vector<1x1xf32> to vector<1x1xi32>
    %add3A_31 = arith.constant 255 : i32
    %add3A_32 = vector.broadcast %add3A_31 : i32 to vector<1x1xi32>
    %add3A_33 = arith.addi %convert_element_type3A_30, %add3A_32 : vector<1x1xi32>
    %jit3A = arith.constant 256 : i32
    %div3A = vector.broadcast %jit3A : i32 to vector<1x1xi32>
    %div3A_34 = arith.divsi %add3A_33, %div3A : vector<1x1xi32>
    %sign3A = arith.constant 0 : i32
    %sign3A_35 = vector.broadcast %sign3A : i32 to vector<1x1xi32>
    %sign3A_36 = arith.cmpi sgt, %add3A_33, %sign3A_35 : vector<1x1xi32>
    %sign3A_37 = arith.extui %sign3A_36 : vector<1x1xi1> to vector<1x1xi32>
    %sign3A_38 = arith.constant 0 : i32
    %sign3A_39 = vector.broadcast %sign3A_38 : i32 to vector<1x1xi32>
    %sign3A_40 = arith.cmpi slt, %add3A_33, %sign3A_39 : vector<1x1xi32>
    %sign3A_41 = arith.extui %sign3A_40 : vector<1x1xi1> to vector<1x1xi32>
    %sign3A_42 = arith.subi %sign3A_37, %sign3A_41 : vector<1x1xi32>
    %sign3A_43 = arith.constant 0 : i32
    %sign3A_44 = arith.cmpi sgt, %jit3A, %sign3A_43 : i32
    %sign3A_45 = arith.extui %sign3A_44 : i1 to i32
    %sign3A_46 = arith.constant 0 : i32
    %sign3A_47 = arith.cmpi slt, %jit3A, %sign3A_46 : i32
    %sign3A_48 = arith.extui %sign3A_47 : i1 to i32
    %sign3A_49 = arith.subi %sign3A_45, %sign3A_48 : i32
    %ne3A = vector.broadcast %sign3A_49 : i32 to vector<1x1xi32>
    %ne3A_50 = arith.cmpi ne, %sign3A_42, %ne3A : vector<1x1xi32>
    %rem3A = vector.broadcast %jit3A : i32 to vector<1x1xi32>
    %rem3A_51 = arith.remsi %add3A_33, %rem3A : vector<1x1xi32>
    %ne3A_52 = arith.constant 0 : i32
    %ne3A_53 = vector.broadcast %ne3A_52 : i32 to vector<1x1xi32>
    %ne3A_54 = arith.cmpi ne, %rem3A_51, %ne3A_53 : vector<1x1xi32>
    %and3A = arith.andi %ne3A_50, %ne3A_54 : vector<1x1xi1>
    %sub3A = arith.constant 1 : i32
    %sub3A_55 = vector.broadcast %sub3A : i32 to vector<1x1xi32>
    %sub3A_56 = arith.subi %div3A_34, %sub3A_55 : vector<1x1xi32>
    %select_n3A = arith.select %and3A, %sub3A_56, %div3A_34 : vector<1x1xi1>, vector<1x1xi32>
    %mul3A_57 = arith.constant 256 : i32
    %mul3A_58 = vector.broadcast %mul3A_57 : i32 to vector<1x1xi32>
    %mul3A_59 = arith.muli %select_n3A, %mul3A_58 : vector<1x1xi32>
    %sub3A_60 = arith.subf %dot_general3A_24, %convert_element_type3A_22 : vector<128x128xf32>
    %add3A_61 = vector.broadcast %dot_general3A_27 : vector<128x1xf32> to vector<128x128xf32>
    %add3A_62 = arith.addf %sub3A_60, %add3A_61 : vector<128x128xf32>
    %add3A_63 = vector.broadcast %broadcast_in_dim3A_18 : vector<1x1xf32> to vector<128x128xf32>
    %add3A_64 = arith.addf %add3A_62, %add3A_63 : vector<128x128xf32>
    %mul3A_65 = arith.mulf %convert_element_type3A_22, %add3A_64 : vector<128x128xf32>
    %add3A_66 = arith.addf %broadcast_in_dim3A_14, %mul3A_65 : vector<128x128xf32>
    %convert_element_type3A_67 = arith.fptosi %broadcast_in_dim3A_18 : vector<1x1xf32> to vector<1x1xi32>
    %add3A_68 = arith.addi %convert_element_type3A_67, %mul3A_59 : vector<1x1xi32>
    %ge3A = vector.broadcast %add3A_68 : vector<1x1xi32> to vector<1x72xi32>
    %ge3A_69 = arith.cmpi sge, %mul3A_13, %ge3A : vector<1x72xi32>
    %convert_element_type3A_70 = arith.extui %ge3A_69 : vector<1x72xi1> to vector<1x72xi32>
    %add3A_71 = arith.addi %broadcast_in_dim3A_16, %convert_element_type3A_70 : vector<1x72xi32>
    %convert_element_type3A_72 = arith.sitofp %mul3A_59 : vector<1x1xi32> to vector<1x1xf32>
    %add3A_73 = arith.addf %broadcast_in_dim3A_18, %convert_element_type3A_72 : vector<1x1xf32>
    %eq3A_74 = arith.constant 1.000000e+00 : f32
    %eq3A_75 = vector.broadcast %eq3A_74 : f32 to vector<128x128xf32>
    %eq3A_76 = arith.cmpf oeq, %concatenate3A, %eq3A_75 : vector<128x128xf32>
    %convert_element_type3A_77 = arith.extui %eq3A_76 : vector<128x128xi1> to vector<128x128xi32>
    %convert_element_type3A_78 = arith.sitofp %convert_element_type3A_77 : vector<128x128xi32> to vector<128x128xf32>
    %convert_element_type3A_79 = arith.truncf %convert_element_type3A_78 : vector<128x128xf32> to vector<128x128xbf16>
    %dot_general3A_80 = arith.constant dense<0.000000e+00> : vector<128x128xf32>
    %dot_general3A_81 = tpu.matmul %convert_element_type3A_79, %convert_element_type3A_7, %dot_general3A_80 {dimension_numbers = #tpu.dot_dimension_numbers<[1], [0], [0], [1], [0, 0, 1, 1], [], []>, transpose_lhs_hint = false} : vector<128x128xbf16>, vector<128x128xbf16>, vector<128x128xf32> -> vector<128x128xf32>
    %slice3A_82 = vector.extract_strided_slice %dot_general3A_81 {offsets = [0, 127], sizes = [128, 1], strides = [1, 1]} : vector<128x128xf32> to vector<128x1xf32>
    %convert_element_type3A_83 = arith.truncf %slice3A_82 : vector<128x1xf32> to vector<128x1xbf16>
    %dot_general3A_84 = arith.constant dense<0.000000e+00> : vector<128x1xf32>
    %dot_general3A_85 = tpu.matmul %convert_element_type3A_10, %convert_element_type3A_83, %dot_general3A_84 {dimension_numbers = #tpu.dot_dimension_numbers<[1], [0], [0], [1], [0, 0, 1, 1], [], []>, transpose_lhs_hint = false} : vector<128x128xbf16>, vector<128x1xbf16>, vector<128x1xf32> -> vector<128x1xf32>
    %slice3A_86 = vector.extract_strided_slice %dot_general3A_85 {offsets = [127, 0], sizes = [1, 1], strides = [1, 1]} : vector<128x1xf32> to vector<1x1xf32>
    %slice3A_87 = vector.extract_strided_slice %slice3A_82 {offsets = [127, 0], sizes = [1, 1], strides = [1, 1]} : vector<128x1xf32> to vector<1x1xf32>
    %add3A_88 = arith.addf %slice3A_86, %slice3A_87 : vector<1x1xf32>
    %convert_element_type3A_89 = arith.fptosi %add3A_88 : vector<1x1xf32> to vector<1x1xi32>
    %add3A_90 = arith.constant 255 : i32
    %add3A_91 = vector.broadcast %add3A_90 : i32 to vector<1x1xi32>
    %add3A_92 = arith.addi %convert_element_type3A_89, %add3A_91 : vector<1x1xi32>
    %jit3A_93 = arith.constant 256 : i32
    %div3A_94 = vector.broadcast %jit3A_93 : i32 to vector<1x1xi32>
    %div3A_95 = arith.divsi %add3A_92, %div3A_94 : vector<1x1xi32>
    %sign3A_96 = arith.constant 0 : i32
    %sign3A_97 = vector.broadcast %sign3A_96 : i32 to vector<1x1xi32>
    %sign3A_98 = arith.cmpi sgt, %add3A_92, %sign3A_97 : vector<1x1xi32>
    %sign3A_99 = arith.extui %sign3A_98 : vector<1x1xi1> to vector<1x1xi32>
    %sign3A_100 = arith.constant 0 : i32
    %sign3A_101 = vector.broadcast %sign3A_100 : i32 to vector<1x1xi32>
    %sign3A_102 = arith.cmpi slt, %add3A_92, %sign3A_101 : vector<1x1xi32>
    %sign3A_103 = arith.extui %sign3A_102 : vector<1x1xi1> to vector<1x1xi32>
    %sign3A_104 = arith.subi %sign3A_99, %sign3A_103 : vector<1x1xi32>
    %sign3A_105 = arith.constant 0 : i32
    %sign3A_106 = arith.cmpi sgt, %jit3A_93, %sign3A_105 : i32
    %sign3A_107 = arith.extui %sign3A_106 : i1 to i32
    %sign3A_108 = arith.constant 0 : i32
    %sign3A_109 = arith.cmpi slt, %jit3A_93, %sign3A_108 : i32
    %sign3A_110 = arith.extui %sign3A_109 : i1 to i32
    %sign3A_111 = arith.subi %sign3A_107, %sign3A_110 : i32
    %ne3A_112 = vector.broadcast %sign3A_111 : i32 to vector<1x1xi32>
    %ne3A_113 = arith.cmpi ne, %sign3A_104, %ne3A_112 : vector<1x1xi32>
    %rem3A_114 = vector.broadcast %jit3A_93 : i32 to vector<1x1xi32>
    %rem3A_115 = arith.remsi %add3A_92, %rem3A_114 : vector<1x1xi32>
    %ne3A_116 = arith.constant 0 : i32
    %ne3A_117 = vector.broadcast %ne3A_116 : i32 to vector<1x1xi32>
    %ne3A_118 = arith.cmpi ne, %rem3A_115, %ne3A_117 : vector<1x1xi32>
    %and3A_119 = arith.andi %ne3A_113, %ne3A_118 : vector<1x1xi1>
    %sub3A_120 = arith.constant 1 : i32
    %sub3A_121 = vector.broadcast %sub3A_120 : i32 to vector<1x1xi32>
    %sub3A_122 = arith.subi %div3A_95, %sub3A_121 : vector<1x1xi32>
    %select_n3A_123 = arith.select %and3A_119, %sub3A_122, %div3A_95 : vector<1x1xi1>, vector<1x1xi32>
    %mul3A_124 = arith.constant 256 : i32
    %mul3A_125 = vector.broadcast %mul3A_124 : i32 to vector<1x1xi32>
    %mul3A_126 = arith.muli %select_n3A_123, %mul3A_125 : vector<1x1xi32>
    %sub3A_127 = arith.subf %dot_general3A_81, %convert_element_type3A_78 : vector<128x128xf32>
    %add3A_128 = vector.broadcast %dot_general3A_85 : vector<128x1xf32> to vector<128x128xf32>
    %add3A_129 = arith.addf %sub3A_127, %add3A_128 : vector<128x128xf32>
    %add3A_130 = vector.broadcast %add3A_73 : vector<1x1xf32> to vector<128x128xf32>
    %add3A_131 = arith.addf %add3A_129, %add3A_130 : vector<128x128xf32>
    %mul3A_132 = arith.mulf %convert_element_type3A_78, %add3A_131 : vector<128x128xf32>
    %add3A_133 = arith.addf %add3A_66, %mul3A_132 : vector<128x128xf32>
    %convert_element_type3A_134 = arith.fptosi %add3A_73 : vector<1x1xf32> to vector<1x1xi32>
    %add3A_135 = arith.addi %convert_element_type3A_134, %mul3A_126 : vector<1x1xi32>
    %ge3A_136 = vector.broadcast %add3A_135 : vector<1x1xi32> to vector<1x72xi32>
    %ge3A_137 = arith.cmpi sge, %mul3A_13, %ge3A_136 : vector<1x72xi32>
    %convert_element_type3A_138 = arith.extui %ge3A_137 : vector<1x72xi1> to vector<1x72xi32>
    %add3A_139 = arith.addi %add3A_71, %convert_element_type3A_138 : vector<1x72xi32>
    %convert_element_type3A_140 = arith.sitofp %mul3A_126 : vector<1x1xi32> to vector<1x1xf32>
    %add3A_141 = arith.addf %add3A_73, %convert_element_type3A_140 : vector<1x1xf32>
    %eq3A_142 = arith.constant 2.000000e+00 : f32
    %eq3A_143 = vector.broadcast %eq3A_142 : f32 to vector<128x128xf32>
    %eq3A_144 = arith.cmpf oeq, %concatenate3A, %eq3A_143 : vector<128x128xf32>
    %convert_element_type3A_145 = arith.extui %eq3A_144 : vector<128x128xi1> to vector<128x128xi32>
    %convert_element_type3A_146 = arith.sitofp %convert_element_type3A_145 : vector<128x128xi32> to vector<128x128xf32>
    %convert_element_type3A_147 = arith.truncf %convert_element_type3A_146 : vector<128x128xf32> to vector<128x128xbf16>
    %dot_general3A_148 = arith.constant dense<0.000000e+00> : vector<128x128xf32>
    %dot_general3A_149 = tpu.matmul %convert_element_type3A_147, %convert_element_type3A_7, %dot_general3A_148 {dimension_numbers = #tpu.dot_dimension_numbers<[1], [0], [0], [1], [0, 0, 1, 1], [], []>, transpose_lhs_hint = false} : vector<128x128xbf16>, vector<128x128xbf16>, vector<128x128xf32> -> vector<128x128xf32>
    %slice3A_150 = vector.extract_strided_slice %dot_general3A_149 {offsets = [0, 127], sizes = [128, 1], strides = [1, 1]} : vector<128x128xf32> to vector<128x1xf32>
    %convert_element_type3A_151 = arith.truncf %slice3A_150 : vector<128x1xf32> to vector<128x1xbf16>
    %dot_general3A_152 = arith.constant dense<0.000000e+00> : vector<128x1xf32>
    %dot_general3A_153 = tpu.matmul %convert_element_type3A_10, %convert_element_type3A_151, %dot_general3A_152 {dimension_numbers = #tpu.dot_dimension_numbers<[1], [0], [0], [1], [0, 0, 1, 1], [], []>, transpose_lhs_hint = false} : vector<128x128xbf16>, vector<128x1xbf16>, vector<128x1xf32> -> vector<128x1xf32>
    %slice3A_154 = vector.extract_strided_slice %dot_general3A_153 {offsets = [127, 0], sizes = [1, 1], strides = [1, 1]} : vector<128x1xf32> to vector<1x1xf32>
    %slice3A_155 = vector.extract_strided_slice %slice3A_150 {offsets = [127, 0], sizes = [1, 1], strides = [1, 1]} : vector<128x1xf32> to vector<1x1xf32>
    %add3A_156 = arith.addf %slice3A_154, %slice3A_155 : vector<1x1xf32>
    %convert_element_type3A_157 = arith.fptosi %add3A_156 : vector<1x1xf32> to vector<1x1xi32>
    %add3A_158 = arith.constant 255 : i32
    %add3A_159 = vector.broadcast %add3A_158 : i32 to vector<1x1xi32>
    %add3A_160 = arith.addi %convert_element_type3A_157, %add3A_159 : vector<1x1xi32>
    %jit3A_161 = arith.constant 256 : i32
    %div3A_162 = vector.broadcast %jit3A_161 : i32 to vector<1x1xi32>
    %div3A_163 = arith.divsi %add3A_160, %div3A_162 : vector<1x1xi32>
    %sign3A_164 = arith.constant 0 : i32
    %sign3A_165 = vector.broadcast %sign3A_164 : i32 to vector<1x1xi32>
    %sign3A_166 = arith.cmpi sgt, %add3A_160, %sign3A_165 : vector<1x1xi32>
    %sign3A_167 = arith.extui %sign3A_166 : vector<1x1xi1> to vector<1x1xi32>
    %sign3A_168 = arith.constant 0 : i32
    %sign3A_169 = vector.broadcast %sign3A_168 : i32 to vector<1x1xi32>
    %sign3A_170 = arith.cmpi slt, %add3A_160, %sign3A_169 : vector<1x1xi32>
    %sign3A_171 = arith.extui %sign3A_170 : vector<1x1xi1> to vector<1x1xi32>
    %sign3A_172 = arith.subi %sign3A_167, %sign3A_171 : vector<1x1xi32>
    %sign3A_173 = arith.constant 0 : i32
    %sign3A_174 = arith.cmpi sgt, %jit3A_161, %sign3A_173 : i32
    %sign3A_175 = arith.extui %sign3A_174 : i1 to i32
    %sign3A_176 = arith.constant 0 : i32
    %sign3A_177 = arith.cmpi slt, %jit3A_161, %sign3A_176 : i32
    %sign3A_178 = arith.extui %sign3A_177 : i1 to i32
    %sign3A_179 = arith.subi %sign3A_175, %sign3A_178 : i32
    %ne3A_180 = vector.broadcast %sign3A_179 : i32 to vector<1x1xi32>
    %ne3A_181 = arith.cmpi ne, %sign3A_172, %ne3A_180 : vector<1x1xi32>
    %rem3A_182 = vector.broadcast %jit3A_161 : i32 to vector<1x1xi32>
    %rem3A_183 = arith.remsi %add3A_160, %rem3A_182 : vector<1x1xi32>
    %ne3A_184 = arith.constant 0 : i32
    %ne3A_185 = vector.broadcast %ne3A_184 : i32 to vector<1x1xi32>
    %ne3A_186 = arith.cmpi ne, %rem3A_183, %ne3A_185 : vector<1x1xi32>
    %and3A_187 = arith.andi %ne3A_181, %ne3A_186 : vector<1x1xi1>
    %sub3A_188 = arith.constant 1 : i32
    %sub3A_189 = vector.broadcast %sub3A_188 : i32 to vector<1x1xi32>
    %sub3A_190 = arith.subi %div3A_163, %sub3A_189 : vector<1x1xi32>
    %select_n3A_191 = arith.select %and3A_187, %sub3A_190, %div3A_163 : vector<1x1xi1>, vector<1x1xi32>
    %mul3A_192 = arith.constant 256 : i32
    %mul3A_193 = vector.broadcast %mul3A_192 : i32 to vector<1x1xi32>
    %mul3A_194 = arith.muli %select_n3A_191, %mul3A_193 : vector<1x1xi32>
    %sub3A_195 = arith.subf %dot_general3A_149, %convert_element_type3A_146 : vector<128x128xf32>
    %add3A_196 = vector.broadcast %dot_general3A_153 : vector<128x1xf32> to vector<128x128xf32>
    %add3A_197 = arith.addf %sub3A_195, %add3A_196 : vector<128x128xf32>
    %add3A_198 = vector.broadcast %add3A_141 : vector<1x1xf32> to vector<128x128xf32>
    %add3A_199 = arith.addf %add3A_197, %add3A_198 : vector<128x128xf32>
    %mul3A_200 = arith.mulf %convert_element_type3A_146, %add3A_199 : vector<128x128xf32>
    %add3A_201 = arith.addf %add3A_133, %mul3A_200 : vector<128x128xf32>
    %convert_element_type3A_202 = arith.fptosi %add3A_141 : vector<1x1xf32> to vector<1x1xi32>
    %add3A_203 = arith.addi %convert_element_type3A_202, %mul3A_194 : vector<1x1xi32>
    %ge3A_204 = vector.broadcast %add3A_203 : vector<1x1xi32> to vector<1x72xi32>
    %ge3A_205 = arith.cmpi sge, %mul3A_13, %ge3A_204 : vector<1x72xi32>
    %convert_element_type3A_206 = arith.extui %ge3A_205 : vector<1x72xi1> to vector<1x72xi32>
    %add3A_207 = arith.addi %add3A_139, %convert_element_type3A_206 : vector<1x72xi32>
    %convert_element_type3A_208 = arith.sitofp %mul3A_194 : vector<1x1xi32> to vector<1x1xf32>
    %add3A_209 = arith.addf %add3A_141, %convert_element_type3A_208 : vector<1x1xf32>
    %eq3A_210 = arith.constant 3.000000e+00 : f32
    %eq3A_211 = vector.broadcast %eq3A_210 : f32 to vector<128x128xf32>
    %eq3A_212 = arith.cmpf oeq, %concatenate3A, %eq3A_211 : vector<128x128xf32>
    %convert_element_type3A_213 = arith.extui %eq3A_212 : vector<128x128xi1> to vector<128x128xi32>
    %convert_element_type3A_214 = arith.sitofp %convert_element_type3A_213 : vector<128x128xi32> to vector<128x128xf32>
    %convert_element_type3A_215 = arith.truncf %convert_element_type3A_214 : vector<128x128xf32> to vector<128x128xbf16>
    %dot_general3A_216 = arith.constant dense<0.000000e+00> : vector<128x128xf32>
    %dot_general3A_217 = tpu.matmul %convert_element_type3A_215, %convert_element_type3A_7, %dot_general3A_216 {dimension_numbers = #tpu.dot_dimension_numbers<[1], [0], [0], [1], [0, 0, 1, 1], [], []>, transpose_lhs_hint = false} : vector<128x128xbf16>, vector<128x128xbf16>, vector<128x128xf32> -> vector<128x128xf32>
    %slice3A_218 = vector.extract_strided_slice %dot_general3A_217 {offsets = [0, 127], sizes = [128, 1], strides = [1, 1]} : vector<128x128xf32> to vector<128x1xf32>
    %convert_element_type3A_219 = arith.truncf %slice3A_218 : vector<128x1xf32> to vector<128x1xbf16>
    %dot_general3A_220 = arith.constant dense<0.000000e+00> : vector<128x1xf32>
    %dot_general3A_221 = tpu.matmul %convert_element_type3A_10, %convert_element_type3A_219, %dot_general3A_220 {dimension_numbers = #tpu.dot_dimension_numbers<[1], [0], [0], [1], [0, 0, 1, 1], [], []>, transpose_lhs_hint = false} : vector<128x128xbf16>, vector<128x1xbf16>, vector<128x1xf32> -> vector<128x1xf32>
    %slice3A_222 = vector.extract_strided_slice %dot_general3A_221 {offsets = [127, 0], sizes = [1, 1], strides = [1, 1]} : vector<128x1xf32> to vector<1x1xf32>
    %slice3A_223 = vector.extract_strided_slice %slice3A_218 {offsets = [127, 0], sizes = [1, 1], strides = [1, 1]} : vector<128x1xf32> to vector<1x1xf32>
    %add3A_224 = arith.addf %slice3A_222, %slice3A_223 : vector<1x1xf32>
    %convert_element_type3A_225 = arith.fptosi %add3A_224 : vector<1x1xf32> to vector<1x1xi32>
    %add3A_226 = arith.constant 255 : i32
    %add3A_227 = vector.broadcast %add3A_226 : i32 to vector<1x1xi32>
    %add3A_228 = arith.addi %convert_element_type3A_225, %add3A_227 : vector<1x1xi32>
    %jit3A_229 = arith.constant 256 : i32
    %div3A_230 = vector.broadcast %jit3A_229 : i32 to vector<1x1xi32>
    %div3A_231 = arith.divsi %add3A_228, %div3A_230 : vector<1x1xi32>
    %sign3A_232 = arith.constant 0 : i32
    %sign3A_233 = vector.broadcast %sign3A_232 : i32 to vector<1x1xi32>
    %sign3A_234 = arith.cmpi sgt, %add3A_228, %sign3A_233 : vector<1x1xi32>
    %sign3A_235 = arith.extui %sign3A_234 : vector<1x1xi1> to vector<1x1xi32>
    %sign3A_236 = arith.constant 0 : i32
    %sign3A_237 = vector.broadcast %sign3A_236 : i32 to vector<1x1xi32>
    %sign3A_238 = arith.cmpi slt, %add3A_228, %sign3A_237 : vector<1x1xi32>
    %sign3A_239 = arith.extui %sign3A_238 : vector<1x1xi1> to vector<1x1xi32>
    %sign3A_240 = arith.subi %sign3A_235, %sign3A_239 : vector<1x1xi32>
    %sign3A_241 = arith.constant 0 : i32
    %sign3A_242 = arith.cmpi sgt, %jit3A_229, %sign3A_241 : i32
    %sign3A_243 = arith.extui %sign3A_242 : i1 to i32
    %sign3A_244 = arith.constant 0 : i32
    %sign3A_245 = arith.cmpi slt, %jit3A_229, %sign3A_244 : i32
    %sign3A_246 = arith.extui %sign3A_245 : i1 to i32
    %sign3A_247 = arith.subi %sign3A_243, %sign3A_246 : i32
    %ne3A_248 = vector.broadcast %sign3A_247 : i32 to vector<1x1xi32>
    %ne3A_249 = arith.cmpi ne, %sign3A_240, %ne3A_248 : vector<1x1xi32>
    %rem3A_250 = vector.broadcast %jit3A_229 : i32 to vector<1x1xi32>
    %rem3A_251 = arith.remsi %add3A_228, %rem3A_250 : vector<1x1xi32>
    %ne3A_252 = arith.constant 0 : i32
    %ne3A_253 = vector.broadcast %ne3A_252 : i32 to vector<1x1xi32>
    %ne3A_254 = arith.cmpi ne, %rem3A_251, %ne3A_253 : vector<1x1xi32>
    %and3A_255 = arith.andi %ne3A_249, %ne3A_254 : vector<1x1xi1>
    %sub3A_256 = arith.constant 1 : i32
    %sub3A_257 = vector.broadcast %sub3A_256 : i32 to vector<1x1xi32>
    %sub3A_258 = arith.subi %div3A_231, %sub3A_257 : vector<1x1xi32>
    %select_n3A_259 = arith.select %and3A_255, %sub3A_258, %div3A_231 : vector<1x1xi1>, vector<1x1xi32>
    %mul3A_260 = arith.constant 256 : i32
    %mul3A_261 = vector.broadcast %mul3A_260 : i32 to vector<1x1xi32>
    %mul3A_262 = arith.muli %select_n3A_259, %mul3A_261 : vector<1x1xi32>
    %sub3A_263 = arith.subf %dot_general3A_217, %convert_element_type3A_214 : vector<128x128xf32>
    %add3A_264 = vector.broadcast %dot_general3A_221 : vector<128x1xf32> to vector<128x128xf32>
    %add3A_265 = arith.addf %sub3A_263, %add3A_264 : vector<128x128xf32>
    %add3A_266 = vector.broadcast %add3A_209 : vector<1x1xf32> to vector<128x128xf32>
    %add3A_267 = arith.addf %add3A_265, %add3A_266 : vector<128x128xf32>
    %mul3A_268 = arith.mulf %convert_element_type3A_214, %add3A_267 : vector<128x128xf32>
    %add3A_269 = arith.addf %add3A_201, %mul3A_268 : vector<128x128xf32>
    %convert_element_type3A_270 = arith.fptosi %add3A_209 : vector<1x1xf32> to vector<1x1xi32>
    %add3A_271 = arith.addi %convert_element_type3A_270, %mul3A_262 : vector<1x1xi32>
    %ge3A_272 = vector.broadcast %add3A_271 : vector<1x1xi32> to vector<1x72xi32>
    %ge3A_273 = arith.cmpi sge, %mul3A_13, %ge3A_272 : vector<1x72xi32>
    %convert_element_type3A_274 = arith.extui %ge3A_273 : vector<1x72xi1> to vector<1x72xi32>
    %add3A_275 = arith.addi %add3A_207, %convert_element_type3A_274 : vector<1x72xi32>
    %convert_element_type3A_276 = arith.sitofp %mul3A_262 : vector<1x1xi32> to vector<1x1xf32>
    %add3A_277 = arith.addf %add3A_209, %convert_element_type3A_276 : vector<1x1xf32>
    %eq3A_278 = arith.constant 4.000000e+00 : f32
    %eq3A_279 = vector.broadcast %eq3A_278 : f32 to vector<128x128xf32>
    %eq3A_280 = arith.cmpf oeq, %concatenate3A, %eq3A_279 : vector<128x128xf32>
    %convert_element_type3A_281 = arith.extui %eq3A_280 : vector<128x128xi1> to vector<128x128xi32>
    %convert_element_type3A_282 = arith.sitofp %convert_element_type3A_281 : vector<128x128xi32> to vector<128x128xf32>
    %convert_element_type3A_283 = arith.truncf %convert_element_type3A_282 : vector<128x128xf32> to vector<128x128xbf16>
    %dot_general3A_284 = arith.constant dense<0.000000e+00> : vector<128x128xf32>
    %dot_general3A_285 = tpu.matmul %convert_element_type3A_283, %convert_element_type3A_7, %dot_general3A_284 {dimension_numbers = #tpu.dot_dimension_numbers<[1], [0], [0], [1], [0, 0, 1, 1], [], []>, transpose_lhs_hint = false} : vector<128x128xbf16>, vector<128x128xbf16>, vector<128x128xf32> -> vector<128x128xf32>
    %slice3A_286 = vector.extract_strided_slice %dot_general3A_285 {offsets = [0, 127], sizes = [128, 1], strides = [1, 1]} : vector<128x128xf32> to vector<128x1xf32>
    %convert_element_type3A_287 = arith.truncf %slice3A_286 : vector<128x1xf32> to vector<128x1xbf16>
    %dot_general3A_288 = arith.constant dense<0.000000e+00> : vector<128x1xf32>
    %dot_general3A_289 = tpu.matmul %convert_element_type3A_10, %convert_element_type3A_287, %dot_general3A_288 {dimension_numbers = #tpu.dot_dimension_numbers<[1], [0], [0], [1], [0, 0, 1, 1], [], []>, transpose_lhs_hint = false} : vector<128x128xbf16>, vector<128x1xbf16>, vector<128x1xf32> -> vector<128x1xf32>
    %slice3A_290 = vector.extract_strided_slice %dot_general3A_289 {offsets = [127, 0], sizes = [1, 1], strides = [1, 1]} : vector<128x1xf32> to vector<1x1xf32>
    %slice3A_291 = vector.extract_strided_slice %slice3A_286 {offsets = [127, 0], sizes = [1, 1], strides = [1, 1]} : vector<128x1xf32> to vector<1x1xf32>
    %add3A_292 = arith.addf %slice3A_290, %slice3A_291 : vector<1x1xf32>
    %convert_element_type3A_293 = arith.fptosi %add3A_292 : vector<1x1xf32> to vector<1x1xi32>
    %add3A_294 = arith.constant 255 : i32
    %add3A_295 = vector.broadcast %add3A_294 : i32 to vector<1x1xi32>
    %add3A_296 = arith.addi %convert_element_type3A_293, %add3A_295 : vector<1x1xi32>
    %jit3A_297 = arith.constant 256 : i32
    %div3A_298 = vector.broadcast %jit3A_297 : i32 to vector<1x1xi32>
    %div3A_299 = arith.divsi %add3A_296, %div3A_298 : vector<1x1xi32>
    %sign3A_300 = arith.constant 0 : i32
    %sign3A_301 = vector.broadcast %sign3A_300 : i32 to vector<1x1xi32>
    %sign3A_302 = arith.cmpi sgt, %add3A_296, %sign3A_301 : vector<1x1xi32>
    %sign3A_303 = arith.extui %sign3A_302 : vector<1x1xi1> to vector<1x1xi32>
    %sign3A_304 = arith.constant 0 : i32
    %sign3A_305 = vector.broadcast %sign3A_304 : i32 to vector<1x1xi32>
    %sign3A_306 = arith.cmpi slt, %add3A_296, %sign3A_305 : vector<1x1xi32>
    %sign3A_307 = arith.extui %sign3A_306 : vector<1x1xi1> to vector<1x1xi32>
    %sign3A_308 = arith.subi %sign3A_303, %sign3A_307 : vector<1x1xi32>
    %sign3A_309 = arith.constant 0 : i32
    %sign3A_310 = arith.cmpi sgt, %jit3A_297, %sign3A_309 : i32
    %sign3A_311 = arith.extui %sign3A_310 : i1 to i32
    %sign3A_312 = arith.constant 0 : i32
    %sign3A_313 = arith.cmpi slt, %jit3A_297, %sign3A_312 : i32
    %sign3A_314 = arith.extui %sign3A_313 : i1 to i32
    %sign3A_315 = arith.subi %sign3A_311, %sign3A_314 : i32
    %ne3A_316 = vector.broadcast %sign3A_315 : i32 to vector<1x1xi32>
    %ne3A_317 = arith.cmpi ne, %sign3A_308, %ne3A_316 : vector<1x1xi32>
    %rem3A_318 = vector.broadcast %jit3A_297 : i32 to vector<1x1xi32>
    %rem3A_319 = arith.remsi %add3A_296, %rem3A_318 : vector<1x1xi32>
    %ne3A_320 = arith.constant 0 : i32
    %ne3A_321 = vector.broadcast %ne3A_320 : i32 to vector<1x1xi32>
    %ne3A_322 = arith.cmpi ne, %rem3A_319, %ne3A_321 : vector<1x1xi32>
    %and3A_323 = arith.andi %ne3A_317, %ne3A_322 : vector<1x1xi1>
    %sub3A_324 = arith.constant 1 : i32
    %sub3A_325 = vector.broadcast %sub3A_324 : i32 to vector<1x1xi32>
    %sub3A_326 = arith.subi %div3A_299, %sub3A_325 : vector<1x1xi32>
    %select_n3A_327 = arith.select %and3A_323, %sub3A_326, %div3A_299 : vector<1x1xi1>, vector<1x1xi32>
    %mul3A_328 = arith.constant 256 : i32
    %mul3A_329 = vector.broadcast %mul3A_328 : i32 to vector<1x1xi32>
    %mul3A_330 = arith.muli %select_n3A_327, %mul3A_329 : vector<1x1xi32>
    %sub3A_331 = arith.subf %dot_general3A_285, %convert_element_type3A_282 : vector<128x128xf32>
    %add3A_332 = vector.broadcast %dot_general3A_289 : vector<128x1xf32> to vector<128x128xf32>
    %add3A_333 = arith.addf %sub3A_331, %add3A_332 : vector<128x128xf32>
    %add3A_334 = vector.broadcast %add3A_277 : vector<1x1xf32> to vector<128x128xf32>
    %add3A_335 = arith.addf %add3A_333, %add3A_334 : vector<128x128xf32>
    %mul3A_336 = arith.mulf %convert_element_type3A_282, %add3A_335 : vector<128x128xf32>
    %add3A_337 = arith.addf %add3A_269, %mul3A_336 : vector<128x128xf32>
    %convert_element_type3A_338 = arith.fptosi %add3A_277 : vector<1x1xf32> to vector<1x1xi32>
    %add3A_339 = arith.addi %convert_element_type3A_338, %mul3A_330 : vector<1x1xi32>
    %ge3A_340 = vector.broadcast %add3A_339 : vector<1x1xi32> to vector<1x72xi32>
    %ge3A_341 = arith.cmpi sge, %mul3A_13, %ge3A_340 : vector<1x72xi32>
    %convert_element_type3A_342 = arith.extui %ge3A_341 : vector<1x72xi1> to vector<1x72xi32>
    %add3A_343 = arith.addi %add3A_275, %convert_element_type3A_342 : vector<1x72xi32>
    %convert_element_type3A_344 = arith.sitofp %mul3A_330 : vector<1x1xi32> to vector<1x1xf32>
    %add3A_345 = arith.addf %add3A_277, %convert_element_type3A_344 : vector<1x1xf32>
    %eq3A_346 = arith.constant 5.000000e+00 : f32
    %eq3A_347 = vector.broadcast %eq3A_346 : f32 to vector<128x128xf32>
    %eq3A_348 = arith.cmpf oeq, %concatenate3A, %eq3A_347 : vector<128x128xf32>
    %convert_element_type3A_349 = arith.extui %eq3A_348 : vector<128x128xi1> to vector<128x128xi32>
    %convert_element_type3A_350 = arith.sitofp %convert_element_type3A_349 : vector<128x128xi32> to vector<128x128xf32>
    %convert_element_type3A_351 = arith.truncf %convert_element_type3A_350 : vector<128x128xf32> to vector<128x128xbf16>
    %dot_general3A_352 = arith.constant dense<0.000000e+00> : vector<128x128xf32>
    %dot_general3A_353 = tpu.matmul %convert_element_type3A_351, %convert_element_type3A_7, %dot_general3A_352 {dimension_numbers = #tpu.dot_dimension_numbers<[1], [0], [0], [1], [0, 0, 1, 1], [], []>, transpose_lhs_hint = false} : vector<128x128xbf16>, vector<128x128xbf16>, vector<128x128xf32> -> vector<128x128xf32>
    %slice3A_354 = vector.extract_strided_slice %dot_general3A_353 {offsets = [0, 127], sizes = [128, 1], strides = [1, 1]} : vector<128x128xf32> to vector<128x1xf32>
    %convert_element_type3A_355 = arith.truncf %slice3A_354 : vector<128x1xf32> to vector<128x1xbf16>
    %dot_general3A_356 = arith.constant dense<0.000000e+00> : vector<128x1xf32>
    %dot_general3A_357 = tpu.matmul %convert_element_type3A_10, %convert_element_type3A_355, %dot_general3A_356 {dimension_numbers = #tpu.dot_dimension_numbers<[1], [0], [0], [1], [0, 0, 1, 1], [], []>, transpose_lhs_hint = false} : vector<128x128xbf16>, vector<128x1xbf16>, vector<128x1xf32> -> vector<128x1xf32>
    %slice3A_358 = vector.extract_strided_slice %dot_general3A_357 {offsets = [127, 0], sizes = [1, 1], strides = [1, 1]} : vector<128x1xf32> to vector<1x1xf32>
    %slice3A_359 = vector.extract_strided_slice %slice3A_354 {offsets = [127, 0], sizes = [1, 1], strides = [1, 1]} : vector<128x1xf32> to vector<1x1xf32>
    %add3A_360 = arith.addf %slice3A_358, %slice3A_359 : vector<1x1xf32>
    %convert_element_type3A_361 = arith.fptosi %add3A_360 : vector<1x1xf32> to vector<1x1xi32>
    %add3A_362 = arith.constant 255 : i32
    %add3A_363 = vector.broadcast %add3A_362 : i32 to vector<1x1xi32>
    %add3A_364 = arith.addi %convert_element_type3A_361, %add3A_363 : vector<1x1xi32>
    %jit3A_365 = arith.constant 256 : i32
    %div3A_366 = vector.broadcast %jit3A_365 : i32 to vector<1x1xi32>
    %div3A_367 = arith.divsi %add3A_364, %div3A_366 : vector<1x1xi32>
    %sign3A_368 = arith.constant 0 : i32
    %sign3A_369 = vector.broadcast %sign3A_368 : i32 to vector<1x1xi32>
    %sign3A_370 = arith.cmpi sgt, %add3A_364, %sign3A_369 : vector<1x1xi32>
    %sign3A_371 = arith.extui %sign3A_370 : vector<1x1xi1> to vector<1x1xi32>
    %sign3A_372 = arith.constant 0 : i32
    %sign3A_373 = vector.broadcast %sign3A_372 : i32 to vector<1x1xi32>
    %sign3A_374 = arith.cmpi slt, %add3A_364, %sign3A_373 : vector<1x1xi32>
    %sign3A_375 = arith.extui %sign3A_374 : vector<1x1xi1> to vector<1x1xi32>
    %sign3A_376 = arith.subi %sign3A_371, %sign3A_375 : vector<1x1xi32>
    %sign3A_377 = arith.constant 0 : i32
    %sign3A_378 = arith.cmpi sgt, %jit3A_365, %sign3A_377 : i32
    %sign3A_379 = arith.extui %sign3A_378 : i1 to i32
    %sign3A_380 = arith.constant 0 : i32
    %sign3A_381 = arith.cmpi slt, %jit3A_365, %sign3A_380 : i32
    %sign3A_382 = arith.extui %sign3A_381 : i1 to i32
    %sign3A_383 = arith.subi %sign3A_379, %sign3A_382 : i32
    %ne3A_384 = vector.broadcast %sign3A_383 : i32 to vector<1x1xi32>
    %ne3A_385 = arith.cmpi ne, %sign3A_376, %ne3A_384 : vector<1x1xi32>
    %rem3A_386 = vector.broadcast %jit3A_365 : i32 to vector<1x1xi32>
    %rem3A_387 = arith.remsi %add3A_364, %rem3A_386 : vector<1x1xi32>
    %ne3A_388 = arith.constant 0 : i32
    %ne3A_389 = vector.broadcast %ne3A_388 : i32 to vector<1x1xi32>
    %ne3A_390 = arith.cmpi ne, %rem3A_387, %ne3A_389 : vector<1x1xi32>
    %and3A_391 = arith.andi %ne3A_385, %ne3A_390 : vector<1x1xi1>
    %sub3A_392 = arith.constant 1 : i32
    %sub3A_393 = vector.broadcast %sub3A_392 : i32 to vector<1x1xi32>
    %sub3A_394 = arith.subi %div3A_367, %sub3A_393 : vector<1x1xi32>
    %select_n3A_395 = arith.select %and3A_391, %sub3A_394, %div3A_367 : vector<1x1xi1>, vector<1x1xi32>
    %mul3A_396 = arith.constant 256 : i32
    %mul3A_397 = vector.broadcast %mul3A_396 : i32 to vector<1x1xi32>
    %mul3A_398 = arith.muli %select_n3A_395, %mul3A_397 : vector<1x1xi32>
    %sub3A_399 = arith.subf %dot_general3A_353, %convert_element_type3A_350 : vector<128x128xf32>
    %add3A_400 = vector.broadcast %dot_general3A_357 : vector<128x1xf32> to vector<128x128xf32>
    %add3A_401 = arith.addf %sub3A_399, %add3A_400 : vector<128x128xf32>
    %add3A_402 = vector.broadcast %add3A_345 : vector<1x1xf32> to vector<128x128xf32>
    %add3A_403 = arith.addf %add3A_401, %add3A_402 : vector<128x128xf32>
    %mul3A_404 = arith.mulf %convert_element_type3A_350, %add3A_403 : vector<128x128xf32>
    %add3A_405 = arith.addf %add3A_337, %mul3A_404 : vector<128x128xf32>
    %convert_element_type3A_406 = arith.fptosi %add3A_345 : vector<1x1xf32> to vector<1x1xi32>
    %add3A_407 = arith.addi %convert_element_type3A_406, %mul3A_398 : vector<1x1xi32>
    %ge3A_408 = vector.broadcast %add3A_407 : vector<1x1xi32> to vector<1x72xi32>
    %ge3A_409 = arith.cmpi sge, %mul3A_13, %ge3A_408 : vector<1x72xi32>
    %convert_element_type3A_410 = arith.extui %ge3A_409 : vector<1x72xi1> to vector<1x72xi32>
    %add3A_411 = arith.addi %add3A_343, %convert_element_type3A_410 : vector<1x72xi32>
    %convert_element_type3A_412 = arith.sitofp %mul3A_398 : vector<1x1xi32> to vector<1x1xf32>
    %add3A_413 = arith.addf %add3A_345, %convert_element_type3A_412 : vector<1x1xf32>
    %eq3A_414 = arith.constant 6.000000e+00 : f32
    %eq3A_415 = vector.broadcast %eq3A_414 : f32 to vector<128x128xf32>
    %eq3A_416 = arith.cmpf oeq, %concatenate3A, %eq3A_415 : vector<128x128xf32>
    %convert_element_type3A_417 = arith.extui %eq3A_416 : vector<128x128xi1> to vector<128x128xi32>
    %convert_element_type3A_418 = arith.sitofp %convert_element_type3A_417 : vector<128x128xi32> to vector<128x128xf32>
    %convert_element_type3A_419 = arith.truncf %convert_element_type3A_418 : vector<128x128xf32> to vector<128x128xbf16>
    %dot_general3A_420 = arith.constant dense<0.000000e+00> : vector<128x128xf32>
    %dot_general3A_421 = tpu.matmul %convert_element_type3A_419, %convert_element_type3A_7, %dot_general3A_420 {dimension_numbers = #tpu.dot_dimension_numbers<[1], [0], [0], [1], [0, 0, 1, 1], [], []>, transpose_lhs_hint = false} : vector<128x128xbf16>, vector<128x128xbf16>, vector<128x128xf32> -> vector<128x128xf32>
    %slice3A_422 = vector.extract_strided_slice %dot_general3A_421 {offsets = [0, 127], sizes = [128, 1], strides = [1, 1]} : vector<128x128xf32> to vector<128x1xf32>
    %convert_element_type3A_423 = arith.truncf %slice3A_422 : vector<128x1xf32> to vector<128x1xbf16>
    %dot_general3A_424 = arith.constant dense<0.000000e+00> : vector<128x1xf32>
    %dot_general3A_425 = tpu.matmul %convert_element_type3A_10, %convert_element_type3A_423, %dot_general3A_424 {dimension_numbers = #tpu.dot_dimension_numbers<[1], [0], [0], [1], [0, 0, 1, 1], [], []>, transpose_lhs_hint = false} : vector<128x128xbf16>, vector<128x1xbf16>, vector<128x1xf32> -> vector<128x1xf32>
    %slice3A_426 = vector.extract_strided_slice %dot_general3A_425 {offsets = [127, 0], sizes = [1, 1], strides = [1, 1]} : vector<128x1xf32> to vector<1x1xf32>
    %slice3A_427 = vector.extract_strided_slice %slice3A_422 {offsets = [127, 0], sizes = [1, 1], strides = [1, 1]} : vector<128x1xf32> to vector<1x1xf32>
    %add3A_428 = arith.addf %slice3A_426, %slice3A_427 : vector<1x1xf32>
    %convert_element_type3A_429 = arith.fptosi %add3A_428 : vector<1x1xf32> to vector<1x1xi32>
    %add3A_430 = arith.constant 255 : i32
    %add3A_431 = vector.broadcast %add3A_430 : i32 to vector<1x1xi32>
    %add3A_432 = arith.addi %convert_element_type3A_429, %add3A_431 : vector<1x1xi32>
    %jit3A_433 = arith.constant 256 : i32
    %div3A_434 = vector.broadcast %jit3A_433 : i32 to vector<1x1xi32>
    %div3A_435 = arith.divsi %add3A_432, %div3A_434 : vector<1x1xi32>
    %sign3A_436 = arith.constant 0 : i32
    %sign3A_437 = vector.broadcast %sign3A_436 : i32 to vector<1x1xi32>
    %sign3A_438 = arith.cmpi sgt, %add3A_432, %sign3A_437 : vector<1x1xi32>
    %sign3A_439 = arith.extui %sign3A_438 : vector<1x1xi1> to vector<1x1xi32>
    %sign3A_440 = arith.constant 0 : i32
    %sign3A_441 = vector.broadcast %sign3A_440 : i32 to vector<1x1xi32>
    %sign3A_442 = arith.cmpi slt, %add3A_432, %sign3A_441 : vector<1x1xi32>
    %sign3A_443 = arith.extui %sign3A_442 : vector<1x1xi1> to vector<1x1xi32>
    %sign3A_444 = arith.subi %sign3A_439, %sign3A_443 : vector<1x1xi32>
    %sign3A_445 = arith.constant 0 : i32
    %sign3A_446 = arith.cmpi sgt, %jit3A_433, %sign3A_445 : i32
    %sign3A_447 = arith.extui %sign3A_446 : i1 to i32
    %sign3A_448 = arith.constant 0 : i32
    %sign3A_449 = arith.cmpi slt, %jit3A_433, %sign3A_448 : i32
    %sign3A_450 = arith.extui %sign3A_449 : i1 to i32
    %sign3A_451 = arith.subi %sign3A_447, %sign3A_450 : i32
    %ne3A_452 = vector.broadcast %sign3A_451 : i32 to vector<1x1xi32>
    %ne3A_453 = arith.cmpi ne, %sign3A_444, %ne3A_452 : vector<1x1xi32>
    %rem3A_454 = vector.broadcast %jit3A_433 : i32 to vector<1x1xi32>
    %rem3A_455 = arith.remsi %add3A_432, %rem3A_454 : vector<1x1xi32>
    %ne3A_456 = arith.constant 0 : i32
    %ne3A_457 = vector.broadcast %ne3A_456 : i32 to vector<1x1xi32>
    %ne3A_458 = arith.cmpi ne, %rem3A_455, %ne3A_457 : vector<1x1xi32>
    %and3A_459 = arith.andi %ne3A_453, %ne3A_458 : vector<1x1xi1>
    %sub3A_460 = arith.constant 1 : i32
    %sub3A_461 = vector.broadcast %sub3A_460 : i32 to vector<1x1xi32>
    %sub3A_462 = arith.subi %div3A_435, %sub3A_461 : vector<1x1xi32>
    %select_n3A_463 = arith.select %and3A_459, %sub3A_462, %div3A_435 : vector<1x1xi1>, vector<1x1xi32>
    %mul3A_464 = arith.constant 256 : i32
    %mul3A_465 = vector.broadcast %mul3A_464 : i32 to vector<1x1xi32>
    %mul3A_466 = arith.muli %select_n3A_463, %mul3A_465 : vector<1x1xi32>
    %sub3A_467 = arith.subf %dot_general3A_421, %convert_element_type3A_418 : vector<128x128xf32>
    %add3A_468 = vector.broadcast %dot_general3A_425 : vector<128x1xf32> to vector<128x128xf32>
    %add3A_469 = arith.addf %sub3A_467, %add3A_468 : vector<128x128xf32>
    %add3A_470 = vector.broadcast %add3A_413 : vector<1x1xf32> to vector<128x128xf32>
    %add3A_471 = arith.addf %add3A_469, %add3A_470 : vector<128x128xf32>
    %mul3A_472 = arith.mulf %convert_element_type3A_418, %add3A_471 : vector<128x128xf32>
    %add3A_473 = arith.addf %add3A_405, %mul3A_472 : vector<128x128xf32>
    %convert_element_type3A_474 = arith.fptosi %add3A_413 : vector<1x1xf32> to vector<1x1xi32>
    %add3A_475 = arith.addi %convert_element_type3A_474, %mul3A_466 : vector<1x1xi32>
    %ge3A_476 = vector.broadcast %add3A_475 : vector<1x1xi32> to vector<1x72xi32>
    %ge3A_477 = arith.cmpi sge, %mul3A_13, %ge3A_476 : vector<1x72xi32>
    %convert_element_type3A_478 = arith.extui %ge3A_477 : vector<1x72xi1> to vector<1x72xi32>
    %add3A_479 = arith.addi %add3A_411, %convert_element_type3A_478 : vector<1x72xi32>
    %convert_element_type3A_480 = arith.sitofp %mul3A_466 : vector<1x1xi32> to vector<1x1xf32>
    %add3A_481 = arith.addf %add3A_413, %convert_element_type3A_480 : vector<1x1xf32>
    %eq3A_482 = arith.constant 7.000000e+00 : f32
    %eq3A_483 = vector.broadcast %eq3A_482 : f32 to vector<128x128xf32>
    %eq3A_484 = arith.cmpf oeq, %concatenate3A, %eq3A_483 : vector<128x128xf32>
    %convert_element_type3A_485 = arith.extui %eq3A_484 : vector<128x128xi1> to vector<128x128xi32>
    %convert_element_type3A_486 = arith.sitofp %convert_element_type3A_485 : vector<128x128xi32> to vector<128x128xf32>
    %convert_element_type3A_487 = arith.truncf %convert_element_type3A_486 : vector<128x128xf32> to vector<128x128xbf16>
    %dot_general3A_488 = arith.constant dense<0.000000e+00> : vector<128x128xf32>
    %dot_general3A_489 = tpu.matmul %convert_element_type3A_487, %convert_element_type3A_7, %dot_general3A_488 {dimension_numbers = #tpu.dot_dimension_numbers<[1], [0], [0], [1], [0, 0, 1, 1], [], []>, transpose_lhs_hint = false} : vector<128x128xbf16>, vector<128x128xbf16>, vector<128x128xf32> -> vector<128x128xf32>
    %slice3A_490 = vector.extract_strided_slice %dot_general3A_489 {offsets = [0, 127], sizes = [128, 1], strides = [1, 1]} : vector<128x128xf32> to vector<128x1xf32>
    %convert_element_type3A_491 = arith.truncf %slice3A_490 : vector<128x1xf32> to vector<128x1xbf16>
    %dot_general3A_492 = arith.constant dense<0.000000e+00> : vector<128x1xf32>
    %dot_general3A_493 = tpu.matmul %convert_element_type3A_10, %convert_element_type3A_491, %dot_general3A_492 {dimension_numbers = #tpu.dot_dimension_numbers<[1], [0], [0], [1], [0, 0, 1, 1], [], []>, transpose_lhs_hint = false} : vector<128x128xbf16>, vector<128x1xbf16>, vector<128x1xf32> -> vector<128x1xf32>
    %slice3A_494 = vector.extract_strided_slice %dot_general3A_493 {offsets = [127, 0], sizes = [1, 1], strides = [1, 1]} : vector<128x1xf32> to vector<1x1xf32>
    %slice3A_495 = vector.extract_strided_slice %slice3A_490 {offsets = [127, 0], sizes = [1, 1], strides = [1, 1]} : vector<128x1xf32> to vector<1x1xf32>
    %add3A_496 = arith.addf %slice3A_494, %slice3A_495 : vector<1x1xf32>
    %convert_element_type3A_497 = arith.fptosi %add3A_496 : vector<1x1xf32> to vector<1x1xi32>
    %add3A_498 = arith.constant 255 : i32
    %add3A_499 = vector.broadcast %add3A_498 : i32 to vector<1x1xi32>
    %add3A_500 = arith.addi %convert_element_type3A_497, %add3A_499 : vector<1x1xi32>
    %jit3A_501 = arith.constant 256 : i32
    %div3A_502 = vector.broadcast %jit3A_501 : i32 to vector<1x1xi32>
    %div3A_503 = arith.divsi %add3A_500, %div3A_502 : vector<1x1xi32>
    %sign3A_504 = arith.constant 0 : i32
    %sign3A_505 = vector.broadcast %sign3A_504 : i32 to vector<1x1xi32>
    %sign3A_506 = arith.cmpi sgt, %add3A_500, %sign3A_505 : vector<1x1xi32>
    %sign3A_507 = arith.extui %sign3A_506 : vector<1x1xi1> to vector<1x1xi32>
    %sign3A_508 = arith.constant 0 : i32
    %sign3A_509 = vector.broadcast %sign3A_508 : i32 to vector<1x1xi32>
    %sign3A_510 = arith.cmpi slt, %add3A_500, %sign3A_509 : vector<1x1xi32>
    %sign3A_511 = arith.extui %sign3A_510 : vector<1x1xi1> to vector<1x1xi32>
    %sign3A_512 = arith.subi %sign3A_507, %sign3A_511 : vector<1x1xi32>
    %sign3A_513 = arith.constant 0 : i32
    %sign3A_514 = arith.cmpi sgt, %jit3A_501, %sign3A_513 : i32
    %sign3A_515 = arith.extui %sign3A_514 : i1 to i32
    %sign3A_516 = arith.constant 0 : i32
    %sign3A_517 = arith.cmpi slt, %jit3A_501, %sign3A_516 : i32
    %sign3A_518 = arith.extui %sign3A_517 : i1 to i32
    %sign3A_519 = arith.subi %sign3A_515, %sign3A_518 : i32
    %ne3A_520 = vector.broadcast %sign3A_519 : i32 to vector<1x1xi32>
    %ne3A_521 = arith.cmpi ne, %sign3A_512, %ne3A_520 : vector<1x1xi32>
    %rem3A_522 = vector.broadcast %jit3A_501 : i32 to vector<1x1xi32>
    %rem3A_523 = arith.remsi %add3A_500, %rem3A_522 : vector<1x1xi32>
    %ne3A_524 = arith.constant 0 : i32
    %ne3A_525 = vector.broadcast %ne3A_524 : i32 to vector<1x1xi32>
    %ne3A_526 = arith.cmpi ne, %rem3A_523, %ne3A_525 : vector<1x1xi32>
    %and3A_527 = arith.andi %ne3A_521, %ne3A_526 : vector<1x1xi1>
    %sub3A_528 = arith.constant 1 : i32
    %sub3A_529 = vector.broadcast %sub3A_528 : i32 to vector<1x1xi32>
    %sub3A_530 = arith.subi %div3A_503, %sub3A_529 : vector<1x1xi32>
    %select_n3A_531 = arith.select %and3A_527, %sub3A_530, %div3A_503 : vector<1x1xi1>, vector<1x1xi32>
    %mul3A_532 = arith.constant 256 : i32
    %mul3A_533 = vector.broadcast %mul3A_532 : i32 to vector<1x1xi32>
    %mul3A_534 = arith.muli %select_n3A_531, %mul3A_533 : vector<1x1xi32>
    %sub3A_535 = arith.subf %dot_general3A_489, %convert_element_type3A_486 : vector<128x128xf32>
    %add3A_536 = vector.broadcast %dot_general3A_493 : vector<128x1xf32> to vector<128x128xf32>
    %add3A_537 = arith.addf %sub3A_535, %add3A_536 : vector<128x128xf32>
    %add3A_538 = vector.broadcast %add3A_481 : vector<1x1xf32> to vector<128x128xf32>
    %add3A_539 = arith.addf %add3A_537, %add3A_538 : vector<128x128xf32>
    %mul3A_540 = arith.mulf %convert_element_type3A_486, %add3A_539 : vector<128x128xf32>
    %add3A_541 = arith.addf %add3A_473, %mul3A_540 : vector<128x128xf32>
    %convert_element_type3A_542 = arith.fptosi %add3A_481 : vector<1x1xf32> to vector<1x1xi32>
    %add3A_543 = arith.addi %convert_element_type3A_542, %mul3A_534 : vector<1x1xi32>
    %ge3A_544 = vector.broadcast %add3A_543 : vector<1x1xi32> to vector<1x72xi32>
    %ge3A_545 = arith.cmpi sge, %mul3A_13, %ge3A_544 : vector<1x72xi32>
    %convert_element_type3A_546 = arith.extui %ge3A_545 : vector<1x72xi1> to vector<1x72xi32>
    %add3A_547 = arith.addi %add3A_479, %convert_element_type3A_546 : vector<1x72xi32>
    %convert_element_type3A_548 = arith.fptosi %add3A_541 : vector<128x128xf32> to vector<128x128xi32>
    %swap3A = arith.constant 0 : index
    %swap3A_549 = arith.constant 0 : index
    %swap3A_550 = vector.load %arg2[%swap3A, %swap3A_549] : memref<128x128xi32, #tpu.memory_space<vmem>>, vector<128x128xi32>
    tpu.vector_store %arg2[%swap3A, %swap3A_549], %convert_element_type3A_548 {strides = array<i32>} : memref<128x128xi32, #tpu.memory_space<vmem>>, vector<128x128xi32>,
    %min3A = arith.constant 7 : i32
    %min3A_551 = vector.broadcast %min3A : i32 to vector<1x72xi32>
    %min3A_552 = arith.minsi %add3A_547, %min3A_551 : vector<1x72xi32>
    %swap3A_553 = arith.constant 0 : index
    %swap3A_554 = arith.constant 0 : index
    %swap3A_555 = vector.load %arg3[%swap3A_553, %swap3A_554] : memref<1x72xi32, #tpu.memory_space<vmem>>, vector<1x72xi32>
    tpu.vector_store %arg3[%swap3A_553, %swap3A_554], %min3A_552 {strides = array<i32>} : memref<1x72xi32, #tpu.memory_space<vmem>>, vector<1x72xi32>,
    return
  }
}

module attributes {stable_mosaic.version = 14 : i64} {
  func.func @_gmm_body(%arg0: i32, %arg1: memref<72xi32, #tpu.memory_space<smem>>, %arg2: memref<256x1024xf32, #tpu.memory_space<vmem>>, %arg3: memref<1x1024x3072xbf16, #tpu.memory_space<vmem>>, %arg4: memref<1x3072x1024xbf16, #tpu.memory_space<vmem>>, %arg5: memref<1x1024x3072xbf16, #tpu.memory_space<vmem>>, %arg6: memref<256x1024xf32, #tpu.memory_space<vmem>>) attributes {dimension_semantics = [#tpu.dimension_semantics<arbitrary>], iteration_bounds = array<i64: 72>, scalar_prefetch = 1 : i64, scratch_operands = 0 : i64, tpu.core_type = #tpu.core_type<tc>, window_params = [{transform_indices = @transform_0, window_bounds = array<i64: 256, 1024>}, {transform_indices = @transform_1, window_bounds = array<i64: 1, 1024, 3072>}, {transform_indices = @transform_2, window_bounds = array<i64: 1, 3072, 1024>}, {transform_indices = @transform_3, window_bounds = array<i64: 1, 1024, 3072>}, {transform_indices = @transform_4, window_bounds = array<i64: 256, 1024>}]} {
    %get3A = arith.constant 0 : index
    %get3A_0 = arith.constant 0 : index
    %get3A_1 = vector.load %arg2[%get3A, %get3A_0] : memref<256x1024xf32, #tpu.memory_space<vmem>>, vector<256x1024xf32>
    %convert_element_type3A = arith.truncf %get3A_1 : vector<256x1024xf32> to vector<256x1024xbf16>
    %get3A_2 = arith.constant 0 : index
    %get3A_3 = arith.constant 0 : index
    %get3A_4 = arith.constant 0 : index
    %get3A_5 = vector.load %arg3[%get3A_2, %get3A_3, %get3A_4] : memref<1x1024x3072xbf16, #tpu.memory_space<vmem>>, vector<1x1024x3072xbf16>
    %get3A_6 = vector.shape_cast %get3A_5 : vector<1x1024x3072xbf16> to vector<1024x3072xbf16>
    %get3A_7 = arith.constant 0 : index
    %get3A_8 = arith.constant 0 : index
    %get3A_9 = arith.constant 0 : index
    %get3A_10 = vector.load %arg4[%get3A_7, %get3A_8, %get3A_9] : memref<1x3072x1024xbf16, #tpu.memory_space<vmem>>, vector<1x3072x1024xbf16>
    %get3A_11 = vector.shape_cast %get3A_10 : vector<1x3072x1024xbf16> to vector<3072x1024xbf16>
    %get3A_12 = arith.constant 0 : index
    %get3A_13 = arith.constant 0 : index
    %get3A_14 = arith.constant 0 : index
    %get3A_15 = vector.load %arg5[%get3A_12, %get3A_13, %get3A_14] : memref<1x1024x3072xbf16, #tpu.memory_space<vmem>>, vector<1x1024x3072xbf16>
    %get3A_16 = vector.shape_cast %get3A_15 : vector<1x1024x3072xbf16> to vector<1024x3072xbf16>
    %broadcast_in_dim3A = arith.constant 0.000000e+00 : f32
    %broadcast_in_dim3A_17 = vector.broadcast %broadcast_in_dim3A : f32 to vector<256x1024xf32>
    %slice3A = vector.extract_strided_slice %get3A_6 {offsets = [0, 0], sizes = [1024, 1024], strides = [1, 1]} : vector<1024x3072xbf16> to vector<1024x1024xbf16>
    %dot_general3A = arith.constant dense<0.000000e+00> : vector<256x1024xf32>
    %dot_general3A_18 = tpu.matmul %convert_element_type3A, %slice3A, %dot_general3A {dimension_numbers = #tpu.dot_dimension_numbers<[1], [0], [0], [1], [0, 0, 1, 1], [], []>, transpose_lhs_hint = false} : vector<256x1024xbf16>, vector<1024x1024xbf16>, vector<256x1024xf32> -> vector<256x1024xf32>
    %slice3A_19 = vector.extract_strided_slice %get3A_16 {offsets = [0, 0], sizes = [1024, 1024], strides = [1, 1]} : vector<1024x3072xbf16> to vector<1024x1024xbf16>
    %dot_general3A_20 = arith.constant dense<0.000000e+00> : vector<256x1024xf32>
    %dot_general3A_21 = tpu.matmul %convert_element_type3A, %slice3A_19, %dot_general3A_20 {dimension_numbers = #tpu.dot_dimension_numbers<[1], [0], [0], [1], [0, 0, 1, 1], [], []>, transpose_lhs_hint = false} : vector<256x1024xbf16>, vector<1024x1024xbf16>, vector<256x1024xf32> -> vector<256x1024xf32>
    %logistic3A = arith.negf %dot_general3A_18 : vector<256x1024xf32>
    %logistic3A_22 = math.exp %logistic3A : vector<256x1024xf32>
    %logistic3A_23 = arith.constant 1.000000e+00 : f32
    %logistic3A_24 = vector.broadcast %logistic3A_23 : f32 to vector<256x1024xf32>
    %logistic3A_25 = arith.addf %logistic3A_24, %logistic3A_22 : vector<256x1024xf32>
    %logistic3A_26 = arith.divf %logistic3A_24, %logistic3A_25 : vector<256x1024xf32>
    %mul3A = arith.mulf %dot_general3A_18, %logistic3A_26 : vector<256x1024xf32>
    %mul3A_27 = arith.mulf %mul3A, %dot_general3A_21 : vector<256x1024xf32>
    %convert_element_type3A_28 = arith.truncf %mul3A_27 : vector<256x1024xf32> to vector<256x1024xbf16>
    %slice3A_29 = vector.extract_strided_slice %get3A_11 {offsets = [0, 0], sizes = [1024, 1024], strides = [1, 1]} : vector<3072x1024xbf16> to vector<1024x1024xbf16>
    %dot_general3A_30 = arith.constant dense<0.000000e+00> : vector<256x1024xf32>
    %dot_general3A_31 = tpu.matmul %convert_element_type3A_28, %slice3A_29, %dot_general3A_30 {dimension_numbers = #tpu.dot_dimension_numbers<[1], [0], [0], [1], [0, 0, 1, 1], [], []>, transpose_lhs_hint = false} : vector<256x1024xbf16>, vector<1024x1024xbf16>, vector<256x1024xf32> -> vector<256x1024xf32>
    %add3A = arith.addf %broadcast_in_dim3A_17, %dot_general3A_31 : vector<256x1024xf32>
    %slice3A_32 = vector.extract_strided_slice %get3A_6 {offsets = [0, 1024], sizes = [1024, 1024], strides = [1, 1]} : vector<1024x3072xbf16> to vector<1024x1024xbf16>
    %dot_general3A_33 = arith.constant dense<0.000000e+00> : vector<256x1024xf32>
    %dot_general3A_34 = tpu.matmul %convert_element_type3A, %slice3A_32, %dot_general3A_33 {dimension_numbers = #tpu.dot_dimension_numbers<[1], [0], [0], [1], [0, 0, 1, 1], [], []>, transpose_lhs_hint = false} : vector<256x1024xbf16>, vector<1024x1024xbf16>, vector<256x1024xf32> -> vector<256x1024xf32>
    %slice3A_35 = vector.extract_strided_slice %get3A_16 {offsets = [0, 1024], sizes = [1024, 1024], strides = [1, 1]} : vector<1024x3072xbf16> to vector<1024x1024xbf16>
    %dot_general3A_36 = arith.constant dense<0.000000e+00> : vector<256x1024xf32>
    %dot_general3A_37 = tpu.matmul %convert_element_type3A, %slice3A_35, %dot_general3A_36 {dimension_numbers = #tpu.dot_dimension_numbers<[1], [0], [0], [1], [0, 0, 1, 1], [], []>, transpose_lhs_hint = false} : vector<256x1024xbf16>, vector<1024x1024xbf16>, vector<256x1024xf32> -> vector<256x1024xf32>
    %logistic3A_38 = arith.negf %dot_general3A_34 : vector<256x1024xf32>
    %logistic3A_39 = math.exp %logistic3A_38 : vector<256x1024xf32>
    %logistic3A_40 = arith.constant 1.000000e+00 : f32
    %logistic3A_41 = vector.broadcast %logistic3A_40 : f32 to vector<256x1024xf32>
    %logistic3A_42 = arith.addf %logistic3A_41, %logistic3A_39 : vector<256x1024xf32>
    %logistic3A_43 = arith.divf %logistic3A_41, %logistic3A_42 : vector<256x1024xf32>
    %mul3A_44 = arith.mulf %dot_general3A_34, %logistic3A_43 : vector<256x1024xf32>
    %mul3A_45 = arith.mulf %mul3A_44, %dot_general3A_37 : vector<256x1024xf32>
    %convert_element_type3A_46 = arith.truncf %mul3A_45 : vector<256x1024xf32> to vector<256x1024xbf16>
    %slice3A_47 = vector.extract_strided_slice %get3A_11 {offsets = [1024, 0], sizes = [1024, 1024], strides = [1, 1]} : vector<3072x1024xbf16> to vector<1024x1024xbf16>
    %dot_general3A_48 = arith.constant dense<0.000000e+00> : vector<256x1024xf32>
    %dot_general3A_49 = tpu.matmul %convert_element_type3A_46, %slice3A_47, %dot_general3A_48 {dimension_numbers = #tpu.dot_dimension_numbers<[1], [0], [0], [1], [0, 0, 1, 1], [], []>, transpose_lhs_hint = false} : vector<256x1024xbf16>, vector<1024x1024xbf16>, vector<256x1024xf32> -> vector<256x1024xf32>
    %add3A_50 = arith.addf %add3A, %dot_general3A_49 : vector<256x1024xf32>
    %slice3A_51 = vector.extract_strided_slice %get3A_6 {offsets = [0, 2048], sizes = [1024, 1024], strides = [1, 1]} : vector<1024x3072xbf16> to vector<1024x1024xbf16>
    %dot_general3A_52 = arith.constant dense<0.000000e+00> : vector<256x1024xf32>
    %dot_general3A_53 = tpu.matmul %convert_element_type3A, %slice3A_51, %dot_general3A_52 {dimension_numbers = #tpu.dot_dimension_numbers<[1], [0], [0], [1], [0, 0, 1, 1], [], []>, transpose_lhs_hint = false} : vector<256x1024xbf16>, vector<1024x1024xbf16>, vector<256x1024xf32> -> vector<256x1024xf32>
    %slice3A_54 = vector.extract_strided_slice %get3A_16 {offsets = [0, 2048], sizes = [1024, 1024], strides = [1, 1]} : vector<1024x3072xbf16> to vector<1024x1024xbf16>
    %dot_general3A_55 = arith.constant dense<0.000000e+00> : vector<256x1024xf32>
    %dot_general3A_56 = tpu.matmul %convert_element_type3A, %slice3A_54, %dot_general3A_55 {dimension_numbers = #tpu.dot_dimension_numbers<[1], [0], [0], [1], [0, 0, 1, 1], [], []>, transpose_lhs_hint = false} : vector<256x1024xbf16>, vector<1024x1024xbf16>, vector<256x1024xf32> -> vector<256x1024xf32>
    %logistic3A_57 = arith.negf %dot_general3A_53 : vector<256x1024xf32>
    %logistic3A_58 = math.exp %logistic3A_57 : vector<256x1024xf32>
    %logistic3A_59 = arith.constant 1.000000e+00 : f32
    %logistic3A_60 = vector.broadcast %logistic3A_59 : f32 to vector<256x1024xf32>
    %logistic3A_61 = arith.addf %logistic3A_60, %logistic3A_58 : vector<256x1024xf32>
    %logistic3A_62 = arith.divf %logistic3A_60, %logistic3A_61 : vector<256x1024xf32>
    %mul3A_63 = arith.mulf %dot_general3A_53, %logistic3A_62 : vector<256x1024xf32>
    %mul3A_64 = arith.mulf %mul3A_63, %dot_general3A_56 : vector<256x1024xf32>
    %convert_element_type3A_65 = arith.truncf %mul3A_64 : vector<256x1024xf32> to vector<256x1024xbf16>
    %slice3A_66 = vector.extract_strided_slice %get3A_11 {offsets = [2048, 0], sizes = [1024, 1024], strides = [1, 1]} : vector<3072x1024xbf16> to vector<1024x1024xbf16>
    %dot_general3A_67 = arith.constant dense<0.000000e+00> : vector<256x1024xf32>
    %dot_general3A_68 = tpu.matmul %convert_element_type3A_65, %slice3A_66, %dot_general3A_67 {dimension_numbers = #tpu.dot_dimension_numbers<[1], [0], [0], [1], [0, 0, 1, 1], [], []>, transpose_lhs_hint = false} : vector<256x1024xbf16>, vector<1024x1024xbf16>, vector<256x1024xf32> -> vector<256x1024xf32>
    %add3A_69 = arith.addf %add3A_50, %dot_general3A_68 : vector<256x1024xf32>
    %swap3A = arith.constant 0 : index
    %swap3A_70 = arith.constant 0 : index
    %swap3A_71 = vector.load %arg6[%swap3A, %swap3A_70] : memref<256x1024xf32, #tpu.memory_space<vmem>>, vector<256x1024xf32>
    tpu.vector_store %arg6[%swap3A, %swap3A_70], %add3A_69 {strides = array<i32>} : memref<256x1024xf32, #tpu.memory_space<vmem>>, vector<256x1024xf32>,
    return
  }
  func.func @transform_0(%arg0: i32, %arg1: memref<72xi32, #tpu.memory_space<smem>>) -> (i32, i32) {
    %c0_i32 = arith.constant 0 : i32
    %c0_i32_0 = arith.constant 0 : i32
    return %arg0, %c0_i32 : i32, i32
  }
  func.func @transform_1(%arg0: i32, %arg1: memref<72xi32, #tpu.memory_space<smem>>) -> (i32, i32, i32) {
    %c0_i32 = arith.constant 0 : i32
    %c0_i32_0 = arith.constant 0 : i32
    %c0_i32_1 = arith.constant 0 : i32
    %c0_i32_2 = arith.constant 0 : i32
    return %c0_i32, %c0_i32_0, %c0_i32_1 : i32, i32, i32
  }
  func.func @transform_2(%arg0: i32, %arg1: memref<72xi32, #tpu.memory_space<smem>>) -> (i32, i32, i32) {
    %c0_i32 = arith.constant 0 : i32
    %c0_i32_0 = arith.constant 0 : i32
    %c0_i32_1 = arith.constant 0 : i32
    %c0_i32_2 = arith.constant 0 : i32
    return %c0_i32, %c0_i32_0, %c0_i32_1 : i32, i32, i32
  }
  func.func @transform_3(%arg0: i32, %arg1: memref<72xi32, #tpu.memory_space<smem>>) -> (i32, i32, i32) {
    %c0_i32 = arith.constant 0 : i32
    %c0_i32_0 = arith.constant 0 : i32
    %c0_i32_1 = arith.constant 0 : i32
    %c0_i32_2 = arith.constant 0 : i32
    return %c0_i32, %c0_i32_0, %c0_i32_1 : i32, i32, i32
  }
  func.func @transform_4(%arg0: i32, %arg1: memref<72xi32, #tpu.memory_space<smem>>) -> (i32, i32) {
    %c0_i32 = arith.constant 0 : i32
    %c0_i32_0 = arith.constant 0 : i32
    return %arg0, %c0_i32 : i32, i32
  }
}

module attributes {stable_mosaic.version = 14 : i64} {
  func.func @_combine_body(%arg0: i32, %arg1: memref<1024x1024xf32, #tpu.memory_space<vmem>>, %arg2: memref<1024x1024xf32, #tpu.memory_space<vmem>>, %arg3: memref<1024x1xf32, #tpu.memory_space<vmem>>, %arg4: memref<1024x1xf32, #tpu.memory_space<vmem>>, %arg5: memref<1024x1024xf32, #tpu.memory_space<vmem>>) attributes {dimension_semantics = [#tpu.dimension_semantics<parallel>], iteration_bounds = array<i64: 8>, scalar_prefetch = 0 : i64, scratch_operands = 0 : i64, tpu.core_type = #tpu.core_type<tc>, window_params = [{transform_indices = @transform_0, window_bounds = array<i64: 1024, 1024>}, {transform_indices = @transform_1, window_bounds = array<i64: 1024, 1024>}, {transform_indices = @transform_2, window_bounds = array<i64: 1024, 1>}, {transform_indices = @transform_3, window_bounds = array<i64: 1024, 1>}, {transform_indices = @transform_4, window_bounds = array<i64: 1024, 1024>}]} {
    %get3A = arith.constant 0 : index
    %get3A_0 = arith.constant 0 : index
    %get3A_1 = vector.load %arg3[%get3A, %get3A_0] : memref<1024x1xf32, #tpu.memory_space<vmem>>, vector<1024x1xf32>
    %get3A_2 = arith.constant 0 : index
    %get3A_3 = arith.constant 0 : index
    %get3A_4 = vector.load %arg1[%get3A_2, %get3A_3] : memref<1024x1024xf32, #tpu.memory_space<vmem>>, vector<1024x1024xf32>
    %mul3A = vector.broadcast %get3A_1 : vector<1024x1xf32> to vector<1024x1024xf32>
    %mul3A_5 = arith.mulf %mul3A, %get3A_4 : vector<1024x1024xf32>
    %get3A_6 = arith.constant 0 : index
    %get3A_7 = arith.constant 0 : index
    %get3A_8 = vector.load %arg4[%get3A_6, %get3A_7] : memref<1024x1xf32, #tpu.memory_space<vmem>>, vector<1024x1xf32>
    %get3A_9 = arith.constant 0 : index
    %get3A_10 = arith.constant 0 : index
    %get3A_11 = vector.load %arg2[%get3A_9, %get3A_10] : memref<1024x1024xf32, #tpu.memory_space<vmem>>, vector<1024x1024xf32>
    %mul3A_12 = vector.broadcast %get3A_8 : vector<1024x1xf32> to vector<1024x1024xf32>
    %mul3A_13 = arith.mulf %mul3A_12, %get3A_11 : vector<1024x1024xf32>
    %add3A = arith.addf %mul3A_5, %mul3A_13 : vector<1024x1024xf32>
    %swap3A = arith.constant 0 : index
    %swap3A_14 = arith.constant 0 : index
    %swap3A_15 = vector.load %arg5[%swap3A, %swap3A_14] : memref<1024x1024xf32, #tpu.memory_space<vmem>>, vector<1024x1024xf32>
    tpu.vector_store %arg5[%swap3A, %swap3A_14], %add3A {strides = array<i32>} : memref<1024x1024xf32, #tpu.memory_space<vmem>>, vector<1024x1024xf32>,
    return
  }
  func.func @transform_0(%arg0: i32) -> (i32, i32) {
    %c0_i32 = arith.constant 0 : i32
    %c0_i32_0 = arith.constant 0 : i32
    return %arg0, %c0_i32 : i32, i32
  }
  func.func @transform_1(%arg0: i32) -> (i32, i32) {
    %c0_i32 = arith.constant 0 : i32
    %c0_i32_0 = arith.constant 0 : i32
    return %arg0, %c0_i32 : i32, i32
  }
  func.func @transform_2(%arg0: i32) -> (i32, i32) {
    %c0_i32 = arith.constant 0 : i32
    %c0_i32_0 = arith.constant 0 : i32
    return %arg0, %c0_i32 : i32, i32
  }
  func.func @transform_3(%arg0: i32) -> (i32, i32) {
    %c0_i32 = arith.constant 0 : i32
    %c0_i32_0 = arith.constant 0 : i32
    return %arg0, %c0_i32 : i32, i32
  }
  func.func @transform_4(%arg0: i32) -> (i32, i32) {
    %c0_i32 = arith.constant 0 : i32
    %c0_i32_0 = arith.constant 0 : i32
    return %arg0, %c0_i32 : i32, i32
  }
}

</mosaic_0001>

<sc_bundles>
// kernel: kernel.11.cloned.1.call-start
scs
__scs_entry_jumppad:
0x0: {  	(pc) =	sbr.rel $0x88, $3  }
0x1: {  	(tag) =	ssettag $0x0;
	lr =	simm.s32 $0x1  }
0x2: {  	[smem:$0x3F9C] =	sst lr;
	_ =	strace $0xD0000000  }
0x3: {  	_ = 	snop  }
0x4: {  	_ = 	snop  }
0x5: {  	_ = 	snop  }
0x6: {  	_ = 	snop  }
0x7: {  	_ = 	snop  }
__scs_overlays_trampoline_lowered:
0x8: {  	[smem:$0x3FAB] =	sst s0  }
0x9: {  	[smem:$0x3FAC] =	sst s1  }
0xa: {  	[smem:$0x3FAD] =	sst s2  }
0xb: {  	[smem:$0x3FAE] =	sst s3  }
0xc: {  	[smem:$0x3FAF] =	sst s4  }
0xd: {  	[smem:$0x3FB0] =	sst s5  }
0xe: {  	[smem:$0x3FB1] =	sst s6  }
0xf: {  	[smem:$0x3FB2] =	sst s7  }
0x10: {  	[smem:$0x3FB3] =	sst s8  }
0x11: {  	[smem:$0x3FB4] =	sst s9;
	s0 =	simm.s32 @!p0 $0x0  }
0x12: {  	s1 =	sld [smem:$0x3F9A];
	s0 =	simm.s32 @p0 $0x1  }
0x13: {  	[smem:$0x3FB5] =	sst s0;
	s0 =	simm.s32 @!p1 $0x0  }
0x14: {  	s2 =	sld [smem:$0x3F99];
	s0 =	simm.s32 @p1 $0x1  }
0x15: {  	[smem:$0x3FB6] =	sst s0;
	s0 =	simm.s32 @!p2 $0x0  }
0x16: {  	s3 =	sld [smem:$0x3FDB];
	s0 =	simm.s32 @p2 $0x1  }
0x17: {  	s4 =	simm.s32 $0x1BF5;
	[smem:$0x3FB8] =	sst s0  }
0x18: {  	s0 =	sld [smem:$0x3F9B];
	_ =	swait.ge [sflag:s4], $0x0  }
0x19: {  	s7 =	sld [smem:$0x3F9C]  }
0x1a: {  	s8 =	sadd.s32 $0xFFFFE003, lr  }
0x1b: {  	s9 =	sadd.s32 $0xFFFFFEF7, lr;
	s5 =	simm.s32 $0xFFFFFFFF;
	p2 =	slt.u32 s8, $0xFFFFF086  }
0x1c: {  	p1 =	slt.u32 s9, $0xF7A;
	s5 =	simm.s32 @!p2 $0x0  }
0x1d: {  	s5 =	simm.s32 @p1 $0x1;
	p0 =	seq.s32 s7, s2  }
0x1e: {  	s7 =	smul.u32 @!p0 $0xF7A, s2;
	p2 =	seq.s32 @!p0 s5, $0x0  }
0x1f: {  	s9 =	smul.u32 $0xF7A, s1;
	s8 =	simm.s32 @!p0 $0x1BF5;
	p2 =	por !p2, p0  }
0x20: {  	[sflag:s8] =	ssyncset.s32 @!p0 $0xFFFFF086;
	s6 =	sadd.s32 @!p0 s3, s7;
	s7 =	simm.s32 @!p0 $0x108  }
0x21: {  	s3 =	sadd.s32 s3, s9;
	s6 =	sadd.s32 @!p0 $0x88, s6;
	s7 =	simm.s32 @p2 $0x1082  }
0x22: {  	[simem:s7], [sflag:s8] =	dma.local @!p0 [hbm:s6], $0xF7A  }
0x23: {  	s9 =	sor.u32 $0xD0000000, s2;
	s6 =	simm.s32 $0x108;
	_ =	swait.ge @!p0 [sflag:s8], $0x0  }
0x24: {  	s3 =	sadd.s32 $0x88, s3;
	s6 =	simm.s32 @!p1 $0x1082;
	[sflag:s4] =	ssyncset.s32 $0xFFFFF086  }
0x25: {  	[simem:s6], [sflag:s4] =	dma.local [hbm:s3], $0xF7A  }
0x26: {  	[smem:$0x3F9C] =	sst s1;
	(tag) =	ssettag s2;
	_ =	strace s9  }
0x27: {  	s1 =	sld [smem:$0x3FAC]  }
0x28: {  	s2 =	sld [smem:$0x3FAD]  }
0x29: {  	s4 =	sld [smem:$0x3FAF]  }
0x2a: {  	p0 =	seq.s32 s5, $0x0;
	s5 =	sld [smem:$0x3FB0]  }
0x2b: {  	s6 =	sld [smem:$0x3FB1]  }
0x2c: {  	s7 =	sld [smem:$0x3FB2]  }
0x2d: {  	s3 =	simm.s32 $0x108;
	s8 =	sld [smem:$0x3FB3]  }
0x2e: {  	s3 =	simm.s32 @!p0 $0x1082;
	s9 =	sld [smem:$0x3FB4]  }
0x2f: {  	lr =	sadd.s32 s0, s3;
	s0 =	sld [smem:$0x3FAB]  }
0x30: {  	s3 =	sld [smem:$0x3FAE]  }
0x31: {  	[smem:$0x3FB7] =	sst s10  }
0x32: {  	s10 =	sld [smem:$0x3FB5];
	_ =	sdelay $0x3  }
0x33: {  	p0 =	seq.s32 s10, $0x1;
	s10 =	sld [smem:$0x3FB7];
	_ =	sdelay $0x3  }
0x34: {  	[smem:$0x3FB7] =	sst s10  }
0x35: {  	s10 =	sld [smem:$0x3FB6];
	_ =	sdelay $0x3  }
0x36: {  	p1 =	seq.s32 s10, $0x1;
	s10 =	sld [smem:$0x3FB7];
	_ =	sdelay $0x3  }
0x37: {  	[smem:$0x3FB7] =	sst s10  }
0x38: {  	s10 =	sld [smem:$0x3FB8]  }
0x39: {  	_ = 	snop;
	(pc) =	sbr.ind lr, $3  }
0x3a: {  	_ = 	snop  }
0x3b: {  	_ = 	snop  }
0x3c: {  	p2 =	seq.s32 s10, $0x1;
	s10 =	sld [smem:$0x3FB7]  }
0x3d: {  	_ =	shalt  }
0x3e: {  	_ =	shalt  }
0x3f: {  	_ =	shalt  }
0x40: {  	_ =	shalt  }
0x41: {  	_ =	shalt  }
0x42: {  	_ =	shalt  }
0x43: {  	_ =	shalt  }
0x44: {  	_ =	shalt  }
0x45: {  	_ =	shalt  }
0x46: {  	_ =	shalt  }
0x47: {  	_ =	shalt  }
0x48: {  	_ =	shalt  }
0x49: {  	_ =	shalt  }
0x4a: {  	_ =	shalt  }
0x4b: {  	_ =	shalt  }
0x4c: {  	_ =	shalt  }
0x4d: {  	_ =	shalt  }
0x4e: {  	_ =	shalt  }
0x4f: {  	_ =	shalt  }
0x50: {  	_ =	shalt  }
0x51: {  	_ =	shalt  }
0x52: {  	_ =	shalt  }
0x53: {  	_ =	shalt  }
0x54: {  	_ =	shalt  }
0x55: {  	_ =	shalt  }
0x56: {  	_ =	shalt  }
0x57: {  	_ =	shalt  }
0x58: {  	_ =	shalt  }
0x59: {  	_ =	shalt  }
0x5a: {  	_ =	shalt  }
0x5b: {  	_ =	shalt  }
0x5c: {  	_ =	shalt  }
0x5d: {  	_ =	shalt  }
0x5e: {  	_ =	shalt  }
0x5f: {  	_ =	shalt  }
0x60: {  	_ =	shalt  }
0x61: {  	_ =	shalt  }
0x62: {  	_ =	shalt  }
0x63: {  	_ =	shalt  }
0x64: {  	_ =	shalt  }
0x65: {  	_ =	shalt  }
0x66: {  	_ =	shalt  }
0x67: {  	_ =	shalt  }
0x68: {  	_ =	shalt  }
0x69: {  	_ =	shalt  }
0x6a: {  	_ =	shalt  }
0x6b: {  	_ =	shalt  }
0x6c: {  	_ =	shalt  }
0x6d: {  	_ =	shalt  }
0x6e: {  	_ =	shalt  }
0x6f: {  	_ =	shalt  }
0x70: {  	_ =	shalt  }
0x71: {  	_ =	shalt  }
0x72: {  	_ =	shalt  }
0x73: {  	_ =	shalt  }
0x74: {  	_ =	shalt  }
0x75: {  	_ =	shalt  }
0x76: {  	_ =	shalt  }
0x77: {  	_ =	shalt  }
0x78: {  	_ =	shalt  }
0x79: {  	_ =	shalt  }
0x7a: {  	_ =	shalt  }
0x7b: {  	_ =	shalt  }
0x7c: {  	_ =	shalt  }
0x7d: {  	_ =	shalt  }
0x7e: {  	_ =	shalt  }
0x7f: {  	_ =	shalt  }
0x80: {  	_ =	shalt  }
0x81: {  	_ =	shalt  }
0x82: {  	_ =	shalt  }
0x83: {  	_ =	shalt  }
0x84: {  	_ =	shalt  }
0x85: {  	_ =	shalt  }
0x86: {  	_ =	shalt  }
0x87: {  	_ =	shalt  }
.Lfunc_end0:
.L_simem_size_0:
called_computation.1_lowered:
.L_overlay_start_0:
0x88: {  	s2 =	sld [smem:$0x3FD9]  }
0x89: {  	s3 =	sld [smem:$0x3FFE];
	_ =	sdelay $0x1  }
0x8a: {  	s1 =	srdreg.scid  }
0x8b: {  	s0 =	sand.u32 $0x1, s1  }
0x8c: {  	s16 =	sshll.u32 s0, $0xA;
	s2 =	sadd.s32 s3, s2  }
0x8d: {  	s2 =	sadd.s32 s2, s16  }
0x8e: {  	[smem:$0x3FC3] =	sst s2  }
0x8f: {  	_ = 	snop  }
0x90: {  	(tm) =	ssettm $0x1  }
0x91: {  	s17 =	sld [smem:$0x3FFB];
	_ =	sdelay $0x3  }
0x92: {  	_ =	strace s17  }
0x93: {  	s2 =	sld [smem:$0x3FFC];
	_ =	sdelay $0x3  }
0x94: {  	_ =	strace s2  }
0x95: {  	s2 =	sld [smem:$0x3FFD];
	_ =	sdelay $0x3  }
0x96: {  	_ =	strace s2  }
0x97: {  	_ =	strace $0x8FFFFFFF  }
0x98: {  	s18 =	sld [smem:$0x3FDB];
	_ =	sdelay $0x1  }
0x99: {  	s19 =	simm.s32 $_scs_section_size  }
0x9a: {  	s4 =	simm.s32 $_size__tile_overlayer_lowered;
	s5 =	simm.s32 $_tile_overlayer_lowered  }
0x9b: {  	s22 =	simm.s32 $0x1BFF;
	s21 =	sshll.u32 s5, $0x1;
	s2 =	sadd.s32 s19, s18  }
0x9c: {  	s6 =	simm.s32 $0x0;
	s20 =	sshll.u32 s4, $0x1;
	s4 =	sadd.s32 s21, s2  }
0x9d: {  	[timem:s6], [sflag:s22] =	dma.local [hbm:s4], s20  }
0x9e: {  	_ =	swait.ge [sflag:s22], s20  }
0x9f: {  	s3 =	ssub.s32 $0x0, s20;
	[sflag:s22] =	ssyncset.done $0x0  }
0xa0: {  	[sflag:s22] =	ssyncadd.s32 s3;
	_ =	sdelay $0x1  }
0xa1: {  	s23 =	simm.s32 $0x1B8B  }
0xa2: {  	_ =	swait.ge [sflag:s23], $0x1  }
0xa3: {  	[sflag:s23] =	ssyncset.done $0x0  }
0xa4: {  	s25 =	simm.s32 $0x1B8E;
	s24 =	sld [smem:$0x3FFE];
	[sflag:s23] =	ssyncadd.s32 $0xFFFFFFFF  }
0xa5: {  	s26 =	simm.s32 $execute0_lowered;
	[smem:$0x3FD2] =	sst s25  }
0xa6: {  	s4 =	sshll.u32 s26, $0x1;
	_ =	strace $0x80000049;
	[dreg:$0x1] =	wrdreg $0xFFFFFFFF  }
0xa7: {  	s28 =	simm.s32 $_size_execute0_lowered;
	s2 =	sadd.s32 s2, s4;
	[dreg:$0x0] =	wrdreg $0x0  }
0xa8: {  	s4 =	sshll.u32 s28, $0x1;
	[dreg:$0x2] =	wrdreg s2  }
0xa9: {  	[dreg:$0x3] =	wrdreg s4  }
0xaa: {  	[dreg:$0x4] =	wrdreg $0xC0  }
0xab: {  	_ =	task [dreg:s6], $0x5FFFF  }
0xac: {  	[dreg:$0x1] =	wrdreg $0xFFFFFFFF  }
0xad: {  	[dreg:$0x0] =	wrdreg $0x60  }
0xae: {  	[dreg:$0x2] =	wrdreg s24  }
0xaf: {  	[dreg:$0x3] =	wrdreg $0x9  }
0xb0: {  	_ =	task.clear_ibuf [dreg:s6], $0x4FFFF;
	_ =	strace $0x90000049  }
0xb1: {  	s29 =	simm.s32 $0x9;
	_ =	strace $0x8000004B  }
0xb2: {  	_ =	swait.ge [sflag:s29], $0x1  }
0xb3: {  	[sflag:s29] =	ssyncadd.s32 $0xFFFFFFFF  }
0xb4: {  	_ =	strace $0x9000004B  }
0xb5: {  	_ =	sfence  }
0xb6: {  	s30 =	sld [smem:$0x0];
	_ =	sdelay $0x2  }
0xb7: {  	s31 =	sshll.u32 s1, $0xD;
	s1 =	sshrl.u32 s1, $0x2  }
0xb8: {  	s3 =	sand.u32 $0x4000, s31;
	s1 =	sadd.s32 s1, s30  }
0xb9: {  	s0 =	sor.u32 s3, s0;
	s1 =	sshll.u32 s1, $0x11  }
0xba: {  	s0 =	sor.u32 s1, s0  }
0xbb: {  	s0 =	sadd.s32 $0x8F2B, s0  }
0xbc: {  	[sflag:s0] =	ssyncadd.remote.s32 $0x1  }
0xbd: {  	_ =	sfence.sel $0xFFFF  }
0xbe: {  	[dreg:$0x0] =	wrdreg $0xFFFFFFFF;
	(pc) =	sbr.abs _section_cstart, $3  }
0xbf: {  	[dreg:$0x1] =	wrdreg $0xFFFFFFFF  }
0xc0: {  	_ =	task.clear_ibuf [dreg:s6], $0x2FFFF;
	_ =	strace $0x9FFFFFFF  }
0xc1: {  	(tm) =	ssettm $0x7FFFFFFF  }
tec
execute0_lowered:
.L_overlay_start_1:
0x0: {  	(tag) =	ssettag $0x1  }
0x1: {  	s1 =	srdreg.scid;
	s2 =	stileid.u32  }
0x2: {  	s4 =	sand.u32 $0x1, s1;
	s10 =	sshll.u32 s2, $0x1  }
0x3: {  	s3 =	sor.u32 s4, s10  }
0x4: {  	s0 =	rddreg [dreg:$0x0];
	s2 =	simm.s32 $0x0;
	s1 =	sshll.u32 s3, $0x6  }
0x5: {  	s7 =	sadd.s32 $0x121600, s0;
	[smem:$0x7FF] =	sst s2;
	s5 =	sadd.s32 s1, s0  }
0x6: {  	s1 =	sadd.s32 $0x21600, s0;
	s6 =	sadd.s32 $0x20E00, s5;
	s5 =	sshll.u32 s3, $0xF  }
0x7: {  	_ =	strace $0x8000004A;
	[dreg:$0x2] =	wrdreg s6;
	s3 =	sadd.s32 s1, s5  }
0x8: {  	s11 =	sadd.s32 s7, s5;
	s12 =	sor.u32 $0x800, s5;
	[dreg:$0x3] =	wrdreg s3  }
0x9: {  	[dreg:$0x4] =	wrdreg s11;
	s13 =	sadd.s32 s1, s12  }
0xa: {  	s15 =	sor.u32 $0x1000, s5;
	s14 =	sadd.s32 s7, s12;
	[dreg:$0x5] =	wrdreg s13  }
0xb: {  	s16 =	sadd.s32 s1, s15;
	[dreg:$0x6] =	wrdreg s14  }
0xc: {  	s18 =	sor.u32 $0x1800, s5;
	s17 =	sadd.s32 s7, s15;
	[dreg:$0x7] =	wrdreg s16  }
0xd: {  	s19 =	sadd.s32 s1, s18;
	[dreg:$0x8] =	wrdreg s17  }
0xe: {  	s21 =	sor.u32 $0x2000, s5;
	s20 =	sadd.s32 s7, s18;
	[dreg:$0x9] =	wrdreg s19  }
0xf: {  	s22 =	sadd.s32 s1, s21;
	[dreg:$0xa] =	wrdreg s20  }
0x10: {  	s24 =	sor.u32 $0x2800, s5;
	s23 =	sadd.s32 s7, s21;
	[dreg:$0xb] =	wrdreg s22  }
0x11: {  	s25 =	sadd.s32 s1, s24;
	[dreg:$0xc] =	wrdreg s23  }
0x12: {  	s28 =	sor.u32 $0x3000, s5;
	s26 =	sadd.s32 s7, s24;
	[dreg:$0xd] =	wrdreg s25  }
0x13: {  	s29 =	sadd.s32 s1, s28;
	[dreg:$0xe] =	wrdreg s26  }
0x14: {  	s31 =	sor.u32 $0x3800, s5;
	s30 =	sadd.s32 s7, s28;
	[dreg:$0xf] =	wrdreg s29  }
0x15: {  	s8 =	sadd.s32 s1, s31;
	[dreg:$0x10] =	wrdreg s30  }
0x16: {  	s10 =	sor.u32 $0x4000, s5;
	s9 =	sadd.s32 s7, s31;
	[dreg:$0x11] =	wrdreg s8  }
0x17: {  	s4 =	ssub.s32 $0x2, s4;
	s11 =	sadd.s32 s1, s10;
	[dreg:$0x12] =	wrdreg s9  }
0x18: {  	s12 =	sadd.s32 s7, s10;
	[dreg:$0x13] =	wrdreg s11;
	s13 =	sor.u32 $0x4800, s5  }
0x19: {  	s3 =	sadd.s32 $0x6E1600, s0;
	[dreg:$0x14] =	wrdreg s12;
	s14 =	sadd.s32 s1, s13  }
0x1a: {  	s8 =	sor.u32 $0x5000, s5;
	s6 =	sadd.s32 s7, s13;
	[dreg:$0x15] =	wrdreg s14  }
0x1b: {  	s10 =	simm.s32 $0xC200;
	s15 =	sadd.s32 s1, s8;
	[dreg:$0x16] =	wrdreg s6  }
0x1c: {  	s17 =	sor.u32 $0x5800, s5;
	s16 =	sadd.s32 s7, s8;
	[dreg:$0x17] =	wrdreg s15  }
0x1d: {  	s20 =	sor.u32 $0x6000, s5;
	s18 =	sadd.s32 s1, s17;
	[dreg:$0x18] =	wrdreg s16  }
0x1e: {  	s9 =	sshrl.u32 s4, $0x1;
	s19 =	sadd.s32 s7, s17;
	[dreg:$0x19] =	wrdreg s18  }
0x1f: {  	s23 =	sor.u32 $0x6800, s5;
	s21 =	sadd.s32 s1, s20;
	[dreg:$0x1a] =	wrdreg s19  }
0x20: {  	s26 =	sor.u32 $0x7000, s5;
	s22 =	sadd.s32 s7, s20;
	[dreg:$0x1b] =	wrdreg s21  }
0x21: {  	s30 =	sor.u32 $0x7800, s5;
	s24 =	sadd.s32 s1, s23;
	[dreg:$0x1c] =	wrdreg s22  }
0x22: {  	s5 =	sadd.s32 $0x6E1800, s0;
	s25 =	sadd.s32 s7, s23;
	[dreg:$0x1d] =	wrdreg s24  }
0x23: {  	s9 =	ssub.s32 s4, s9;
	s28 =	sadd.s32 s1, s26;
	[dreg:$0x1e] =	wrdreg s25  }
0x24: {  	s4 =	sadd.s32 $0x6E1700, s0;
	s29 =	sadd.s32 s7, s26;
	[dreg:$0x1f] =	wrdreg s28  }
0x25: {  	s1 =	sadd.s32 s1, s30;
	s31 =	sadd.s32 s7, s30;
	[smem:$0x7FB] =	sst s29  }
0x26: {  	s8 =	simm.s32 $0x5;
	s17 =	simm.s32 $0x8200;
	[smem:$0x7FC] =	sst s1  }
0x27: {  	v2 =	vlaneseq.u32;
	s20 =	simm.s32 $0x3;
	s6 =	sadd.s32 $0x6E1900, s0;
	[smem:$0x7FD] =	sst s31  }
0x28: {  	vm0 =	vmmov $0xffff;
	v1 =	vshrl.u32 v2, $0x3;
	s0 =	smax.u32 s9, $0x1;
	s18 =	simm.s32 $0x200;
	s25 =	simm.s32 $0x4200  }
0x29: {  	v0 =	vand.u32 $0x7, v2;
	v2 =	vor.u32 $0x8, v2;
	v1 =	vmul.u32 $0x8, v1;
	s19 =	simm.s32 $0x1;
	s21 =	simm.s32 $0x2;
	s22 =	simm.s32 $0x4  }
.LBB2_1:
0x2a: {  	[smem:$0x7FA] =	sst s0  }
0x2b: {  	s23 =	rddreg [dreg:$0x2]  }
0x2c: {  	[tilespmem:s2], [sflag:$0x5] =	stream.linear.gather [hbm4b:s23+s2], $0x200, $0x38;
	[tilespmem:$0x10200] =	vst v63  }
0x2d: {  	_ =	swait.ge [sflag:s8], $0x200  }
0x2e: {  	[sflag:s8] =	ssyncset.done $0x0  }
0x2f: {  	[sflag:s8] =	ssyncadd.s32 $0xFFFFFE00  }
0x30: {  	v3 =	vld [tilespmem:$0x0];
	_ =	sdelay $0x4  }
0x31: {  	v4 =	vshll.u32 v3, $0x3  }
0x32: {  	v3 =	vand.u32 $0x7, v3;
	v4 =	vand.u32 $0xFFFFFFC0, v4  }
0x33: {  	v3 =	vor.u32 v3, v4  }
0x34: {  	v4 =	vperm.xlane v3, v0;
	_ =	sdelay $0x1  }
0x35: {  	v4 =	vadd.s32 v1, v4;
	_ =	sdelay $0x4  }
0x36: {  	v5 =	vld [tilespmem:$0x80];
	[tilespmem:s18], [sflag:$0x1] =	stream.indirect_vreg.gather [hbm4b:s3+s2], $0x80, v4, vm0, $0xb8  }
0x37: {  	s12 =	simm.s32 $0xA00;
	v3 =	vperm.xlane v3, v2  }
0x38: {  	[tilespmem:s12], [sflag:$0x1] =	stream.indirect_vreg.gather [hbm4b:s4+s2], $0x80, v4, vm0, $0xb8;
	[tilespmem:$0x10200] =	vst v63  }
0x39: {  	s13 =	simm.s32 $0x1200;
	v3 =	vadd.s32 v1, v3  }
0x3a: {  	[tilespmem:s13], [sflag:$0x1] =	stream.indirect_vreg.gather [hbm4b:s5+s2], $0x80, v4, vm0, $0xb8;
	[tilespmem:$0x10200] =	vst v63  }
0x3b: {  	s14 =	simm.s32 $0x1A00  }
0x3c: {  	v19 =	vshll.u32 v5, $0x3;
	[tilespmem:s14], [sflag:$0x1] =	stream.indirect_vreg.gather [hbm4b:s6+s2], $0x80, v4, vm0, $0xb8;
	[tilespmem:$0x10200] =	vst v63  }
0x3d: {  	s15 =	simm.s32 $0x2200;
	v5 =	vand.u32 $0x7, v5;
	v4 =	vand.u32 $0xFFFFFFC0, v19  }
0x3e: {  	v4 =	vor.u32 v5, v4;
	[tilespmem:s15], [sflag:$0x1] =	stream.indirect_vreg.gather [hbm4b:s3+s2], $0x80, v3, vm0, $0xb8;
	[tilespmem:$0x10200] =	vst v63  }
0x3f: {  	s16 =	simm.s32 $0x2A00;
	v5 =	vperm.xlane v4, v0  }
0x40: {  	[tilespmem:s16], [sflag:$0x1] =	stream.indirect_vreg.gather [hbm4b:s4+s2], $0x80, v3, vm0, $0xb8;
	[tilespmem:$0x10200] =	vst v63  }
0x41: {  	s23 =	simm.s32 $0x3200;
	v5 =	vadd.s32 v1, v5  }
0x42: {  	[tilespmem:s23], [sflag:$0x1] =	stream.indirect_vreg.gather [hbm4b:s5+s2], $0x80, v3, vm0, $0xb8;
	[tilespmem:$0x10200] =	vst v63  }
0x43: {  	s24 =	simm.s32 $0x3A00  }
0x44: {  	[tilespmem:s24], [sflag:$0x1] =	stream.indirect_vreg.gather [hbm4b:s6+s2], $0x80, v3, vm0, $0xb8;
	[tilespmem:$0x10200] =	vst v63  }
0x45: {  	_ = 	snop  }
0x46: {  	[tilespmem:s17], [sflag:$0x3] =	stream.indirect_vreg.gather [hbm4b:s3+s2], $0x80, v5, vm0, $0xb8;
	[tilespmem:$0x10200] =	vst v63  }
0x47: {  	s26 =	simm.s32 $0x8A00;
	v3 =	vperm.xlane v4, v2  }
0x48: {  	[tilespmem:s26], [sflag:$0x3] =	stream.indirect_vreg.gather [hbm4b:s4+s2], $0x80, v5, vm0, $0xb8;
	[tilespmem:$0x10200] =	vst v63  }
0x49: {  	s28 =	simm.s32 $0x9200;
	v3 =	vadd.s32 v1, v3  }
0x4a: {  	[tilespmem:s28], [sflag:$0x3] =	stream.indirect_vreg.gather [hbm4b:s5+s2], $0x80, v5, vm0, $0xb8;
	[tilespmem:$0x10200] =	vst v63  }
0x4b: {  	s29 =	simm.s32 $0x9A00  }
0x4c: {  	[tilespmem:s29], [sflag:$0x3] =	stream.indirect_vreg.gather [hbm4b:s6+s2], $0x80, v5, vm0, $0xb8;
	[tilespmem:$0x10200] =	vst v63  }
0x4d: {  	s1 =	simm.s32 $0xA200  }
0x4e: {  	[tilespmem:s1], [sflag:$0x3] =	stream.indirect_vreg.gather [hbm4b:s3+s2], $0x80, v3, vm0, $0xb8;
	[tilespmem:$0x10200] =	vst v63  }
0x4f: {  	s7 =	simm.s32 $0xAA00  }
0x50: {  	[tilespmem:s7], [sflag:$0x3] =	stream.indirect_vreg.gather [hbm4b:s4+s2], $0x80, v3, vm0, $0xb8;
	[tilespmem:$0x10200] =	vst v63  }
0x51: {  	s9 =	simm.s32 $0xB200  }
0x52: {  	[tilespmem:s9], [sflag:$0x3] =	stream.indirect_vreg.gather [hbm4b:s5+s2], $0x80, v3, vm0, $0xb8;
	[tilespmem:$0x10200] =	vst v63  }
0x53: {  	s16 =	simm.s32 $0xBA00  }
0x54: {  	[tilespmem:s16], [sflag:$0x3] =	stream.indirect_vreg.gather [hbm4b:s6+s2], $0x80, v3, vm0, $0xb8;
	[tilespmem:$0x10200] =	vst v63  }
0x55: {  	v3 =	vld [tilespmem:$0x10];
	_ =	sdelay $0x4  }
0x56: {  	v20 =	vshll.u32 v3, $0x3  }
0x57: {  	v3 =	vand.u32 $0x7, v3;
	v4 =	vand.u32 $0xFFFFFFC0, v20  }
0x58: {  	v3 =	vor.u32 v3, v4  }
0x59: {  	v4 =	vperm.xlane v3, v0;
	_ =	sdelay $0x1  }
0x5a: {  	v4 =	vadd.s32 v1, v4;
	_ =	sdelay $0x4  }
0x5b: {  	v5 =	vld [tilespmem:$0x90];
	[tilespmem:s25], [sflag:$0x2] =	stream.indirect_vreg.gather [hbm4b:s3+s2], $0x80, v4, vm0, $0xb8  }
0x5c: {  	s23 =	simm.s32 $0x4A00;
	v3 =	vperm.xlane v3, v2  }
0x5d: {  	[tilespmem:s23], [sflag:$0x2] =	stream.indirect_vreg.gather [hbm4b:s4+s2], $0x80, v4, vm0, $0xb8;
	[tilespmem:$0x10200] =	vst v63  }
0x5e: {  	s24 =	simm.s32 $0x5200;
	v3 =	vadd.s32 v1, v3  }
0x5f: {  	[tilespmem:s24], [sflag:$0x2] =	stream.indirect_vreg.gather [hbm4b:s5+s2], $0x80, v4, vm0, $0xb8;
	[tilespmem:$0x10200] =	vst v63  }
0x60: {  	s26 =	simm.s32 $0x5A00  }
0x61: {  	v21 =	vshll.u32 v5, $0x3;
	[tilespmem:s26], [sflag:$0x2] =	stream.indirect_vreg.gather [hbm4b:s6+s2], $0x80, v4, vm0, $0xb8;
	[tilespmem:$0x10200] =	vst v63  }
0x62: {  	s28 =	simm.s32 $0x6200;
	v5 =	vand.u32 $0x7, v5;
	v4 =	vand.u32 $0xFFFFFFC0, v21  }
0x63: {  	v4 =	vor.u32 v5, v4;
	[tilespmem:s28], [sflag:$0x2] =	stream.indirect_vreg.gather [hbm4b:s3+s2], $0x80, v3, vm0, $0xb8;
	[tilespmem:$0x10200] =	vst v63  }
0x64: {  	s0 =	simm.s32 $0x6A00;
	v5 =	vperm.xlane v4, v0  }
0x65: {  	[tilespmem:s0], [sflag:$0x2] =	stream.indirect_vreg.gather [hbm4b:s4+s2], $0x80, v3, vm0, $0xb8;
	[tilespmem:$0x10200] =	vst v63  }
0x66: {  	s24 =	simm.s32 $0x7200;
	v5 =	vadd.s32 v1, v5  }
0x67: {  	[tilespmem:s24], [sflag:$0x2] =	stream.indirect_vreg.gather [hbm4b:s5+s2], $0x80, v3, vm0, $0xb8;
	[tilespmem:$0x10200] =	vst v63  }
0x68: {  	s26 =	simm.s32 $0x7A00  }
0x69: {  	[tilespmem:s26], [sflag:$0x2] =	stream.indirect_vreg.gather [hbm4b:s6+s2], $0x80, v3, vm0, $0xb8;
	[tilespmem:$0x10200] =	vst v63  }
0x6a: {  	_ = 	snop  }
0x6b: {  	[tilespmem:s10], [sflag:$0x4] =	stream.indirect_vreg.gather [hbm4b:s3+s2], $0x80, v5, vm0, $0xb8;
	[tilespmem:$0x10200] =	vst v63  }
0x6c: {  	s28 =	simm.s32 $0xCA00;
	v3 =	vperm.xlane v4, v2  }
0x6d: {  	[tilespmem:s28], [sflag:$0x4] =	stream.indirect_vreg.gather [hbm4b:s4+s2], $0x80, v5, vm0, $0xb8;
	[tilespmem:$0x10200] =	vst v63  }
0x6e: {  	s0 =	simm.s32 $0xD200;
	v3 =	vadd.s32 v1, v3  }
0x6f: {  	[tilespmem:s0], [sflag:$0x4] =	stream.indirect_vreg.gather [hbm4b:s5+s2], $0x80, v5, vm0, $0xb8;
	[tilespmem:$0x10200] =	vst v63  }
0x70: {  	s28 =	simm.s32 $0xDA00  }
0x71: {  	[tilespmem:s28], [sflag:$0x4] =	stream.indirect_vreg.gather [hbm4b:s6+s2], $0x80, v5, vm0, $0xb8;
	[tilespmem:$0x10200] =	vst v63  }
0x72: {  	s0 =	simm.s32 $0xE200  }
0x73: {  	[tilespmem:s0], [sflag:$0x4] =	stream.indirect_vreg.gather [hbm4b:s3+s2], $0x80, v3, vm0, $0xb8;
	[tilespmem:$0x10200] =	vst v63  }
0x74: {  	s28 =	simm.s32 $0xEA00  }
0x75: {  	[tilespmem:s28], [sflag:$0x4] =	stream.indirect_vreg.gather [hbm4b:s4+s2], $0x80, v3, vm0, $0xb8;
	[tilespmem:$0x10200] =	vst v63  }
0x76: {  	s0 =	simm.s32 $0xF200  }
0x77: {  	[tilespmem:s0], [sflag:$0x4] =	stream.indirect_vreg.gather [hbm4b:s5+s2], $0x80, v3, vm0, $0xb8;
	[tilespmem:$0x10200] =	vst v63  }
0x78: {  	s28 =	simm.s32 $0xFA00  }
0x79: {  	[tilespmem:s28], [sflag:$0x4] =	stream.indirect_vreg.gather [hbm4b:s6+s2], $0x80, v3, vm0, $0xb8;
	[tilespmem:$0x10200] =	vst v63  }
0x7a: {  	_ =	swait.ge [sflag:s19], $0x4000  }
0x7b: {  	[sflag:s19] =	ssyncset.done $0x0  }
0x7c: {  	[sflag:s19] =	ssyncadd.s32 $0xFFFFC000  }
0x7d: {  	_ =	swait.ge [sflag:s20], $0x4000  }
0x7e: {  	[sflag:s20] =	ssyncset.done $0x0  }
0x7f: {  	s0 =	rddreg [dreg:$0x3];
	[sflag:s20] =	ssyncadd.s32 $0xFFFFC000  }
0x80: {  	[hbm4b:s0+s2] =	stream.linear.scatter [tilespmem:s18], [sflag:$0x5], $0x4000, $0x38;
	[tilespmem:$0x10200] =	vst v63  }
0x81: {  	_ =	swait.ge [sflag:s8], $0x4000  }
0x82: {  	[sflag:s8] =	ssyncset.done $0x0  }
0x83: {  	s0 =	rddreg [dreg:$0x4];
	[sflag:s8] =	ssyncadd.s32 $0xFFFFC000  }
0x84: {  	[hbm4b:s0+s2] =	stream.linear.scatter [tilespmem:s17], [sflag:$0x5], $0x4000, $0x38;
	[tilespmem:$0x10200] =	vst v63  }
0x85: {  	_ =	swait.ge [sflag:s8], $0x4000  }
0x86: {  	[sflag:s8] =	ssyncset.done $0x0  }
0x87: {  	[sflag:s8] =	ssyncadd.s32 $0xFFFFC000  }
0x88: {  	v3 =	vld [tilespmem:$0x20];
	_ =	sdelay $0x4  }
0x89: {  	v22 =	vshll.u32 v3, $0x3  }
0x8a: {  	v3 =	vand.u32 $0x7, v3;
	v4 =	vand.u32 $0xFFFFFFC0, v22  }
0x8b: {  	v3 =	vor.u32 v3, v4  }
0x8c: {  	v4 =	vperm.xlane v3, v0;
	_ =	sdelay $0x1  }
0x8d: {  	v4 =	vadd.s32 v1, v4;
	_ =	sdelay $0x4  }
0x8e: {  	v23 =	vld [tilespmem:$0xA0];
	[tilespmem:s18], [sflag:$0x1] =	stream.indirect_vreg.gather [hbm4b:s3+s2], $0x80, v4, vm0, $0xb8  }
0x8f: {  	s30 =	simm.s32 $0xA00;
	v3 =	vperm.xlane v3, v2  }
0x90: {  	[tilespmem:s30], [sflag:$0x1] =	stream.indirect_vreg.gather [hbm4b:s4+s2], $0x80, v4, vm0, $0xb8;
	[tilespmem:$0x10200] =	vst v63  }
0x91: {  	v3 =	vadd.s32 v1, v3;
	s30 =	simm.s32 $0x1200  }
0x92: {  	[tilespmem:s30], [sflag:$0x1] =	stream.indirect_vreg.gather [hbm4b:s5+s2], $0x80, v4, vm0, $0xb8;
	[tilespmem:$0x10200] =	vst v63  }
0x93: {  	s11 =	simm.s32 $0x1A00  }
0x94: {  	v24 =	vshll.u32 v23, $0x3;
	[tilespmem:s11], [sflag:$0x1] =	stream.indirect_vreg.gather [hbm4b:s6+s2], $0x80, v4, vm0, $0xb8;
	[tilespmem:$0x10200] =	vst v63  }
0x95: {  	s12 =	simm.s32 $0x2200;
	v5 =	vand.u32 $0x7, v23;
	v4 =	vand.u32 $0xFFFFFFC0, v24  }
0x96: {  	v4 =	vor.u32 v5, v4;
	[tilespmem:s12], [sflag:$0x1] =	stream.indirect_vreg.gather [hbm4b:s3+s2], $0x80, v3, vm0, $0xb8;
	[tilespmem:$0x10200] =	vst v63  }
0x97: {  	s13 =	simm.s32 $0x2A00;
	v5 =	vperm.xlane v4, v0  }
0x98: {  	[tilespmem:s13], [sflag:$0x1] =	stream.indirect_vreg.gather [hbm4b:s4+s2], $0x80, v3, vm0, $0xb8;
	[tilespmem:$0x10200] =	vst v63  }
0x99: {  	s31 =	simm.s32 $0x3200;
	v5 =	vadd.s32 v1, v5  }
0x9a: {  	[tilespmem:s31], [sflag:$0x1] =	stream.indirect_vreg.gather [hbm4b:s5+s2], $0x80, v3, vm0, $0xb8;
	[tilespmem:$0x10200] =	vst v63  }
0x9b: {  	s14 =	simm.s32 $0x3A00  }
0x9c: {  	[tilespmem:s14], [sflag:$0x1] =	stream.indirect_vreg.gather [hbm4b:s6+s2], $0x80, v3, vm0, $0xb8;
	[tilespmem:$0x10200] =	vst v63  }
0x9d: {  	_ = 	snop  }
0x9e: {  	[tilespmem:s17], [sflag:$0x3] =	stream.indirect_vreg.gather [hbm4b:s3+s2], $0x80, v5, vm0, $0xb8;
	[tilespmem:$0x10200] =	vst v63  }
0x9f: {  	s15 =	simm.s32 $0x8A00;
	v3 =	vperm.xlane v4, v2  }
0xa0: {  	[tilespmem:s15], [sflag:$0x3] =	stream.indirect_vreg.gather [hbm4b:s4+s2], $0x80, v5, vm0, $0xb8;
	[tilespmem:$0x10200] =	vst v63  }
0xa1: {  	s31 =	simm.s32 $0x9200;
	v3 =	vadd.s32 v1, v3  }
0xa2: {  	[tilespmem:s31], [sflag:$0x3] =	stream.indirect_vreg.gather [hbm4b:s5+s2], $0x80, v5, vm0, $0xb8;
	[tilespmem:$0x10200] =	vst v63  }
0xa3: {  	s0 =	simm.s32 $0x9A00  }
0xa4: {  	[tilespmem:s0], [sflag:$0x3] =	stream.indirect_vreg.gather [hbm4b:s6+s2], $0x80, v5, vm0, $0xb8;
	[tilespmem:$0x10200] =	vst v63  }
0xa5: {  	s1 =	simm.s32 $0xA200  }
0xa6: {  	[tilespmem:s1], [sflag:$0x3] =	stream.indirect_vreg.gather [hbm4b:s3+s2], $0x80, v3, vm0, $0xb8;
	[tilespmem:$0x10200] =	vst v63  }
0xa7: {  	s7 =	simm.s32 $0xAA00  }
0xa8: {  	[tilespmem:s7], [sflag:$0x3] =	stream.indirect_vreg.gather [hbm4b:s4+s2], $0x80, v3, vm0, $0xb8;
	[tilespmem:$0x10200] =	vst v63  }
0xa9: {  	s9 =	simm.s32 $0xB200  }
0xaa: {  	[tilespmem:s9], [sflag:$0x3] =	stream.indirect_vreg.gather [hbm4b:s5+s2], $0x80, v3, vm0, $0xb8;
	[tilespmem:$0x10200] =	vst v63  }
0xab: {  	s16 =	simm.s32 $0xBA00  }
0xac: {  	[tilespmem:s16], [sflag:$0x3] =	stream.indirect_vreg.gather [hbm4b:s6+s2], $0x80, v3, vm0, $0xb8;
	[tilespmem:$0x10200] =	vst v63  }
0xad: {  	_ =	swait.ge [sflag:s21], $0x4000  }
0xae: {  	[sflag:s21] =	ssyncset.done $0x0  }
0xaf: {  	[sflag:s21] =	ssyncadd.s32 $0xFFFFC000  }
0xb0: {  	_ =	swait.ge [sflag:s22], $0x4000  }
0xb1: {  	[sflag:s22] =	ssyncset.done $0x0  }
0xb2: {  	s13 =	rddreg [dreg:$0x5];
	[sflag:s22] =	ssyncadd.s32 $0xFFFFC000  }
0xb3: {  	[hbm4b:s13+s2] =	stream.linear.scatter [tilespmem:s25], [sflag:$0x5], $0x4000, $0x38;
	[tilespmem:$0x10200] =	vst v63  }
0xb4: {  	_ =	swait.ge [sflag:s8], $0x4000  }
0xb5: {  	[sflag:s8] =	ssyncset.done $0x0  }
0xb6: {  	s14 =	rddreg [dreg:$0x6];
	[sflag:s8] =	ssyncadd.s32 $0xFFFFC000  }
0xb7: {  	[hbm4b:s14+s2] =	stream.linear.scatter [tilespmem:s10], [sflag:$0x5], $0x4000, $0x38;
	[tilespmem:$0x10200] =	vst v63  }
0xb8: {  	_ =	swait.ge [sflag:s8], $0x4000  }
0xb9: {  	[sflag:s8] =	ssyncset.done $0x0  }
0xba: {  	[sflag:s8] =	ssyncadd.s32 $0xFFFFC000  }
0xbb: {  	v3 =	vld [tilespmem:$0x30];
	_ =	sdelay $0x4  }
0xbc: {  	v25 =	vshll.u32 v3, $0x3  }
0xbd: {  	v3 =	vand.u32 $0x7, v3;
	v4 =	vand.u32 $0xFFFFFFC0, v25  }
0xbe: {  	v3 =	vor.u32 v3, v4  }
0xbf: {  	v4 =	vperm.xlane v3, v0;
	_ =	sdelay $0x1  }
0xc0: {  	v4 =	vadd.s32 v1, v4;
	_ =	sdelay $0x4  }
0xc1: {  	v26 =	vld [tilespmem:$0xB0];
	[tilespmem:s25], [sflag:$0x2] =	stream.indirect_vreg.gather [hbm4b:s3+s2], $0x80, v4, vm0, $0xb8  }
0xc2: {  	s29 =	simm.s32 $0x4A00;
	v3 =	vperm.xlane v3, v2  }
0xc3: {  	[tilespmem:s29], [sflag:$0x2] =	stream.indirect_vreg.gather [hbm4b:s4+s2], $0x80, v4, vm0, $0xb8;
	[tilespmem:$0x10200] =	vst v63  }
0xc4: {  	s15 =	simm.s32 $0x5200;
	v3 =	vadd.s32 v1, v3  }
0xc5: {  	[tilespmem:s15], [sflag:$0x2] =	stream.indirect_vreg.gather [hbm4b:s5+s2], $0x80, v4, vm0, $0xb8;
	[tilespmem:$0x10200] =	vst v63  }
0xc6: {  	s16 =	simm.s32 $0x5A00  }
0xc7: {  	v27 =	vshll.u32 v26, $0x3;
	[tilespmem:s16], [sflag:$0x2] =	stream.indirect_vreg.gather [hbm4b:s6+s2], $0x80, v4, vm0, $0xb8;
	[tilespmem:$0x10200] =	vst v63  }
0xc8: {  	s23 =	simm.s32 $0x6200;
	v5 =	vand.u32 $0x7, v26;
	v4 =	vand.u32 $0xFFFFFFC0, v27  }
0xc9: {  	v4 =	vor.u32 v5, v4;
	[tilespmem:s23], [sflag:$0x2] =	stream.indirect_vreg.gather [hbm4b:s3+s2], $0x80, v3, vm0, $0xb8;
	[tilespmem:$0x10200] =	vst v63  }
0xca: {  	s29 =	simm.s32 $0x6A00;
	v5 =	vperm.xlane v4, v0  }
0xcb: {  	[tilespmem:s29], [sflag:$0x2] =	stream.indirect_vreg.gather [hbm4b:s4+s2], $0x80, v3, vm0, $0xb8;
	[tilespmem:$0x10200] =	vst v63  }
0xcc: {  	s9 =	simm.s32 $0x7200;
	v5 =	vadd.s32 v1, v5  }
0xcd: {  	[tilespmem:s9], [sflag:$0x2] =	stream.indirect_vreg.gather [hbm4b:s5+s2], $0x80, v3, vm0, $0xb8;
	[tilespmem:$0x10200] =	vst v63  }
0xce: {  	s24 =	simm.s32 $0x7A00  }
0xcf: {  	[tilespmem:s24], [sflag:$0x2] =	stream.indirect_vreg.gather [hbm4b:s6+s2], $0x80, v3, vm0, $0xb8;
	[tilespmem:$0x10200] =	vst v63  }
0xd0: {  	_ = 	snop  }
0xd1: {  	[tilespmem:s10], [sflag:$0x4] =	stream.indirect_vreg.gather [hbm4b:s3+s2], $0x80, v5, vm0, $0xb8;
	[tilespmem:$0x10200] =	vst v63  }
0xd2: {  	s26 =	simm.s32 $0xCA00;
	v3 =	vperm.xlane v4, v2  }
0xd3: {  	[tilespmem:s26], [sflag:$0x4] =	stream.indirect_vreg.gather [hbm4b:s4+s2], $0x80, v5, vm0, $0xb8;
	[tilespmem:$0x10200] =	vst v63  }
0xd4: {  	s11 =	simm.s32 $0xD200;
	v3 =	vadd.s32 v1, v3  }
0xd5: {  	[tilespmem:s11], [sflag:$0x4] =	stream.indirect_vreg.gather [hbm4b:s5+s2], $0x80, v5, vm0, $0xb8;
	[tilespmem:$0x10200] =	vst v63  }
0xd6: {  	s12 =	simm.s32 $0xDA00  }
0xd7: {  	[tilespmem:s12], [sflag:$0x4] =	stream.indirect_vreg.gather [hbm4b:s6+s2], $0x80, v5, vm0, $0xb8;
	[tilespmem:$0x10200] =	vst v63  }
0xd8: {  	s13 =	simm.s32 $0xE200  }
0xd9: {  	[tilespmem:s13], [sflag:$0x4] =	stream.indirect_vreg.gather [hbm4b:s3+s2], $0x80, v3, vm0, $0xb8;
	[tilespmem:$0x10200] =	vst v63  }
0xda: {  	s14 =	simm.s32 $0xEA00  }
0xdb: {  	[tilespmem:s14], [sflag:$0x4] =	stream.indirect_vreg.gather [hbm4b:s4+s2], $0x80, v3, vm0, $0xb8;
	[tilespmem:$0x10200] =	vst v63  }
0xdc: {  	s23 =	simm.s32 $0xF200  }
0xdd: {  	[tilespmem:s23], [sflag:$0x4] =	stream.indirect_vreg.gather [hbm4b:s5+s2], $0x80, v3, vm0, $0xb8;
	[tilespmem:$0x10200] =	vst v63  }
0xde: {  	s28 =	simm.s32 $0xFA00  }
0xdf: {  	[tilespmem:s28], [sflag:$0x4] =	stream.indirect_vreg.gather [hbm4b:s6+s2], $0x80, v3, vm0, $0xb8;
	[tilespmem:$0x10200] =	vst v63  }
0xe0: {  	_ =	swait.ge [sflag:s19], $0x4000  }
0xe1: {  	[sflag:s19] =	ssyncset.done $0x0  }
0xe2: {  	[sflag:s19] =	ssyncadd.s32 $0xFFFFC000  }
0xe3: {  	_ =	swait.ge [sflag:s20], $0x4000  }
0xe4: {  	[sflag:s20] =	ssyncset.done $0x0  }
0xe5: {  	s23 =	rddreg [dreg:$0x7];
	[sflag:s20] =	ssyncadd.s32 $0xFFFFC000  }
0xe6: {  	[hbm4b:s23+s2] =	stream.linear.scatter [tilespmem:s18], [sflag:$0x5], $0x4000, $0x38;
	[tilespmem:$0x10200] =	vst v63  }
0xe7: {  	_ =	swait.ge [sflag:s8], $0x4000  }
0xe8: {  	[sflag:s8] =	ssyncset.done $0x0  }
0xe9: {  	s23 =	rddreg [dreg:$0x8];
	[sflag:s8] =	ssyncadd.s32 $0xFFFFC000  }
0xea: {  	[hbm4b:s23+s2] =	stream.linear.scatter [tilespmem:s17], [sflag:$0x5], $0x4000, $0x38;
	[tilespmem:$0x10200] =	vst v63  }
0xeb: {  	_ =	swait.ge [sflag:s8], $0x4000  }
0xec: {  	[sflag:s8] =	ssyncset.done $0x0  }
0xed: {  	[sflag:s8] =	ssyncadd.s32 $0xFFFFC000  }
0xee: {  	v3 =	vld [tilespmem:$0x40];
	_ =	sdelay $0x4  }
0xef: {  	v28 =	vshll.u32 v3, $0x3  }
0xf0: {  	v3 =	vand.u32 $0x7, v3;
	v4 =	vand.u32 $0xFFFFFFC0, v28  }
0xf1: {  	v3 =	vor.u32 v3, v4  }
0xf2: {  	v4 =	vperm.xlane v3, v0;
	_ =	sdelay $0x1  }
0xf3: {  	v4 =	vadd.s32 v1, v4;
	_ =	sdelay $0x4  }
0xf4: {  	v29 =	vld [tilespmem:$0xC0];
	[tilespmem:s18], [sflag:$0x1] =	stream.indirect_vreg.gather [hbm4b:s3+s2], $0x80, v4, vm0, $0xb8  }
0xf5: {  	s23 =	simm.s32 $0xA00;
	v3 =	vperm.xlane v3, v2  }
0xf6: {  	[tilespmem:s23], [sflag:$0x1] =	stream.indirect_vreg.gather [hbm4b:s4+s2], $0x80, v4, vm0, $0xb8;
	[tilespmem:$0x10200] =	vst v63  }
0xf7: {  	v3 =	vadd.s32 v1, v3  }
0xf8: {  	[tilespmem:s30], [sflag:$0x1] =	stream.indirect_vreg.gather [hbm4b:s5+s2], $0x80, v4, vm0, $0xb8;
	[tilespmem:$0x10200] =	vst v63  }
0xf9: {  	s23 =	simm.s32 $0x1A00  }
0xfa: {  	v30 =	vshll.u32 v29, $0x3;
	[tilespmem:s23], [sflag:$0x1] =	stream.indirect_vreg.gather [hbm4b:s6+s2], $0x80, v4, vm0, $0xb8;
	[tilespmem:$0x10200] =	vst v63  }
0xfb: {  	v5 =	vand.u32 $0x7, v29;
	v4 =	vand.u32 $0xFFFFFFC0, v30;
	s23 =	simm.s32 $0x2200  }
0xfc: {  	v4 =	vor.u32 v5, v4;
	[tilespmem:s23], [sflag:$0x1] =	stream.indirect_vreg.gather [hbm4b:s3+s2], $0x80, v3, vm0, $0xb8;
	[tilespmem:$0x10200] =	vst v63  }
0xfd: {  	v5 =	vperm.xlane v4, v0;
	s23 =	simm.s32 $0x2A00  }
0xfe: {  	[tilespmem:s23], [sflag:$0x1] =	stream.indirect_vreg.gather [hbm4b:s4+s2], $0x80, v3, vm0, $0xb8;
	[tilespmem:$0x10200] =	vst v63  }
0xff: {  	v5 =	vadd.s32 v1, v5;
	s23 =	simm.s32 $0x3200  }
0x100: {  	[tilespmem:s23], [sflag:$0x1] =	stream.indirect_vreg.gather [hbm4b:s5+s2], $0x80, v3, vm0, $0xb8;
	[tilespmem:$0x10200] =	vst v63  }
0x101: {  	s23 =	simm.s32 $0x3A00  }
0x102: {  	[tilespmem:s23], [sflag:$0x1] =	stream.indirect_vreg.gather [hbm4b:s6+s2], $0x80, v3, vm0, $0xb8;
	[tilespmem:$0x10200] =	vst v63  }
0x103: {  	_ = 	snop  }
0x104: {  	[tilespmem:s17], [sflag:$0x3] =	stream.indirect_vreg.gather [hbm4b:s3+s2], $0x80, v5, vm0, $0xb8;
	[tilespmem:$0x10200] =	vst v63  }
0x105: {  	v3 =	vperm.xlane v4, v2;
	s23 =	simm.s32 $0x8A00  }
0x106: {  	[tilespmem:s23], [sflag:$0x3] =	stream.indirect_vreg.gather [hbm4b:s4+s2], $0x80, v5, vm0, $0xb8;
	[tilespmem:$0x10200] =	vst v63  }
0x107: {  	v3 =	vadd.s32 v1, v3  }
0x108: {  	[tilespmem:s31], [sflag:$0x3] =	stream.indirect_vreg.gather [hbm4b:s5+s2], $0x80, v5, vm0, $0xb8;
	[tilespmem:$0x10200] =	vst v63  }
0x109: {  	_ = 	snop  }
0x10a: {  	[tilespmem:s0], [sflag:$0x3] =	stream.indirect_vreg.gather [hbm4b:s6+s2], $0x80, v5, vm0, $0xb8;
	[tilespmem:$0x10200] =	vst v63  }
0x10b: {  	s23 =	simm.s32 $0xA200  }
0x10c: {  	[tilespmem:s23], [sflag:$0x3] =	stream.indirect_vreg.gather [hbm4b:s3+s2], $0x80, v3, vm0, $0xb8;
	[tilespmem:$0x10200] =	vst v63  }
0x10d: {  	s23 =	simm.s32 $0xAA00  }
0x10e: {  	[tilespmem:s23], [sflag:$0x3] =	stream.indirect_vreg.gather [hbm4b:s4+s2], $0x80, v3, vm0, $0xb8;
	[tilespmem:$0x10200] =	vst v63  }
0x10f: {  	s23 =	simm.s32 $0xB200  }
0x110: {  	[tilespmem:s23], [sflag:$0x3] =	stream.indirect_vreg.gather [hbm4b:s5+s2], $0x80, v3, vm0, $0xb8;
	[tilespmem:$0x10200] =	vst v63  }
0x111: {  	s23 =	simm.s32 $0xBA00  }
0x112: {  	[tilespmem:s23], [sflag:$0x3] =	stream.indirect_vreg.gather [hbm4b:s6+s2], $0x80, v3, vm0, $0xb8;
	[tilespmem:$0x10200] =	vst v63  }
0x113: {  	_ =	swait.ge [sflag:s21], $0x4000  }
0x114: {  	[sflag:s21] =	ssyncset.done $0x0  }
0x115: {  	[sflag:s21] =	ssyncadd.s32 $0xFFFFC000  }
0x116: {  	_ =	swait.ge [sflag:s22], $0x4000  }
0x117: {  	[sflag:s22] =	ssyncset.done $0x0  }
0x118: {  	s23 =	rddreg [dreg:$0x9];
	[sflag:s22] =	ssyncadd.s32 $0xFFFFC000  }
0x119: {  	[hbm4b:s23+s2] =	stream.linear.scatter [tilespmem:s25], [sflag:$0x5], $0x4000, $0x38;
	[tilespmem:$0x10200] =	vst v63  }
0x11a: {  	_ =	swait.ge [sflag:s8], $0x4000  }
0x11b: {  	[sflag:s8] =	ssyncset.done $0x0  }
0x11c: {  	s23 =	rddreg [dreg:$0xa];
	[sflag:s8] =	ssyncadd.s32 $0xFFFFC000  }
0x11d: {  	[hbm4b:s23+s2] =	stream.linear.scatter [tilespmem:s10], [sflag:$0x5], $0x4000, $0x38;
	[tilespmem:$0x10200] =	vst v63  }
0x11e: {  	_ =	swait.ge [sflag:s8], $0x4000  }
0x11f: {  	[sflag:s8] =	ssyncset.done $0x0  }
0x120: {  	[sflag:s8] =	ssyncadd.s32 $0xFFFFC000  }
0x121: {  	v3 =	vld [tilespmem:$0x50];
	_ =	sdelay $0x4  }
0x122: {  	v31 =	vshll.u32 v3, $0x3  }
0x123: {  	v3 =	vand.u32 $0x7, v3;
	v4 =	vand.u32 $0xFFFFFFC0, v31  }
0x124: {  	v3 =	vor.u32 v3, v4  }
0x125: {  	v4 =	vperm.xlane v3, v0;
	_ =	sdelay $0x1  }
0x126: {  	v4 =	vadd.s32 v1, v4;
	_ =	sdelay $0x4  }
0x127: {  	v32 =	vld [tilespmem:$0xD0];
	[tilespmem:s25], [sflag:$0x2] =	stream.indirect_vreg.gather [hbm4b:s3+s2], $0x80, v4, vm0, $0xb8  }
0x128: {  	s23 =	simm.s32 $0x4A00;
	v3 =	vperm.xlane v3, v2  }
0x129: {  	[tilespmem:s23], [sflag:$0x2] =	stream.indirect_vreg.gather [hbm4b:s4+s2], $0x80, v4, vm0, $0xb8;
	[tilespmem:$0x10200] =	vst v63  }
0x12a: {  	s1 =	simm.s32 $0x5200;
	v3 =	vadd.s32 v1, v3  }
0x12b: {  	[tilespmem:s1], [sflag:$0x2] =	stream.indirect_vreg.gather [hbm4b:s5+s2], $0x80, v4, vm0, $0xb8;
	[tilespmem:$0x10200] =	vst v63  }
0x12c: {  	s15 =	simm.s32 $0x5A00  }
0x12d: {  	v33 =	vshll.u32 v32, $0x3;
	[tilespmem:s15], [sflag:$0x2] =	stream.indirect_vreg.gather [hbm4b:s6+s2], $0x80, v4, vm0, $0xb8;
	[tilespmem:$0x10200] =	vst v63  }
0x12e: {  	s16 =	simm.s32 $0x6200;
	v5 =	vand.u32 $0x7, v32;
	v4 =	vand.u32 $0xFFFFFFC0, v33  }
0x12f: {  	v4 =	vor.u32 v5, v4;
	[tilespmem:s16], [sflag:$0x2] =	stream.indirect_vreg.gather [hbm4b:s3+s2], $0x80, v3, vm0, $0xb8;
	[tilespmem:$0x10200] =	vst v63  }
0x130: {  	s29 =	simm.s32 $0x6A00;
	v5 =	vperm.xlane v4, v0  }
0x131: {  	[tilespmem:s29], [sflag:$0x2] =	stream.indirect_vreg.gather [hbm4b:s4+s2], $0x80, v3, vm0, $0xb8;
	[tilespmem:$0x10200] =	vst v63  }
0x132: {  	s7 =	simm.s32 $0x7200;
	v5 =	vadd.s32 v1, v5  }
0x133: {  	[tilespmem:s7], [sflag:$0x2] =	stream.indirect_vreg.gather [hbm4b:s5+s2], $0x80, v3, vm0, $0xb8;
	[tilespmem:$0x10200] =	vst v63  }
0x134: {  	s24 =	simm.s32 $0x7A00  }
0x135: {  	[tilespmem:s24], [sflag:$0x2] =	stream.indirect_vreg.gather [hbm4b:s6+s2], $0x80, v3, vm0, $0xb8;
	[tilespmem:$0x10200] =	vst v63  }
0x136: {  	_ = 	snop  }
0x137: {  	[tilespmem:s10], [sflag:$0x4] =	stream.indirect_vreg.gather [hbm4b:s3+s2], $0x80, v5, vm0, $0xb8;
	[tilespmem:$0x10200] =	vst v63  }
0x138: {  	s26 =	simm.s32 $0xCA00;
	v3 =	vperm.xlane v4, v2  }
0x139: {  	[tilespmem:s26], [sflag:$0x4] =	stream.indirect_vreg.gather [hbm4b:s4+s2], $0x80, v5, vm0, $0xb8;
	[tilespmem:$0x10200] =	vst v63  }
0x13a: {  	s9 =	simm.s32 $0xD200;
	v3 =	vadd.s32 v1, v3  }
0x13b: {  	[tilespmem:s9], [sflag:$0x4] =	stream.indirect_vreg.gather [hbm4b:s5+s2], $0x80, v5, vm0, $0xb8;
	[tilespmem:$0x10200] =	vst v63  }
0x13c: {  	s11 =	simm.s32 $0xDA00  }
0x13d: {  	[tilespmem:s11], [sflag:$0x4] =	stream.indirect_vreg.gather [hbm4b:s6+s2], $0x80, v5, vm0, $0xb8;
	[tilespmem:$0x10200] =	vst v63  }
0x13e: {  	s12 =	simm.s32 $0xE200  }
0x13f: {  	[tilespmem:s12], [sflag:$0x4] =	stream.indirect_vreg.gather [hbm4b:s3+s2], $0x80, v3, vm0, $0xb8;
	[tilespmem:$0x10200] =	vst v63  }
0x140: {  	s13 =	simm.s32 $0xEA00  }
0x141: {  	[tilespmem:s13], [sflag:$0x4] =	stream.indirect_vreg.gather [hbm4b:s4+s2], $0x80, v3, vm0, $0xb8;
	[tilespmem:$0x10200] =	vst v63  }
0x142: {  	s14 =	simm.s32 $0xF200  }
0x143: {  	[tilespmem:s14], [sflag:$0x4] =	stream.indirect_vreg.gather [hbm4b:s5+s2], $0x80, v3, vm0, $0xb8;
	[tilespmem:$0x10200] =	vst v63  }
0x144: {  	s28 =	simm.s32 $0xFA00  }
0x145: {  	[tilespmem:s28], [sflag:$0x4] =	stream.indirect_vreg.gather [hbm4b:s6+s2], $0x80, v3, vm0, $0xb8;
	[tilespmem:$0x10200] =	vst v63  }
0x146: {  	_ =	swait.ge [sflag:s19], $0x4000  }
0x147: {  	[sflag:s19] =	ssyncset.done $0x0  }
0x148: {  	[sflag:s19] =	ssyncadd.s32 $0xFFFFC000  }
0x149: {  	_ =	swait.ge [sflag:s20], $0x4000  }
0x14a: {  	[sflag:s20] =	ssyncset.done $0x0  }
0x14b: {  	s23 =	rddreg [dreg:$0xb];
	[sflag:s20] =	ssyncadd.s32 $0xFFFFC000  }
0x14c: {  	[hbm4b:s23+s2] =	stream.linear.scatter [tilespmem:s18], [sflag:$0x5], $0x4000, $0x38;
	[tilespmem:$0x10200] =	vst v63  }
0x14d: {  	_ =	swait.ge [sflag:s8], $0x4000  }
0x14e: {  	[sflag:s8] =	ssyncset.done $0x0  }
0x14f: {  	s23 =	rddreg [dreg:$0xc];
	[sflag:s8] =	ssyncadd.s32 $0xFFFFC000  }
0x150: {  	[hbm4b:s23+s2] =	stream.linear.scatter [tilespmem:s17], [sflag:$0x5], $0x4000, $0x38;
	[tilespmem:$0x10200] =	vst v63  }
0x151: {  	_ =	swait.ge [sflag:s8], $0x4000  }
0x152: {  	[sflag:s8] =	ssyncset.done $0x0  }
0x153: {  	[sflag:s8] =	ssyncadd.s32 $0xFFFFC000  }
0x154: {  	v3 =	vld [tilespmem:$0x60];
	_ =	sdelay $0x4  }
0x155: {  	v34 =	vshll.u32 v3, $0x3  }
0x156: {  	v3 =	vand.u32 $0x7, v3;
	v4 =	vand.u32 $0xFFFFFFC0, v34  }
0x157: {  	v3 =	vor.u32 v3, v4  }
0x158: {  	v4 =	vperm.xlane v3, v0;
	_ =	sdelay $0x1  }
0x159: {  	v4 =	vadd.s32 v1, v4;
	_ =	sdelay $0x4  }
0x15a: {  	v35 =	vld [tilespmem:$0xE0];
	[tilespmem:s18], [sflag:$0x1] =	stream.indirect_vreg.gather [hbm4b:s3+s2], $0x80, v4, vm0, $0xb8  }
0x15b: {  	s23 =	simm.s32 $0xA00;
	v3 =	vperm.xlane v3, v2  }
0x15c: {  	[tilespmem:s23], [sflag:$0x1] =	stream.indirect_vreg.gather [hbm4b:s4+s2], $0x80, v4, vm0, $0xb8;
	[tilespmem:$0x10200] =	vst v63  }
0x15d: {  	s30 =	simm.s32 $0x1200;
	v3 =	vadd.s32 v1, v3  }
0x15e: {  	[tilespmem:s30], [sflag:$0x1] =	stream.indirect_vreg.gather [hbm4b:s5+s2], $0x80, v4, vm0, $0xb8;
	[tilespmem:$0x10200] =	vst v63  }
0x15f: {  	s23 =	simm.s32 $0x1A00  }
0x160: {  	v36 =	vshll.u32 v35, $0x3;
	[tilespmem:s23], [sflag:$0x1] =	stream.indirect_vreg.gather [hbm4b:s6+s2], $0x80, v4, vm0, $0xb8;
	[tilespmem:$0x10200] =	vst v63  }
0x161: {  	v5 =	vand.u32 $0x7, v35;
	v4 =	vand.u32 $0xFFFFFFC0, v36;
	s23 =	simm.s32 $0x2200  }
0x162: {  	v4 =	vor.u32 v5, v4;
	[tilespmem:s23], [sflag:$0x1] =	stream.indirect_vreg.gather [hbm4b:s3+s2], $0x80, v3, vm0, $0xb8;
	[tilespmem:$0x10200] =	vst v63  }
0x163: {  	v5 =	vperm.xlane v4, v0;
	s23 =	simm.s32 $0x2A00  }
0x164: {  	[tilespmem:s23], [sflag:$0x1] =	stream.indirect_vreg.gather [hbm4b:s4+s2], $0x80, v3, vm0, $0xb8;
	[tilespmem:$0x10200] =	vst v63  }
0x165: {  	v5 =	vadd.s32 v1, v5;
	s23 =	simm.s32 $0x3200  }
0x166: {  	[tilespmem:s23], [sflag:$0x1] =	stream.indirect_vreg.gather [hbm4b:s5+s2], $0x80, v3, vm0, $0xb8;
	[tilespmem:$0x10200] =	vst v63  }
0x167: {  	s23 =	simm.s32 $0x3A00  }
0x168: {  	[tilespmem:s23], [sflag:$0x1] =	stream.indirect_vreg.gather [hbm4b:s6+s2], $0x80, v3, vm0, $0xb8;
	[tilespmem:$0x10200] =	vst v63  }
0x169: {  	_ = 	snop  }
0x16a: {  	[tilespmem:s17], [sflag:$0x3] =	stream.indirect_vreg.gather [hbm4b:s3+s2], $0x80, v5, vm0, $0xb8;
	[tilespmem:$0x10200] =	vst v63  }
0x16b: {  	v3 =	vperm.xlane v4, v2;
	s23 =	simm.s32 $0x8A00  }
0x16c: {  	[tilespmem:s23], [sflag:$0x3] =	stream.indirect_vreg.gather [hbm4b:s4+s2], $0x80, v5, vm0, $0xb8;
	[tilespmem:$0x10200] =	vst v63  }
0x16d: {  	s31 =	simm.s32 $0x9200;
	v3 =	vadd.s32 v1, v3  }
0x16e: {  	[tilespmem:s31], [sflag:$0x3] =	stream.indirect_vreg.gather [hbm4b:s5+s2], $0x80, v5, vm0, $0xb8;
	[tilespmem:$0x10200] =	vst v63  }
0x16f: {  	s0 =	simm.s32 $0x9A00  }
0x170: {  	[tilespmem:s0], [sflag:$0x3] =	stream.indirect_vreg.gather [hbm4b:s6+s2], $0x80, v5, vm0, $0xb8;
	[tilespmem:$0x10200] =	vst v63  }
0x171: {  	s23 =	simm.s32 $0xA200  }
0x172: {  	[tilespmem:s23], [sflag:$0x3] =	stream.indirect_vreg.gather [hbm4b:s3+s2], $0x80, v3, vm0, $0xb8;
	[tilespmem:$0x10200] =	vst v63  }
0x173: {  	s23 =	simm.s32 $0xAA00  }
0x174: {  	[tilespmem:s23], [sflag:$0x3] =	stream.indirect_vreg.gather [hbm4b:s4+s2], $0x80, v3, vm0, $0xb8;
	[tilespmem:$0x10200] =	vst v63  }
0x175: {  	s23 =	simm.s32 $0xB200  }
0x176: {  	[tilespmem:s23], [sflag:$0x3] =	stream.indirect_vreg.gather [hbm4b:s5+s2], $0x80, v3, vm0, $0xb8;
	[tilespmem:$0x10200] =	vst v63  }
0x177: {  	s23 =	simm.s32 $0xBA00  }
0x178: {  	[tilespmem:s23], [sflag:$0x3] =	stream.indirect_vreg.gather [hbm4b:s6+s2], $0x80, v3, vm0, $0xb8;
	[tilespmem:$0x10200] =	vst v63  }
0x179: {  	_ =	swait.ge [sflag:s21], $0x4000  }
0x17a: {  	[sflag:s21] =	ssyncset.done $0x0  }
0x17b: {  	[sflag:s21] =	ssyncadd.s32 $0xFFFFC000  }
0x17c: {  	_ =	swait.ge [sflag:s22], $0x4000  }
0x17d: {  	[sflag:s22] =	ssyncset.done $0x0  }
0x17e: {  	s23 =	rddreg [dreg:$0xd];
	[sflag:s22] =	ssyncadd.s32 $0xFFFFC000  }
0x17f: {  	[hbm4b:s23+s2] =	stream.linear.scatter [tilespmem:s25], [sflag:$0x5], $0x4000, $0x38;
	[tilespmem:$0x10200] =	vst v63  }
0x180: {  	_ =	swait.ge [sflag:s8], $0x4000  }
0x181: {  	[sflag:s8] =	ssyncset.done $0x0  }
0x182: {  	s23 =	rddreg [dreg:$0xe];
	[sflag:s8] =	ssyncadd.s32 $0xFFFFC000  }
0x183: {  	[hbm4b:s23+s2] =	stream.linear.scatter [tilespmem:s10], [sflag:$0x5], $0x4000, $0x38;
	[tilespmem:$0x10200] =	vst v63  }
0x184: {  	_ =	swait.ge [sflag:s8], $0x4000  }
0x185: {  	[sflag:s8] =	ssyncset.done $0x0  }
0x186: {  	[sflag:s8] =	ssyncadd.s32 $0xFFFFC000  }
0x187: {  	v3 =	vld [tilespmem:$0x70];
	_ =	sdelay $0x4  }
0x188: {  	v37 =	vshll.u32 v3, $0x3  }
0x189: {  	v3 =	vand.u32 $0x7, v3;
	v4 =	vand.u32 $0xFFFFFFC0, v37  }
0x18a: {  	v3 =	vor.u32 v3, v4  }
0x18b: {  	v4 =	vperm.xlane v3, v0;
	_ =	sdelay $0x1  }
0x18c: {  	v4 =	vadd.s32 v1, v4;
	_ =	sdelay $0x4  }
0x18d: {  	v38 =	vld [tilespmem:$0xF0];
	[tilespmem:s25], [sflag:$0x2] =	stream.indirect_vreg.gather [hbm4b:s3+s2], $0x80, v4, vm0, $0xb8  }
0x18e: {  	s23 =	simm.s32 $0x4A00;
	v3 =	vperm.xlane v3, v2  }
0x18f: {  	[tilespmem:s23], [sflag:$0x2] =	stream.indirect_vreg.gather [hbm4b:s4+s2], $0x80, v4, vm0, $0xb8;
	[tilespmem:$0x10200] =	vst v63  }
0x190: {  	s1 =	simm.s32 $0x5200;
	v3 =	vadd.s32 v1, v3  }
0x191: {  	[tilespmem:s1], [sflag:$0x2] =	stream.indirect_vreg.gather [hbm4b:s5+s2], $0x80, v4, vm0, $0xb8;
	[tilespmem:$0x10200] =	vst v63  }
0x192: {  	s15 =	simm.s32 $0x5A00  }
0x193: {  	v39 =	vshll.u32 v38, $0x3;
	[tilespmem:s15], [sflag:$0x2] =	stream.indirect_vreg.gather [hbm4b:s6+s2], $0x80, v4, vm0, $0xb8;
	[tilespmem:$0x10200] =	vst v63  }
0x194: {  	s16 =	simm.s32 $0x6200;
	v5 =	vand.u32 $0x7, v38;
	v4 =	vand.u32 $0xFFFFFFC0, v39  }
0x195: {  	v4 =	vor.u32 v5, v4;
	[tilespmem:s16], [sflag:$0x2] =	stream.indirect_vreg.gather [hbm4b:s3+s2], $0x80, v3, vm0, $0xb8;
	[tilespmem:$0x10200] =	vst v63  }
0x196: {  	s29 =	simm.s32 $0x6A00;
	v5 =	vperm.xlane v4, v0  }
0x197: {  	[tilespmem:s29], [sflag:$0x2] =	stream.indirect_vreg.gather [hbm4b:s4+s2], $0x80, v3, vm0, $0xb8;
	[tilespmem:$0x10200] =	vst v63  }
0x198: {  	s7 =	simm.s32 $0x7200;
	v5 =	vadd.s32 v1, v5  }
0x199: {  	[tilespmem:s7], [sflag:$0x2] =	stream.indirect_vreg.gather [hbm4b:s5+s2], $0x80, v3, vm0, $0xb8;
	[tilespmem:$0x10200] =	vst v63  }
0x19a: {  	s24 =	simm.s32 $0x7A00  }
0x19b: {  	[tilespmem:s24], [sflag:$0x2] =	stream.indirect_vreg.gather [hbm4b:s6+s2], $0x80, v3, vm0, $0xb8;
	[tilespmem:$0x10200] =	vst v63  }
0x19c: {  	_ = 	snop  }
0x19d: {  	[tilespmem:s10], [sflag:$0x4] =	stream.indirect_vreg.gather [hbm4b:s3+s2], $0x80, v5, vm0, $0xb8;
	[tilespmem:$0x10200] =	vst v63  }
0x19e: {  	s26 =	simm.s32 $0xCA00;
	v3 =	vperm.xlane v4, v2  }
0x19f: {  	[tilespmem:s26], [sflag:$0x4] =	stream.indirect_vreg.gather [hbm4b:s4+s2], $0x80, v5, vm0, $0xb8;
	[tilespmem:$0x10200] =	vst v63  }
0x1a0: {  	s9 =	simm.s32 $0xD200;
	v3 =	vadd.s32 v1, v3  }
0x1a1: {  	[tilespmem:s9], [sflag:$0x4] =	stream.indirect_vreg.gather [hbm4b:s5+s2], $0x80, v5, vm0, $0xb8;
	[tilespmem:$0x10200] =	vst v63  }
0x1a2: {  	s11 =	simm.s32 $0xDA00  }
0x1a3: {  	[tilespmem:s11], [sflag:$0x4] =	stream.indirect_vreg.gather [hbm4b:s6+s2], $0x80, v5, vm0, $0xb8;
	[tilespmem:$0x10200] =	vst v63  }
0x1a4: {  	s12 =	simm.s32 $0xE200  }
0x1a5: {  	[tilespmem:s12], [sflag:$0x4] =	stream.indirect_vreg.gather [hbm4b:s3+s2], $0x80, v3, vm0, $0xb8;
	[tilespmem:$0x10200] =	vst v63  }
0x1a6: {  	s13 =	simm.s32 $0xEA00  }
0x1a7: {  	[tilespmem:s13], [sflag:$0x4] =	stream.indirect_vreg.gather [hbm4b:s4+s2], $0x80, v3, vm0, $0xb8;
	[tilespmem:$0x10200] =	vst v63  }
0x1a8: {  	s14 =	simm.s32 $0xF200  }
0x1a9: {  	[tilespmem:s14], [sflag:$0x4] =	stream.indirect_vreg.gather [hbm4b:s5+s2], $0x80, v3, vm0, $0xb8;
	[tilespmem:$0x10200] =	vst v63  }
0x1aa: {  	s28 =	simm.s32 $0xFA00  }
0x1ab: {  	[tilespmem:s28], [sflag:$0x4] =	stream.indirect_vreg.gather [hbm4b:s6+s2], $0x80, v3, vm0, $0xb8;
	[tilespmem:$0x10200] =	vst v63  }
0x1ac: {  	_ =	swait.ge [sflag:s19], $0x4000  }
0x1ad: {  	[sflag:s19] =	ssyncset.done $0x0  }
0x1ae: {  	[sflag:s19] =	ssyncadd.s32 $0xFFFFC000  }
0x1af: {  	_ =	swait.ge [sflag:s20], $0x4000  }
0x1b0: {  	[sflag:s20] =	ssyncset.done $0x0  }
0x1b1: {  	s23 =	rddreg [dreg:$0xf];
	[sflag:s20] =	ssyncadd.s32 $0xFFFFC000  }
0x1b2: {  	[hbm4b:s23+s2] =	stream.linear.scatter [tilespmem:s18], [sflag:$0x5], $0x4000, $0x38;
	[tilespmem:$0x10200] =	vst v63  }
0x1b3: {  	_ =	swait.ge [sflag:s8], $0x4000  }
0x1b4: {  	[sflag:s8] =	ssyncset.done $0x0  }
0x1b5: {  	s23 =	rddreg [dreg:$0x10];
	[sflag:s8] =	ssyncadd.s32 $0xFFFFC000  }
0x1b6: {  	[hbm4b:s23+s2] =	stream.linear.scatter [tilespmem:s17], [sflag:$0x5], $0x4000, $0x38;
	[tilespmem:$0x10200] =	vst v63  }
0x1b7: {  	_ =	swait.ge [sflag:s8], $0x4000  }
0x1b8: {  	[sflag:s8] =	ssyncset.done $0x0  }
0x1b9: {  	[sflag:s8] =	ssyncadd.s32 $0xFFFFC000  }
0x1ba: {  	v3 =	vld [tilespmem:$0x100];
	_ =	sdelay $0x4  }
0x1bb: {  	v40 =	vshll.u32 v3, $0x3  }
0x1bc: {  	v3 =	vand.u32 $0x7, v3;
	v4 =	vand.u32 $0xFFFFFFC0, v40  }
0x1bd: {  	v3 =	vor.u32 v3, v4  }
0x1be: {  	v4 =	vperm.xlane v3, v0;
	_ =	sdelay $0x1  }
0x1bf: {  	v4 =	vadd.s32 v1, v4;
	_ =	sdelay $0x4  }
0x1c0: {  	v41 =	vld [tilespmem:$0x180];
	[tilespmem:s18], [sflag:$0x1] =	stream.indirect_vreg.gather [hbm4b:s3+s2], $0x80, v4, vm0, $0xb8  }
0x1c1: {  	s23 =	simm.s32 $0xA00;
	v3 =	vperm.xlane v3, v2  }
0x1c2: {  	[tilespmem:s23], [sflag:$0x1] =	stream.indirect_vreg.gather [hbm4b:s4+s2], $0x80, v4, vm0, $0xb8;
	[tilespmem:$0x10200] =	vst v63  }
0x1c3: {  	s30 =	simm.s32 $0x1200;
	v3 =	vadd.s32 v1, v3  }
0x1c4: {  	[tilespmem:s30], [sflag:$0x1] =	stream.indirect_vreg.gather [hbm4b:s5+s2], $0x80, v4, vm0, $0xb8;
	[tilespmem:$0x10200] =	vst v63  }
0x1c5: {  	s23 =	simm.s32 $0x1A00  }
0x1c6: {  	v42 =	vshll.u32 v41, $0x3;
	[tilespmem:s23], [sflag:$0x1] =	stream.indirect_vreg.gather [hbm4b:s6+s2], $0x80, v4, vm0, $0xb8;
	[tilespmem:$0x10200] =	vst v63  }
0x1c7: {  	v5 =	vand.u32 $0x7, v41;
	v4 =	vand.u32 $0xFFFFFFC0, v42;
	s23 =	simm.s32 $0x2200  }
0x1c8: {  	v4 =	vor.u32 v5, v4;
	[tilespmem:s23], [sflag:$0x1] =	stream.indirect_vreg.gather [hbm4b:s3+s2], $0x80, v3, vm0, $0xb8;
	[tilespmem:$0x10200] =	vst v63  }
0x1c9: {  	v5 =	vperm.xlane v4, v0;
	s23 =	simm.s32 $0x2A00  }
0x1ca: {  	[tilespmem:s23], [sflag:$0x1] =	stream.indirect_vreg.gather [hbm4b:s4+s2], $0x80, v3, vm0, $0xb8;
	[tilespmem:$0x10200] =	vst v63  }
0x1cb: {  	v5 =	vadd.s32 v1, v5;
	s23 =	simm.s32 $0x3200  }
0x1cc: {  	[tilespmem:s23], [sflag:$0x1] =	stream.indirect_vreg.gather [hbm4b:s5+s2], $0x80, v3, vm0, $0xb8;
	[tilespmem:$0x10200] =	vst v63  }
0x1cd: {  	s23 =	simm.s32 $0x3A00  }
0x1ce: {  	[tilespmem:s23], [sflag:$0x1] =	stream.indirect_vreg.gather [hbm4b:s6+s2], $0x80, v3, vm0, $0xb8;
	[tilespmem:$0x10200] =	vst v63  }
0x1cf: {  	_ = 	snop  }
0x1d0: {  	[tilespmem:s17], [sflag:$0x3] =	stream.indirect_vreg.gather [hbm4b:s3+s2], $0x80, v5, vm0, $0xb8;
	[tilespmem:$0x10200] =	vst v63  }
0x1d1: {  	v3 =	vperm.xlane v4, v2;
	s23 =	simm.s32 $0x8A00  }
0x1d2: {  	[tilespmem:s23], [sflag:$0x3] =	stream.indirect_vreg.gather [hbm4b:s4+s2], $0x80, v5, vm0, $0xb8;
	[tilespmem:$0x10200] =	vst v63  }
0x1d3: {  	s31 =	simm.s32 $0x9200;
	v3 =	vadd.s32 v1, v3  }
0x1d4: {  	[tilespmem:s31], [sflag:$0x3] =	stream.indirect_vreg.gather [hbm4b:s5+s2], $0x80, v5, vm0, $0xb8;
	[tilespmem:$0x10200] =	vst v63  }
0x1d5: {  	s0 =	simm.s32 $0x9A00  }
0x1d6: {  	[tilespmem:s0], [sflag:$0x3] =	stream.indirect_vreg.gather [hbm4b:s6+s2], $0x80, v5, vm0, $0xb8;
	[tilespmem:$0x10200] =	vst v63  }
0x1d7: {  	s23 =	simm.s32 $0xA200  }
0x1d8: {  	[tilespmem:s23], [sflag:$0x3] =	stream.indirect_vreg.gather [hbm4b:s3+s2], $0x80, v3, vm0, $0xb8;
	[tilespmem:$0x10200] =	vst v63  }
0x1d9: {  	s23 =	simm.s32 $0xAA00  }
0x1da: {  	[tilespmem:s23], [sflag:$0x3] =	stream.indirect_vreg.gather [hbm4b:s4+s2], $0x80, v3, vm0, $0xb8;
	[tilespmem:$0x10200] =	vst v63  }
0x1db: {  	s23 =	simm.s32 $0xB200  }
0x1dc: {  	[tilespmem:s23], [sflag:$0x3] =	stream.indirect_vreg.gather [hbm4b:s5+s2], $0x80, v3, vm0, $0xb8;
	[tilespmem:$0x10200] =	vst v63  }
0x1dd: {  	s23 =	simm.s32 $0xBA00  }
0x1de: {  	[tilespmem:s23], [sflag:$0x3] =	stream.indirect_vreg.gather [hbm4b:s6+s2], $0x80, v3, vm0, $0xb8;
	[tilespmem:$0x10200] =	vst v63  }
0x1df: {  	_ =	swait.ge [sflag:s21], $0x4000  }
0x1e0: {  	[sflag:s21] =	ssyncset.done $0x0  }
0x1e1: {  	[sflag:s21] =	ssyncadd.s32 $0xFFFFC000  }
0x1e2: {  	_ =	swait.ge [sflag:s22], $0x4000  }
0x1e3: {  	[sflag:s22] =	ssyncset.done $0x0  }
0x1e4: {  	s23 =	rddreg [dreg:$0x11];
	[sflag:s22] =	ssyncadd.s32 $0xFFFFC000  }
0x1e5: {  	[hbm4b:s23+s2] =	stream.linear.scatter [tilespmem:s25], [sflag:$0x5], $0x4000, $0x38;
	[tilespmem:$0x10200] =	vst v63  }
0x1e6: {  	_ =	swait.ge [sflag:s8], $0x4000  }
0x1e7: {  	[sflag:s8] =	ssyncset.done $0x0  }
0x1e8: {  	s23 =	rddreg [dreg:$0x12];
	[sflag:s8] =	ssyncadd.s32 $0xFFFFC000  }
0x1e9: {  	[hbm4b:s23+s2] =	stream.linear.scatter [tilespmem:s10], [sflag:$0x5], $0x4000, $0x38;
	[tilespmem:$0x10200] =	vst v63  }
0x1ea: {  	_ =	swait.ge [sflag:s8], $0x4000  }
0x1eb: {  	[sflag:s8] =	ssyncset.done $0x0  }
0x1ec: {  	[sflag:s8] =	ssyncadd.s32 $0xFFFFC000  }
0x1ed: {  	v3 =	vld [tilespmem:$0x110];
	_ =	sdelay $0x4  }
0x1ee: {  	v43 =	vshll.u32 v3, $0x3  }
0x1ef: {  	v3 =	vand.u32 $0x7, v3;
	v4 =	vand.u32 $0xFFFFFFC0, v43  }
0x1f0: {  	v3 =	vor.u32 v3, v4  }
0x1f1: {  	v4 =	vperm.xlane v3, v0;
	_ =	sdelay $0x1  }
0x1f2: {  	v4 =	vadd.s32 v1, v4;
	_ =	sdelay $0x4  }
0x1f3: {  	v44 =	vld [tilespmem:$0x190];
	[tilespmem:s25], [sflag:$0x2] =	stream.indirect_vreg.gather [hbm4b:s3+s2], $0x80, v4, vm0, $0xb8  }
0x1f4: {  	s23 =	simm.s32 $0x4A00;
	v3 =	vperm.xlane v3, v2  }
0x1f5: {  	[tilespmem:s23], [sflag:$0x2] =	stream.indirect_vreg.gather [hbm4b:s4+s2], $0x80, v4, vm0, $0xb8;
	[tilespmem:$0x10200] =	vst v63  }
0x1f6: {  	s1 =	simm.s32 $0x5200;
	v3 =	vadd.s32 v1, v3  }
0x1f7: {  	[tilespmem:s1], [sflag:$0x2] =	stream.indirect_vreg.gather [hbm4b:s5+s2], $0x80, v4, vm0, $0xb8;
	[tilespmem:$0x10200] =	vst v63  }
0x1f8: {  	s15 =	simm.s32 $0x5A00  }
0x1f9: {  	v45 =	vshll.u32 v44, $0x3;
	[tilespmem:s15], [sflag:$0x2] =	stream.indirect_vreg.gather [hbm4b:s6+s2], $0x80, v4, vm0, $0xb8;
	[tilespmem:$0x10200] =	vst v63  }
0x1fa: {  	s16 =	simm.s32 $0x6200;
	v5 =	vand.u32 $0x7, v44;
	v4 =	vand.u32 $0xFFFFFFC0, v45  }
0x1fb: {  	v4 =	vor.u32 v5, v4;
	[tilespmem:s16], [sflag:$0x2] =	stream.indirect_vreg.gather [hbm4b:s3+s2], $0x80, v3, vm0, $0xb8;
	[tilespmem:$0x10200] =	vst v63  }
0x1fc: {  	s29 =	simm.s32 $0x6A00;
	v5 =	vperm.xlane v4, v0  }
0x1fd: {  	[tilespmem:s29], [sflag:$0x2] =	stream.indirect_vreg.gather [hbm4b:s4+s2], $0x80, v3, vm0, $0xb8;
	[tilespmem:$0x10200] =	vst v63  }
0x1fe: {  	s7 =	simm.s32 $0x7200;
	v5 =	vadd.s32 v1, v5  }
0x1ff: {  	[tilespmem:s7], [sflag:$0x2] =	stream.indirect_vreg.gather [hbm4b:s5+s2], $0x80, v3, vm0, $0xb8;
	[tilespmem:$0x10200] =	vst v63  }
0x200: {  	s24 =	simm.s32 $0x7A00  }
0x201: {  	[tilespmem:s24], [sflag:$0x2] =	stream.indirect_vreg.gather [hbm4b:s6+s2], $0x80, v3, vm0, $0xb8;
	[tilespmem:$0x10200] =	vst v63  }
0x202: {  	_ = 	snop  }
0x203: {  	[tilespmem:s10], [sflag:$0x4] =	stream.indirect_vreg.gather [hbm4b:s3+s2], $0x80, v5, vm0, $0xb8;
	[tilespmem:$0x10200] =	vst v63  }
0x204: {  	s26 =	simm.s32 $0xCA00;
	v3 =	vperm.xlane v4, v2  }
0x205: {  	[tilespmem:s26], [sflag:$0x4] =	stream.indirect_vreg.gather [hbm4b:s4+s2], $0x80, v5, vm0, $0xb8;
	[tilespmem:$0x10200] =	vst v63  }
0x206: {  	s9 =	simm.s32 $0xD200;
	v3 =	vadd.s32 v1, v3  }
0x207: {  	[tilespmem:s9], [sflag:$0x4] =	stream.indirect_vreg.gather [hbm4b:s5+s2], $0x80, v5, vm0, $0xb8;
	[tilespmem:$0x10200] =	vst v63  }
0x208: {  	s11 =	simm.s32 $0xDA00  }
0x209: {  	[tilespmem:s11], [sflag:$0x4] =	stream.indirect_vreg.gather [hbm4b:s6+s2], $0x80, v5, vm0, $0xb8;
	[tilespmem:$0x10200] =	vst v63  }
0x20a: {  	s12 =	simm.s32 $0xE200  }
0x20b: {  	[tilespmem:s12], [sflag:$0x4] =	stream.indirect_vreg.gather [hbm4b:s3+s2], $0x80, v3, vm0, $0xb8;
	[tilespmem:$0x10200] =	vst v63  }
0x20c: {  	s13 =	simm.s32 $0xEA00  }
0x20d: {  	[tilespmem:s13], [sflag:$0x4] =	stream.indirect_vreg.gather [hbm4b:s4+s2], $0x80, v3, vm0, $0xb8;
	[tilespmem:$0x10200] =	vst v63  }
0x20e: {  	s14 =	simm.s32 $0xF200  }
0x20f: {  	[tilespmem:s14], [sflag:$0x4] =	stream.indirect_vreg.gather [hbm4b:s5+s2], $0x80, v3, vm0, $0xb8;
	[tilespmem:$0x10200] =	vst v63  }
0x210: {  	s28 =	simm.s32 $0xFA00  }
0x211: {  	[tilespmem:s28], [sflag:$0x4] =	stream.indirect_vreg.gather [hbm4b:s6+s2], $0x80, v3, vm0, $0xb8;
	[tilespmem:$0x10200] =	vst v63  }
0x212: {  	_ =	swait.ge [sflag:s19], $0x4000  }
0x213: {  	[sflag:s19] =	ssyncset.done $0x0  }
0x214: {  	[sflag:s19] =	ssyncadd.s32 $0xFFFFC000  }
0x215: {  	_ =	swait.ge [sflag:s20], $0x4000  }
0x216: {  	[sflag:s20] =	ssyncset.done $0x0  }
0x217: {  	s23 =	rddreg [dreg:$0x13];
	[sflag:s20] =	ssyncadd.s32 $0xFFFFC000  }
0x218: {  	[hbm4b:s23+s2] =	stream.linear.scatter [tilespmem:s18], [sflag:$0x5], $0x4000, $0x38;
	[tilespmem:$0x10200] =	vst v63  }
0x219: {  	_ =	swait.ge [sflag:s8], $0x4000  }
0x21a: {  	[sflag:s8] =	ssyncset.done $0x0  }
0x21b: {  	s23 =	rddreg [dreg:$0x14];
	[sflag:s8] =	ssyncadd.s32 $0xFFFFC000  }
0x21c: {  	[hbm4b:s23+s2] =	stream.linear.scatter [tilespmem:s17], [sflag:$0x5], $0x4000, $0x38;
	[tilespmem:$0x10200] =	vst v63  }
0x21d: {  	_ =	swait.ge [sflag:s8], $0x4000  }
0x21e: {  	[sflag:s8] =	ssyncset.done $0x0  }
0x21f: {  	[sflag:s8] =	ssyncadd.s32 $0xFFFFC000  }
0x220: {  	v3 =	vld [tilespmem:$0x120];
	_ =	sdelay $0x4  }
0x221: {  	v46 =	vshll.u32 v3, $0x3  }
0x222: {  	v3 =	vand.u32 $0x7, v3;
	v4 =	vand.u32 $0xFFFFFFC0, v46  }
0x223: {  	v3 =	vor.u32 v3, v4  }
0x224: {  	v4 =	vperm.xlane v3, v0;
	_ =	sdelay $0x1  }
0x225: {  	v4 =	vadd.s32 v1, v4;
	_ =	sdelay $0x4  }
0x226: {  	v47 =	vld [tilespmem:$0x1A0];
	[tilespmem:s18], [sflag:$0x1] =	stream.indirect_vreg.gather [hbm4b:s3+s2], $0x80, v4, vm0, $0xb8  }
0x227: {  	s23 =	simm.s32 $0xA00;
	v3 =	vperm.xlane v3, v2  }
0x228: {  	[tilespmem:s23], [sflag:$0x1] =	stream.indirect_vreg.gather [hbm4b:s4+s2], $0x80, v4, vm0, $0xb8;
	[tilespmem:$0x10200] =	vst v63  }
0x229: {  	s30 =	simm.s32 $0x1200;
	v3 =	vadd.s32 v1, v3  }
0x22a: {  	[tilespmem:s30], [sflag:$0x1] =	stream.indirect_vreg.gather [hbm4b:s5+s2], $0x80, v4, vm0, $0xb8;
	[tilespmem:$0x10200] =	vst v63  }
0x22b: {  	s23 =	simm.s32 $0x1A00  }
0x22c: {  	v48 =	vshll.u32 v47, $0x3;
	[tilespmem:s23], [sflag:$0x1] =	stream.indirect_vreg.gather [hbm4b:s6+s2], $0x80, v4, vm0, $0xb8;
	[tilespmem:$0x10200] =	vst v63  }
0x22d: {  	v5 =	vand.u32 $0x7, v47;
	v4 =	vand.u32 $0xFFFFFFC0, v48;
	s23 =	simm.s32 $0x2200  }
0x22e: {  	v4 =	vor.u32 v5, v4;
	[tilespmem:s23], [sflag:$0x1] =	stream.indirect_vreg.gather [hbm4b:s3+s2], $0x80, v3, vm0, $0xb8;
	[tilespmem:$0x10200] =	vst v63  }
0x22f: {  	v5 =	vperm.xlane v4, v0;
	s23 =	simm.s32 $0x2A00  }
0x230: {  	[tilespmem:s23], [sflag:$0x1] =	stream.indirect_vreg.gather [hbm4b:s4+s2], $0x80, v3, vm0, $0xb8;
	[tilespmem:$0x10200] =	vst v63  }
0x231: {  	v5 =	vadd.s32 v1, v5;
	s23 =	simm.s32 $0x3200  }
0x232: {  	[tilespmem:s23], [sflag:$0x1] =	stream.indirect_vreg.gather [hbm4b:s5+s2], $0x80, v3, vm0, $0xb8;
	[tilespmem:$0x10200] =	vst v63  }
0x233: {  	s23 =	simm.s32 $0x3A00  }
0x234: {  	[tilespmem:s23], [sflag:$0x1] =	stream.indirect_vreg.gather [hbm4b:s6+s2], $0x80, v3, vm0, $0xb8;
	[tilespmem:$0x10200] =	vst v63  }
0x235: {  	_ = 	snop  }
0x236: {  	[tilespmem:s17], [sflag:$0x3] =	stream.indirect_vreg.gather [hbm4b:s3+s2], $0x80, v5, vm0, $0xb8;
	[tilespmem:$0x10200] =	vst v63  }
0x237: {  	v3 =	vperm.xlane v4, v2;
	s23 =	simm.s32 $0x8A00  }
0x238: {  	[tilespmem:s23], [sflag:$0x3] =	stream.indirect_vreg.gather [hbm4b:s4+s2], $0x80, v5, vm0, $0xb8;
	[tilespmem:$0x10200] =	vst v63  }
0x239: {  	s31 =	simm.s32 $0x9200;
	v3 =	vadd.s32 v1, v3  }
0x23a: {  	[tilespmem:s31], [sflag:$0x3] =	stream.indirect_vreg.gather [hbm4b:s5+s2], $0x80, v5, vm0, $0xb8;
	[tilespmem:$0x10200] =	vst v63  }
0x23b: {  	s0 =	simm.s32 $0x9A00  }
0x23c: {  	[tilespmem:s0], [sflag:$0x3] =	stream.indirect_vreg.gather [hbm4b:s6+s2], $0x80, v5, vm0, $0xb8;
	[tilespmem:$0x10200] =	vst v63  }
0x23d: {  	s23 =	simm.s32 $0xA200  }
0x23e: {  	[tilespmem:s23], [sflag:$0x3] =	stream.indirect_vreg.gather [hbm4b:s3+s2], $0x80, v3, vm0, $0xb8;
	[tilespmem:$0x10200] =	vst v63  }
0x23f: {  	s23 =	simm.s32 $0xAA00  }
0x240: {  	[tilespmem:s23], [sflag:$0x3] =	stream.indirect_vreg.gather [hbm4b:s4+s2], $0x80, v3, vm0, $0xb8;
	[tilespmem:$0x10200] =	vst v63  }
0x241: {  	s23 =	simm.s32 $0xB200  }
0x242: {  	[tilespmem:s23], [sflag:$0x3] =	stream.indirect_vreg.gather [hbm4b:s5+s2], $0x80, v3, vm0, $0xb8;
	[tilespmem:$0x10200] =	vst v63  }
0x243: {  	s23 =	simm.s32 $0xBA00  }
0x244: {  	[tilespmem:s23], [sflag:$0x3] =	stream.indirect_vreg.gather [hbm4b:s6+s2], $0x80, v3, vm0, $0xb8;
	[tilespmem:$0x10200] =	vst v63  }
0x245: {  	_ =	swait.ge [sflag:s21], $0x4000  }
0x246: {  	[sflag:s21] =	ssyncset.done $0x0  }
0x247: {  	[sflag:s21] =	ssyncadd.s32 $0xFFFFC000  }
0x248: {  	_ =	swait.ge [sflag:s22], $0x4000  }
0x249: {  	[sflag:s22] =	ssyncset.done $0x0  }
0x24a: {  	s23 =	rddreg [dreg:$0x15];
	[sflag:s22] =	ssyncadd.s32 $0xFFFFC000  }
0x24b: {  	[hbm4b:s23+s2] =	stream.linear.scatter [tilespmem:s25], [sflag:$0x5], $0x4000, $0x38;
	[tilespmem:$0x10200] =	vst v63  }
0x24c: {  	_ =	swait.ge [sflag:s8], $0x4000  }
0x24d: {  	[sflag:s8] =	ssyncset.done $0x0  }
0x24e: {  	s23 =	rddreg [dreg:$0x16];
	[sflag:s8] =	ssyncadd.s32 $0xFFFFC000  }
0x24f: {  	[hbm4b:s23+s2] =	stream.linear.scatter [tilespmem:s10], [sflag:$0x5], $0x4000, $0x38;
	[tilespmem:$0x10200] =	vst v63  }
0x250: {  	_ =	swait.ge [sflag:s8], $0x4000  }
0x251: {  	[sflag:s8] =	ssyncset.done $0x0  }
0x252: {  	[sflag:s8] =	ssyncadd.s32 $0xFFFFC000  }
0x253: {  	v3 =	vld [tilespmem:$0x130];
	_ =	sdelay $0x4  }
0x254: {  	v49 =	vshll.u32 v3, $0x3  }
0x255: {  	v3 =	vand.u32 $0x7, v3;
	v4 =	vand.u32 $0xFFFFFFC0, v49  }
0x256: {  	v3 =	vor.u32 v3, v4  }
0x257: {  	v4 =	vperm.xlane v3, v0;
	_ =	sdelay $0x1  }
0x258: {  	v4 =	vadd.s32 v1, v4;
	_ =	sdelay $0x4  }
0x259: {  	v50 =	vld [tilespmem:$0x1B0];
	[tilespmem:s25], [sflag:$0x2] =	stream.indirect_vreg.gather [hbm4b:s3+s2], $0x80, v4, vm0, $0xb8  }
0x25a: {  	s23 =	simm.s32 $0x4A00;
	v3 =	vperm.xlane v3, v2  }
0x25b: {  	[tilespmem:s23], [sflag:$0x2] =	stream.indirect_vreg.gather [hbm4b:s4+s2], $0x80, v4, vm0, $0xb8;
	[tilespmem:$0x10200] =	vst v63  }
0x25c: {  	s1 =	simm.s32 $0x5200;
	v3 =	vadd.s32 v1, v3  }
0x25d: {  	[tilespmem:s1], [sflag:$0x2] =	stream.indirect_vreg.gather [hbm4b:s5+s2], $0x80, v4, vm0, $0xb8;
	[tilespmem:$0x10200] =	vst v63  }
0x25e: {  	s15 =	simm.s32 $0x5A00  }
0x25f: {  	v51 =	vshll.u32 v50, $0x3;
	[tilespmem:s15], [sflag:$0x2] =	stream.indirect_vreg.gather [hbm4b:s6+s2], $0x80, v4, vm0, $0xb8;
	[tilespmem:$0x10200] =	vst v63  }
0x260: {  	s16 =	simm.s32 $0x6200;
	v5 =	vand.u32 $0x7, v50;
	v4 =	vand.u32 $0xFFFFFFC0, v51  }
0x261: {  	v4 =	vor.u32 v5, v4;
	[tilespmem:s16], [sflag:$0x2] =	stream.indirect_vreg.gather [hbm4b:s3+s2], $0x80, v3, vm0, $0xb8;
	[tilespmem:$0x10200] =	vst v63  }
0x262: {  	s29 =	simm.s32 $0x6A00;
	v5 =	vperm.xlane v4, v0  }
0x263: {  	[tilespmem:s29], [sflag:$0x2] =	stream.indirect_vreg.gather [hbm4b:s4+s2], $0x80, v3, vm0, $0xb8;
	[tilespmem:$0x10200] =	vst v63  }
0x264: {  	s7 =	simm.s32 $0x7200;
	v5 =	vadd.s32 v1, v5  }
0x265: {  	[tilespmem:s7], [sflag:$0x2] =	stream.indirect_vreg.gather [hbm4b:s5+s2], $0x80, v3, vm0, $0xb8;
	[tilespmem:$0x10200] =	vst v63  }
0x266: {  	s24 =	simm.s32 $0x7A00  }
0x267: {  	[tilespmem:s24], [sflag:$0x2] =	stream.indirect_vreg.gather [hbm4b:s6+s2], $0x80, v3, vm0, $0xb8;
	[tilespmem:$0x10200] =	vst v63  }
0x268: {  	_ = 	snop  }
0x269: {  	[tilespmem:s10], [sflag:$0x4] =	stream.indirect_vreg.gather [hbm4b:s3+s2], $0x80, v5, vm0, $0xb8;
	[tilespmem:$0x10200] =	vst v63  }
0x26a: {  	s26 =	simm.s32 $0xCA00;
	v3 =	vperm.xlane v4, v2  }
0x26b: {  	[tilespmem:s26], [sflag:$0x4] =	stream.indirect_vreg.gather [hbm4b:s4+s2], $0x80, v5, vm0, $0xb8;
	[tilespmem:$0x10200] =	vst v63  }
0x26c: {  	s9 =	simm.s32 $0xD200;
	v3 =	vadd.s32 v1, v3  }
0x26d: {  	[tilespmem:s9], [sflag:$0x4] =	stream.indirect_vreg.gather [hbm4b:s5+s2], $0x80, v5, vm0, $0xb8;
	[tilespmem:$0x10200] =	vst v63  }
0x26e: {  	s11 =	simm.s32 $0xDA00  }
0x26f: {  	[tilespmem:s11], [sflag:$0x4] =	stream.indirect_vreg.gather [hbm4b:s6+s2], $0x80, v5, vm0, $0xb8;
	[tilespmem:$0x10200] =	vst v63  }
0x270: {  	s12 =	simm.s32 $0xE200  }
0x271: {  	[tilespmem:s12], [sflag:$0x4] =	stream.indirect_vreg.gather [hbm4b:s3+s2], $0x80, v3, vm0, $0xb8;
	[tilespmem:$0x10200] =	vst v63  }
0x272: {  	s13 =	simm.s32 $0xEA00  }
0x273: {  	[tilespmem:s13], [sflag:$0x4] =	stream.indirect_vreg.gather [hbm4b:s4+s2], $0x80, v3, vm0, $0xb8;
	[tilespmem:$0x10200] =	vst v63  }
0x274: {  	s14 =	simm.s32 $0xF200  }
0x275: {  	[tilespmem:s14], [sflag:$0x4] =	stream.indirect_vreg.gather [hbm4b:s5+s2], $0x80, v3, vm0, $0xb8;
	[tilespmem:$0x10200] =	vst v63  }
0x276: {  	s28 =	simm.s32 $0xFA00  }
0x277: {  	[tilespmem:s28], [sflag:$0x4] =	stream.indirect_vreg.gather [hbm4b:s6+s2], $0x80, v3, vm0, $0xb8;
	[tilespmem:$0x10200] =	vst v63  }
0x278: {  	_ =	swait.ge [sflag:s19], $0x4000  }
0x279: {  	[sflag:s19] =	ssyncset.done $0x0  }
0x27a: {  	[sflag:s19] =	ssyncadd.s32 $0xFFFFC000  }
0x27b: {  	_ =	swait.ge [sflag:s20], $0x4000  }
0x27c: {  	[sflag:s20] =	ssyncset.done $0x0  }
0x27d: {  	s26 =	rddreg [dreg:$0x17];
	[sflag:s20] =	ssyncadd.s32 $0xFFFFC000  }
0x27e: {  	[hbm4b:s26+s2] =	stream.linear.scatter [tilespmem:s18], [sflag:$0x5], $0x4000, $0x38;
	[tilespmem:$0x10200] =	vst v63  }
0x27f: {  	_ =	swait.ge [sflag:s8], $0x4000  }
0x280: {  	[sflag:s8] =	ssyncset.done $0x0  }
0x281: {  	s28 =	rddreg [dreg:$0x18];
	[sflag:s8] =	ssyncadd.s32 $0xFFFFC000  }
0x282: {  	[hbm4b:s28+s2] =	stream.linear.scatter [tilespmem:s17], [sflag:$0x5], $0x4000, $0x38;
	[tilespmem:$0x10200] =	vst v63  }
0x283: {  	_ =	swait.ge [sflag:s8], $0x4000  }
0x284: {  	[sflag:s8] =	ssyncset.done $0x0  }
0x285: {  	[sflag:s8] =	ssyncadd.s32 $0xFFFFC000  }
0x286: {  	v3 =	vld [tilespmem:$0x140];
	_ =	sdelay $0x4  }
0x287: {  	v52 =	vshll.u32 v3, $0x3  }
0x288: {  	v3 =	vand.u32 $0x7, v3;
	v4 =	vand.u32 $0xFFFFFFC0, v52  }
0x289: {  	v3 =	vor.u32 v3, v4  }
0x28a: {  	v4 =	vperm.xlane v3, v0;
	_ =	sdelay $0x1  }
0x28b: {  	v4 =	vadd.s32 v1, v4;
	_ =	sdelay $0x4  }
0x28c: {  	v53 =	vld [tilespmem:$0x1C0];
	[tilespmem:s18], [sflag:$0x1] =	stream.indirect_vreg.gather [hbm4b:s3+s2], $0x80, v4, vm0, $0xb8  }
0x28d: {  	s26 =	simm.s32 $0xA00;
	v3 =	vperm.xlane v3, v2  }
0x28e: {  	[tilespmem:s26], [sflag:$0x1] =	stream.indirect_vreg.gather [hbm4b:s4+s2], $0x80, v4, vm0, $0xb8;
	[tilespmem:$0x10200] =	vst v63  }
0x28f: {  	s30 =	simm.s32 $0x1200;
	v3 =	vadd.s32 v1, v3  }
0x290: {  	[tilespmem:s30], [sflag:$0x1] =	stream.indirect_vreg.gather [hbm4b:s5+s2], $0x80, v4, vm0, $0xb8;
	[tilespmem:$0x10200] =	vst v63  }
0x291: {  	s28 =	simm.s32 $0x1A00  }
0x292: {  	v54 =	vshll.u32 v53, $0x3;
	[tilespmem:s28], [sflag:$0x1] =	stream.indirect_vreg.gather [hbm4b:s6+s2], $0x80, v4, vm0, $0xb8;
	[tilespmem:$0x10200] =	vst v63  }
0x293: {  	v5 =	vand.u32 $0x7, v53;
	s30 =	simm.s32 $0x2200;
	v4 =	vand.u32 $0xFFFFFFC0, v54  }
0x294: {  	v4 =	vor.u32 v5, v4;
	[tilespmem:s30], [sflag:$0x1] =	stream.indirect_vreg.gather [hbm4b:s3+s2], $0x80, v3, vm0, $0xb8;
	[tilespmem:$0x10200] =	vst v63  }
0x295: {  	s28 =	simm.s32 $0x2A00;
	v5 =	vperm.xlane v4, v0  }
0x296: {  	[tilespmem:s28], [sflag:$0x1] =	stream.indirect_vreg.gather [hbm4b:s4+s2], $0x80, v3, vm0, $0xb8;
	[tilespmem:$0x10200] =	vst v63  }
0x297: {  	s30 =	simm.s32 $0x3200;
	v5 =	vadd.s32 v1, v5  }
0x298: {  	[tilespmem:s30], [sflag:$0x1] =	stream.indirect_vreg.gather [hbm4b:s5+s2], $0x80, v3, vm0, $0xb8;
	[tilespmem:$0x10200] =	vst v63  }
0x299: {  	s28 =	simm.s32 $0x3A00  }
0x29a: {  	[tilespmem:s28], [sflag:$0x1] =	stream.indirect_vreg.gather [hbm4b:s6+s2], $0x80, v3, vm0, $0xb8;
	[tilespmem:$0x10200] =	vst v63  }
0x29b: {  	_ = 	snop  }
0x29c: {  	[tilespmem:s17], [sflag:$0x3] =	stream.indirect_vreg.gather [hbm4b:s3+s2], $0x80, v5, vm0, $0xb8;
	[tilespmem:$0x10200] =	vst v63  }
0x29d: {  	s30 =	simm.s32 $0x8A00;
	v3 =	vperm.xlane v4, v2  }
0x29e: {  	[tilespmem:s30], [sflag:$0x3] =	stream.indirect_vreg.gather [hbm4b:s4+s2], $0x80, v5, vm0, $0xb8;
	[tilespmem:$0x10200] =	vst v63  }
0x29f: {  	s31 =	simm.s32 $0x9200;
	v3 =	vadd.s32 v1, v3  }
0x2a0: {  	[tilespmem:s31], [sflag:$0x3] =	stream.indirect_vreg.gather [hbm4b:s5+s2], $0x80, v5, vm0, $0xb8;
	[tilespmem:$0x10200] =	vst v63  }
0x2a1: {  	s0 =	simm.s32 $0x9A00  }
0x2a2: {  	[tilespmem:s0], [sflag:$0x3] =	stream.indirect_vreg.gather [hbm4b:s6+s2], $0x80, v5, vm0, $0xb8;
	[tilespmem:$0x10200] =	vst v63  }
0x2a3: {  	s31 =	simm.s32 $0xA200  }
0x2a4: {  	[tilespmem:s31], [sflag:$0x3] =	stream.indirect_vreg.gather [hbm4b:s3+s2], $0x80, v3, vm0, $0xb8;
	[tilespmem:$0x10200] =	vst v63  }
0x2a5: {  	s23 =	simm.s32 $0xAA00  }
0x2a6: {  	[tilespmem:s23], [sflag:$0x3] =	stream.indirect_vreg.gather [hbm4b:s4+s2], $0x80, v3, vm0, $0xb8;
	[tilespmem:$0x10200] =	vst v63  }
0x2a7: {  	s31 =	simm.s32 $0xB200  }
0x2a8: {  	[tilespmem:s31], [sflag:$0x3] =	stream.indirect_vreg.gather [hbm4b:s5+s2], $0x80, v3, vm0, $0xb8;
	[tilespmem:$0x10200] =	vst v63  }
0x2a9: {  	s23 =	simm.s32 $0xBA00  }
0x2aa: {  	[tilespmem:s23], [sflag:$0x3] =	stream.indirect_vreg.gather [hbm4b:s6+s2], $0x80, v3, vm0, $0xb8;
	[tilespmem:$0x10200] =	vst v63  }
0x2ab: {  	_ =	swait.ge [sflag:s21], $0x4000  }
0x2ac: {  	[sflag:s21] =	ssyncset.done $0x0  }
0x2ad: {  	[sflag:s21] =	ssyncadd.s32 $0xFFFFC000  }
0x2ae: {  	_ =	swait.ge [sflag:s22], $0x4000  }
0x2af: {  	[sflag:s22] =	ssyncset.done $0x0  }
0x2b0: {  	s31 =	rddreg [dreg:$0x19];
	[sflag:s22] =	ssyncadd.s32 $0xFFFFC000  }
0x2b1: {  	[hbm4b:s31+s2] =	stream.linear.scatter [tilespmem:s25], [sflag:$0x5], $0x4000, $0x38;
	[tilespmem:$0x10200] =	vst v63  }
0x2b2: {  	_ =	swait.ge [sflag:s8], $0x4000  }
0x2b3: {  	[sflag:s8] =	ssyncset.done $0x0  }
0x2b4: {  	s0 =	rddreg [dreg:$0x1a];
	[sflag:s8] =	ssyncadd.s32 $0xFFFFC000  }
0x2b5: {  	[hbm4b:s0+s2] =	stream.linear.scatter [tilespmem:s10], [sflag:$0x5], $0x4000, $0x38;
	[tilespmem:$0x10200] =	vst v63  }
0x2b6: {  	_ =	swait.ge [sflag:s8], $0x4000  }
0x2b7: {  	[sflag:s8] =	ssyncset.done $0x0  }
0x2b8: {  	[sflag:s8] =	ssyncadd.s32 $0xFFFFC000  }
0x2b9: {  	v3 =	vld [tilespmem:$0x150];
	_ =	sdelay $0x4  }
0x2ba: {  	v55 =	vshll.u32 v3, $0x3  }
0x2bb: {  	v3 =	vand.u32 $0x7, v3;
	v4 =	vand.u32 $0xFFFFFFC0, v55  }
0x2bc: {  	v3 =	vor.u32 v3, v4  }
0x2bd: {  	v4 =	vperm.xlane v3, v0;
	_ =	sdelay $0x1  }
0x2be: {  	v4 =	vadd.s32 v1, v4;
	_ =	sdelay $0x4  }
0x2bf: {  	v56 =	vld [tilespmem:$0x1D0];
	[tilespmem:s25], [sflag:$0x2] =	stream.indirect_vreg.gather [hbm4b:s3+s2], $0x80, v4, vm0, $0xb8  }
0x2c0: {  	s23 =	simm.s32 $0x4A00;
	v3 =	vperm.xlane v3, v2  }
0x2c1: {  	[tilespmem:s23], [sflag:$0x2] =	stream.indirect_vreg.gather [hbm4b:s4+s2], $0x80, v4, vm0, $0xb8;
	[tilespmem:$0x10200] =	vst v63  }
0x2c2: {  	s1 =	simm.s32 $0x5200;
	v3 =	vadd.s32 v1, v3  }
0x2c3: {  	[tilespmem:s1], [sflag:$0x2] =	stream.indirect_vreg.gather [hbm4b:s5+s2], $0x80, v4, vm0, $0xb8;
	[tilespmem:$0x10200] =	vst v63  }
0x2c4: {  	s15 =	simm.s32 $0x5A00  }
0x2c5: {  	v57 =	vshll.u32 v56, $0x3;
	[tilespmem:s15], [sflag:$0x2] =	stream.indirect_vreg.gather [hbm4b:s6+s2], $0x80, v4, vm0, $0xb8;
	[tilespmem:$0x10200] =	vst v63  }
0x2c6: {  	s16 =	simm.s32 $0x6200;
	v5 =	vand.u32 $0x7, v56;
	v4 =	vand.u32 $0xFFFFFFC0, v57  }
0x2c7: {  	v4 =	vor.u32 v5, v4;
	[tilespmem:s16], [sflag:$0x2] =	stream.indirect_vreg.gather [hbm4b:s3+s2], $0x80, v3, vm0, $0xb8;
	[tilespmem:$0x10200] =	vst v63  }
0x2c8: {  	s29 =	simm.s32 $0x6A00;
	v5 =	vperm.xlane v4, v0  }
0x2c9: {  	[tilespmem:s29], [sflag:$0x2] =	stream.indirect_vreg.gather [hbm4b:s4+s2], $0x80, v3, vm0, $0xb8;
	[tilespmem:$0x10200] =	vst v63  }
0x2ca: {  	s7 =	simm.s32 $0x7200;
	v5 =	vadd.s32 v1, v5  }
0x2cb: {  	[tilespmem:s7], [sflag:$0x2] =	stream.indirect_vreg.gather [hbm4b:s5+s2], $0x80, v3, vm0, $0xb8;
	[tilespmem:$0x10200] =	vst v63  }
0x2cc: {  	s24 =	simm.s32 $0x7A00  }
0x2cd: {  	[tilespmem:s24], [sflag:$0x2] =	stream.indirect_vreg.gather [hbm4b:s6+s2], $0x80, v3, vm0, $0xb8;
	[tilespmem:$0x10200] =	vst v63  }
0x2ce: {  	_ = 	snop  }
0x2cf: {  	[tilespmem:s10], [sflag:$0x4] =	stream.indirect_vreg.gather [hbm4b:s3+s2], $0x80, v5, vm0, $0xb8;
	[tilespmem:$0x10200] =	vst v63  }
0x2d0: {  	v3 =	vperm.xlane v4, v2;
	s24 =	simm.s32 $0xCA00  }
0x2d1: {  	[tilespmem:s24], [sflag:$0x4] =	stream.indirect_vreg.gather [hbm4b:s4+s2], $0x80, v5, vm0, $0xb8;
	[tilespmem:$0x10200] =	vst v63  }
0x2d2: {  	s9 =	simm.s32 $0xD200;
	v3 =	vadd.s32 v1, v3  }
0x2d3: {  	[tilespmem:s9], [sflag:$0x4] =	stream.indirect_vreg.gather [hbm4b:s5+s2], $0x80, v5, vm0, $0xb8;
	[tilespmem:$0x10200] =	vst v63  }
0x2d4: {  	s11 =	simm.s32 $0xDA00  }
0x2d5: {  	[tilespmem:s11], [sflag:$0x4] =	stream.indirect_vreg.gather [hbm4b:s6+s2], $0x80, v5, vm0, $0xb8;
	[tilespmem:$0x10200] =	vst v63  }
0x2d6: {  	s12 =	simm.s32 $0xE200  }
0x2d7: {  	[tilespmem:s12], [sflag:$0x4] =	stream.indirect_vreg.gather [hbm4b:s3+s2], $0x80, v3, vm0, $0xb8;
	[tilespmem:$0x10200] =	vst v63  }
0x2d8: {  	s13 =	simm.s32 $0xEA00  }
0x2d9: {  	[tilespmem:s13], [sflag:$0x4] =	stream.indirect_vreg.gather [hbm4b:s4+s2], $0x80, v3, vm0, $0xb8;
	[tilespmem:$0x10200] =	vst v63  }
0x2da: {  	s14 =	simm.s32 $0xF200  }
0x2db: {  	[tilespmem:s14], [sflag:$0x4] =	stream.indirect_vreg.gather [hbm4b:s5+s2], $0x80, v3, vm0, $0xb8;
	[tilespmem:$0x10200] =	vst v63  }
0x2dc: {  	s23 =	simm.s32 $0xFA00  }
0x2dd: {  	[tilespmem:s23], [sflag:$0x4] =	stream.indirect_vreg.gather [hbm4b:s6+s2], $0x80, v3, vm0, $0xb8;
	[tilespmem:$0x10200] =	vst v63  }
0x2de: {  	_ =	swait.ge [sflag:s19], $0x4000  }
0x2df: {  	[sflag:s19] =	ssyncset.done $0x0  }
0x2e0: {  	[sflag:s19] =	ssyncadd.s32 $0xFFFFC000  }
0x2e1: {  	_ =	swait.ge [sflag:s20], $0x4000  }
0x2e2: {  	[sflag:s20] =	ssyncset.done $0x0  }
0x2e3: {  	s23 =	rddreg [dreg:$0x1b];
	[sflag:s20] =	ssyncadd.s32 $0xFFFFC000  }
0x2e4: {  	[hbm4b:s23+s2] =	stream.linear.scatter [tilespmem:s18], [sflag:$0x5], $0x4000, $0x38;
	[tilespmem:$0x10200] =	vst v63  }
0x2e5: {  	_ =	swait.ge [sflag:s8], $0x4000  }
0x2e6: {  	[sflag:s8] =	ssyncset.done $0x0  }
0x2e7: {  	s23 =	rddreg [dreg:$0x1c];
	[sflag:s8] =	ssyncadd.s32 $0xFFFFC000  }
0x2e8: {  	[hbm4b:s23+s2] =	stream.linear.scatter [tilespmem:s17], [sflag:$0x5], $0x4000, $0x38;
	[tilespmem:$0x10200] =	vst v63  }
0x2e9: {  	_ =	swait.ge [sflag:s8], $0x4000  }
0x2ea: {  	[sflag:s8] =	ssyncset.done $0x0  }
0x2eb: {  	[sflag:s8] =	ssyncadd.s32 $0xFFFFC000  }
0x2ec: {  	v3 =	vld [tilespmem:$0x160];
	_ =	sdelay $0x4  }
0x2ed: {  	v58 =	vshll.u32 v3, $0x3  }
0x2ee: {  	v3 =	vand.u32 $0x7, v3;
	v4 =	vand.u32 $0xFFFFFFC0, v58  }
0x2ef: {  	v3 =	vor.u32 v3, v4  }
0x2f0: {  	v4 =	vperm.xlane v3, v0;
	_ =	sdelay $0x1  }
0x2f1: {  	v4 =	vadd.s32 v1, v4;
	_ =	sdelay $0x4  }
0x2f2: {  	v59 =	vld [tilespmem:$0x1E0];
	[tilespmem:s18], [sflag:$0x1] =	stream.indirect_vreg.gather [hbm4b:s3+s2], $0x80, v4, vm0, $0xb8  }
0x2f3: {  	s23 =	simm.s32 $0xA00;
	v3 =	vperm.xlane v3, v2  }
0x2f4: {  	[tilespmem:s23], [sflag:$0x1] =	stream.indirect_vreg.gather [hbm4b:s4+s2], $0x80, v4, vm0, $0xb8;
	[tilespmem:$0x10200] =	vst v63  }
0x2f5: {  	s26 =	simm.s32 $0x1200;
	v3 =	vadd.s32 v1, v3  }
0x2f6: {  	[tilespmem:s26], [sflag:$0x1] =	stream.indirect_vreg.gather [hbm4b:s5+s2], $0x80, v4, vm0, $0xb8;
	[tilespmem:$0x10200] =	vst v63  }
0x2f7: {  	s26 =	simm.s32 $0x1A00  }
0x2f8: {  	v60 =	vshll.u32 v59, $0x3;
	[tilespmem:s26], [sflag:$0x1] =	stream.indirect_vreg.gather [hbm4b:s6+s2], $0x80, v4, vm0, $0xb8;
	[tilespmem:$0x10200] =	vst v63  }
0x2f9: {  	v5 =	vand.u32 $0x7, v59;
	v4 =	vand.u32 $0xFFFFFFC0, v60;
	s26 =	simm.s32 $0x2200  }
0x2fa: {  	v4 =	vor.u32 v5, v4;
	[tilespmem:s26], [sflag:$0x1] =	stream.indirect_vreg.gather [hbm4b:s3+s2], $0x80, v3, vm0, $0xb8;
	[tilespmem:$0x10200] =	vst v63  }
0x2fb: {  	v5 =	vperm.xlane v4, v0;
	s26 =	simm.s32 $0x2A00  }
0x2fc: {  	[tilespmem:s26], [sflag:$0x1] =	stream.indirect_vreg.gather [hbm4b:s4+s2], $0x80, v3, vm0, $0xb8;
	[tilespmem:$0x10200] =	vst v63  }
0x2fd: {  	v5 =	vadd.s32 v1, v5;
	s26 =	simm.s32 $0x3200  }
0x2fe: {  	[tilespmem:s26], [sflag:$0x1] =	stream.indirect_vreg.gather [hbm4b:s5+s2], $0x80, v3, vm0, $0xb8;
	[tilespmem:$0x10200] =	vst v63  }
0x2ff: {  	s26 =	simm.s32 $0x3A00  }
0x300: {  	[tilespmem:s26], [sflag:$0x1] =	stream.indirect_vreg.gather [hbm4b:s6+s2], $0x80, v3, vm0, $0xb8;
	[tilespmem:$0x10200] =	vst v63  }
0x301: {  	_ = 	snop  }
0x302: {  	[tilespmem:s17], [sflag:$0x3] =	stream.indirect_vreg.gather [hbm4b:s3+s2], $0x80, v5, vm0, $0xb8;
	[tilespmem:$0x10200] =	vst v63  }
0x303: {  	v3 =	vperm.xlane v4, v2;
	s26 =	simm.s32 $0x8A00  }
0x304: {  	[tilespmem:s26], [sflag:$0x3] =	stream.indirect_vreg.gather [hbm4b:s4+s2], $0x80, v5, vm0, $0xb8;
	[tilespmem:$0x10200] =	vst v63  }
0x305: {  	s28 =	simm.s32 $0x9200;
	v3 =	vadd.s32 v1, v3  }
0x306: {  	[tilespmem:s28], [sflag:$0x3] =	stream.indirect_vreg.gather [hbm4b:s5+s2], $0x80, v5, vm0, $0xb8;
	[tilespmem:$0x10200] =	vst v63  }
0x307: {  	s30 =	simm.s32 $0x9A00  }
0x308: {  	[tilespmem:s30], [sflag:$0x3] =	stream.indirect_vreg.gather [hbm4b:s6+s2], $0x80, v5, vm0, $0xb8;
	[tilespmem:$0x10200] =	vst v63  }
0x309: {  	s30 =	simm.s32 $0xA200  }
0x30a: {  	[tilespmem:s30], [sflag:$0x3] =	stream.indirect_vreg.gather [hbm4b:s3+s2], $0x80, v3, vm0, $0xb8;
	[tilespmem:$0x10200] =	vst v63  }
0x30b: {  	s26 =	simm.s32 $0xAA00  }
0x30c: {  	[tilespmem:s26], [sflag:$0x3] =	stream.indirect_vreg.gather [hbm4b:s4+s2], $0x80, v3, vm0, $0xb8;
	[tilespmem:$0x10200] =	vst v63  }
0x30d: {  	s28 =	simm.s32 $0xB200  }
0x30e: {  	[tilespmem:s28], [sflag:$0x3] =	stream.indirect_vreg.gather [hbm4b:s5+s2], $0x80, v3, vm0, $0xb8;
	[tilespmem:$0x10200] =	vst v63  }
0x30f: {  	s30 =	simm.s32 $0xBA00  }
0x310: {  	[tilespmem:s30], [sflag:$0x3] =	stream.indirect_vreg.gather [hbm4b:s6+s2], $0x80, v3, vm0, $0xb8;
	[tilespmem:$0x10200] =	vst v63  }
0x311: {  	_ =	swait.ge [sflag:s21], $0x4000  }
0x312: {  	[sflag:s21] =	ssyncset.done $0x0  }
0x313: {  	[sflag:s21] =	ssyncadd.s32 $0xFFFFC000  }
0x314: {  	_ =	swait.ge [sflag:s22], $0x4000  }
0x315: {  	[sflag:s22] =	ssyncset.done $0x0  }
0x316: {  	s26 =	rddreg [dreg:$0x1d];
	[sflag:s22] =	ssyncadd.s32 $0xFFFFC000  }
0x317: {  	[hbm4b:s26+s2] =	stream.linear.scatter [tilespmem:s25], [sflag:$0x5], $0x4000, $0x38;
	[tilespmem:$0x10200] =	vst v63  }
0x318: {  	_ =	swait.ge [sflag:s8], $0x4000  }
0x319: {  	[sflag:s8] =	ssyncset.done $0x0  }
0x31a: {  	s28 =	rddreg [dreg:$0x1e];
	[sflag:s8] =	ssyncadd.s32 $0xFFFFC000  }
0x31b: {  	[hbm4b:s28+s2] =	stream.linear.scatter [tilespmem:s10], [sflag:$0x5], $0x4000, $0x38;
	[tilespmem:$0x10200] =	vst v63  }
0x31c: {  	_ =	swait.ge [sflag:s8], $0x4000  }
0x31d: {  	[sflag:s8] =	ssyncset.done $0x0  }
0x31e: {  	[sflag:s8] =	ssyncadd.s32 $0xFFFFC000  }
0x31f: {  	v3 =	vld [tilespmem:$0x170];
	_ =	sdelay $0x4  }
0x320: {  	v61 =	vshll.u32 v3, $0x3  }
0x321: {  	v3 =	vand.u32 $0x7, v3;
	v4 =	vand.u32 $0xFFFFFFC0, v61  }
0x322: {  	v3 =	vor.u32 v3, v4  }
0x323: {  	v4 =	vperm.xlane v3, v0;
	_ =	sdelay $0x1  }
0x324: {  	v4 =	vadd.s32 v1, v4;
	_ =	sdelay $0x4  }
0x325: {  	v62 =	vld [tilespmem:$0x1F0];
	[tilespmem:s25], [sflag:$0x2] =	stream.indirect_vreg.gather [hbm4b:s3+s2], $0x80, v4, vm0, $0xb8  }
0x326: {  	s30 =	simm.s32 $0x4A00;
	v3 =	vperm.xlane v3, v2  }
0x327: {  	[tilespmem:s30], [sflag:$0x2] =	stream.indirect_vreg.gather [hbm4b:s4+s2], $0x80, v4, vm0, $0xb8;
	[tilespmem:$0x10200] =	vst v63  }
0x328: {  	s0 =	simm.s32 $0x5200;
	v3 =	vadd.s32 v1, v3  }
0x329: {  	[tilespmem:s0], [sflag:$0x2] =	stream.indirect_vreg.gather [hbm4b:s5+s2], $0x80, v4, vm0, $0xb8;
	[tilespmem:$0x10200] =	vst v63  }
0x32a: {  	s31 =	simm.s32 $0x5A00  }
0x32b: {  	v63 =	vshll.u32 v62, $0x3;
	[tilespmem:s31], [sflag:$0x2] =	stream.indirect_vreg.gather [hbm4b:s6+s2], $0x80, v4, vm0, $0xb8;
	[tilespmem:$0x10200] =	vst v63  }
0x32c: {  	s15 =	simm.s32 $0x6200;
	v5 =	vand.u32 $0x7, v62;
	v4 =	vand.u32 $0xFFFFFFC0, v63  }
0x32d: {  	v4 =	vor.u32 v5, v4;
	[tilespmem:s15], [sflag:$0x2] =	stream.indirect_vreg.gather [hbm4b:s3+s2], $0x80, v3, vm0, $0xb8;
	[tilespmem:$0x10200] =	vst v63  }
0x32e: {  	s16 =	simm.s32 $0x6A00;
	v5 =	vperm.xlane v4, v0  }
0x32f: {  	[tilespmem:s16], [sflag:$0x2] =	stream.indirect_vreg.gather [hbm4b:s4+s2], $0x80, v3, vm0, $0xb8;
	[tilespmem:$0x10200] =	vst v63  }
0x330: {  	s1 =	simm.s32 $0x7200;
	v5 =	vadd.s32 v1, v5  }
0x331: {  	[tilespmem:s1], [sflag:$0x2] =	stream.indirect_vreg.gather [hbm4b:s5+s2], $0x80, v3, vm0, $0xb8;
	[tilespmem:$0x10200] =	vst v63  }
0x332: {  	s29 =	simm.s32 $0x7A00  }
0x333: {  	[tilespmem:s29], [sflag:$0x2] =	stream.indirect_vreg.gather [hbm4b:s6+s2], $0x80, v3, vm0, $0xb8;
	[tilespmem:$0x10200] =	vst v63  }
0x334: {  	_ = 	snop  }
0x335: {  	[tilespmem:s10], [sflag:$0x4] =	stream.indirect_vreg.gather [hbm4b:s3+s2], $0x80, v5, vm0, $0xb8;
	[tilespmem:$0x10200] =	vst v63  }
0x336: {  	s24 =	simm.s32 $0xCA00;
	v3 =	vperm.xlane v4, v2  }
0x337: {  	[tilespmem:s24], [sflag:$0x4] =	stream.indirect_vreg.gather [hbm4b:s4+s2], $0x80, v5, vm0, $0xb8;
	[tilespmem:$0x10200] =	vst v63  }
0x338: {  	s7 =	simm.s32 $0xD200;
	v3 =	vadd.s32 v1, v3  }
0x339: {  	[tilespmem:s7], [sflag:$0x4] =	stream.indirect_vreg.gather [hbm4b:s5+s2], $0x80, v5, vm0, $0xb8;
	[tilespmem:$0x10200] =	vst v63  }
0x33a: {  	s9 =	simm.s32 $0xDA00  }
0x33b: {  	[tilespmem:s9], [sflag:$0x4] =	stream.indirect_vreg.gather [hbm4b:s6+s2], $0x80, v5, vm0, $0xb8;
	[tilespmem:$0x10200] =	vst v63  }
0x33c: {  	s11 =	simm.s32 $0xE200  }
0x33d: {  	[tilespmem:s11], [sflag:$0x4] =	stream.indirect_vreg.gather [hbm4b:s3+s2], $0x80, v3, vm0, $0xb8;
	[tilespmem:$0x10200] =	vst v63  }
0x33e: {  	s12 =	simm.s32 $0xEA00  }
0x33f: {  	[tilespmem:s12], [sflag:$0x4] =	stream.indirect_vreg.gather [hbm4b:s4+s2], $0x80, v3, vm0, $0xb8;
	[tilespmem:$0x10200] =	vst v63  }
0x340: {  	s13 =	simm.s32 $0xF200  }
0x341: {  	[tilespmem:s13], [sflag:$0x4] =	stream.indirect_vreg.gather [hbm4b:s5+s2], $0x80, v3, vm0, $0xb8;
	[tilespmem:$0x10200] =	vst v63  }
0x342: {  	s14 =	simm.s32 $0xFA00  }
0x343: {  	[tilespmem:s14], [sflag:$0x4] =	stream.indirect_vreg.gather [hbm4b:s6+s2], $0x80, v3, vm0, $0xb8;
	[tilespmem:$0x10200] =	vst v63  }
0x344: {  	s26 =	sld [smem:$0x7FA];
	_ =	swait.ge [sflag:s19], $0x4000  }
0x345: {  	[sflag:s19] =	ssyncset.done $0x0  }
0x346: {  	[sflag:s19] =	ssyncadd.s32 $0xFFFFC000  }
0x347: {  	_ =	swait.ge [sflag:s20], $0x4000  }
0x348: {  	[sflag:s20] =	ssyncset.done $0x0  }
0x349: {  	s28 =	rddreg [dreg:$0x1f];
	[sflag:s20] =	ssyncadd.s32 $0xFFFFC000  }
0x34a: {  	[hbm4b:s28+s2] =	stream.linear.scatter [tilespmem:s18], [sflag:$0x5], $0x4000, $0x38;
	[tilespmem:$0x10200] =	vst v63  }
0x34b: {  	_ =	swait.ge [sflag:s8], $0x4000  }
0x34c: {  	s29 =	sld [smem:$0x7FB]  }
0x34d: {  	[sflag:s8] =	ssyncset.done $0x0  }
0x34e: {  	[sflag:s8] =	ssyncadd.s32 $0xFFFFC000  }
0x34f: {  	[hbm4b:s29+s2] =	stream.linear.scatter [tilespmem:s17], [sflag:$0x5], $0x4000, $0x38;
	[tilespmem:$0x10200] =	vst v63  }
0x350: {  	_ =	swait.ge [sflag:s8], $0x4000  }
0x351: {  	[sflag:s8] =	ssyncset.done $0x0  }
0x352: {  	[sflag:s8] =	ssyncadd.s32 $0xFFFFC000  }
0x353: {  	_ =	swait.ge [sflag:s21], $0x4000  }
0x354: {  	[sflag:s21] =	ssyncset.done $0x0  }
0x355: {  	[sflag:s21] =	ssyncadd.s32 $0xFFFFC000  }
0x356: {  	_ =	swait.ge [sflag:s22], $0x4000  }
0x357: {  	s30 =	sld [smem:$0x7FC]  }
0x358: {  	[sflag:s22] =	ssyncset.done $0x0  }
0x359: {  	[sflag:s22] =	ssyncadd.s32 $0xFFFFC000  }
0x35a: {  	[hbm4b:s30+s2] =	stream.linear.scatter [tilespmem:s25], [sflag:$0x5], $0x4000, $0x38;
	[tilespmem:$0x10200] =	vst v63  }
0x35b: {  	_ =	swait.ge [sflag:s8], $0x4000  }
0x35c: {  	s31 =	sld [smem:$0x7FD]  }
0x35d: {  	p0 =	sne.s32 s26, $0x1;
	[sflag:s8] =	ssyncset.done $0x0  }
.Ltmp0:
0x35e: {  	[sflag:s8] =	ssyncadd.s32 $0xFFFFC000;
	(pc) =	sbr.rel @p0 .LBB2_1-.Ltmp0, $4  }
0x35f: {  	[hbm4b:s31+s2] =	stream.linear.scatter [tilespmem:s10], [sflag:$0x5], $0x4000, $0x38;
	[tilespmem:$0x10200] =	vst v63  }
0x360: {  	_ =	swait.ge [sflag:s8], $0x4000  }
0x361: {  	[sflag:s8] =	ssyncset.done $0x0  }
0x362: {  	s0 =	sadd.s32 $0xFFFFFFFF, s26;
	[sflag:s8] =	ssyncadd.s32 $0xFFFFC000  }
0x363: {  	_ =	sfence.sel $0x180000  }
0x364: {  	[bflag:$0x0] =	sbarrier.arrive $0xFFFF  }
0x365: {  	_ =	strace $0x9000004A  }
0x366: {  	s0 =	stileid.u32;
	[bflag:$0x2] =	sbarrier.arrive $0xFFFF  }
0x367: {  	p0 =	sne.s32 s0, $0x0;
	s0 =	rddreg [dreg:$0x1]  }
0x368: {  	s0 =	sadd.s32 @!p0 $0x100000, s0  }
0x369: {  	[sflag:s0] =	ssyncadd.tile.s32 @!p0 $0x1;
	_ =	shalt  }
.Lfunc_end2:
_tile_overlayer_lowered:
.L_overlay_start_2:
0x36a: {  	(tag) =	ssettag $0x2  }
0x36b: {  	s0 =	rddreg [dreg:$0x0];
	s2 =	stileid.u32  }
0x36c: {  	s1 =	rddreg [dreg:$0x1];
	p0 =	sne.s32 s2, $0x0  }
0x36d: {  	s3 =	rddreg [dreg:$0x2];
	[bflag:$0x3] =	sbarrier.arrive $0xFFFF;
	s2 =	simm.s32 @!p0 $0x1C05  }
0x36e: {  	[timem:s3], [sflag:s2] =	dma.local @!p0 [hbm:s0], s1  }
0x36f: {  	s0 =	simm.s32 @!p0 $0x5  }
0x370: {  	_ =	swait.ge @!p0 [sflag:s0], s1  }
0x371: {  	s1 =	ssub.s32 @!p0 $0x0, s1;
	[sflag:s0] =	ssyncset.done @!p0 $0x0  }
0x372: {  	[sflag:s0] =	ssyncadd.s32 @!p0 s1  }
0x373: {  	[bflag:$0x3] =	sbarrier.arrive $0xFFFF  }
0x374: {  	_ =	shalt  }

// kernel: kernel.8.cloned.1.call-start
scs
__scs_entry_jumppad:
0x0: {  	(pc) =	sbr.rel $0x88, $3  }
0x1: {  	(tag) =	ssettag $0x0;
	lr =	simm.s32 $0x1  }
0x2: {  	[smem:$0x3F9C] =	sst lr;
	_ =	strace $0xD0000000  }
0x3: {  	_ = 	snop  }
0x4: {  	_ = 	snop  }
0x5: {  	_ = 	snop  }
0x6: {  	_ = 	snop  }
0x7: {  	_ = 	snop  }
__scs_overlays_trampoline_lowered:
0x8: {  	[smem:$0x3FAB] =	sst s0  }
0x9: {  	[smem:$0x3FAC] =	sst s1  }
0xa: {  	[smem:$0x3FAD] =	sst s2  }
0xb: {  	[smem:$0x3FAE] =	sst s3  }
0xc: {  	[smem:$0x3FAF] =	sst s4  }
0xd: {  	[smem:$0x3FB0] =	sst s5  }
0xe: {  	[smem:$0x3FB1] =	sst s6  }
0xf: {  	[smem:$0x3FB2] =	sst s7  }
0x10: {  	[smem:$0x3FB3] =	sst s8  }
0x11: {  	[smem:$0x3FB4] =	sst s9;
	s0 =	simm.s32 @!p0 $0x0  }
0x12: {  	s1 =	sld [smem:$0x3F9A];
	s0 =	simm.s32 @p0 $0x1  }
0x13: {  	[smem:$0x3FB5] =	sst s0;
	s0 =	simm.s32 @!p1 $0x0  }
0x14: {  	s2 =	sld [smem:$0x3F99];
	s0 =	simm.s32 @p1 $0x1  }
0x15: {  	[smem:$0x3FB6] =	sst s0;
	s0 =	simm.s32 @!p2 $0x0  }
0x16: {  	s3 =	sld [smem:$0x3FDB];
	s0 =	simm.s32 @p2 $0x1  }
0x17: {  	s4 =	simm.s32 $0x1BF5;
	[smem:$0x3FB8] =	sst s0  }
0x18: {  	s0 =	sld [smem:$0x3F9B];
	_ =	swait.ge [sflag:s4], $0x0  }
0x19: {  	s7 =	sld [smem:$0x3F9C]  }
0x1a: {  	s8 =	sadd.s32 $0xFFFFE003, lr  }
0x1b: {  	s9 =	sadd.s32 $0xFFFFFEF7, lr;
	s5 =	simm.s32 $0xFFFFFFFF;
	p2 =	slt.u32 s8, $0xFFFFF086  }
0x1c: {  	p1 =	slt.u32 s9, $0xF7A;
	s5 =	simm.s32 @!p2 $0x0  }
0x1d: {  	s5 =	simm.s32 @p1 $0x1;
	p0 =	seq.s32 s7, s2  }
0x1e: {  	s7 =	smul.u32 @!p0 $0xF7A, s2;
	p2 =	seq.s32 @!p0 s5, $0x0  }
0x1f: {  	s9 =	smul.u32 $0xF7A, s1;
	s8 =	simm.s32 @!p0 $0x1BF5;
	p2 =	por !p2, p0  }
0x20: {  	[sflag:s8] =	ssyncset.s32 @!p0 $0xFFFFF086;
	s6 =	sadd.s32 @!p0 s3, s7;
	s7 =	simm.s32 @!p0 $0x108  }
0x21: {  	s3 =	sadd.s32 s3, s9;
	s6 =	sadd.s32 @!p0 $0x88, s6;
	s7 =	simm.s32 @p2 $0x1082  }
0x22: {  	[simem:s7], [sflag:s8] =	dma.local @!p0 [hbm:s6], $0xF7A  }
0x23: {  	s9 =	sor.u32 $0xD0000000, s2;
	s6 =	simm.s32 $0x108;
	_ =	swait.ge @!p0 [sflag:s8], $0x0  }
0x24: {  	s3 =	sadd.s32 $0x88, s3;
	s6 =	simm.s32 @!p1 $0x1082;
	[sflag:s4] =	ssyncset.s32 $0xFFFFF086  }
0x25: {  	[simem:s6], [sflag:s4] =	dma.local [hbm:s3], $0xF7A  }
0x26: {  	[smem:$0x3F9C] =	sst s1;
	(tag) =	ssettag s2;
	_ =	strace s9  }
0x27: {  	s1 =	sld [smem:$0x3FAC]  }
0x28: {  	s2 =	sld [smem:$0x3FAD]  }
0x29: {  	s4 =	sld [smem:$0x3FAF]  }
0x2a: {  	p0 =	seq.s32 s5, $0x0;
	s5 =	sld [smem:$0x3FB0]  }
0x2b: {  	s6 =	sld [smem:$0x3FB1]  }
0x2c: {  	s7 =	sld [smem:$0x3FB2]  }
0x2d: {  	s3 =	simm.s32 $0x108;
	s8 =	sld [smem:$0x3FB3]  }
0x2e: {  	s3 =	simm.s32 @!p0 $0x1082;
	s9 =	sld [smem:$0x3FB4]  }
0x2f: {  	lr =	sadd.s32 s0, s3;
	s0 =	sld [smem:$0x3FAB]  }
0x30: {  	s3 =	sld [smem:$0x3FAE]  }
0x31: {  	[smem:$0x3FB7] =	sst s10  }
0x32: {  	s10 =	sld [smem:$0x3FB5];
	_ =	sdelay $0x3  }
0x33: {  	p0 =	seq.s32 s10, $0x1;
	s10 =	sld [smem:$0x3FB7];
	_ =	sdelay $0x3  }
0x34: {  	[smem:$0x3FB7] =	sst s10  }
0x35: {  	s10 =	sld [smem:$0x3FB6];
	_ =	sdelay $0x3  }
0x36: {  	p1 =	seq.s32 s10, $0x1;
	s10 =	sld [smem:$0x3FB7];
	_ =	sdelay $0x3  }
0x37: {  	[smem:$0x3FB7] =	sst s10  }
0x38: {  	s10 =	sld [smem:$0x3FB8]  }
0x39: {  	_ = 	snop;
	(pc) =	sbr.ind lr, $3  }
0x3a: {  	_ = 	snop  }
0x3b: {  	_ = 	snop  }
0x3c: {  	p2 =	seq.s32 s10, $0x1;
	s10 =	sld [smem:$0x3FB7]  }
0x3d: {  	_ =	shalt  }
0x3e: {  	_ =	shalt  }
0x3f: {  	_ =	shalt  }
0x40: {  	_ =	shalt  }
0x41: {  	_ =	shalt  }
0x42: {  	_ =	shalt  }
0x43: {  	_ =	shalt  }
0x44: {  	_ =	shalt  }
0x45: {  	_ =	shalt  }
0x46: {  	_ =	shalt  }
0x47: {  	_ =	shalt  }
0x48: {  	_ =	shalt  }
0x49: {  	_ =	shalt  }
0x4a: {  	_ =	shalt  }
0x4b: {  	_ =	shalt  }
0x4c: {  	_ =	shalt  }
0x4d: {  	_ =	shalt  }
0x4e: {  	_ =	shalt  }
0x4f: {  	_ =	shalt  }
0x50: {  	_ =	shalt  }
0x51: {  	_ =	shalt  }
0x52: {  	_ =	shalt  }
0x53: {  	_ =	shalt  }
0x54: {  	_ =	shalt  }
0x55: {  	_ =	shalt  }
0x56: {  	_ =	shalt  }
0x57: {  	_ =	shalt  }
0x58: {  	_ =	shalt  }
0x59: {  	_ =	shalt  }
0x5a: {  	_ =	shalt  }
0x5b: {  	_ =	shalt  }
0x5c: {  	_ =	shalt  }
0x5d: {  	_ =	shalt  }
0x5e: {  	_ =	shalt  }
0x5f: {  	_ =	shalt  }
0x60: {  	_ =	shalt  }
0x61: {  	_ =	shalt  }
0x62: {  	_ =	shalt  }
0x63: {  	_ =	shalt  }
0x64: {  	_ =	shalt  }
0x65: {  	_ =	shalt  }
0x66: {  	_ =	shalt  }
0x67: {  	_ =	shalt  }
0x68: {  	_ =	shalt  }
0x69: {  	_ =	shalt  }
0x6a: {  	_ =	shalt  }
0x6b: {  	_ =	shalt  }
0x6c: {  	_ =	shalt  }
0x6d: {  	_ =	shalt  }
0x6e: {  	_ =	shalt  }
0x6f: {  	_ =	shalt  }
0x70: {  	_ =	shalt  }
0x71: {  	_ =	shalt  }
0x72: {  	_ =	shalt  }
0x73: {  	_ =	shalt  }
0x74: {  	_ =	shalt  }
0x75: {  	_ =	shalt  }
0x76: {  	_ =	shalt  }
0x77: {  	_ =	shalt  }
0x78: {  	_ =	shalt  }
0x79: {  	_ =	shalt  }
0x7a: {  	_ =	shalt  }
0x7b: {  	_ =	shalt  }
0x7c: {  	_ =	shalt  }
0x7d: {  	_ =	shalt  }
0x7e: {  	_ =	shalt  }
0x7f: {  	_ =	shalt  }
0x80: {  	_ =	shalt  }
0x81: {  	_ =	shalt  }
0x82: {  	_ =	shalt  }
0x83: {  	_ =	shalt  }
0x84: {  	_ =	shalt  }
0x85: {  	_ =	shalt  }
0x86: {  	_ =	shalt  }
0x87: {  	_ =	shalt  }
.Lfunc_end0:
.L_simem_size_0:
called_computation_lowered:
.L_overlay_start_0:
0x88: {  	s2 =	sld [smem:$0x3FD9]  }
0x89: {  	s3 =	sld [smem:$0x3FFE];
	_ =	sdelay $0x1  }
0x8a: {  	s1 =	srdreg.scid  }
0x8b: {  	s0 =	sand.u32 $0x1, s1  }
0x8c: {  	s17 =	sshll.u32 s0, $0xA;
	s2 =	sadd.s32 s3, s2  }
0x8d: {  	s2 =	sadd.s32 s2, s17  }
0x8e: {  	[smem:$0x3FC3] =	sst s2  }
0x8f: {  	_ = 	snop  }
0x90: {  	s2 =	sld [smem:$0x3FC9];
	(tm) =	ssettm $0x1  }
0x91: {  	s18 =	sld [smem:$0x3FFB];
	_ =	sdelay $0x3  }
0x92: {  	_ =	strace s18  }
0x93: {  	s3 =	sld [smem:$0x3FFC];
	_ =	sdelay $0x3  }
0x94: {  	_ =	strace s3  }
0x95: {  	s3 =	sld [smem:$0x3FFD];
	_ =	sdelay $0x3  }
0x96: {  	_ =	strace s3  }
0x97: {  	_ =	strace $0x8FFFFFFF  }
0x98: {  	s19 =	sld [smem:$0x3FDB];
	_ =	sdelay $0x1  }
0x99: {  	s4 =	simm.s32 $_scs_section_size  }
0x9a: {  	s5 =	simm.s32 $_size__tile_overlayer_lowered;
	s6 =	simm.s32 $_tile_overlayer_lowered  }
0x9b: {  	s22 =	simm.s32 $0x1BFF;
	s21 =	sshll.u32 s6, $0x1;
	s3 =	sadd.s32 s4, s19  }
0x9c: {  	s7 =	simm.s32 $0x0;
	s20 =	sshll.u32 s5, $0x1;
	s5 =	sadd.s32 s21, s3  }
0x9d: {  	[timem:s7], [sflag:s22] =	dma.local [hbm:s5], s20  }
0x9e: {  	_ =	swait.ge [sflag:s22], s20  }
0x9f: {  	s4 =	ssub.s32 $0x0, s20;
	[sflag:s22] =	ssyncset.done $0x0  }
0xa0: {  	[sflag:s22] =	ssyncadd.s32 s4;
	_ =	sdelay $0x1  }
0xa1: {  	s23 =	simm.s32 $0x1B8B  }
0xa2: {  	_ =	swait.ge [sflag:s23], $0x1  }
0xa3: {  	[sflag:s23] =	ssyncset.done $0x0  }
0xa4: {  	s25 =	simm.s32 $0x1B8E;
	s24 =	sld [smem:$0x3FFE];
	[sflag:s23] =	ssyncadd.s32 $0xFFFFFFFF  }
0xa5: {  	s26 =	simm.s32 $execute0_lowered;
	[smem:$0x3FD2] =	sst s25  }
0xa6: {  	s5 =	sshll.u32 s26, $0x1;
	_ =	strace $0x80000046;
	[dreg:$0x1] =	wrdreg $0xFFFFFFFF  }
0xa7: {  	s28 =	simm.s32 $_size_execute0_lowered;
	s3 =	sadd.s32 s3, s5;
	[dreg:$0x0] =	wrdreg $0x0  }
0xa8: {  	s5 =	sshll.u32 s28, $0x1;
	[dreg:$0x2] =	wrdreg s3  }
0xa9: {  	[dreg:$0x3] =	wrdreg s5  }
0xaa: {  	[dreg:$0x4] =	wrdreg $0xC0  }
0xab: {  	_ =	task [dreg:s7], $0x5FFFF  }
0xac: {  	[dreg:$0x1] =	wrdreg $0xFFFFFFFF  }
0xad: {  	[dreg:$0x0] =	wrdreg $0x60  }
0xae: {  	[dreg:$0x2] =	wrdreg s2  }
0xaf: {  	[dreg:$0x3] =	wrdreg s24  }
0xb0: {  	[dreg:$0x4] =	wrdreg $0x9  }
0xb1: {  	_ =	task.clear_ibuf [dreg:s7], $0x5FFFF;
	_ =	strace $0x90000046  }
0xb2: {  	s29 =	simm.s32 $0x9;
	_ =	strace $0x80000048  }
0xb3: {  	_ =	swait.ge [sflag:s29], $0x1  }
0xb4: {  	[sflag:s29] =	ssyncadd.s32 $0xFFFFFFFF  }
0xb5: {  	_ =	strace $0x90000048  }
0xb6: {  	_ =	sfence  }
0xb7: {  	s30 =	sld [smem:$0x0];
	_ =	sdelay $0x2  }
0xb8: {  	s31 =	sshll.u32 s1, $0xD;
	s1 =	sshrl.u32 s1, $0x2  }
0xb9: {  	s3 =	sand.u32 $0x4000, s31;
	s1 =	sadd.s32 s1, s30  }
0xba: {  	s0 =	sor.u32 s3, s0;
	s1 =	sshll.u32 s1, $0x11  }
0xbb: {  	s0 =	sor.u32 s1, s0  }
0xbc: {  	s0 =	sadd.s32 $0x8F2B, s0  }
0xbd: {  	[sflag:s0] =	ssyncadd.remote.s32 $0x1  }
0xbe: {  	_ =	sfence.sel $0xFFFF  }
0xbf: {  	[dreg:$0x0] =	wrdreg $0xFFFFFFFF;
	(pc) =	sbr.abs _section_cstart, $3  }
0xc0: {  	[dreg:$0x1] =	wrdreg $0xFFFFFFFF  }
0xc1: {  	_ =	task.clear_ibuf [dreg:s7], $0x2FFFF;
	_ =	strace $0x9FFFFFFF  }
0xc2: {  	(tm) =	ssettm $0x7FFFFFFF  }
0xc3: {  	_ =	shalt  }
tec
execute0_lowered:
.L_overlay_start_1:
0x0: {  	(tag) =	ssettag $0x1  }
0x1: {  	s0 =	srdreg.scid;
	s2 =	stileid.u32  }
0x2: {  	s1 =	rddreg [dreg:$0x0];
	s0 =	sand.u32 $0x1, s0;
	s2 =	sshll.u32 s2, $0x1  }
0x3: {  	s3 =	rddreg [dreg:$0x1];
	s4 =	sor.u32 s0, s2  }
0x4: {  	s2 =	simm.s32 $0x0;
	s5 =	sshll.u32 s4, $0x6;
	s4 =	sshll.u32 s4, $0xF  }
0x5: {  	[smem:$0x7FF] =	sst s2;
	s5 =	sadd.s32 s5, s3;
	s8 =	sadd.s32 s1, s4  }
0x6: {  	_ =	strace $0x80000047;
	s5 =	sadd.s32 $0x20E00, s5;
	[dreg:$0xb] =	wrdreg s8  }
0x7: {  	s30 =	simm.s32 $0x4;
	s1 =	sadd.s32 $0x1000, s8;
	[dreg:$0x3] =	wrdreg s5  }
0x8: {  	s6 =	sadd.s32 $0x21800, s3;
	s23 =	sadd.s32 $0x2000, s8;
	[dreg:$0x4] =	wrdreg s1  }
0x9: {  	s7 =	sadd.s32 $0x21900, s3;
	s25 =	sadd.s32 $0x3000, s8;
	[dreg:$0x5] =	wrdreg s23  }
0xa: {  	s0 =	ssub.s32 $0x2, s0;
	s26 =	sadd.s32 $0x4000, s8;
	[dreg:$0x6] =	wrdreg s25  }
0xb: {  	s24 =	sshrl.u32 s0, $0x1;
	s28 =	sadd.s32 $0x5000, s8;
	[dreg:$0x7] =	wrdreg s26  }
0xc: {  	v2 =	vlaneseq.u32;
	s4 =	sadd.s32 $0x21600, s3;
	s29 =	sadd.s32 $0x6000, s8;
	[dreg:$0x8] =	wrdreg s28  }
0xd: {  	vm0 =	vmmov $0xffff;
	v1 =	vshrl.u32 v2, $0x3;
	s0 =	ssub.s32 s0, s24;
	s31 =	sadd.s32 $0x7000, s8;
	[dreg:$0x9] =	wrdreg s29  }
0xe: {  	v0 =	vand.u32 $0x7, v2;
	v2 =	vor.u32 $0x8, v2;
	v1 =	vmul.u32 $0x8, v1;
	s0 =	smax.u32 s0, $0x1;
	s5 =	sadd.s32 $0x21700, s3;
	[dreg:$0xa] =	wrdreg s31  }
.LBB2_1:
0xf: {  	[dreg:$0xc] =	wrdreg s0  }
0x10: {  	s24 =	rddreg [dreg:$0x3];
	s29 =	simm.s32 $0x5  }
0x11: {  	[tilespmem:s2], [sflag:$0x5] =	stream.linear.gather [hbm4b:s24+s2], $0x200, $0x38;
	[tilespmem:$0x10300] =	vst v63  }
0x12: {  	_ =	swait.ge [sflag:s29], $0x200  }
0x13: {  	[sflag:s29] =	ssyncset.done $0x0  }
0x14: {  	s3 =	simm.s32 $0x200;
	s25 =	rddreg [dreg:$0xb];
	[sflag:s29] =	ssyncadd.s32 $0xFFFFFE00  }
0x15: {  	[tilespmem:s3], [sflag:$0x1] =	stream.linear.gather [hbm4b:s25+s2], $0x8000, $0x38;
	[tilespmem:$0x10300] =	vst v63  }
0x16: {  	s8 =	simm.s32 $0x8200;
	s9 =	simm.s32 $0x1;
	s31 =	rddreg [dreg:$0x4]  }
0x17: {  	[tilespmem:s8], [sflag:$0x2] =	stream.linear.gather [hbm4b:s31+s2], $0x8000, $0x38;
	[tilespmem:$0x10300] =	vst v63  }
0x18: {  	_ =	swait.ge [sflag:s9], $0x8000  }
0x19: {  	[sflag:s9] =	ssyncset.done $0x0  }
0x1a: {  	[sflag:s9] =	ssyncadd.s32 $0xFFFF8000  }
0x1b: {  	v3 =	vld [tilespmem:$0x0];
	_ =	sdelay $0x4  }
0x1c: {  	[tilespmem:$0x10200] =	vst v3  }
0x1d: {  	v3 =	vld [tilespmem:$0x10200];
	_ =	sdelay $0x4  }
0x1e: {  	v4 =	vshll.u32 v3, $0x3  }
0x1f: {  	v3 =	vand.u32 $0x7, v3;
	v4 =	vand.u32 $0xFFFFFFC0, v4  }
0x20: {  	v5 =	vld [tilespmem:$0x80];
	v3 =	vor.u32 v3, v4  }
0x21: {  	v60 =	vld [tilespmem:$0x10];
	v6 =	vperm.xlane v3, v0  }
0x22: {  	v7 =	vld [tilespmem:$0x90]  }
0x23: {  	v6 =	vadd.s32 v1, v6;
	_ =	sdelay $0x1  }
0x24: {  	[tilespmem:$0x10280] =	vst v5  }
0x25: {  	[tilespmem:$0x10210] =	vst v60  }
0x26: {  	s1 =	simm.s32 $0x200;
	[tilespmem:$0x10290] =	vst v7  }
0x27: {  	[hbm4b:s4+s2] =	stream.indirect_vreg.scatter [tilespmem:s1], [sflag:$0x3], $0x80, v6, vm0, $0xb8;
	[tilespmem:$0x10300] =	vst v63  }
0x28: {  	s10 =	simm.s32 $0xA00;
	v3 =	vperm.xlane v3, v2  }
0x29: {  	[hbm4b:s5+s2] =	stream.indirect_vreg.scatter [tilespmem:s10], [sflag:$0x3], $0x80, v6, vm0, $0xb8;
	[tilespmem:$0x10300] =	vst v63  }
0x2a: {  	s11 =	simm.s32 $0x1200;
	v3 =	vadd.s32 v1, v3  }
0x2b: {  	[hbm4b:s6+s2] =	stream.indirect_vreg.scatter [tilespmem:s11], [sflag:$0x3], $0x80, v6, vm0, $0xb8;
	[tilespmem:$0x10300] =	vst v63  }
0x2c: {  	s12 =	simm.s32 $0x1A00  }
0x2d: {  	[hbm4b:s7+s2] =	stream.indirect_vreg.scatter [tilespmem:s12], [sflag:$0x3], $0x80, v6, vm0, $0xb8;
	[tilespmem:$0x10300] =	vst v63  }
0x2e: {  	s13 =	simm.s32 $0x2200  }
0x2f: {  	[hbm4b:s4+s2] =	stream.indirect_vreg.scatter [tilespmem:s13], [sflag:$0x3], $0x80, v3, vm0, $0xb8;
	[tilespmem:$0x10300] =	vst v63  }
0x30: {  	s16 =	simm.s32 $0x2A00  }
0x31: {  	[hbm4b:s5+s2] =	stream.indirect_vreg.scatter [tilespmem:s16], [sflag:$0x3], $0x80, v3, vm0, $0xb8;
	[tilespmem:$0x10300] =	vst v63  }
0x32: {  	s19 =	simm.s32 $0x3200  }
0x33: {  	[hbm4b:s6+s2] =	stream.indirect_vreg.scatter [tilespmem:s19], [sflag:$0x3], $0x80, v3, vm0, $0xb8;
	[tilespmem:$0x10300] =	vst v63  }
0x34: {  	s20 =	simm.s32 $0x3A00  }
0x35: {  	[hbm4b:s7+s2] =	stream.indirect_vreg.scatter [tilespmem:s20], [sflag:$0x3], $0x80, v3, vm0, $0xb8;
	[tilespmem:$0x10300] =	vst v63  }
0x36: {  	v3 =	vld [tilespmem:$0x10210];
	_ =	sdelay $0x4  }
0x37: {  	v61 =	vshll.u32 v3, $0x3  }
0x38: {  	v3 =	vand.u32 $0x7, v3;
	v4 =	vand.u32 $0xFFFFFFC0, v61  }
0x39: {  	v3 =	vor.u32 v3, v4  }
0x3a: {  	v4 =	vperm.xlane v3, v0;
	_ =	sdelay $0x1  }
0x3b: {  	v4 =	vadd.s32 v1, v4;
	_ =	sdelay $0x3  }
0x3c: {  	s21 =	simm.s32 $0x4200  }
0x3d: {  	[hbm4b:s4+s2] =	stream.indirect_vreg.scatter [tilespmem:s21], [sflag:$0x3], $0x80, v4, vm0, $0xb8;
	[tilespmem:$0x10300] =	vst v63  }
0x3e: {  	s23 =	simm.s32 $0x4A00;
	v3 =	vperm.xlane v3, v2  }
0x3f: {  	[hbm4b:s5+s2] =	stream.indirect_vreg.scatter [tilespmem:s23], [sflag:$0x3], $0x80, v4, vm0, $0xb8;
	[tilespmem:$0x10300] =	vst v63  }
0x40: {  	s24 =	simm.s32 $0x5200;
	v3 =	vadd.s32 v1, v3  }
0x41: {  	[hbm4b:s6+s2] =	stream.indirect_vreg.scatter [tilespmem:s24], [sflag:$0x3], $0x80, v4, vm0, $0xb8;
	[tilespmem:$0x10300] =	vst v63  }
0x42: {  	s25 =	simm.s32 $0x5A00  }
0x43: {  	[hbm4b:s7+s2] =	stream.indirect_vreg.scatter [tilespmem:s25], [sflag:$0x3], $0x80, v4, vm0, $0xb8;
	[tilespmem:$0x10300] =	vst v63  }
0x44: {  	s26 =	simm.s32 $0x6200  }
0x45: {  	[hbm4b:s4+s2] =	stream.indirect_vreg.scatter [tilespmem:s26], [sflag:$0x3], $0x80, v3, vm0, $0xb8;
	[tilespmem:$0x10300] =	vst v63  }
0x46: {  	s28 =	simm.s32 $0x6A00  }
0x47: {  	[hbm4b:s5+s2] =	stream.indirect_vreg.scatter [tilespmem:s28], [sflag:$0x3], $0x80, v3, vm0, $0xb8;
	[tilespmem:$0x10300] =	vst v63  }
0x48: {  	s29 =	simm.s32 $0x7200  }
0x49: {  	[hbm4b:s6+s2] =	stream.indirect_vreg.scatter [tilespmem:s29], [sflag:$0x3], $0x80, v3, vm0, $0xb8;
	[tilespmem:$0x10300] =	vst v63  }
0x4a: {  	s31 =	simm.s32 $0x7A00  }
0x4b: {  	[hbm4b:s7+s2] =	stream.indirect_vreg.scatter [tilespmem:s31], [sflag:$0x3], $0x80, v3, vm0, $0xb8;
	[tilespmem:$0x10300] =	vst v63  }
0x4c: {  	v3 =	vld [tilespmem:$0x10280];
	_ =	sdelay $0x4  }
0x4d: {  	v62 =	vshll.u32 v3, $0x3  }
0x4e: {  	v3 =	vand.u32 $0x7, v3;
	v4 =	vand.u32 $0xFFFFFFC0, v62  }
0x4f: {  	v3 =	vor.u32 v3, v4  }
0x50: {  	v4 =	vperm.xlane v3, v0;
	_ =	sdelay $0x1  }
0x51: {  	v4 =	vadd.s32 v1, v4;
	_ =	sdelay $0x3  }
0x52: {  	s14 =	simm.s32 $0x200  }
0x53: {  	[hbm4b:s4+s2] =	stream.indirect_vreg.scatter [tilespmem:s14], [sflag:$0x4], $0x80, v4, vm0, $0xb8;
	[tilespmem:$0x10300] =	vst v63  }
0x54: {  	s22 =	simm.s32 $0xA00;
	v3 =	vperm.xlane v3, v2  }
0x55: {  	[hbm4b:s5+s2] =	stream.indirect_vreg.scatter [tilespmem:s22], [sflag:$0x4], $0x80, v4, vm0, $0xb8;
	[tilespmem:$0x10300] =	vst v63  }
0x56: {  	s17 =	simm.s32 $0x1200;
	v3 =	vadd.s32 v1, v3  }
0x57: {  	[hbm4b:s6+s2] =	stream.indirect_vreg.scatter [tilespmem:s17], [sflag:$0x4], $0x80, v4, vm0, $0xb8;
	[tilespmem:$0x10300] =	vst v63  }
0x58: {  	s18 =	simm.s32 $0x1A00  }
0x59: {  	[hbm4b:s7+s2] =	stream.indirect_vreg.scatter [tilespmem:s18], [sflag:$0x4], $0x80, v4, vm0, $0xb8;
	[tilespmem:$0x10300] =	vst v63  }
0x5a: {  	s1 =	simm.s32 $0x2200  }
0x5b: {  	[hbm4b:s4+s2] =	stream.indirect_vreg.scatter [tilespmem:s1], [sflag:$0x4], $0x80, v3, vm0, $0xb8;
	[tilespmem:$0x10300] =	vst v63  }
0x5c: {  	s3 =	simm.s32 $0x2A00  }
0x5d: {  	[hbm4b:s5+s2] =	stream.indirect_vreg.scatter [tilespmem:s3], [sflag:$0x4], $0x80, v3, vm0, $0xb8;
	[tilespmem:$0x10300] =	vst v63  }
0x5e: {  	s8 =	simm.s32 $0x3200  }
0x5f: {  	[hbm4b:s6+s2] =	stream.indirect_vreg.scatter [tilespmem:s8], [sflag:$0x4], $0x80, v3, vm0, $0xb8;
	[tilespmem:$0x10300] =	vst v63  }
0x60: {  	s19 =	simm.s32 $0x3A00  }
0x61: {  	[hbm4b:s7+s2] =	stream.indirect_vreg.scatter [tilespmem:s19], [sflag:$0x4], $0x80, v3, vm0, $0xb8;
	[tilespmem:$0x10300] =	vst v63  }
0x62: {  	v3 =	vld [tilespmem:$0x10290];
	_ =	sdelay $0x4  }
0x63: {  	v63 =	vshll.u32 v3, $0x3  }
0x64: {  	v3 =	vand.u32 $0x7, v3;
	v4 =	vand.u32 $0xFFFFFFC0, v63  }
0x65: {  	v3 =	vor.u32 v3, v4  }
0x66: {  	v4 =	vperm.xlane v3, v0;
	_ =	sdelay $0x1  }
0x67: {  	v4 =	vadd.s32 v1, v4;
	_ =	sdelay $0x3  }
0x68: {  	s20 =	simm.s32 $0x4200  }
0x69: {  	[hbm4b:s4+s2] =	stream.indirect_vreg.scatter [tilespmem:s20], [sflag:$0x4], $0x80, v4, vm0, $0xb8;
	[tilespmem:$0x10300] =	vst v63  }
0x6a: {  	s21 =	simm.s32 $0x4A00;
	v3 =	vperm.xlane v3, v2  }
0x6b: {  	[hbm4b:s5+s2] =	stream.indirect_vreg.scatter [tilespmem:s21], [sflag:$0x4], $0x80, v4, vm0, $0xb8;
	[tilespmem:$0x10300] =	vst v63  }
0x6c: {  	s9 =	simm.s32 $0x5200;
	v3 =	vadd.s32 v1, v3  }
0x6d: {  	[hbm4b:s6+s2] =	stream.indirect_vreg.scatter [tilespmem:s9], [sflag:$0x4], $0x80, v4, vm0, $0xb8;
	[tilespmem:$0x10300] =	vst v63  }
0x6e: {  	s10 =	simm.s32 $0x5A00  }
0x6f: {  	[hbm4b:s7+s2] =	stream.indirect_vreg.scatter [tilespmem:s10], [sflag:$0x4], $0x80, v4, vm0, $0xb8;
	[tilespmem:$0x10300] =	vst v63  }
0x70: {  	s11 =	simm.s32 $0x6200  }
0x71: {  	[hbm4b:s4+s2] =	stream.indirect_vreg.scatter [tilespmem:s11], [sflag:$0x4], $0x80, v3, vm0, $0xb8;
	[tilespmem:$0x10300] =	vst v63  }
0x72: {  	s12 =	simm.s32 $0x6A00  }
0x73: {  	[hbm4b:s5+s2] =	stream.indirect_vreg.scatter [tilespmem:s12], [sflag:$0x4], $0x80, v3, vm0, $0xb8;
	[tilespmem:$0x10300] =	vst v63  }
0x74: {  	s13 =	simm.s32 $0x7200  }
0x75: {  	[hbm4b:s6+s2] =	stream.indirect_vreg.scatter [tilespmem:s13], [sflag:$0x4], $0x80, v3, vm0, $0xb8;
	[tilespmem:$0x10300] =	vst v63  }
0x76: {  	s16 =	simm.s32 $0x7A00;
	s25 =	simm.s32 $0x3  }
0x77: {  	[hbm4b:s7+s2] =	stream.indirect_vreg.scatter [tilespmem:s16], [sflag:$0x4], $0x80, v3, vm0, $0xb8;
	[tilespmem:$0x10300] =	vst v63  }
0x78: {  	_ =	swait.ge [sflag:s25], $0x8000  }
0x79: {  	[sflag:s25] =	ssyncset.done $0x0  }
0x7a: {  	[sflag:s25] =	ssyncadd.s32 $0xFFFF8000  }
0x7b: {  	_ =	swait.ge [sflag:s30], $0x8000  }
0x7c: {  	[sflag:s30] =	ssyncset.done $0x0  }
0x7d: {  	s1 =	simm.s32 $0x2;
	s0 =	rddreg [dreg:$0x5];
	[sflag:s30] =	ssyncadd.s32 $0xFFFF8000  }
0x7e: {  	[tilespmem:s14], [sflag:$0x1] =	stream.linear.gather [hbm4b:s0+s2], $0x8000, $0x38;
	[tilespmem:$0x10300] =	vst v63  }
0x7f: {  	_ =	swait.ge [sflag:s1], $0x8000  }
0x80: {  	[sflag:s1] =	ssyncset.done $0x0  }
0x81: {  	[sflag:s1] =	ssyncadd.s32 $0xFFFF8000  }
0x82: {  	v3 =	vld [tilespmem:$0x20];
	_ =	sdelay $0x4  }
0x83: {  	[tilespmem:$0x10200] =	vst v3  }
0x84: {  	v3 =	vld [tilespmem:$0x10200];
	_ =	sdelay $0x4  }
0x85: {  	v8 =	vshll.u32 v3, $0x3  }
0x86: {  	v3 =	vand.u32 $0x7, v3;
	v4 =	vand.u32 $0xFFFFFFC0, v8  }
0x87: {  	v9 =	vld [tilespmem:$0xA0];
	v3 =	vor.u32 v3, v4  }
0x88: {  	v10 =	vld [tilespmem:$0x30];
	v11 =	vperm.xlane v3, v0  }
0x89: {  	v12 =	vld [tilespmem:$0xB0]  }
0x8a: {  	v6 =	vadd.s32 v1, v11;
	_ =	sdelay $0x1  }
0x8b: {  	[tilespmem:$0x10280] =	vst v9  }
0x8c: {  	[tilespmem:$0x10210] =	vst v10  }
0x8d: {  	s15 =	simm.s32 $0x8200;
	[tilespmem:$0x10290] =	vst v12  }
0x8e: {  	[hbm4b:s4+s2] =	stream.indirect_vreg.scatter [tilespmem:s15], [sflag:$0x3], $0x80, v6, vm0, $0xb8;
	[tilespmem:$0x10300] =	vst v63  }
0x8f: {  	s3 =	simm.s32 $0x8A00;
	v3 =	vperm.xlane v3, v2  }
0x90: {  	[hbm4b:s5+s2] =	stream.indirect_vreg.scatter [tilespmem:s3], [sflag:$0x3], $0x80, v6, vm0, $0xb8;
	[tilespmem:$0x10300] =	vst v63  }
0x91: {  	s8 =	simm.s32 $0x9200;
	v3 =	vadd.s32 v1, v3  }
0x92: {  	[hbm4b:s6+s2] =	stream.indirect_vreg.scatter [tilespmem:s8], [sflag:$0x3], $0x80, v6, vm0, $0xb8;
	[tilespmem:$0x10300] =	vst v63  }
0x93: {  	s9 =	simm.s32 $0x9A00  }
0x94: {  	[hbm4b:s7+s2] =	stream.indirect_vreg.scatter [tilespmem:s9], [sflag:$0x3], $0x80, v6, vm0, $0xb8;
	[tilespmem:$0x10300] =	vst v63  }
0x95: {  	s10 =	simm.s32 $0xA200  }
0x96: {  	[hbm4b:s4+s2] =	stream.indirect_vreg.scatter [tilespmem:s10], [sflag:$0x3], $0x80, v3, vm0, $0xb8;
	[tilespmem:$0x10300] =	vst v63  }
0x97: {  	s11 =	simm.s32 $0xAA00  }
0x98: {  	[hbm4b:s5+s2] =	stream.indirect_vreg.scatter [tilespmem:s11], [sflag:$0x3], $0x80, v3, vm0, $0xb8;
	[tilespmem:$0x10300] =	vst v63  }
0x99: {  	s12 =	simm.s32 $0xB200  }
0x9a: {  	[hbm4b:s6+s2] =	stream.indirect_vreg.scatter [tilespmem:s12], [sflag:$0x3], $0x80, v3, vm0, $0xb8;
	[tilespmem:$0x10300] =	vst v63  }
0x9b: {  	s26 =	simm.s32 $0xBA00  }
0x9c: {  	[hbm4b:s7+s2] =	stream.indirect_vreg.scatter [tilespmem:s26], [sflag:$0x3], $0x80, v3, vm0, $0xb8;
	[tilespmem:$0x10300] =	vst v63  }
0x9d: {  	v3 =	vld [tilespmem:$0x10210];
	_ =	sdelay $0x4  }
0x9e: {  	v13 =	vshll.u32 v3, $0x3  }
0x9f: {  	v3 =	vand.u32 $0x7, v3;
	v4 =	vand.u32 $0xFFFFFFC0, v13  }
0xa0: {  	v3 =	vor.u32 v3, v4  }
0xa1: {  	v4 =	vperm.xlane v3, v0;
	_ =	sdelay $0x1  }
0xa2: {  	v4 =	vadd.s32 v1, v4;
	_ =	sdelay $0x3  }
0xa3: {  	s31 =	simm.s32 $0xC200  }
0xa4: {  	[hbm4b:s4+s2] =	stream.indirect_vreg.scatter [tilespmem:s31], [sflag:$0x3], $0x80, v4, vm0, $0xb8;
	[tilespmem:$0x10300] =	vst v63  }
0xa5: {  	s0 =	simm.s32 $0xCA00;
	v3 =	vperm.xlane v3, v2  }
0xa6: {  	[hbm4b:s5+s2] =	stream.indirect_vreg.scatter [tilespmem:s0], [sflag:$0x3], $0x80, v4, vm0, $0xb8;
	[tilespmem:$0x10300] =	vst v63  }
0xa7: {  	s1 =	simm.s32 $0xD200;
	v3 =	vadd.s32 v1, v3  }
0xa8: {  	[hbm4b:s6+s2] =	stream.indirect_vreg.scatter [tilespmem:s1], [sflag:$0x3], $0x80, v4, vm0, $0xb8;
	[tilespmem:$0x10300] =	vst v63  }
0xa9: {  	s3 =	simm.s32 $0xDA00  }
0xaa: {  	[hbm4b:s7+s2] =	stream.indirect_vreg.scatter [tilespmem:s3], [sflag:$0x3], $0x80, v4, vm0, $0xb8;
	[tilespmem:$0x10300] =	vst v63  }
0xab: {  	s8 =	simm.s32 $0xE200  }
0xac: {  	[hbm4b:s4+s2] =	stream.indirect_vreg.scatter [tilespmem:s8], [sflag:$0x3], $0x80, v3, vm0, $0xb8;
	[tilespmem:$0x10300] =	vst v63  }
0xad: {  	s26 =	simm.s32 $0xEA00  }
0xae: {  	[hbm4b:s5+s2] =	stream.indirect_vreg.scatter [tilespmem:s26], [sflag:$0x3], $0x80, v3, vm0, $0xb8;
	[tilespmem:$0x10300] =	vst v63  }
0xaf: {  	s8 =	simm.s32 $0xF200  }
0xb0: {  	[hbm4b:s6+s2] =	stream.indirect_vreg.scatter [tilespmem:s8], [sflag:$0x3], $0x80, v3, vm0, $0xb8;
	[tilespmem:$0x10300] =	vst v63  }
0xb1: {  	s24 =	simm.s32 $0xFA00  }
0xb2: {  	[hbm4b:s7+s2] =	stream.indirect_vreg.scatter [tilespmem:s24], [sflag:$0x3], $0x80, v3, vm0, $0xb8;
	[tilespmem:$0x10300] =	vst v63  }
0xb3: {  	v3 =	vld [tilespmem:$0x10280];
	_ =	sdelay $0x4  }
0xb4: {  	v14 =	vshll.u32 v3, $0x3  }
0xb5: {  	v3 =	vand.u32 $0x7, v3;
	v4 =	vand.u32 $0xFFFFFFC0, v14  }
0xb6: {  	v3 =	vor.u32 v3, v4  }
0xb7: {  	v4 =	vperm.xlane v3, v0;
	_ =	sdelay $0x1  }
0xb8: {  	v4 =	vadd.s32 v1, v4;
	_ =	sdelay $0x4  }
0xb9: {  	[hbm4b:s4+s2] =	stream.indirect_vreg.scatter [tilespmem:s15], [sflag:$0x4], $0x80, v4, vm0, $0xb8;
	[tilespmem:$0x10300] =	vst v63  }
0xba: {  	s29 =	simm.s32 $0x8A00;
	v3 =	vperm.xlane v3, v2  }
0xbb: {  	[hbm4b:s5+s2] =	stream.indirect_vreg.scatter [tilespmem:s29], [sflag:$0x4], $0x80, v4, vm0, $0xb8;
	[tilespmem:$0x10300] =	vst v63  }
0xbc: {  	s23 =	simm.s32 $0x9200;
	v3 =	vadd.s32 v1, v3  }
0xbd: {  	[hbm4b:s6+s2] =	stream.indirect_vreg.scatter [tilespmem:s23], [sflag:$0x4], $0x80, v4, vm0, $0xb8;
	[tilespmem:$0x10300] =	vst v63  }
0xbe: {  	s13 =	simm.s32 $0x9A00  }
0xbf: {  	[hbm4b:s7+s2] =	stream.indirect_vreg.scatter [tilespmem:s13], [sflag:$0x4], $0x80, v4, vm0, $0xb8;
	[tilespmem:$0x10300] =	vst v63  }
0xc0: {  	s28 =	simm.s32 $0xA200  }
0xc1: {  	[hbm4b:s4+s2] =	stream.indirect_vreg.scatter [tilespmem:s28], [sflag:$0x4], $0x80, v3, vm0, $0xb8;
	[tilespmem:$0x10300] =	vst v63  }
0xc2: {  	s10 =	simm.s32 $0xAA00  }
0xc3: {  	[hbm4b:s5+s2] =	stream.indirect_vreg.scatter [tilespmem:s10], [sflag:$0x4], $0x80, v3, vm0, $0xb8;
	[tilespmem:$0x10300] =	vst v63  }
0xc4: {  	s9 =	simm.s32 $0xB200  }
0xc5: {  	[hbm4b:s6+s2] =	stream.indirect_vreg.scatter [tilespmem:s9], [sflag:$0x4], $0x80, v3, vm0, $0xb8;
	[tilespmem:$0x10300] =	vst v63  }
0xc6: {  	s11 =	simm.s32 $0xBA00  }
0xc7: {  	[hbm4b:s7+s2] =	stream.indirect_vreg.scatter [tilespmem:s11], [sflag:$0x4], $0x80, v3, vm0, $0xb8;
	[tilespmem:$0x10300] =	vst v63  }
0xc8: {  	v3 =	vld [tilespmem:$0x10290];
	_ =	sdelay $0x4  }
0xc9: {  	v15 =	vshll.u32 v3, $0x3  }
0xca: {  	v3 =	vand.u32 $0x7, v3;
	v4 =	vand.u32 $0xFFFFFFC0, v15  }
0xcb: {  	v3 =	vor.u32 v3, v4  }
0xcc: {  	v4 =	vperm.xlane v3, v0;
	_ =	sdelay $0x1  }
0xcd: {  	v4 =	vadd.s32 v1, v4;
	_ =	sdelay $0x3  }
0xce: {  	s12 =	simm.s32 $0xC200  }
0xcf: {  	[hbm4b:s4+s2] =	stream.indirect_vreg.scatter [tilespmem:s12], [sflag:$0x4], $0x80, v4, vm0, $0xb8;
	[tilespmem:$0x10300] =	vst v63  }
0xd0: {  	s31 =	simm.s32 $0xCA00;
	v3 =	vperm.xlane v3, v2  }
0xd1: {  	[hbm4b:s5+s2] =	stream.indirect_vreg.scatter [tilespmem:s31], [sflag:$0x4], $0x80, v4, vm0, $0xb8;
	[tilespmem:$0x10300] =	vst v63  }
0xd2: {  	s0 =	simm.s32 $0xD200;
	v3 =	vadd.s32 v1, v3  }
0xd3: {  	[hbm4b:s6+s2] =	stream.indirect_vreg.scatter [tilespmem:s0], [sflag:$0x4], $0x80, v4, vm0, $0xb8;
	[tilespmem:$0x10300] =	vst v63  }
0xd4: {  	s1 =	simm.s32 $0xDA00  }
0xd5: {  	[hbm4b:s7+s2] =	stream.indirect_vreg.scatter [tilespmem:s1], [sflag:$0x4], $0x80, v4, vm0, $0xb8;
	[tilespmem:$0x10300] =	vst v63  }
0xd6: {  	s3 =	simm.s32 $0xE200  }
0xd7: {  	[hbm4b:s4+s2] =	stream.indirect_vreg.scatter [tilespmem:s3], [sflag:$0x4], $0x80, v3, vm0, $0xb8;
	[tilespmem:$0x10300] =	vst v63  }
0xd8: {  	s26 =	simm.s32 $0xEA00  }
0xd9: {  	[hbm4b:s5+s2] =	stream.indirect_vreg.scatter [tilespmem:s26], [sflag:$0x4], $0x80, v3, vm0, $0xb8;
	[tilespmem:$0x10300] =	vst v63  }
0xda: {  	s8 =	simm.s32 $0xF200  }
0xdb: {  	[hbm4b:s6+s2] =	stream.indirect_vreg.scatter [tilespmem:s8], [sflag:$0x4], $0x80, v3, vm0, $0xb8;
	[tilespmem:$0x10300] =	vst v63  }
0xdc: {  	s24 =	simm.s32 $0xFA00  }
0xdd: {  	[hbm4b:s7+s2] =	stream.indirect_vreg.scatter [tilespmem:s24], [sflag:$0x4], $0x80, v3, vm0, $0xb8;
	[tilespmem:$0x10300] =	vst v63  }
0xde: {  	_ =	swait.ge [sflag:s25], $0x8000  }
0xdf: {  	[sflag:s25] =	ssyncset.done $0x0  }
0xe0: {  	[sflag:s25] =	ssyncadd.s32 $0xFFFF8000  }
0xe1: {  	_ =	swait.ge [sflag:s30], $0x8000  }
0xe2: {  	[sflag:s30] =	ssyncset.done $0x0  }
0xe3: {  	s10 =	simm.s32 $0x1;
	s9 =	rddreg [dreg:$0x6];
	[sflag:s30] =	ssyncadd.s32 $0xFFFF8000  }
0xe4: {  	[tilespmem:s15], [sflag:$0x2] =	stream.linear.gather [hbm4b:s9+s2], $0x8000, $0x38;
	[tilespmem:$0x10300] =	vst v63  }
0xe5: {  	_ =	swait.ge [sflag:s10], $0x8000  }
0xe6: {  	[sflag:s10] =	ssyncset.done $0x0  }
0xe7: {  	[sflag:s10] =	ssyncadd.s32 $0xFFFF8000  }
0xe8: {  	v3 =	vld [tilespmem:$0x40];
	_ =	sdelay $0x4  }
0xe9: {  	[tilespmem:$0x10200] =	vst v3  }
0xea: {  	v3 =	vld [tilespmem:$0x10200];
	_ =	sdelay $0x4  }
0xeb: {  	v16 =	vshll.u32 v3, $0x3  }
0xec: {  	v3 =	vand.u32 $0x7, v3;
	v4 =	vand.u32 $0xFFFFFFC0, v16  }
0xed: {  	v17 =	vld [tilespmem:$0xC0];
	v3 =	vor.u32 v3, v4  }
0xee: {  	v18 =	vld [tilespmem:$0x50];
	v19 =	vperm.xlane v3, v0  }
0xef: {  	v20 =	vld [tilespmem:$0xD0]  }
0xf0: {  	v6 =	vadd.s32 v1, v19;
	_ =	sdelay $0x1  }
0xf1: {  	[tilespmem:$0x10280] =	vst v17  }
0xf2: {  	[tilespmem:$0x10210] =	vst v18  }
0xf3: {  	[tilespmem:$0x10290] =	vst v20  }
0xf4: {  	[hbm4b:s4+s2] =	stream.indirect_vreg.scatter [tilespmem:s14], [sflag:$0x3], $0x80, v6, vm0, $0xb8;
	[tilespmem:$0x10300] =	vst v63  }
0xf5: {  	v3 =	vperm.xlane v3, v2  }
0xf6: {  	[hbm4b:s5+s2] =	stream.indirect_vreg.scatter [tilespmem:s22], [sflag:$0x3], $0x80, v6, vm0, $0xb8;
	[tilespmem:$0x10300] =	vst v63  }
0xf7: {  	v3 =	vadd.s32 v1, v3  }
0xf8: {  	[hbm4b:s6+s2] =	stream.indirect_vreg.scatter [tilespmem:s17], [sflag:$0x3], $0x80, v6, vm0, $0xb8;
	[tilespmem:$0x10300] =	vst v63  }
0xf9: {  	_ = 	snop  }
0xfa: {  	[hbm4b:s7+s2] =	stream.indirect_vreg.scatter [tilespmem:s18], [sflag:$0x3], $0x80, v6, vm0, $0xb8;
	[tilespmem:$0x10300] =	vst v63  }
0xfb: {  	s11 =	simm.s32 $0x2200  }
0xfc: {  	[hbm4b:s4+s2] =	stream.indirect_vreg.scatter [tilespmem:s11], [sflag:$0x3], $0x80, v3, vm0, $0xb8;
	[tilespmem:$0x10300] =	vst v63  }
0xfd: {  	s12 =	simm.s32 $0x2A00  }
0xfe: {  	[hbm4b:s5+s2] =	stream.indirect_vreg.scatter [tilespmem:s12], [sflag:$0x3], $0x80, v3, vm0, $0xb8;
	[tilespmem:$0x10300] =	vst v63  }
0xff: {  	s13 =	simm.s32 $0x3200  }
0x100: {  	[hbm4b:s6+s2] =	stream.indirect_vreg.scatter [tilespmem:s13], [sflag:$0x3], $0x80, v3, vm0, $0xb8;
	[tilespmem:$0x10300] =	vst v63  }
0x101: {  	_ = 	snop  }
0x102: {  	[hbm4b:s7+s2] =	stream.indirect_vreg.scatter [tilespmem:s19], [sflag:$0x3], $0x80, v3, vm0, $0xb8;
	[tilespmem:$0x10300] =	vst v63  }
0x103: {  	v3 =	vld [tilespmem:$0x10210];
	_ =	sdelay $0x4  }
0x104: {  	v21 =	vshll.u32 v3, $0x3  }
0x105: {  	v3 =	vand.u32 $0x7, v3;
	v4 =	vand.u32 $0xFFFFFFC0, v21  }
0x106: {  	v3 =	vor.u32 v3, v4  }
0x107: {  	v4 =	vperm.xlane v3, v0;
	_ =	sdelay $0x1  }
0x108: {  	v4 =	vadd.s32 v1, v4;
	_ =	sdelay $0x4  }
0x109: {  	[hbm4b:s4+s2] =	stream.indirect_vreg.scatter [tilespmem:s20], [sflag:$0x3], $0x80, v4, vm0, $0xb8;
	[tilespmem:$0x10300] =	vst v63  }
0x10a: {  	v3 =	vperm.xlane v3, v2  }
0x10b: {  	[hbm4b:s5+s2] =	stream.indirect_vreg.scatter [tilespmem:s21], [sflag:$0x3], $0x80, v4, vm0, $0xb8;
	[tilespmem:$0x10300] =	vst v63  }
0x10c: {  	s15 =	simm.s32 $0x5200;
	v3 =	vadd.s32 v1, v3  }
0x10d: {  	[hbm4b:s6+s2] =	stream.indirect_vreg.scatter [tilespmem:s15], [sflag:$0x3], $0x80, v4, vm0, $0xb8;
	[tilespmem:$0x10300] =	vst v63  }
0x10e: {  	s24 =	simm.s32 $0x5A00  }
0x10f: {  	[hbm4b:s7+s2] =	stream.indirect_vreg.scatter [tilespmem:s24], [sflag:$0x3], $0x80, v4, vm0, $0xb8;
	[tilespmem:$0x10300] =	vst v63  }
0x110: {  	s26 =	simm.s32 $0x6200  }
0x111: {  	[hbm4b:s4+s2] =	stream.indirect_vreg.scatter [tilespmem:s26], [sflag:$0x3], $0x80, v3, vm0, $0xb8;
	[tilespmem:$0x10300] =	vst v63  }
0x112: {  	s29 =	simm.s32 $0x6A00  }
0x113: {  	[hbm4b:s5+s2] =	stream.indirect_vreg.scatter [tilespmem:s29], [sflag:$0x3], $0x80, v3, vm0, $0xb8;
	[tilespmem:$0x10300] =	vst v63  }
0x114: {  	s31 =	simm.s32 $0x7200  }
0x115: {  	[hbm4b:s6+s2] =	stream.indirect_vreg.scatter [tilespmem:s31], [sflag:$0x3], $0x80, v3, vm0, $0xb8;
	[tilespmem:$0x10300] =	vst v63  }
0x116: {  	_ = 	snop  }
0x117: {  	[hbm4b:s7+s2] =	stream.indirect_vreg.scatter [tilespmem:s16], [sflag:$0x3], $0x80, v3, vm0, $0xb8;
	[tilespmem:$0x10300] =	vst v63  }
0x118: {  	v3 =	vld [tilespmem:$0x10280];
	_ =	sdelay $0x4  }
0x119: {  	v22 =	vshll.u32 v3, $0x3  }
0x11a: {  	v3 =	vand.u32 $0x7, v3;
	v4 =	vand.u32 $0xFFFFFFC0, v22  }
0x11b: {  	v3 =	vor.u32 v3, v4  }
0x11c: {  	v4 =	vperm.xlane v3, v0;
	_ =	sdelay $0x1  }
0x11d: {  	v4 =	vadd.s32 v1, v4;
	_ =	sdelay $0x4  }
0x11e: {  	[hbm4b:s4+s2] =	stream.indirect_vreg.scatter [tilespmem:s14], [sflag:$0x4], $0x80, v4, vm0, $0xb8;
	[tilespmem:$0x10300] =	vst v63  }
0x11f: {  	v3 =	vperm.xlane v3, v2  }
0x120: {  	[hbm4b:s5+s2] =	stream.indirect_vreg.scatter [tilespmem:s22], [sflag:$0x4], $0x80, v4, vm0, $0xb8;
	[tilespmem:$0x10300] =	vst v63  }
0x121: {  	v3 =	vadd.s32 v1, v3  }
0x122: {  	[hbm4b:s6+s2] =	stream.indirect_vreg.scatter [tilespmem:s17], [sflag:$0x4], $0x80, v4, vm0, $0xb8;
	[tilespmem:$0x10300] =	vst v63  }
0x123: {  	_ = 	snop  }
0x124: {  	[hbm4b:s7+s2] =	stream.indirect_vreg.scatter [tilespmem:s18], [sflag:$0x4], $0x80, v4, vm0, $0xb8;
	[tilespmem:$0x10300] =	vst v63  }
0x125: {  	_ = 	snop  }
0x126: {  	[hbm4b:s4+s2] =	stream.indirect_vreg.scatter [tilespmem:s11], [sflag:$0x4], $0x80, v3, vm0, $0xb8;
	[tilespmem:$0x10300] =	vst v63  }
0x127: {  	_ = 	snop  }
0x128: {  	[hbm4b:s5+s2] =	stream.indirect_vreg.scatter [tilespmem:s12], [sflag:$0x4], $0x80, v3, vm0, $0xb8;
	[tilespmem:$0x10300] =	vst v63  }
0x129: {  	_ = 	snop  }
0x12a: {  	[hbm4b:s6+s2] =	stream.indirect_vreg.scatter [tilespmem:s13], [sflag:$0x4], $0x80, v3, vm0, $0xb8;
	[tilespmem:$0x10300] =	vst v63  }
0x12b: {  	_ = 	snop  }
0x12c: {  	[hbm4b:s7+s2] =	stream.indirect_vreg.scatter [tilespmem:s19], [sflag:$0x4], $0x80, v3, vm0, $0xb8;
	[tilespmem:$0x10300] =	vst v63  }
0x12d: {  	v3 =	vld [tilespmem:$0x10290];
	_ =	sdelay $0x4  }
0x12e: {  	v23 =	vshll.u32 v3, $0x3  }
0x12f: {  	v3 =	vand.u32 $0x7, v3;
	v4 =	vand.u32 $0xFFFFFFC0, v23  }
0x130: {  	v3 =	vor.u32 v3, v4  }
0x131: {  	v4 =	vperm.xlane v3, v0;
	_ =	sdelay $0x1  }
0x132: {  	v4 =	vadd.s32 v1, v4;
	_ =	sdelay $0x4  }
0x133: {  	[hbm4b:s4+s2] =	stream.indirect_vreg.scatter [tilespmem:s20], [sflag:$0x4], $0x80, v4, vm0, $0xb8;
	[tilespmem:$0x10300] =	vst v63  }
0x134: {  	v3 =	vperm.xlane v3, v2  }
0x135: {  	[hbm4b:s5+s2] =	stream.indirect_vreg.scatter [tilespmem:s21], [sflag:$0x4], $0x80, v4, vm0, $0xb8;
	[tilespmem:$0x10300] =	vst v63  }
0x136: {  	v3 =	vadd.s32 v1, v3  }
0x137: {  	[hbm4b:s6+s2] =	stream.indirect_vreg.scatter [tilespmem:s15], [sflag:$0x4], $0x80, v4, vm0, $0xb8;
	[tilespmem:$0x10300] =	vst v63  }
0x138: {  	_ = 	snop  }
0x139: {  	[hbm4b:s7+s2] =	stream.indirect_vreg.scatter [tilespmem:s24], [sflag:$0x4], $0x80, v4, vm0, $0xb8;
	[tilespmem:$0x10300] =	vst v63  }
0x13a: {  	_ = 	snop  }
0x13b: {  	[hbm4b:s4+s2] =	stream.indirect_vreg.scatter [tilespmem:s26], [sflag:$0x4], $0x80, v3, vm0, $0xb8;
	[tilespmem:$0x10300] =	vst v63  }
0x13c: {  	_ = 	snop  }
0x13d: {  	[hbm4b:s5+s2] =	stream.indirect_vreg.scatter [tilespmem:s29], [sflag:$0x4], $0x80, v3, vm0, $0xb8;
	[tilespmem:$0x10300] =	vst v63  }
0x13e: {  	_ = 	snop  }
0x13f: {  	[hbm4b:s6+s2] =	stream.indirect_vreg.scatter [tilespmem:s31], [sflag:$0x4], $0x80, v3, vm0, $0xb8;
	[tilespmem:$0x10300] =	vst v63  }
0x140: {  	_ = 	snop  }
0x141: {  	[hbm4b:s7+s2] =	stream.indirect_vreg.scatter [tilespmem:s16], [sflag:$0x4], $0x80, v3, vm0, $0xb8;
	[tilespmem:$0x10300] =	vst v63  }
0x142: {  	_ =	swait.ge [sflag:s25], $0x8000  }
0x143: {  	[sflag:s25] =	ssyncset.done $0x0  }
0x144: {  	[sflag:s25] =	ssyncadd.s32 $0xFFFF8000  }
0x145: {  	_ =	swait.ge [sflag:s30], $0x8000  }
0x146: {  	[sflag:s30] =	ssyncset.done $0x0  }
0x147: {  	s11 =	simm.s32 $0x2;
	s10 =	rddreg [dreg:$0x7];
	[sflag:s30] =	ssyncadd.s32 $0xFFFF8000  }
0x148: {  	[tilespmem:s14], [sflag:$0x1] =	stream.linear.gather [hbm4b:s10+s2], $0x8000, $0x38;
	[tilespmem:$0x10300] =	vst v63  }
0x149: {  	_ =	swait.ge [sflag:s11], $0x8000  }
0x14a: {  	[sflag:s11] =	ssyncset.done $0x0  }
0x14b: {  	[sflag:s11] =	ssyncadd.s32 $0xFFFF8000  }
0x14c: {  	v3 =	vld [tilespmem:$0x60];
	_ =	sdelay $0x4  }
0x14d: {  	[tilespmem:$0x10200] =	vst v3  }
0x14e: {  	v3 =	vld [tilespmem:$0x10200];
	_ =	sdelay $0x4  }
0x14f: {  	v24 =	vshll.u32 v3, $0x3  }
0x150: {  	v3 =	vand.u32 $0x7, v3;
	v4 =	vand.u32 $0xFFFFFFC0, v24  }
0x151: {  	v25 =	vld [tilespmem:$0xE0];
	v3 =	vor.u32 v3, v4  }
0x152: {  	v26 =	vld [tilespmem:$0x70];
	v27 =	vperm.xlane v3, v0  }
0x153: {  	v28 =	vld [tilespmem:$0xF0]  }
0x154: {  	v6 =	vadd.s32 v1, v27;
	_ =	sdelay $0x1  }
0x155: {  	[tilespmem:$0x10280] =	vst v25  }
0x156: {  	[tilespmem:$0x10210] =	vst v26  }
0x157: {  	s12 =	simm.s32 $0x8200;
	[tilespmem:$0x10290] =	vst v28  }
0x158: {  	[hbm4b:s4+s2] =	stream.indirect_vreg.scatter [tilespmem:s12], [sflag:$0x3], $0x80, v6, vm0, $0xb8;
	[tilespmem:$0x10300] =	vst v63  }
0x159: {  	s13 =	simm.s32 $0x8A00;
	v3 =	vperm.xlane v3, v2  }
0x15a: {  	[hbm4b:s5+s2] =	stream.indirect_vreg.scatter [tilespmem:s13], [sflag:$0x3], $0x80, v6, vm0, $0xb8;
	[tilespmem:$0x10300] =	vst v63  }
0x15b: {  	v3 =	vadd.s32 v1, v3  }
0x15c: {  	[hbm4b:s6+s2] =	stream.indirect_vreg.scatter [tilespmem:s23], [sflag:$0x3], $0x80, v6, vm0, $0xb8;
	[tilespmem:$0x10300] =	vst v63  }
0x15d: {  	s14 =	simm.s32 $0x9A00  }
0x15e: {  	[hbm4b:s7+s2] =	stream.indirect_vreg.scatter [tilespmem:s14], [sflag:$0x3], $0x80, v6, vm0, $0xb8;
	[tilespmem:$0x10300] =	vst v63  }
0x15f: {  	s17 =	simm.s32 $0xA200  }
0x160: {  	[hbm4b:s4+s2] =	stream.indirect_vreg.scatter [tilespmem:s17], [sflag:$0x3], $0x80, v3, vm0, $0xb8;
	[tilespmem:$0x10300] =	vst v63  }
0x161: {  	s1 =	simm.s32 $0xAA00  }
0x162: {  	[hbm4b:s5+s2] =	stream.indirect_vreg.scatter [tilespmem:s1], [sflag:$0x3], $0x80, v3, vm0, $0xb8;
	[tilespmem:$0x10300] =	vst v63  }
0x163: {  	s3 =	simm.s32 $0xB200  }
0x164: {  	[hbm4b:s6+s2] =	stream.indirect_vreg.scatter [tilespmem:s3], [sflag:$0x3], $0x80, v3, vm0, $0xb8;
	[tilespmem:$0x10300] =	vst v63  }
0x165: {  	s8 =	simm.s32 $0xBA00  }
0x166: {  	[hbm4b:s7+s2] =	stream.indirect_vreg.scatter [tilespmem:s8], [sflag:$0x3], $0x80, v3, vm0, $0xb8;
	[tilespmem:$0x10300] =	vst v63  }
0x167: {  	v3 =	vld [tilespmem:$0x10210];
	_ =	sdelay $0x4  }
0x168: {  	v29 =	vshll.u32 v3, $0x3  }
0x169: {  	v3 =	vand.u32 $0x7, v3;
	v4 =	vand.u32 $0xFFFFFFC0, v29  }
0x16a: {  	v3 =	vor.u32 v3, v4  }
0x16b: {  	v4 =	vperm.xlane v3, v0;
	_ =	sdelay $0x1  }
0x16c: {  	v4 =	vadd.s32 v1, v4;
	_ =	sdelay $0x3  }
0x16d: {  	s9 =	simm.s32 $0xC200  }
0x16e: {  	[hbm4b:s4+s2] =	stream.indirect_vreg.scatter [tilespmem:s9], [sflag:$0x3], $0x80, v4, vm0, $0xb8;
	[tilespmem:$0x10300] =	vst v63  }
0x16f: {  	s10 =	simm.s32 $0xCA00;
	v3 =	vperm.xlane v3, v2  }
0x170: {  	[hbm4b:s5+s2] =	stream.indirect_vreg.scatter [tilespmem:s10], [sflag:$0x3], $0x80, v4, vm0, $0xb8;
	[tilespmem:$0x10300] =	vst v63  }
0x171: {  	s18 =	simm.s32 $0xD200;
	v3 =	vadd.s32 v1, v3  }
0x172: {  	[hbm4b:s6+s2] =	stream.indirect_vreg.scatter [tilespmem:s18], [sflag:$0x3], $0x80, v4, vm0, $0xb8;
	[tilespmem:$0x10300] =	vst v63  }
0x173: {  	s20 =	simm.s32 $0xDA00  }
0x174: {  	[hbm4b:s7+s2] =	stream.indirect_vreg.scatter [tilespmem:s20], [sflag:$0x3], $0x80, v4, vm0, $0xb8;
	[tilespmem:$0x10300] =	vst v63  }
0x175: {  	s21 =	simm.s32 $0xE200  }
0x176: {  	[hbm4b:s4+s2] =	stream.indirect_vreg.scatter [tilespmem:s21], [sflag:$0x3], $0x80, v3, vm0, $0xb8;
	[tilespmem:$0x10300] =	vst v63  }
0x177: {  	s22 =	simm.s32 $0xEA00  }
0x178: {  	[hbm4b:s5+s2] =	stream.indirect_vreg.scatter [tilespmem:s22], [sflag:$0x3], $0x80, v3, vm0, $0xb8;
	[tilespmem:$0x10300] =	vst v63  }
0x179: {  	s24 =	simm.s32 $0xF200  }
0x17a: {  	[hbm4b:s6+s2] =	stream.indirect_vreg.scatter [tilespmem:s24], [sflag:$0x3], $0x80, v3, vm0, $0xb8;
	[tilespmem:$0x10300] =	vst v63  }
0x17b: {  	s26 =	simm.s32 $0xFA00  }
0x17c: {  	[hbm4b:s7+s2] =	stream.indirect_vreg.scatter [tilespmem:s26], [sflag:$0x3], $0x80, v3, vm0, $0xb8;
	[tilespmem:$0x10300] =	vst v63  }
0x17d: {  	v3 =	vld [tilespmem:$0x10280];
	_ =	sdelay $0x4  }
0x17e: {  	v30 =	vshll.u32 v3, $0x3  }
0x17f: {  	v3 =	vand.u32 $0x7, v3;
	v4 =	vand.u32 $0xFFFFFFC0, v30  }
0x180: {  	v3 =	vor.u32 v3, v4  }
0x181: {  	v4 =	vperm.xlane v3, v0;
	_ =	sdelay $0x1  }
0x182: {  	v4 =	vadd.s32 v1, v4;
	_ =	sdelay $0x4  }
0x183: {  	[hbm4b:s4+s2] =	stream.indirect_vreg.scatter [tilespmem:s12], [sflag:$0x4], $0x80, v4, vm0, $0xb8;
	[tilespmem:$0x10300] =	vst v63  }
0x184: {  	v3 =	vperm.xlane v3, v2  }
0x185: {  	[hbm4b:s5+s2] =	stream.indirect_vreg.scatter [tilespmem:s13], [sflag:$0x4], $0x80, v4, vm0, $0xb8;
	[tilespmem:$0x10300] =	vst v63  }
0x186: {  	v3 =	vadd.s32 v1, v3  }
0x187: {  	[hbm4b:s6+s2] =	stream.indirect_vreg.scatter [tilespmem:s23], [sflag:$0x4], $0x80, v4, vm0, $0xb8;
	[tilespmem:$0x10300] =	vst v63  }
0x188: {  	_ = 	snop  }
0x189: {  	[hbm4b:s7+s2] =	stream.indirect_vreg.scatter [tilespmem:s14], [sflag:$0x4], $0x80, v4, vm0, $0xb8;
	[tilespmem:$0x10300] =	vst v63  }
0x18a: {  	_ = 	snop  }
0x18b: {  	[hbm4b:s4+s2] =	stream.indirect_vreg.scatter [tilespmem:s17], [sflag:$0x4], $0x80, v3, vm0, $0xb8;
	[tilespmem:$0x10300] =	vst v63  }
0x18c: {  	_ = 	snop  }
0x18d: {  	[hbm4b:s5+s2] =	stream.indirect_vreg.scatter [tilespmem:s1], [sflag:$0x4], $0x80, v3, vm0, $0xb8;
	[tilespmem:$0x10300] =	vst v63  }
0x18e: {  	_ = 	snop  }
0x18f: {  	[hbm4b:s6+s2] =	stream.indirect_vreg.scatter [tilespmem:s3], [sflag:$0x4], $0x80, v3, vm0, $0xb8;
	[tilespmem:$0x10300] =	vst v63  }
0x190: {  	_ = 	snop  }
0x191: {  	[hbm4b:s7+s2] =	stream.indirect_vreg.scatter [tilespmem:s8], [sflag:$0x4], $0x80, v3, vm0, $0xb8;
	[tilespmem:$0x10300] =	vst v63  }
0x192: {  	v3 =	vld [tilespmem:$0x10290];
	_ =	sdelay $0x4  }
0x193: {  	v31 =	vshll.u32 v3, $0x3  }
0x194: {  	v3 =	vand.u32 $0x7, v3;
	v4 =	vand.u32 $0xFFFFFFC0, v31  }
0x195: {  	v3 =	vor.u32 v3, v4  }
0x196: {  	v4 =	vperm.xlane v3, v0;
	_ =	sdelay $0x1  }
0x197: {  	v4 =	vadd.s32 v1, v4;
	_ =	sdelay $0x4  }
0x198: {  	[hbm4b:s4+s2] =	stream.indirect_vreg.scatter [tilespmem:s9], [sflag:$0x4], $0x80, v4, vm0, $0xb8;
	[tilespmem:$0x10300] =	vst v63  }
0x199: {  	v3 =	vperm.xlane v3, v2  }
0x19a: {  	[hbm4b:s5+s2] =	stream.indirect_vreg.scatter [tilespmem:s10], [sflag:$0x4], $0x80, v4, vm0, $0xb8;
	[tilespmem:$0x10300] =	vst v63  }
0x19b: {  	v3 =	vadd.s32 v1, v3  }
0x19c: {  	[hbm4b:s6+s2] =	stream.indirect_vreg.scatter [tilespmem:s18], [sflag:$0x4], $0x80, v4, vm0, $0xb8;
	[tilespmem:$0x10300] =	vst v63  }
0x19d: {  	_ = 	snop  }
0x19e: {  	[hbm4b:s7+s2] =	stream.indirect_vreg.scatter [tilespmem:s20], [sflag:$0x4], $0x80, v4, vm0, $0xb8;
	[tilespmem:$0x10300] =	vst v63  }
0x19f: {  	_ = 	snop  }
0x1a0: {  	[hbm4b:s4+s2] =	stream.indirect_vreg.scatter [tilespmem:s21], [sflag:$0x4], $0x80, v3, vm0, $0xb8;
	[tilespmem:$0x10300] =	vst v63  }
0x1a1: {  	_ = 	snop  }
0x1a2: {  	[hbm4b:s5+s2] =	stream.indirect_vreg.scatter [tilespmem:s22], [sflag:$0x4], $0x80, v3, vm0, $0xb8;
	[tilespmem:$0x10300] =	vst v63  }
0x1a3: {  	_ = 	snop  }
0x1a4: {  	[hbm4b:s6+s2] =	stream.indirect_vreg.scatter [tilespmem:s24], [sflag:$0x4], $0x80, v3, vm0, $0xb8;
	[tilespmem:$0x10300] =	vst v63  }
0x1a5: {  	_ = 	snop  }
0x1a6: {  	[hbm4b:s7+s2] =	stream.indirect_vreg.scatter [tilespmem:s26], [sflag:$0x4], $0x80, v3, vm0, $0xb8;
	[tilespmem:$0x10300] =	vst v63  }
0x1a7: {  	_ =	swait.ge [sflag:s25], $0x8000  }
0x1a8: {  	[sflag:s25] =	ssyncset.done $0x0  }
0x1a9: {  	[sflag:s25] =	ssyncadd.s32 $0xFFFF8000  }
0x1aa: {  	_ =	swait.ge [sflag:s30], $0x8000  }
0x1ab: {  	s28 =	simm.s32 $0x1;
	[sflag:s30] =	ssyncset.done $0x0  }
0x1ac: {  	s29 =	simm.s32 $0x8200;
	s18 =	rddreg [dreg:$0x8];
	[sflag:s30] =	ssyncadd.s32 $0xFFFF8000  }
0x1ad: {  	[tilespmem:s29], [sflag:$0x2] =	stream.linear.gather [hbm4b:s18+s2], $0x8000, $0x38;
	[tilespmem:$0x10300] =	vst v63  }
0x1ae: {  	_ =	swait.ge [sflag:s28], $0x8000  }
0x1af: {  	[sflag:s28] =	ssyncset.done $0x0  }
0x1b0: {  	[sflag:s28] =	ssyncadd.s32 $0xFFFF8000  }
0x1b1: {  	v3 =	vld [tilespmem:$0x100];
	_ =	sdelay $0x4  }
0x1b2: {  	[tilespmem:$0x10200] =	vst v3  }
0x1b3: {  	v3 =	vld [tilespmem:$0x10200];
	_ =	sdelay $0x4  }
0x1b4: {  	v32 =	vshll.u32 v3, $0x3  }
0x1b5: {  	v3 =	vand.u32 $0x7, v3;
	v4 =	vand.u32 $0xFFFFFFC0, v32  }
0x1b6: {  	v33 =	vld [tilespmem:$0x180];
	v3 =	vor.u32 v3, v4  }
0x1b7: {  	v34 =	vld [tilespmem:$0x110];
	v35 =	vperm.xlane v3, v0  }
0x1b8: {  	v36 =	vld [tilespmem:$0x190]  }
0x1b9: {  	v6 =	vadd.s32 v1, v35;
	_ =	sdelay $0x1  }
0x1ba: {  	[tilespmem:$0x10280] =	vst v33  }
0x1bb: {  	[tilespmem:$0x10210] =	vst v34  }
0x1bc: {  	s19 =	simm.s32 $0x200;
	[tilespmem:$0x10290] =	vst v36  }
0x1bd: {  	[hbm4b:s4+s2] =	stream.indirect_vreg.scatter [tilespmem:s19], [sflag:$0x3], $0x80, v6, vm0, $0xb8;
	[tilespmem:$0x10300] =	vst v63  }
0x1be: {  	s20 =	simm.s32 $0xA00;
	v3 =	vperm.xlane v3, v2  }
0x1bf: {  	[hbm4b:s5+s2] =	stream.indirect_vreg.scatter [tilespmem:s20], [sflag:$0x3], $0x80, v6, vm0, $0xb8;
	[tilespmem:$0x10300] =	vst v63  }
0x1c0: {  	s21 =	simm.s32 $0x1200;
	v3 =	vadd.s32 v1, v3  }
0x1c1: {  	[hbm4b:s6+s2] =	stream.indirect_vreg.scatter [tilespmem:s21], [sflag:$0x3], $0x80, v6, vm0, $0xb8;
	[tilespmem:$0x10300] =	vst v63  }
0x1c2: {  	s1 =	simm.s32 $0x1A00  }
0x1c3: {  	[hbm4b:s7+s2] =	stream.indirect_vreg.scatter [tilespmem:s1], [sflag:$0x3], $0x80, v6, vm0, $0xb8;
	[tilespmem:$0x10300] =	vst v63  }
0x1c4: {  	s3 =	simm.s32 $0x2200  }
0x1c5: {  	[hbm4b:s4+s2] =	stream.indirect_vreg.scatter [tilespmem:s3], [sflag:$0x3], $0x80, v3, vm0, $0xb8;
	[tilespmem:$0x10300] =	vst v63  }
0x1c6: {  	s9 =	simm.s32 $0x2A00  }
0x1c7: {  	[hbm4b:s5+s2] =	stream.indirect_vreg.scatter [tilespmem:s9], [sflag:$0x3], $0x80, v3, vm0, $0xb8;
	[tilespmem:$0x10300] =	vst v63  }
0x1c8: {  	s10 =	simm.s32 $0x3200  }
0x1c9: {  	[hbm4b:s6+s2] =	stream.indirect_vreg.scatter [tilespmem:s10], [sflag:$0x3], $0x80, v3, vm0, $0xb8;
	[tilespmem:$0x10300] =	vst v63  }
0x1ca: {  	s13 =	simm.s32 $0x3A00  }
0x1cb: {  	[hbm4b:s7+s2] =	stream.indirect_vreg.scatter [tilespmem:s13], [sflag:$0x3], $0x80, v3, vm0, $0xb8;
	[tilespmem:$0x10300] =	vst v63  }
0x1cc: {  	v3 =	vld [tilespmem:$0x10210];
	_ =	sdelay $0x4  }
0x1cd: {  	v37 =	vshll.u32 v3, $0x3  }
0x1ce: {  	v3 =	vand.u32 $0x7, v3;
	v4 =	vand.u32 $0xFFFFFFC0, v37  }
0x1cf: {  	v3 =	vor.u32 v3, v4  }
0x1d0: {  	v4 =	vperm.xlane v3, v0;
	_ =	sdelay $0x1  }
0x1d1: {  	v4 =	vadd.s32 v1, v4;
	_ =	sdelay $0x3  }
0x1d2: {  	s14 =	simm.s32 $0x4200  }
0x1d3: {  	[hbm4b:s4+s2] =	stream.indirect_vreg.scatter [tilespmem:s14], [sflag:$0x3], $0x80, v4, vm0, $0xb8;
	[tilespmem:$0x10300] =	vst v63  }
0x1d4: {  	s15 =	simm.s32 $0x4A00;
	v3 =	vperm.xlane v3, v2  }
0x1d5: {  	[hbm4b:s5+s2] =	stream.indirect_vreg.scatter [tilespmem:s15], [sflag:$0x3], $0x80, v4, vm0, $0xb8;
	[tilespmem:$0x10300] =	vst v63  }
0x1d6: {  	s16 =	simm.s32 $0x5200;
	v3 =	vadd.s32 v1, v3  }
0x1d7: {  	[hbm4b:s6+s2] =	stream.indirect_vreg.scatter [tilespmem:s16], [sflag:$0x3], $0x80, v4, vm0, $0xb8;
	[tilespmem:$0x10300] =	vst v63  }
0x1d8: {  	s23 =	simm.s32 $0x5A00  }
0x1d9: {  	[hbm4b:s7+s2] =	stream.indirect_vreg.scatter [tilespmem:s23], [sflag:$0x3], $0x80, v4, vm0, $0xb8;
	[tilespmem:$0x10300] =	vst v63  }
0x1da: {  	s24 =	simm.s32 $0x6200  }
0x1db: {  	[hbm4b:s4+s2] =	stream.indirect_vreg.scatter [tilespmem:s24], [sflag:$0x3], $0x80, v3, vm0, $0xb8;
	[tilespmem:$0x10300] =	vst v63  }
0x1dc: {  	s0 =	simm.s32 $0x6A00  }
0x1dd: {  	[hbm4b:s5+s2] =	stream.indirect_vreg.scatter [tilespmem:s0], [sflag:$0x3], $0x80, v3, vm0, $0xb8;
	[tilespmem:$0x10300] =	vst v63  }
0x1de: {  	s11 =	simm.s32 $0x7200  }
0x1df: {  	[hbm4b:s6+s2] =	stream.indirect_vreg.scatter [tilespmem:s11], [sflag:$0x3], $0x80, v3, vm0, $0xb8;
	[tilespmem:$0x10300] =	vst v63  }
0x1e0: {  	s12 =	simm.s32 $0x7A00  }
0x1e1: {  	[hbm4b:s7+s2] =	stream.indirect_vreg.scatter [tilespmem:s12], [sflag:$0x3], $0x80, v3, vm0, $0xb8;
	[tilespmem:$0x10300] =	vst v63  }
0x1e2: {  	v3 =	vld [tilespmem:$0x10280];
	_ =	sdelay $0x4  }
0x1e3: {  	v38 =	vshll.u32 v3, $0x3  }
0x1e4: {  	v3 =	vand.u32 $0x7, v3;
	v4 =	vand.u32 $0xFFFFFFC0, v38  }
0x1e5: {  	v3 =	vor.u32 v3, v4  }
0x1e6: {  	v4 =	vperm.xlane v3, v0;
	_ =	sdelay $0x1  }
0x1e7: {  	v4 =	vadd.s32 v1, v4;
	_ =	sdelay $0x4  }
0x1e8: {  	[hbm4b:s4+s2] =	stream.indirect_vreg.scatter [tilespmem:s19], [sflag:$0x4], $0x80, v4, vm0, $0xb8;
	[tilespmem:$0x10300] =	vst v63  }
0x1e9: {  	v3 =	vperm.xlane v3, v2  }
0x1ea: {  	[hbm4b:s5+s2] =	stream.indirect_vreg.scatter [tilespmem:s20], [sflag:$0x4], $0x80, v4, vm0, $0xb8;
	[tilespmem:$0x10300] =	vst v63  }
0x1eb: {  	v3 =	vadd.s32 v1, v3  }
0x1ec: {  	[hbm4b:s6+s2] =	stream.indirect_vreg.scatter [tilespmem:s21], [sflag:$0x4], $0x80, v4, vm0, $0xb8;
	[tilespmem:$0x10300] =	vst v63  }
0x1ed: {  	_ = 	snop  }
0x1ee: {  	[hbm4b:s7+s2] =	stream.indirect_vreg.scatter [tilespmem:s1], [sflag:$0x4], $0x80, v4, vm0, $0xb8;
	[tilespmem:$0x10300] =	vst v63  }
0x1ef: {  	_ = 	snop  }
0x1f0: {  	[hbm4b:s4+s2] =	stream.indirect_vreg.scatter [tilespmem:s3], [sflag:$0x4], $0x80, v3, vm0, $0xb8;
	[tilespmem:$0x10300] =	vst v63  }
0x1f1: {  	_ = 	snop  }
0x1f2: {  	[hbm4b:s5+s2] =	stream.indirect_vreg.scatter [tilespmem:s9], [sflag:$0x4], $0x80, v3, vm0, $0xb8;
	[tilespmem:$0x10300] =	vst v63  }
0x1f3: {  	_ = 	snop  }
0x1f4: {  	[hbm4b:s6+s2] =	stream.indirect_vreg.scatter [tilespmem:s10], [sflag:$0x4], $0x80, v3, vm0, $0xb8;
	[tilespmem:$0x10300] =	vst v63  }
0x1f5: {  	_ = 	snop  }
0x1f6: {  	[hbm4b:s7+s2] =	stream.indirect_vreg.scatter [tilespmem:s13], [sflag:$0x4], $0x80, v3, vm0, $0xb8;
	[tilespmem:$0x10300] =	vst v63  }
0x1f7: {  	v3 =	vld [tilespmem:$0x10290];
	_ =	sdelay $0x4  }
0x1f8: {  	v39 =	vshll.u32 v3, $0x3  }
0x1f9: {  	v3 =	vand.u32 $0x7, v3;
	v4 =	vand.u32 $0xFFFFFFC0, v39  }
0x1fa: {  	v3 =	vor.u32 v3, v4  }
0x1fb: {  	v4 =	vperm.xlane v3, v0;
	_ =	sdelay $0x1  }
0x1fc: {  	v4 =	vadd.s32 v1, v4;
	_ =	sdelay $0x4  }
0x1fd: {  	[hbm4b:s4+s2] =	stream.indirect_vreg.scatter [tilespmem:s14], [sflag:$0x4], $0x80, v4, vm0, $0xb8;
	[tilespmem:$0x10300] =	vst v63  }
0x1fe: {  	v3 =	vperm.xlane v3, v2  }
0x1ff: {  	[hbm4b:s5+s2] =	stream.indirect_vreg.scatter [tilespmem:s15], [sflag:$0x4], $0x80, v4, vm0, $0xb8;
	[tilespmem:$0x10300] =	vst v63  }
0x200: {  	v3 =	vadd.s32 v1, v3  }
0x201: {  	[hbm4b:s6+s2] =	stream.indirect_vreg.scatter [tilespmem:s16], [sflag:$0x4], $0x80, v4, vm0, $0xb8;
	[tilespmem:$0x10300] =	vst v63  }
0x202: {  	_ = 	snop  }
0x203: {  	[hbm4b:s7+s2] =	stream.indirect_vreg.scatter [tilespmem:s23], [sflag:$0x4], $0x80, v4, vm0, $0xb8;
	[tilespmem:$0x10300] =	vst v63  }
0x204: {  	_ = 	snop  }
0x205: {  	[hbm4b:s4+s2] =	stream.indirect_vreg.scatter [tilespmem:s24], [sflag:$0x4], $0x80, v3, vm0, $0xb8;
	[tilespmem:$0x10300] =	vst v63  }
0x206: {  	_ = 	snop  }
0x207: {  	[hbm4b:s5+s2] =	stream.indirect_vreg.scatter [tilespmem:s0], [sflag:$0x4], $0x80, v3, vm0, $0xb8;
	[tilespmem:$0x10300] =	vst v63  }
0x208: {  	_ = 	snop  }
0x209: {  	[hbm4b:s6+s2] =	stream.indirect_vreg.scatter [tilespmem:s11], [sflag:$0x4], $0x80, v3, vm0, $0xb8;
	[tilespmem:$0x10300] =	vst v63  }
0x20a: {  	_ = 	snop  }
0x20b: {  	[hbm4b:s7+s2] =	stream.indirect_vreg.scatter [tilespmem:s12], [sflag:$0x4], $0x80, v3, vm0, $0xb8;
	[tilespmem:$0x10300] =	vst v63  }
0x20c: {  	_ =	swait.ge [sflag:s25], $0x8000  }
0x20d: {  	[sflag:s25] =	ssyncset.done $0x0  }
0x20e: {  	[sflag:s25] =	ssyncadd.s32 $0xFFFF8000  }
0x20f: {  	_ =	swait.ge [sflag:s30], $0x8000  }
0x210: {  	s31 =	simm.s32 $0x2;
	[sflag:s30] =	ssyncset.done $0x0  }
0x211: {  	s26 =	simm.s32 $0x200;
	s13 =	rddreg [dreg:$0x9];
	[sflag:s30] =	ssyncadd.s32 $0xFFFF8000  }
0x212: {  	[tilespmem:s26], [sflag:$0x1] =	stream.linear.gather [hbm4b:s13+s2], $0x8000, $0x38;
	[tilespmem:$0x10300] =	vst v63  }
0x213: {  	_ =	swait.ge [sflag:s31], $0x8000  }
0x214: {  	[sflag:s31] =	ssyncset.done $0x0  }
0x215: {  	[sflag:s31] =	ssyncadd.s32 $0xFFFF8000  }
0x216: {  	v3 =	vld [tilespmem:$0x120];
	_ =	sdelay $0x4  }
0x217: {  	[tilespmem:$0x10200] =	vst v3  }
0x218: {  	v3 =	vld [tilespmem:$0x10200];
	_ =	sdelay $0x4  }
0x219: {  	v40 =	vshll.u32 v3, $0x3  }
0x21a: {  	v3 =	vand.u32 $0x7, v3;
	v4 =	vand.u32 $0xFFFFFFC0, v40  }
0x21b: {  	v41 =	vld [tilespmem:$0x1A0];
	v3 =	vor.u32 v3, v4  }
0x21c: {  	v42 =	vld [tilespmem:$0x130];
	v43 =	vperm.xlane v3, v0  }
0x21d: {  	v44 =	vld [tilespmem:$0x1B0]  }
0x21e: {  	v6 =	vadd.s32 v1, v43;
	_ =	sdelay $0x1  }
0x21f: {  	[tilespmem:$0x10280] =	vst v41  }
0x220: {  	[tilespmem:$0x10210] =	vst v42  }
0x221: {  	[tilespmem:$0x10290] =	vst v44  }
0x222: {  	[hbm4b:s4+s2] =	stream.indirect_vreg.scatter [tilespmem:s29], [sflag:$0x3], $0x80, v6, vm0, $0xb8;
	[tilespmem:$0x10300] =	vst v63  }
0x223: {  	s14 =	simm.s32 $0x8A00;
	v3 =	vperm.xlane v3, v2  }
0x224: {  	[hbm4b:s5+s2] =	stream.indirect_vreg.scatter [tilespmem:s14], [sflag:$0x3], $0x80, v6, vm0, $0xb8;
	[tilespmem:$0x10300] =	vst v63  }
0x225: {  	s15 =	simm.s32 $0x9200;
	v3 =	vadd.s32 v1, v3  }
0x226: {  	[hbm4b:s6+s2] =	stream.indirect_vreg.scatter [tilespmem:s15], [sflag:$0x3], $0x80, v6, vm0, $0xb8;
	[tilespmem:$0x10300] =	vst v63  }
0x227: {  	s17 =	simm.s32 $0x9A00  }
0x228: {  	[hbm4b:s7+s2] =	stream.indirect_vreg.scatter [tilespmem:s17], [sflag:$0x3], $0x80, v6, vm0, $0xb8;
	[tilespmem:$0x10300] =	vst v63  }
0x229: {  	s18 =	simm.s32 $0xA200  }
0x22a: {  	[hbm4b:s4+s2] =	stream.indirect_vreg.scatter [tilespmem:s18], [sflag:$0x3], $0x80, v3, vm0, $0xb8;
	[tilespmem:$0x10300] =	vst v63  }
0x22b: {  	s20 =	simm.s32 $0xAA00  }
0x22c: {  	[hbm4b:s5+s2] =	stream.indirect_vreg.scatter [tilespmem:s20], [sflag:$0x3], $0x80, v3, vm0, $0xb8;
	[tilespmem:$0x10300] =	vst v63  }
0x22d: {  	s22 =	simm.s32 $0xB200  }
0x22e: {  	[hbm4b:s6+s2] =	stream.indirect_vreg.scatter [tilespmem:s22], [sflag:$0x3], $0x80, v3, vm0, $0xb8;
	[tilespmem:$0x10300] =	vst v63  }
0x22f: {  	s3 =	simm.s32 $0xBA00  }
0x230: {  	[hbm4b:s7+s2] =	stream.indirect_vreg.scatter [tilespmem:s3], [sflag:$0x3], $0x80, v3, vm0, $0xb8;
	[tilespmem:$0x10300] =	vst v63  }
0x231: {  	v3 =	vld [tilespmem:$0x10210];
	_ =	sdelay $0x4  }
0x232: {  	v45 =	vshll.u32 v3, $0x3  }
0x233: {  	v3 =	vand.u32 $0x7, v3;
	v4 =	vand.u32 $0xFFFFFFC0, v45  }
0x234: {  	v3 =	vor.u32 v3, v4  }
0x235: {  	v4 =	vperm.xlane v3, v0;
	_ =	sdelay $0x1  }
0x236: {  	v4 =	vadd.s32 v1, v4;
	_ =	sdelay $0x3  }
0x237: {  	s9 =	simm.s32 $0xC200  }
0x238: {  	[hbm4b:s4+s2] =	stream.indirect_vreg.scatter [tilespmem:s9], [sflag:$0x3], $0x80, v4, vm0, $0xb8;
	[tilespmem:$0x10300] =	vst v63  }
0x239: {  	s10 =	simm.s32 $0xCA00;
	v3 =	vperm.xlane v3, v2  }
0x23a: {  	[hbm4b:s5+s2] =	stream.indirect_vreg.scatter [tilespmem:s10], [sflag:$0x3], $0x80, v4, vm0, $0xb8;
	[tilespmem:$0x10300] =	vst v63  }
0x23b: {  	s11 =	simm.s32 $0xD200;
	v3 =	vadd.s32 v1, v3  }
0x23c: {  	[hbm4b:s6+s2] =	stream.indirect_vreg.scatter [tilespmem:s11], [sflag:$0x3], $0x80, v4, vm0, $0xb8;
	[tilespmem:$0x10300] =	vst v63  }
0x23d: {  	s12 =	simm.s32 $0xDA00  }
0x23e: {  	[hbm4b:s7+s2] =	stream.indirect_vreg.scatter [tilespmem:s12], [sflag:$0x3], $0x80, v4, vm0, $0xb8;
	[tilespmem:$0x10300] =	vst v63  }
0x23f: {  	s13 =	simm.s32 $0xE200  }
0x240: {  	[hbm4b:s4+s2] =	stream.indirect_vreg.scatter [tilespmem:s13], [sflag:$0x3], $0x80, v3, vm0, $0xb8;
	[tilespmem:$0x10300] =	vst v63  }
0x241: {  	s16 =	simm.s32 $0xEA00  }
0x242: {  	[hbm4b:s5+s2] =	stream.indirect_vreg.scatter [tilespmem:s16], [sflag:$0x3], $0x80, v3, vm0, $0xb8;
	[tilespmem:$0x10300] =	vst v63  }
0x243: {  	s19 =	simm.s32 $0xF200  }
0x244: {  	[hbm4b:s6+s2] =	stream.indirect_vreg.scatter [tilespmem:s19], [sflag:$0x3], $0x80, v3, vm0, $0xb8;
	[tilespmem:$0x10300] =	vst v63  }
0x245: {  	s0 =	simm.s32 $0xFA00  }
0x246: {  	[hbm4b:s7+s2] =	stream.indirect_vreg.scatter [tilespmem:s0], [sflag:$0x3], $0x80, v3, vm0, $0xb8;
	[tilespmem:$0x10300] =	vst v63  }
0x247: {  	v3 =	vld [tilespmem:$0x10280];
	_ =	sdelay $0x4  }
0x248: {  	v46 =	vshll.u32 v3, $0x3  }
0x249: {  	v3 =	vand.u32 $0x7, v3;
	v4 =	vand.u32 $0xFFFFFFC0, v46  }
0x24a: {  	v3 =	vor.u32 v3, v4  }
0x24b: {  	v4 =	vperm.xlane v3, v0;
	_ =	sdelay $0x1  }
0x24c: {  	v4 =	vadd.s32 v1, v4;
	_ =	sdelay $0x4  }
0x24d: {  	[hbm4b:s4+s2] =	stream.indirect_vreg.scatter [tilespmem:s29], [sflag:$0x4], $0x80, v4, vm0, $0xb8;
	[tilespmem:$0x10300] =	vst v63  }
0x24e: {  	v3 =	vperm.xlane v3, v2  }
0x24f: {  	[hbm4b:s5+s2] =	stream.indirect_vreg.scatter [tilespmem:s14], [sflag:$0x4], $0x80, v4, vm0, $0xb8;
	[tilespmem:$0x10300] =	vst v63  }
0x250: {  	v3 =	vadd.s32 v1, v3  }
0x251: {  	[hbm4b:s6+s2] =	stream.indirect_vreg.scatter [tilespmem:s15], [sflag:$0x4], $0x80, v4, vm0, $0xb8;
	[tilespmem:$0x10300] =	vst v63  }
0x252: {  	_ = 	snop  }
0x253: {  	[hbm4b:s7+s2] =	stream.indirect_vreg.scatter [tilespmem:s17], [sflag:$0x4], $0x80, v4, vm0, $0xb8;
	[tilespmem:$0x10300] =	vst v63  }
0x254: {  	_ = 	snop  }
0x255: {  	[hbm4b:s4+s2] =	stream.indirect_vreg.scatter [tilespmem:s18], [sflag:$0x4], $0x80, v3, vm0, $0xb8;
	[tilespmem:$0x10300] =	vst v63  }
0x256: {  	_ = 	snop  }
0x257: {  	[hbm4b:s5+s2] =	stream.indirect_vreg.scatter [tilespmem:s20], [sflag:$0x4], $0x80, v3, vm0, $0xb8;
	[tilespmem:$0x10300] =	vst v63  }
0x258: {  	_ = 	snop  }
0x259: {  	[hbm4b:s6+s2] =	stream.indirect_vreg.scatter [tilespmem:s22], [sflag:$0x4], $0x80, v3, vm0, $0xb8;
	[tilespmem:$0x10300] =	vst v63  }
0x25a: {  	_ = 	snop  }
0x25b: {  	[hbm4b:s7+s2] =	stream.indirect_vreg.scatter [tilespmem:s3], [sflag:$0x4], $0x80, v3, vm0, $0xb8;
	[tilespmem:$0x10300] =	vst v63  }
0x25c: {  	v3 =	vld [tilespmem:$0x10290];
	_ =	sdelay $0x4  }
0x25d: {  	v47 =	vshll.u32 v3, $0x3  }
0x25e: {  	v3 =	vand.u32 $0x7, v3;
	v4 =	vand.u32 $0xFFFFFFC0, v47  }
0x25f: {  	v3 =	vor.u32 v3, v4  }
0x260: {  	v4 =	vperm.xlane v3, v0;
	_ =	sdelay $0x1  }
0x261: {  	v4 =	vadd.s32 v1, v4;
	_ =	sdelay $0x4  }
0x262: {  	[hbm4b:s4+s2] =	stream.indirect_vreg.scatter [tilespmem:s9], [sflag:$0x4], $0x80, v4, vm0, $0xb8;
	[tilespmem:$0x10300] =	vst v63  }
0x263: {  	v3 =	vperm.xlane v3, v2  }
0x264: {  	[hbm4b:s5+s2] =	stream.indirect_vreg.scatter [tilespmem:s10], [sflag:$0x4], $0x80, v4, vm0, $0xb8;
	[tilespmem:$0x10300] =	vst v63  }
0x265: {  	v3 =	vadd.s32 v1, v3  }
0x266: {  	[hbm4b:s6+s2] =	stream.indirect_vreg.scatter [tilespmem:s11], [sflag:$0x4], $0x80, v4, vm0, $0xb8;
	[tilespmem:$0x10300] =	vst v63  }
0x267: {  	_ = 	snop  }
0x268: {  	[hbm4b:s7+s2] =	stream.indirect_vreg.scatter [tilespmem:s12], [sflag:$0x4], $0x80, v4, vm0, $0xb8;
	[tilespmem:$0x10300] =	vst v63  }
0x269: {  	_ = 	snop  }
0x26a: {  	[hbm4b:s4+s2] =	stream.indirect_vreg.scatter [tilespmem:s13], [sflag:$0x4], $0x80, v3, vm0, $0xb8;
	[tilespmem:$0x10300] =	vst v63  }
0x26b: {  	_ = 	snop  }
0x26c: {  	[hbm4b:s5+s2] =	stream.indirect_vreg.scatter [tilespmem:s16], [sflag:$0x4], $0x80, v3, vm0, $0xb8;
	[tilespmem:$0x10300] =	vst v63  }
0x26d: {  	_ = 	snop  }
0x26e: {  	[hbm4b:s6+s2] =	stream.indirect_vreg.scatter [tilespmem:s19], [sflag:$0x4], $0x80, v3, vm0, $0xb8;
	[tilespmem:$0x10300] =	vst v63  }
0x26f: {  	_ = 	snop  }
0x270: {  	[hbm4b:s7+s2] =	stream.indirect_vreg.scatter [tilespmem:s0], [sflag:$0x4], $0x80, v3, vm0, $0xb8;
	[tilespmem:$0x10300] =	vst v63  }
0x271: {  	_ =	swait.ge [sflag:s25], $0x8000  }
0x272: {  	[sflag:s25] =	ssyncset.done $0x0  }
0x273: {  	[sflag:s25] =	ssyncadd.s32 $0xFFFF8000  }
0x274: {  	_ =	swait.ge [sflag:s30], $0x8000  }
0x275: {  	[sflag:s30] =	ssyncset.done $0x0  }
0x276: {  	s11 =	rddreg [dreg:$0xa];
	[sflag:s30] =	ssyncadd.s32 $0xFFFF8000  }
0x277: {  	[tilespmem:s29], [sflag:$0x2] =	stream.linear.gather [hbm4b:s11+s2], $0x8000, $0x38;
	[tilespmem:$0x10300] =	vst v63  }
0x278: {  	_ =	swait.ge [sflag:s28], $0x8000  }
0x279: {  	[sflag:s28] =	ssyncset.done $0x0  }
0x27a: {  	[sflag:s28] =	ssyncadd.s32 $0xFFFF8000  }
0x27b: {  	v3 =	vld [tilespmem:$0x140];
	_ =	sdelay $0x4  }
0x27c: {  	[tilespmem:$0x10200] =	vst v3  }
0x27d: {  	v3 =	vld [tilespmem:$0x10200];
	_ =	sdelay $0x4  }
0x27e: {  	v48 =	vshll.u32 v3, $0x3  }
0x27f: {  	v3 =	vand.u32 $0x7, v3;
	v4 =	vand.u32 $0xFFFFFFC0, v48  }
0x280: {  	v49 =	vld [tilespmem:$0x1C0];
	v3 =	vor.u32 v3, v4  }
0x281: {  	v50 =	vld [tilespmem:$0x150];
	v51 =	vperm.xlane v3, v0  }
0x282: {  	v52 =	vld [tilespmem:$0x1D0]  }
0x283: {  	v6 =	vadd.s32 v1, v51;
	_ =	sdelay $0x1  }
0x284: {  	[tilespmem:$0x10280] =	vst v49  }
0x285: {  	[tilespmem:$0x10210] =	vst v50  }
0x286: {  	[tilespmem:$0x10290] =	vst v52  }
0x287: {  	[hbm4b:s4+s2] =	stream.indirect_vreg.scatter [tilespmem:s26], [sflag:$0x3], $0x80, v6, vm0, $0xb8;
	[tilespmem:$0x10300] =	vst v63  }
0x288: {  	s17 =	simm.s32 $0xA00;
	v3 =	vperm.xlane v3, v2  }
0x289: {  	[hbm4b:s5+s2] =	stream.indirect_vreg.scatter [tilespmem:s17], [sflag:$0x3], $0x80, v6, vm0, $0xb8;
	[tilespmem:$0x10300] =	vst v63  }
0x28a: {  	s11 =	simm.s32 $0x1200;
	v3 =	vadd.s32 v1, v3  }
0x28b: {  	[hbm4b:s6+s2] =	stream.indirect_vreg.scatter [tilespmem:s11], [sflag:$0x3], $0x80, v6, vm0, $0xb8;
	[tilespmem:$0x10300] =	vst v63  }
0x28c: {  	s12 =	simm.s32 $0x1A00  }
0x28d: {  	[hbm4b:s7+s2] =	stream.indirect_vreg.scatter [tilespmem:s12], [sflag:$0x3], $0x80, v6, vm0, $0xb8;
	[tilespmem:$0x10300] =	vst v63  }
0x28e: {  	s24 =	simm.s32 $0x2200  }
0x28f: {  	[hbm4b:s4+s2] =	stream.indirect_vreg.scatter [tilespmem:s24], [sflag:$0x3], $0x80, v3, vm0, $0xb8;
	[tilespmem:$0x10300] =	vst v63  }
0x290: {  	s9 =	simm.s32 $0x2A00  }
0x291: {  	[hbm4b:s5+s2] =	stream.indirect_vreg.scatter [tilespmem:s9], [sflag:$0x3], $0x80, v3, vm0, $0xb8;
	[tilespmem:$0x10300] =	vst v63  }
0x292: {  	s28 =	simm.s32 $0x3200  }
0x293: {  	[hbm4b:s6+s2] =	stream.indirect_vreg.scatter [tilespmem:s28], [sflag:$0x3], $0x80, v3, vm0, $0xb8;
	[tilespmem:$0x10300] =	vst v63  }
0x294: {  	s13 =	simm.s32 $0x3A00  }
0x295: {  	[hbm4b:s7+s2] =	stream.indirect_vreg.scatter [tilespmem:s13], [sflag:$0x3], $0x80, v3, vm0, $0xb8;
	[tilespmem:$0x10300] =	vst v63  }
0x296: {  	v3 =	vld [tilespmem:$0x10210];
	_ =	sdelay $0x4  }
0x297: {  	v53 =	vshll.u32 v3, $0x3  }
0x298: {  	v3 =	vand.u32 $0x7, v3;
	v4 =	vand.u32 $0xFFFFFFC0, v53  }
0x299: {  	v3 =	vor.u32 v3, v4  }
0x29a: {  	v4 =	vperm.xlane v3, v0;
	_ =	sdelay $0x1  }
0x29b: {  	v4 =	vadd.s32 v1, v4;
	_ =	sdelay $0x3  }
0x29c: {  	s14 =	simm.s32 $0x4200  }
0x29d: {  	[hbm4b:s4+s2] =	stream.indirect_vreg.scatter [tilespmem:s14], [sflag:$0x3], $0x80, v4, vm0, $0xb8;
	[tilespmem:$0x10300] =	vst v63  }
0x29e: {  	s15 =	simm.s32 $0x4A00;
	v3 =	vperm.xlane v3, v2  }
0x29f: {  	[hbm4b:s5+s2] =	stream.indirect_vreg.scatter [tilespmem:s15], [sflag:$0x3], $0x80, v4, vm0, $0xb8;
	[tilespmem:$0x10300] =	vst v63  }
0x2a0: {  	s0 =	simm.s32 $0x5200;
	v3 =	vadd.s32 v1, v3  }
0x2a1: {  	[hbm4b:s6+s2] =	stream.indirect_vreg.scatter [tilespmem:s0], [sflag:$0x3], $0x80, v4, vm0, $0xb8;
	[tilespmem:$0x10300] =	vst v63  }
0x2a2: {  	s1 =	simm.s32 $0x5A00  }
0x2a3: {  	[hbm4b:s7+s2] =	stream.indirect_vreg.scatter [tilespmem:s1], [sflag:$0x3], $0x80, v4, vm0, $0xb8;
	[tilespmem:$0x10300] =	vst v63  }
0x2a4: {  	s3 =	simm.s32 $0x6200  }
0x2a5: {  	[hbm4b:s4+s2] =	stream.indirect_vreg.scatter [tilespmem:s3], [sflag:$0x3], $0x80, v3, vm0, $0xb8;
	[tilespmem:$0x10300] =	vst v63  }
0x2a6: {  	s8 =	simm.s32 $0x6A00  }
0x2a7: {  	[hbm4b:s5+s2] =	stream.indirect_vreg.scatter [tilespmem:s8], [sflag:$0x3], $0x80, v3, vm0, $0xb8;
	[tilespmem:$0x10300] =	vst v63  }
0x2a8: {  	s10 =	simm.s32 $0x7200  }
0x2a9: {  	[hbm4b:s6+s2] =	stream.indirect_vreg.scatter [tilespmem:s10], [sflag:$0x3], $0x80, v3, vm0, $0xb8;
	[tilespmem:$0x10300] =	vst v63  }
0x2aa: {  	s16 =	simm.s32 $0x7A00  }
0x2ab: {  	[hbm4b:s7+s2] =	stream.indirect_vreg.scatter [tilespmem:s16], [sflag:$0x3], $0x80, v3, vm0, $0xb8;
	[tilespmem:$0x10300] =	vst v63  }
0x2ac: {  	v3 =	vld [tilespmem:$0x10280];
	_ =	sdelay $0x4  }
0x2ad: {  	v54 =	vshll.u32 v3, $0x3  }
0x2ae: {  	v3 =	vand.u32 $0x7, v3;
	v4 =	vand.u32 $0xFFFFFFC0, v54  }
0x2af: {  	v3 =	vor.u32 v3, v4  }
0x2b0: {  	v4 =	vperm.xlane v3, v0;
	_ =	sdelay $0x1  }
0x2b1: {  	v4 =	vadd.s32 v1, v4;
	_ =	sdelay $0x4  }
0x2b2: {  	[hbm4b:s4+s2] =	stream.indirect_vreg.scatter [tilespmem:s26], [sflag:$0x4], $0x80, v4, vm0, $0xb8;
	[tilespmem:$0x10300] =	vst v63  }
0x2b3: {  	v3 =	vperm.xlane v3, v2  }
0x2b4: {  	[hbm4b:s5+s2] =	stream.indirect_vreg.scatter [tilespmem:s17], [sflag:$0x4], $0x80, v4, vm0, $0xb8;
	[tilespmem:$0x10300] =	vst v63  }
0x2b5: {  	v3 =	vadd.s32 v1, v3  }
0x2b6: {  	[hbm4b:s6+s2] =	stream.indirect_vreg.scatter [tilespmem:s11], [sflag:$0x4], $0x80, v4, vm0, $0xb8;
	[tilespmem:$0x10300] =	vst v63  }
0x2b7: {  	_ = 	snop  }
0x2b8: {  	[hbm4b:s7+s2] =	stream.indirect_vreg.scatter [tilespmem:s12], [sflag:$0x4], $0x80, v4, vm0, $0xb8;
	[tilespmem:$0x10300] =	vst v63  }
0x2b9: {  	_ = 	snop  }
0x2ba: {  	[hbm4b:s4+s2] =	stream.indirect_vreg.scatter [tilespmem:s24], [sflag:$0x4], $0x80, v3, vm0, $0xb8;
	[tilespmem:$0x10300] =	vst v63  }
0x2bb: {  	_ = 	snop  }
0x2bc: {  	[hbm4b:s5+s2] =	stream.indirect_vreg.scatter [tilespmem:s9], [sflag:$0x4], $0x80, v3, vm0, $0xb8;
	[tilespmem:$0x10300] =	vst v63  }
0x2bd: {  	_ = 	snop  }
0x2be: {  	[hbm4b:s6+s2] =	stream.indirect_vreg.scatter [tilespmem:s28], [sflag:$0x4], $0x80, v3, vm0, $0xb8;
	[tilespmem:$0x10300] =	vst v63  }
0x2bf: {  	_ = 	snop  }
0x2c0: {  	[hbm4b:s7+s2] =	stream.indirect_vreg.scatter [tilespmem:s13], [sflag:$0x4], $0x80, v3, vm0, $0xb8;
	[tilespmem:$0x10300] =	vst v63  }
0x2c1: {  	v3 =	vld [tilespmem:$0x10290];
	_ =	sdelay $0x4  }
0x2c2: {  	v55 =	vshll.u32 v3, $0x3  }
0x2c3: {  	v3 =	vand.u32 $0x7, v3;
	v4 =	vand.u32 $0xFFFFFFC0, v55  }
0x2c4: {  	v3 =	vor.u32 v3, v4  }
0x2c5: {  	v4 =	vperm.xlane v3, v0;
	_ =	sdelay $0x1  }
0x2c6: {  	v4 =	vadd.s32 v1, v4;
	_ =	sdelay $0x4  }
0x2c7: {  	[hbm4b:s4+s2] =	stream.indirect_vreg.scatter [tilespmem:s14], [sflag:$0x4], $0x80, v4, vm0, $0xb8;
	[tilespmem:$0x10300] =	vst v63  }
0x2c8: {  	v3 =	vperm.xlane v3, v2  }
0x2c9: {  	[hbm4b:s5+s2] =	stream.indirect_vreg.scatter [tilespmem:s15], [sflag:$0x4], $0x80, v4, vm0, $0xb8;
	[tilespmem:$0x10300] =	vst v63  }
0x2ca: {  	v3 =	vadd.s32 v1, v3  }
0x2cb: {  	[hbm4b:s6+s2] =	stream.indirect_vreg.scatter [tilespmem:s0], [sflag:$0x4], $0x80, v4, vm0, $0xb8;
	[tilespmem:$0x10300] =	vst v63  }
0x2cc: {  	_ = 	snop  }
0x2cd: {  	[hbm4b:s7+s2] =	stream.indirect_vreg.scatter [tilespmem:s1], [sflag:$0x4], $0x80, v4, vm0, $0xb8;
	[tilespmem:$0x10300] =	vst v63  }
0x2ce: {  	_ = 	snop  }
0x2cf: {  	[hbm4b:s4+s2] =	stream.indirect_vreg.scatter [tilespmem:s3], [sflag:$0x4], $0x80, v3, vm0, $0xb8;
	[tilespmem:$0x10300] =	vst v63  }
0x2d0: {  	_ = 	snop  }
0x2d1: {  	[hbm4b:s5+s2] =	stream.indirect_vreg.scatter [tilespmem:s8], [sflag:$0x4], $0x80, v3, vm0, $0xb8;
	[tilespmem:$0x10300] =	vst v63  }
0x2d2: {  	_ = 	snop  }
0x2d3: {  	[hbm4b:s6+s2] =	stream.indirect_vreg.scatter [tilespmem:s10], [sflag:$0x4], $0x80, v3, vm0, $0xb8;
	[tilespmem:$0x10300] =	vst v63  }
0x2d4: {  	_ = 	snop  }
0x2d5: {  	[hbm4b:s7+s2] =	stream.indirect_vreg.scatter [tilespmem:s16], [sflag:$0x4], $0x80, v3, vm0, $0xb8;
	[tilespmem:$0x10300] =	vst v63  }
0x2d6: {  	s0 =	rddreg [dreg:$0xc];
	_ =	swait.ge [sflag:s25], $0x8000  }
0x2d7: {  	[sflag:s25] =	ssyncset.done $0x0  }
0x2d8: {  	[sflag:s25] =	ssyncadd.s32 $0xFFFF8000  }
0x2d9: {  	_ =	swait.ge [sflag:s30], $0x8000  }
0x2da: {  	[sflag:s30] =	ssyncset.done $0x0  }
0x2db: {  	[sflag:s30] =	ssyncadd.s32 $0xFFFF8000  }
0x2dc: {  	_ =	swait.ge [sflag:s31], $0x8000  }
0x2dd: {  	[sflag:s31] =	ssyncset.done $0x0  }
0x2de: {  	[sflag:s31] =	ssyncadd.s32 $0xFFFF8000  }
0x2df: {  	v3 =	vld [tilespmem:$0x160];
	_ =	sdelay $0x4  }
0x2e0: {  	[tilespmem:$0x10200] =	vst v3  }
0x2e1: {  	v3 =	vld [tilespmem:$0x10200];
	_ =	sdelay $0x4  }
0x2e2: {  	v56 =	vshll.u32 v3, $0x3  }
0x2e3: {  	v3 =	vand.u32 $0x7, v3;
	v4 =	vand.u32 $0xFFFFFFC0, v56  }
0x2e4: {  	v57 =	vld [tilespmem:$0x1E0];
	v3 =	vor.u32 v3, v4  }
0x2e5: {  	v58 =	vld [tilespmem:$0x170];
	v59 =	vperm.xlane v3, v0  }
0x2e6: {  	v60 =	vld [tilespmem:$0x1F0]  }
0x2e7: {  	v6 =	vadd.s32 v1, v59;
	_ =	sdelay $0x1  }
0x2e8: {  	[tilespmem:$0x10280] =	vst v57  }
0x2e9: {  	[tilespmem:$0x10210] =	vst v58  }
0x2ea: {  	[tilespmem:$0x10290] =	vst v60  }
0x2eb: {  	[hbm4b:s4+s2] =	stream.indirect_vreg.scatter [tilespmem:s29], [sflag:$0x3], $0x80, v6, vm0, $0xb8;
	[tilespmem:$0x10300] =	vst v63  }
0x2ec: {  	s12 =	simm.s32 $0x8A00;
	v3 =	vperm.xlane v3, v2  }
0x2ed: {  	[hbm4b:s5+s2] =	stream.indirect_vreg.scatter [tilespmem:s12], [sflag:$0x3], $0x80, v6, vm0, $0xb8;
	[tilespmem:$0x10300] =	vst v63  }
0x2ee: {  	s23 =	simm.s32 $0x9200;
	v3 =	vadd.s32 v1, v3  }
0x2ef: {  	[hbm4b:s6+s2] =	stream.indirect_vreg.scatter [tilespmem:s23], [sflag:$0x3], $0x80, v6, vm0, $0xb8;
	[tilespmem:$0x10300] =	vst v63  }
0x2f0: {  	s14 =	simm.s32 $0x9A00  }
0x2f1: {  	[hbm4b:s7+s2] =	stream.indirect_vreg.scatter [tilespmem:s14], [sflag:$0x3], $0x80, v6, vm0, $0xb8;
	[tilespmem:$0x10300] =	vst v63  }
0x2f2: {  	s21 =	simm.s32 $0xA200  }
0x2f3: {  	[hbm4b:s4+s2] =	stream.indirect_vreg.scatter [tilespmem:s21], [sflag:$0x3], $0x80, v3, vm0, $0xb8;
	[tilespmem:$0x10300] =	vst v63  }
0x2f4: {  	s15 =	simm.s32 $0xAA00  }
0x2f5: {  	[hbm4b:s5+s2] =	stream.indirect_vreg.scatter [tilespmem:s15], [sflag:$0x3], $0x80, v3, vm0, $0xb8;
	[tilespmem:$0x10300] =	vst v63  }
0x2f6: {  	s16 =	simm.s32 $0xB200  }
0x2f7: {  	[hbm4b:s6+s2] =	stream.indirect_vreg.scatter [tilespmem:s16], [sflag:$0x3], $0x80, v3, vm0, $0xb8;
	[tilespmem:$0x10300] =	vst v63  }
0x2f8: {  	s20 =	simm.s32 $0xBA00  }
0x2f9: {  	[hbm4b:s7+s2] =	stream.indirect_vreg.scatter [tilespmem:s20], [sflag:$0x3], $0x80, v3, vm0, $0xb8;
	[tilespmem:$0x10300] =	vst v63  }
0x2fa: {  	v3 =	vld [tilespmem:$0x10210];
	_ =	sdelay $0x4  }
0x2fb: {  	v61 =	vshll.u32 v3, $0x3  }
0x2fc: {  	v3 =	vand.u32 $0x7, v3;
	v4 =	vand.u32 $0xFFFFFFC0, v61  }
0x2fd: {  	v3 =	vor.u32 v3, v4  }
0x2fe: {  	v4 =	vperm.xlane v3, v0;
	_ =	sdelay $0x1  }
0x2ff: {  	v4 =	vadd.s32 v1, v4;
	_ =	sdelay $0x3  }
0x300: {  	s17 =	simm.s32 $0xC200  }
0x301: {  	[hbm4b:s4+s2] =	stream.indirect_vreg.scatter [tilespmem:s17], [sflag:$0x3], $0x80, v4, vm0, $0xb8;
	[tilespmem:$0x10300] =	vst v63  }
0x302: {  	s18 =	simm.s32 $0xCA00;
	v3 =	vperm.xlane v3, v2  }
0x303: {  	[hbm4b:s5+s2] =	stream.indirect_vreg.scatter [tilespmem:s18], [sflag:$0x3], $0x80, v4, vm0, $0xb8;
	[tilespmem:$0x10300] =	vst v63  }
0x304: {  	s22 =	simm.s32 $0xD200;
	v3 =	vadd.s32 v1, v3  }
0x305: {  	[hbm4b:s6+s2] =	stream.indirect_vreg.scatter [tilespmem:s22], [sflag:$0x3], $0x80, v4, vm0, $0xb8;
	[tilespmem:$0x10300] =	vst v63  }
0x306: {  	s24 =	simm.s32 $0xDA00  }
0x307: {  	[hbm4b:s7+s2] =	stream.indirect_vreg.scatter [tilespmem:s24], [sflag:$0x3], $0x80, v4, vm0, $0xb8;
	[tilespmem:$0x10300] =	vst v63  }
0x308: {  	s26 =	simm.s32 $0xE200  }
0x309: {  	[hbm4b:s4+s2] =	stream.indirect_vreg.scatter [tilespmem:s26], [sflag:$0x3], $0x80, v3, vm0, $0xb8;
	[tilespmem:$0x10300] =	vst v63  }
0x30a: {  	s28 =	simm.s32 $0xEA00  }
0x30b: {  	[hbm4b:s5+s2] =	stream.indirect_vreg.scatter [tilespmem:s28], [sflag:$0x3], $0x80, v3, vm0, $0xb8;
	[tilespmem:$0x10300] =	vst v63  }
0x30c: {  	s31 =	simm.s32 $0xF200  }
0x30d: {  	[hbm4b:s6+s2] =	stream.indirect_vreg.scatter [tilespmem:s31], [sflag:$0x3], $0x80, v3, vm0, $0xb8;
	[tilespmem:$0x10300] =	vst v63  }
0x30e: {  	s19 =	simm.s32 $0xFA00  }
0x30f: {  	[hbm4b:s7+s2] =	stream.indirect_vreg.scatter [tilespmem:s19], [sflag:$0x3], $0x80, v3, vm0, $0xb8;
	[tilespmem:$0x10300] =	vst v63  }
0x310: {  	v3 =	vld [tilespmem:$0x10280];
	_ =	sdelay $0x4  }
0x311: {  	v62 =	vshll.u32 v3, $0x3  }
0x312: {  	v3 =	vand.u32 $0x7, v3;
	v4 =	vand.u32 $0xFFFFFFC0, v62  }
0x313: {  	v3 =	vor.u32 v3, v4  }
0x314: {  	v4 =	vperm.xlane v3, v0;
	_ =	sdelay $0x1  }
0x315: {  	v4 =	vadd.s32 v1, v4;
	_ =	sdelay $0x4  }
0x316: {  	[hbm4b:s4+s2] =	stream.indirect_vreg.scatter [tilespmem:s29], [sflag:$0x4], $0x80, v4, vm0, $0xb8;
	[tilespmem:$0x10300] =	vst v63  }
0x317: {  	v3 =	vperm.xlane v3, v2  }
0x318: {  	[hbm4b:s5+s2] =	stream.indirect_vreg.scatter [tilespmem:s12], [sflag:$0x4], $0x80, v4, vm0, $0xb8;
	[tilespmem:$0x10300] =	vst v63  }
0x319: {  	v3 =	vadd.s32 v1, v3  }
0x31a: {  	[hbm4b:s6+s2] =	stream.indirect_vreg.scatter [tilespmem:s23], [sflag:$0x4], $0x80, v4, vm0, $0xb8;
	[tilespmem:$0x10300] =	vst v63  }
0x31b: {  	_ = 	snop  }
0x31c: {  	[hbm4b:s7+s2] =	stream.indirect_vreg.scatter [tilespmem:s14], [sflag:$0x4], $0x80, v4, vm0, $0xb8;
	[tilespmem:$0x10300] =	vst v63  }
0x31d: {  	_ = 	snop  }
0x31e: {  	[hbm4b:s4+s2] =	stream.indirect_vreg.scatter [tilespmem:s21], [sflag:$0x4], $0x80, v3, vm0, $0xb8;
	[tilespmem:$0x10300] =	vst v63  }
0x31f: {  	_ = 	snop  }
0x320: {  	[hbm4b:s5+s2] =	stream.indirect_vreg.scatter [tilespmem:s15], [sflag:$0x4], $0x80, v3, vm0, $0xb8;
	[tilespmem:$0x10300] =	vst v63  }
0x321: {  	_ = 	snop  }
0x322: {  	[hbm4b:s6+s2] =	stream.indirect_vreg.scatter [tilespmem:s16], [sflag:$0x4], $0x80, v3, vm0, $0xb8;
	[tilespmem:$0x10300] =	vst v63  }
0x323: {  	_ = 	snop  }
0x324: {  	[hbm4b:s7+s2] =	stream.indirect_vreg.scatter [tilespmem:s20], [sflag:$0x4], $0x80, v3, vm0, $0xb8;
	[tilespmem:$0x10300] =	vst v63  }
0x325: {  	v3 =	vld [tilespmem:$0x10290];
	_ =	sdelay $0x4  }
0x326: {  	v63 =	vshll.u32 v3, $0x3  }
0x327: {  	v3 =	vand.u32 $0x7, v3;
	v4 =	vand.u32 $0xFFFFFFC0, v63  }
0x328: {  	v3 =	vor.u32 v3, v4  }
0x329: {  	v4 =	vperm.xlane v3, v0;
	_ =	sdelay $0x1  }
0x32a: {  	v4 =	vadd.s32 v1, v4;
	_ =	sdelay $0x4  }
0x32b: {  	[hbm4b:s4+s2] =	stream.indirect_vreg.scatter [tilespmem:s17], [sflag:$0x4], $0x80, v4, vm0, $0xb8;
	[tilespmem:$0x10300] =	vst v63  }
0x32c: {  	v3 =	vperm.xlane v3, v2  }
0x32d: {  	[hbm4b:s5+s2] =	stream.indirect_vreg.scatter [tilespmem:s18], [sflag:$0x4], $0x80, v4, vm0, $0xb8;
	[tilespmem:$0x10300] =	vst v63  }
0x32e: {  	v3 =	vadd.s32 v1, v3  }
0x32f: {  	[hbm4b:s6+s2] =	stream.indirect_vreg.scatter [tilespmem:s22], [sflag:$0x4], $0x80, v4, vm0, $0xb8;
	[tilespmem:$0x10300] =	vst v63  }
0x330: {  	_ = 	snop  }
0x331: {  	[hbm4b:s7+s2] =	stream.indirect_vreg.scatter [tilespmem:s24], [sflag:$0x4], $0x80, v4, vm0, $0xb8;
	[tilespmem:$0x10300] =	vst v63  }
0x332: {  	_ = 	snop  }
0x333: {  	[hbm4b:s4+s2] =	stream.indirect_vreg.scatter [tilespmem:s26], [sflag:$0x4], $0x80, v3, vm0, $0xb8;
	[tilespmem:$0x10300] =	vst v63  }
0x334: {  	_ = 	snop  }
0x335: {  	[hbm4b:s5+s2] =	stream.indirect_vreg.scatter [tilespmem:s28], [sflag:$0x4], $0x80, v3, vm0, $0xb8;
	[tilespmem:$0x10300] =	vst v63  }
0x336: {  	_ = 	snop  }
0x337: {  	[hbm4b:s6+s2] =	stream.indirect_vreg.scatter [tilespmem:s31], [sflag:$0x4], $0x80, v3, vm0, $0xb8;
	[tilespmem:$0x10300] =	vst v63  }
0x338: {  	_ = 	snop  }
0x339: {  	[hbm4b:s7+s2] =	stream.indirect_vreg.scatter [tilespmem:s19], [sflag:$0x4], $0x80, v3, vm0, $0xb8;
	[tilespmem:$0x10300] =	vst v63  }
0x33a: {  	p0 =	sne.s32 s0, $0x1;
	_ =	swait.ge [sflag:s25], $0x8000  }
.Ltmp0:
0x33b: {  	[sflag:s25] =	ssyncset.done $0x0;
	(pc) =	sbr.rel @p0 .LBB2_1-.Ltmp0, $4  }
0x33c: {  	[sflag:s25] =	ssyncadd.s32 $0xFFFF8000  }
0x33d: {  	_ =	swait.ge [sflag:s30], $0x8000  }
0x33e: {  	[sflag:s30] =	ssyncset.done $0x0  }
0x33f: {  	s0 =	sadd.s32 $0xFFFFFFFF, s0;
	[sflag:s30] =	ssyncadd.s32 $0xFFFF8000  }
0x340: {  	_ =	sfence.sel $0x180000  }
0x341: {  	[bflag:$0x0] =	sbarrier.arrive $0xFFFF  }
0x342: {  	_ =	strace $0x90000047  }
0x343: {  	s0 =	stileid.u32;
	[bflag:$0x2] =	sbarrier.arrive $0xFFFF  }
0x344: {  	p0 =	sne.s32 s0, $0x0;
	s0 =	rddreg [dreg:$0x2]  }
0x345: {  	s0 =	sadd.s32 @!p0 $0x100000, s0  }
0x346: {  	[sflag:s0] =	ssyncadd.tile.s32 @!p0 $0x1;
	_ =	shalt  }
.Lfunc_end2:
_tile_overlayer_lowered:
.L_overlay_start_2:
0x347: {  	(tag) =	ssettag $0x2  }
0x348: {  	s0 =	rddreg [dreg:$0x0];
	s2 =	stileid.u32  }
0x349: {  	s1 =	rddreg [dreg:$0x1];
	p0 =	sne.s32 s2, $0x0  }
0x34a: {  	s3 =	rddreg [dreg:$0x2];
	[bflag:$0x3] =	sbarrier.arrive $0xFFFF;
	s2 =	simm.s32 @!p0 $0x1C05  }
0x34b: {  	[timem:s3], [sflag:s2] =	dma.local @!p0 [hbm:s0], s1  }
0x34c: {  	s0 =	simm.s32 @!p0 $0x5  }
0x34d: {  	_ =	swait.ge @!p0 [sflag:s0], s1  }
0x34e: {  	s1 =	ssub.s32 @!p0 $0x0, s1;
	[sflag:s0] =	ssyncset.done @!p0 $0x0  }
0x34f: {  	[sflag:s0] =	ssyncadd.s32 @!p0 s1  }
0x350: {  	[bflag:$0x3] =	sbarrier.arrive $0xFFFF  }
0x351: {  	_ =	shalt  }

</sc_bundles>
